<compile_context>
chip_gen: v7x
topology: tpu7x:2x2x1
jax: 0.10.2.dev20260603
libtpu: 0.0.44.dev20260713+nightly
codegen_flags: <defaults>
</compile_context>

<pallas_src>
import jax
import jax.numpy as jnp
import numpy as np
from jax import lax
from jax.experimental import pallas as pl
from jax.experimental.pallas import tpu as pltpu
from jax.experimental.pallas import tpu_sc as plsc

_C = 96
_H = 224
_CB = 48
_NH = _C // _CB
_WLEN = _NH * _H
_CG = 48
_NG = _C // _CG

_PAIR_I = np.array([i for i in range(12) for j in range(i + 1, 12)], dtype=np.int32)
_PAIR_J = np.array([j for i in range(12) for j in range(i + 1, 12)], dtype=np.int32)


def _mae_body(xf_ref, x_ref, sal_ref, out_ref):
    t = jnp.abs(xf_ref[0] - x_ref[0]) * sal_ref[0]
    out_ref[...] = jnp.sum(t, axis=(0, 1))[None, None, None, :]


def _mae_sums(x, x_focal, sal_x):
    return pl.pallas_call(
        _mae_body,
        grid=(2, _NH, 12),
        in_specs=[
            pl.BlockSpec((1, _CB, _H, _H), lambda b, h, k: (2 * k + b, h, 0, 0)),
            pl.BlockSpec((1, _CB, _H, _H), lambda b, h, k: (b, h, 0, 0)),
            pl.BlockSpec((1, 1, _H, _H), lambda b, h, k: (b, 0, 0, 0)),
        ],
        out_specs=pl.BlockSpec((1, 1, 1, _H), lambda b, h, k: (2 * k + b, h, 0, 0)),
        out_shape=jax.ShapeDtypeStruct((24, _NH, 1, _H), jnp.float32),
        compiler_params=pltpu.CompilerParams(
            dimension_semantics=("parallel", "parallel", "parallel"),
            vmem_limit_bytes=100 * 1024 * 1024,
        ),
    )(x_focal, x, sal_x)


def _shuffle(v, idx):
    dnums = lax.GatherDimensionNumbers(
        offset_dims=(), collapsed_slice_dims=(0,), start_index_map=(0,))
    return lax.gather(v, idx[:, None], dnums, (1,),
                      mode=lax.GatherScatterMode.PROMISE_IN_BOUNDS)


def _sc_select_body(w_hbm, out_hbm, w_v, idx_v, sem):
    cid = lax.axis_index("c")
    sid = lax.axis_index("s")

    @pl.when((cid == 0) & (sid == 0))
    def _work():
        pltpu.sync_copy(w_hbm, w_v)
        ramp = lax.iota(jnp.int32, 16)

        w_vecs = []
        for p in range(24):
            def _chunk(i, acc, p=p):
                return acc + w_v[pl.ds(p * _WLEN + i * 16, 16)]
            acc = lax.fori_loop(0, _WLEN // 16, _chunk, jnp.zeros((16,), jnp.float32))
            for s in (8, 4, 2, 1):
                acc = acc + _shuffle(acc, ramp ^ s)
            w_vecs.append(acc)

        sel = []
        for b in range(2):
            wb = [w_vecs[2 * k + b] for k in range(12)]
            maxv = jnp.zeros((16,), jnp.float32)
            bi = jnp.zeros((16,), jnp.int32)
            bj = jnp.zeros((16,), jnp.int32)
            for t in range(len(_PAIR_I)):
                i, j = int(_PAIR_I[t]), int(_PAIR_J[t])
                d = wb[i] - wb[j]
                var = 0.5 * d * d
                upd = var > maxv
                maxv = jnp.where(upd, var, maxv)
                bi = jnp.where(upd, jnp.full((16,), i, jnp.int32), bi)
                bj = jnp.where(upd, jnp.full((16,), j, jnp.int32), bj)
            sel.append((bi, bj))

        o0 = 2 * sel[0][0]
        o1 = 2 * sel[1][0] + 1
        o2 = 2 * sel[0][1]
        o3 = 2 * sel[1][1] + 1
        vec = jnp.where(
            ramp == 0, o0,
            jnp.where(ramp == 1, o1,
                      jnp.where(ramp == 2, o2,
                                jnp.where(ramp == 3, o3,
                                          jnp.zeros((16,), jnp.int32)))))
        idx_v[...] = vec
        pltpu.sync_copy(idx_v, out_hbm)


def _select_idx(w_flat):
    mesh = plsc.VectorSubcoreMesh(core_axis_name="c", subcore_axis_name="s")
    run = pl.kernel(
        _sc_select_body,
        mesh=mesh,
        out_type=jax.ShapeDtypeStruct((16,), jnp.int32),
        scratch_types=[
            pltpu.VMEM((24 * _WLEN,), jnp.float32),
            pltpu.VMEM((16,), jnp.int32),
            pltpu.SemaphoreType.DMA,
        ],
    )
    return run(w_flat)


def _gather_body(idx_ref, src_ref, out_ref):
    del idx_ref
    out_ref[...] = src_ref[...]


def _gather_planes(idx4, x_focal):
    grid_spec = pltpu.PrefetchScalarGridSpec(
        num_scalar_prefetch=1,
        grid=(4, _NG),
        in_specs=[
            pl.BlockSpec((1, _CG, _H, _H), lambda o, c, idx: (idx[o], c, 0, 0)),
        ],
        out_specs=pl.BlockSpec((1, _CG, _H, _H), lambda o, c, idx: (o, c, 0, 0)),
    )
    return pl.pallas_call(
        _gather_body,
        grid_spec=grid_spec,
        out_shape=jax.ShapeDtypeStruct((4, _C, _H, _H), jnp.float32),
        compiler_params=pltpu.CompilerParams(
            vmem_limit_bytes=100 * 1024 * 1024,
        ),
    )(idx4, x_focal)


def kernel(x, x_focal, sal_x):
    w_sums = _mae_sums(x, x_focal, sal_x)
    idx4 = _select_idx(w_sums.reshape(24 * _WLEN))
    return _gather_planes(idx4, x_focal)

# --- scband reference (transcript-rebuilt; emitter-appended) ---
"""Pipeline reference for scband-select-71708773974735 (READ-ONLY COPY).

The authoritative reference and input builder live on the scoring server;
editing this copy changes nothing except your own understanding.
"""

import jax, jax.numpy as jnp
import numpy as np

_PAIRS = np.array([(i, j) for i in range(12) for j in range(i + 1, 12)], dtype=np.int32)


def setup_inputs(seed: int = 0) -> dict:
    key = jax.random.key(seed)
    k1, k2, k3 = jax.random.split(key, 3)
    x = jax.random.normal(k1, (2, 96, 224, 224), dtype=jnp.float32)
    x_focal = jax.random.normal(k2, (24, 96, 224, 224), dtype=jnp.float32)
    sal_x = jax.random.uniform(k3, (2, 1, 224, 224), dtype=jnp.float32)
    return {"x": x, "x_focal": x_focal, "sal_x": sal_x}


def _select_weights(w):
    # torch loop: for each batch, over pairs (i, j) i<j in lexicographic order,
    # unbiased var of 2 elems = 0.5*(a-b)^2; strict > with init max 0 -> if all
    # variances are 0 the selection stays [0, 0]; argmax picks first tie like the loop.
    pairs = jnp.asarray(_PAIRS)
    var_pairs = 0.5 * (w[:, pairs[:, 0]] - w[:, pairs[:, 1]]) ** 2  # [bz, 66]
    best = jnp.argmax(var_pairs, axis=1)
    maxv = jnp.max(var_pairs, axis=1)
    sel = pairs[best]  # [bz, 2]
    sel = jnp.where((maxv > 0)[:, None], sel, 0)
    return sel.astype(jnp.int32)


def _forward(x, x_focal, sal_x):
    bz = x.shape[0]
    C = x.shape[1]
    # torch.cat(torch.chunk(x_focal, 12, dim=0), dim=1): [12*bz,C,H,W] -> [bz,12*C,H,W]
    xf = jnp.concatenate(jnp.split(x_focal, 12, axis=0), axis=1)
    # unsqueeze(1) then chunk dim=2 / cat dim=1: -> [bz, 12, C, H, W]
    xfo = xf[:, None]
    x_focal_o = jnp.concatenate(jnp.split(xfo, 12, axis=2), axis=1)
    image = x * sal_x
    focal = xf * sal_x
    maes = []
    for kk in range(12):
        fk = focal[:, kk * C:(kk + 1) * C]
        maes.append(jnp.mean(jnp.abs(image - fk), axis=(1, 2, 3)))
    w = jnp.stack(maes, axis=1)  # [bz, 12]
    sel = _select_weights(w)
    bidx = jnp.arange(bz)
    g1 = x_focal_o[bidx, sel[:, 0]]
    g2 = x_focal_o[bidx, sel[:, 1]]
    return jnp.concatenate([g1, g2], axis=0)


def reference(x, x_focal, sal_x):
    return _forward(x, x_focal, sal_x)

if __name__ == "__main__":
    import jax
    _d = setup_inputs()
    print(jax.jit(kernel)(*tuple(_d.values())))

</pallas_src>

<mosaic_0001>
#map = affine_map<(d0, d1) -> (0)>
module attributes {stable_mosaic.version = 14 : i64} {
  func.func @_sc_select_body(%arg0: i32, %arg1: i32, %arg2: memref<10752xf32, #tpu.memory_space<hbm>>, %arg3: memref<16xi32, #tpu.memory_space<hbm>>, %arg4: memref<10752xf32, #tpu.memory_space<vmem>>, %arg5: memref<16xi32, #tpu.memory_space<vmem>>, %arg6: memref<!tpu.dma_semaphore, #tpu.memory_space<semaphore_mem>>) attributes {dimension_semantics = [#tpu.dimension_semantics<core_parallel>, #tpu.dimension_semantics<subcore_parallel>], iteration_bounds = array<i64: 2, 16>, scalar_prefetch = 0 : i64, scratch_operands = 3 : i64, tpu.core_type = #tpu.core_type<sc_vector_subcore>, window_params = [{transform_indices = #map}, {transform_indices = #map}]} {
    %eq3A = arith.constant 0 : i32
    %eq3A_0 = arith.cmpi eq, %arg0, %eq3A : i32
    %eq3A_1 = arith.constant 0 : i32
    %eq3A_2 = arith.cmpi eq, %arg1, %eq3A_1 : i32
    %and3A = arith.andi %eq3A_0, %eq3A_2 : i1
    %convert_element_type3A = arith.extui %and3A : i1 to i32
    %cond3A = arith.constant 0 : i32
    %cond3A_3 = arith.cmpi ne, %convert_element_type3A, %cond3A : i32
    scf.if %cond3A_3 {
      "tpu.region"() ({
        %run_scoped3A = tpu.sem_alloc : memref<!tpu.dma_semaphore, #tpu.memory_space<semaphore_mem>>
        tpu.enqueue_dma source(%arg2 : memref<10752xf32, #tpu.memory_space<hbm>>) target(%arg4 : memref<10752xf32, #tpu.memory_space<vmem>>) target_semaphore(%run_scoped3A : memref<!tpu.dma_semaphore, #tpu.memory_space<semaphore_mem>>)
        tpu.wait_dma2 semaphore(%run_scoped3A : memref<!tpu.dma_semaphore, #tpu.memory_space<semaphore_mem>>) src(%arg2 : memref<10752xf32, #tpu.memory_space<hbm>>) dst(%arg4 : memref<10752xf32, #tpu.memory_space<vmem>>)
        tpu.yield
      }) : () -> ()
      %iota3A = tpu.iota {dimensions = array<i32: 0>} : vector<16xi32>
      %broadcast_in_dim3A = arith.constant 0.000000e+00 : f32
      %broadcast_in_dim3A_4 = vector.broadcast %broadcast_in_dim3A : f32 to vector<16xf32>
      %scan3A = arith.constant 0 : i32
      %scan3A_5 = arith.constant 28 : i32
      %scan3A_6 = arith.addi %scan3A, %scan3A_5 : i32
      %scan3A_7 = arith.constant 1 : i32
      %scan3A_8 = scf.for %scan3A_2626 = %scan3A to %scan3A_6 step %scan3A_7 iter_args(%scan3A_2627 = %broadcast_in_dim3A_4) -> (vector<16xf32>)  : i32 {
        %mul3A_2628 = arith.constant 16 : i32
        %mul3A_2629 = arith.muli %scan3A_2626, %mul3A_2628 : i32
        %add3A_2630 = arith.constant 0 : i32
        %add3A_2631 = arith.addi %add3A_2630, %mul3A_2629 : i32
        %get3A = arith.index_cast %add3A_2631 : i32 to index
        %get3A_2632 = tpu.vector_load %arg4[%get3A] {strides = array<i32>} : memref<10752xf32, #tpu.memory_space<vmem>>, vector<16xf32>,
        %get3A_2633 = vector.shape_cast %get3A_2632 : vector<16xf32> to vector<16xf32>
        %add3A_2634 = arith.addf %scan3A_2627, %get3A_2633 : vector<16xf32>
        scf.yield %add3A_2634 : vector<16xf32>
      }
      %scan3A_9 = arith.constant 28 : i32
      %xor3A = arith.constant 8 : i32
      %xor3A_10 = vector.broadcast %xor3A : i32 to vector<16xi32>
      %xor3A_11 = arith.xori %iota3A, %xor3A_10 : vector<16xi32>
      %broadcast_in_dim3A_12 = vector.shape_cast %xor3A_11 : vector<16xi32> to vector<16x1xi32>
      %gather3A = vector.shape_cast %broadcast_in_dim3A_12 : vector<16x1xi32> to vector<16xi32>
      %gather3A_13 = tpu.dynamic_gather %scan3A_8[%gather3A] in [0] : vector<16xf32>, vector<16xi32> -> vector<16xf32>
      %add3A = arith.addf %scan3A_8, %gather3A_13 : vector<16xf32>
      %xor3A_14 = arith.constant 4 : i32
      %xor3A_15 = vector.broadcast %xor3A_14 : i32 to vector<16xi32>
      %xor3A_16 = arith.xori %iota3A, %xor3A_15 : vector<16xi32>
      %broadcast_in_dim3A_17 = vector.shape_cast %xor3A_16 : vector<16xi32> to vector<16x1xi32>
      %gather3A_18 = vector.shape_cast %broadcast_in_dim3A_17 : vector<16x1xi32> to vector<16xi32>
      %gather3A_19 = tpu.dynamic_gather %add3A[%gather3A_18] in [0] : vector<16xf32>, vector<16xi32> -> vector<16xf32>
      %add3A_20 = arith.addf %add3A, %gather3A_19 : vector<16xf32>
      %xor3A_21 = arith.constant 2 : i32
      %xor3A_22 = vector.broadcast %xor3A_21 : i32 to vector<16xi32>
      %xor3A_23 = arith.xori %iota3A, %xor3A_22 : vector<16xi32>
      %broadcast_in_dim3A_24 = vector.shape_cast %xor3A_23 : vector<16xi32> to vector<16x1xi32>
      %gather3A_25 = vector.shape_cast %broadcast_in_dim3A_24 : vector<16x1xi32> to vector<16xi32>
      %gather3A_26 = tpu.dynamic_gather %add3A_20[%gather3A_25] in [0] : vector<16xf32>, vector<16xi32> -> vector<16xf32>
      %add3A_27 = arith.addf %add3A_20, %gather3A_26 : vector<16xf32>
      %xor3A_28 = arith.constant 1 : i32
      %xor3A_29 = vector.broadcast %xor3A_28 : i32 to vector<16xi32>
      %xor3A_30 = arith.xori %iota3A, %xor3A_29 : vector<16xi32>
      %broadcast_in_dim3A_31 = vector.shape_cast %xor3A_30 : vector<16xi32> to vector<16x1xi32>
      %gather3A_32 = vector.shape_cast %broadcast_in_dim3A_31 : vector<16x1xi32> to vector<16xi32>
      %gather3A_33 = tpu.dynamic_gather %add3A_27[%gather3A_32] in [0] : vector<16xf32>, vector<16xi32> -> vector<16xf32>
      %add3A_34 = arith.addf %add3A_27, %gather3A_33 : vector<16xf32>
      %broadcast_in_dim3A_35 = arith.constant 0.000000e+00 : f32
      %broadcast_in_dim3A_36 = vector.broadcast %broadcast_in_dim3A_35 : f32 to vector<16xf32>
      %scan3A_37 = arith.constant 0 : i32
      %scan3A_38 = arith.constant 28 : i32
      %scan3A_39 = arith.addi %scan3A_37, %scan3A_38 : i32
      %scan3A_40 = arith.constant 1 : i32
      %scan3A_41 = scf.for %scan3A_2626 = %scan3A_37 to %scan3A_39 step %scan3A_40 iter_args(%scan3A_2627 = %broadcast_in_dim3A_36) -> (vector<16xf32>)  : i32 {
        %mul3A_2628 = arith.constant 16 : i32
        %mul3A_2629 = arith.muli %scan3A_2626, %mul3A_2628 : i32
        %add3A_2630 = arith.constant 448 : i32
        %add3A_2631 = arith.addi %add3A_2630, %mul3A_2629 : i32
        %get3A = arith.index_cast %add3A_2631 : i32 to index
        %get3A_2632 = tpu.vector_load %arg4[%get3A] {strides = array<i32>} : memref<10752xf32, #tpu.memory_space<vmem>>, vector<16xf32>,
        %get3A_2633 = vector.shape_cast %get3A_2632 : vector<16xf32> to vector<16xf32>
        %add3A_2634 = arith.addf %scan3A_2627, %get3A_2633 : vector<16xf32>
        scf.yield %add3A_2634 : vector<16xf32>
      }
      %scan3A_42 = arith.constant 28 : i32
      %xor3A_43 = arith.constant 8 : i32
      %xor3A_44 = vector.broadcast %xor3A_43 : i32 to vector<16xi32>
      %xor3A_45 = arith.xori %iota3A, %xor3A_44 : vector<16xi32>
      %broadcast_in_dim3A_46 = vector.shape_cast %xor3A_45 : vector<16xi32> to vector<16x1xi32>
      %gather3A_47 = vector.shape_cast %broadcast_in_dim3A_46 : vector<16x1xi32> to vector<16xi32>
      %gather3A_48 = tpu.dynamic_gather %scan3A_41[%gather3A_47] in [0] : vector<16xf32>, vector<16xi32> -> vector<16xf32>
      %add3A_49 = arith.addf %scan3A_41, %gather3A_48 : vector<16xf32>
      %xor3A_50 = arith.constant 4 : i32
      %xor3A_51 = vector.broadcast %xor3A_50 : i32 to vector<16xi32>
      %xor3A_52 = arith.xori %iota3A, %xor3A_51 : vector<16xi32>
      %broadcast_in_dim3A_53 = vector.shape_cast %xor3A_52 : vector<16xi32> to vector<16x1xi32>
      %gather3A_54 = vector.shape_cast %broadcast_in_dim3A_53 : vector<16x1xi32> to vector<16xi32>
      %gather3A_55 = tpu.dynamic_gather %add3A_49[%gather3A_54] in [0] : vector<16xf32>, vector<16xi32> -> vector<16xf32>
      %add3A_56 = arith.addf %add3A_49, %gather3A_55 : vector<16xf32>
      %xor3A_57 = arith.constant 2 : i32
      %xor3A_58 = vector.broadcast %xor3A_57 : i32 to vector<16xi32>
      %xor3A_59 = arith.xori %iota3A, %xor3A_58 : vector<16xi32>
      %broadcast_in_dim3A_60 = vector.shape_cast %xor3A_59 : vector<16xi32> to vector<16x1xi32>
      %gather3A_61 = vector.shape_cast %broadcast_in_dim3A_60 : vector<16x1xi32> to vector<16xi32>
      %gather3A_62 = tpu.dynamic_gather %add3A_56[%gather3A_61] in [0] : vector<16xf32>, vector<16xi32> -> vector<16xf32>
      %add3A_63 = arith.addf %add3A_56, %gather3A_62 : vector<16xf32>
      %xor3A_64 = arith.constant 1 : i32
      %xor3A_65 = vector.broadcast %xor3A_64 : i32 to vector<16xi32>
      %xor3A_66 = arith.xori %iota3A, %xor3A_65 : vector<16xi32>
      %broadcast_in_dim3A_67 = vector.shape_cast %xor3A_66 : vector<16xi32> to vector<16x1xi32>
      %gather3A_68 = vector.shape_cast %broadcast_in_dim3A_67 : vector<16x1xi32> to vector<16xi32>
      %gather3A_69 = tpu.dynamic_gather %add3A_63[%gather3A_68] in [0] : vector<16xf32>, vector<16xi32> -> vector<16xf32>
      %add3A_70 = arith.addf %add3A_63, %gather3A_69 : vector<16xf32>
      %broadcast_in_dim3A_71 = arith.constant 0.000000e+00 : f32
      %broadcast_in_dim3A_72 = vector.broadcast %broadcast_in_dim3A_71 : f32 to vector<16xf32>
      %scan3A_73 = arith.constant 0 : i32
      %scan3A_74 = arith.constant 28 : i32
      %scan3A_75 = arith.addi %scan3A_73, %scan3A_74 : i32
      %scan3A_76 = arith.constant 1 : i32
      %scan3A_77 = scf.for %scan3A_2626 = %scan3A_73 to %scan3A_75 step %scan3A_76 iter_args(%scan3A_2627 = %broadcast_in_dim3A_72) -> (vector<16xf32>)  : i32 {
        %mul3A_2628 = arith.constant 16 : i32
        %mul3A_2629 = arith.muli %scan3A_2626, %mul3A_2628 : i32
        %add3A_2630 = arith.constant 896 : i32
        %add3A_2631 = arith.addi %add3A_2630, %mul3A_2629 : i32
        %get3A = arith.index_cast %add3A_2631 : i32 to index
        %get3A_2632 = tpu.vector_load %arg4[%get3A] {strides = array<i32>} : memref<10752xf32, #tpu.memory_space<vmem>>, vector<16xf32>,
        %get3A_2633 = vector.shape_cast %get3A_2632 : vector<16xf32> to vector<16xf32>
        %add3A_2634 = arith.addf %scan3A_2627, %get3A_2633 : vector<16xf32>
        scf.yield %add3A_2634 : vector<16xf32>
      }
      %scan3A_78 = arith.constant 28 : i32
      %xor3A_79 = arith.constant 8 : i32
      %xor3A_80 = vector.broadcast %xor3A_79 : i32 to vector<16xi32>
      %xor3A_81 = arith.xori %iota3A, %xor3A_80 : vector<16xi32>
      %broadcast_in_dim3A_82 = vector.shape_cast %xor3A_81 : vector<16xi32> to vector<16x1xi32>
      %gather3A_83 = vector.shape_cast %broadcast_in_dim3A_82 : vector<16x1xi32> to vector<16xi32>
      %gather3A_84 = tpu.dynamic_gather %scan3A_77[%gather3A_83] in [0] : vector<16xf32>, vector<16xi32> -> vector<16xf32>
      %add3A_85 = arith.addf %scan3A_77, %gather3A_84 : vector<16xf32>
      %xor3A_86 = arith.constant 4 : i32
      %xor3A_87 = vector.broadcast %xor3A_86 : i32 to vector<16xi32>
      %xor3A_88 = arith.xori %iota3A, %xor3A_87 : vector<16xi32>
      %broadcast_in_dim3A_89 = vector.shape_cast %xor3A_88 : vector<16xi32> to vector<16x1xi32>
      %gather3A_90 = vector.shape_cast %broadcast_in_dim3A_89 : vector<16x1xi32> to vector<16xi32>
      %gather3A_91 = tpu.dynamic_gather %add3A_85[%gather3A_90] in [0] : vector<16xf32>, vector<16xi32> -> vector<16xf32>
      %add3A_92 = arith.addf %add3A_85, %gather3A_91 : vector<16xf32>
      %xor3A_93 = arith.constant 2 : i32
      %xor3A_94 = vector.broadcast %xor3A_93 : i32 to vector<16xi32>
      %xor3A_95 = arith.xori %iota3A, %xor3A_94 : vector<16xi32>
      %broadcast_in_dim3A_96 = vector.shape_cast %xor3A_95 : vector<16xi32> to vector<16x1xi32>
      %gather3A_97 = vector.shape_cast %broadcast_in_dim3A_96 : vector<16x1xi32> to vector<16xi32>
      %gather3A_98 = tpu.dynamic_gather %add3A_92[%gather3A_97] in [0] : vector<16xf32>, vector<16xi32> -> vector<16xf32>
      %add3A_99 = arith.addf %add3A_92, %gather3A_98 : vector<16xf32>
      %xor3A_100 = arith.constant 1 : i32
      %xor3A_101 = vector.broadcast %xor3A_100 : i32 to vector<16xi32>
      %xor3A_102 = arith.xori %iota3A, %xor3A_101 : vector<16xi32>
      %broadcast_in_dim3A_103 = vector.shape_cast %xor3A_102 : vector<16xi32> to vector<16x1xi32>
      %gather3A_104 = vector.shape_cast %broadcast_in_dim3A_103 : vector<16x1xi32> to vector<16xi32>
      %gather3A_105 = tpu.dynamic_gather %add3A_99[%gather3A_104] in [0] : vector<16xf32>, vector<16xi32> -> vector<16xf32>
      %add3A_106 = arith.addf %add3A_99, %gather3A_105 : vector<16xf32>
      %broadcast_in_dim3A_107 = arith.constant 0.000000e+00 : f32
      %broadcast_in_dim3A_108 = vector.broadcast %broadcast_in_dim3A_107 : f32 to vector<16xf32>
      %scan3A_109 = arith.constant 0 : i32
      %scan3A_110 = arith.constant 28 : i32
      %scan3A_111 = arith.addi %scan3A_109, %scan3A_110 : i32
      %scan3A_112 = arith.constant 1 : i32
      %scan3A_113 = scf.for %scan3A_2626 = %scan3A_109 to %scan3A_111 step %scan3A_112 iter_args(%scan3A_2627 = %broadcast_in_dim3A_108) -> (vector<16xf32>)  : i32 {
        %mul3A_2628 = arith.constant 16 : i32
        %mul3A_2629 = arith.muli %scan3A_2626, %mul3A_2628 : i32
        %add3A_2630 = arith.constant 1344 : i32
        %add3A_2631 = arith.addi %add3A_2630, %mul3A_2629 : i32
        %get3A = arith.index_cast %add3A_2631 : i32 to index
        %get3A_2632 = tpu.vector_load %arg4[%get3A] {strides = array<i32>} : memref<10752xf32, #tpu.memory_space<vmem>>, vector<16xf32>,
        %get3A_2633 = vector.shape_cast %get3A_2632 : vector<16xf32> to vector<16xf32>
        %add3A_2634 = arith.addf %scan3A_2627, %get3A_2633 : vector<16xf32>
        scf.yield %add3A_2634 : vector<16xf32>
      }
      %scan3A_114 = arith.constant 28 : i32
      %xor3A_115 = arith.constant 8 : i32
      %xor3A_116 = vector.broadcast %xor3A_115 : i32 to vector<16xi32>
      %xor3A_117 = arith.xori %iota3A, %xor3A_116 : vector<16xi32>
      %broadcast_in_dim3A_118 = vector.shape_cast %xor3A_117 : vector<16xi32> to vector<16x1xi32>
      %gather3A_119 = vector.shape_cast %broadcast_in_dim3A_118 : vector<16x1xi32> to vector<16xi32>
      %gather3A_120 = tpu.dynamic_gather %scan3A_113[%gather3A_119] in [0] : vector<16xf32>, vector<16xi32> -> vector<16xf32>
      %add3A_121 = arith.addf %scan3A_113, %gather3A_120 : vector<16xf32>
      %xor3A_122 = arith.constant 4 : i32
      %xor3A_123 = vector.broadcast %xor3A_122 : i32 to vector<16xi32>
      %xor3A_124 = arith.xori %iota3A, %xor3A_123 : vector<16xi32>
      %broadcast_in_dim3A_125 = vector.shape_cast %xor3A_124 : vector<16xi32> to vector<16x1xi32>
      %gather3A_126 = vector.shape_cast %broadcast_in_dim3A_125 : vector<16x1xi32> to vector<16xi32>
      %gather3A_127 = tpu.dynamic_gather %add3A_121[%gather3A_126] in [0] : vector<16xf32>, vector<16xi32> -> vector<16xf32>
      %add3A_128 = arith.addf %add3A_121, %gather3A_127 : vector<16xf32>
      %xor3A_129 = arith.constant 2 : i32
      %xor3A_130 = vector.broadcast %xor3A_129 : i32 to vector<16xi32>
      %xor3A_131 = arith.xori %iota3A, %xor3A_130 : vector<16xi32>
      %broadcast_in_dim3A_132 = vector.shape_cast %xor3A_131 : vector<16xi32> to vector<16x1xi32>
      %gather3A_133 = vector.shape_cast %broadcast_in_dim3A_132 : vector<16x1xi32> to vector<16xi32>
      %gather3A_134 = tpu.dynamic_gather %add3A_128[%gather3A_133] in [0] : vector<16xf32>, vector<16xi32> -> vector<16xf32>
      %add3A_135 = arith.addf %add3A_128, %gather3A_134 : vector<16xf32>
      %xor3A_136 = arith.constant 1 : i32
      %xor3A_137 = vector.broadcast %xor3A_136 : i32 to vector<16xi32>
      %xor3A_138 = arith.xori %iota3A, %xor3A_137 : vector<16xi32>
      %broadcast_in_dim3A_139 = vector.shape_cast %xor3A_138 : vector<16xi32> to vector<16x1xi32>
      %gather3A_140 = vector.shape_cast %broadcast_in_dim3A_139 : vector<16x1xi32> to vector<16xi32>
      %gather3A_141 = tpu.dynamic_gather %add3A_135[%gather3A_140] in [0] : vector<16xf32>, vector<16xi32> -> vector<16xf32>
      %add3A_142 = arith.addf %add3A_135, %gather3A_141 : vector<16xf32>
      %broadcast_in_dim3A_143 = arith.constant 0.000000e+00 : f32
      %broadcast_in_dim3A_144 = vector.broadcast %broadcast_in_dim3A_143 : f32 to vector<16xf32>
      %scan3A_145 = arith.constant 0 : i32
      %scan3A_146 = arith.constant 28 : i32
      %scan3A_147 = arith.addi %scan3A_145, %scan3A_146 : i32
      %scan3A_148 = arith.constant 1 : i32
      %scan3A_149 = scf.for %scan3A_2626 = %scan3A_145 to %scan3A_147 step %scan3A_148 iter_args(%scan3A_2627 = %broadcast_in_dim3A_144) -> (vector<16xf32>)  : i32 {
        %mul3A_2628 = arith.constant 16 : i32
        %mul3A_2629 = arith.muli %scan3A_2626, %mul3A_2628 : i32
        %add3A_2630 = arith.constant 1792 : i32
        %add3A_2631 = arith.addi %add3A_2630, %mul3A_2629 : i32
        %get3A = arith.index_cast %add3A_2631 : i32 to index
        %get3A_2632 = tpu.vector_load %arg4[%get3A] {strides = array<i32>} : memref<10752xf32, #tpu.memory_space<vmem>>, vector<16xf32>,
        %get3A_2633 = vector.shape_cast %get3A_2632 : vector<16xf32> to vector<16xf32>
        %add3A_2634 = arith.addf %scan3A_2627, %get3A_2633 : vector<16xf32>
        scf.yield %add3A_2634 : vector<16xf32>
      }
      %scan3A_150 = arith.constant 28 : i32
      %xor3A_151 = arith.constant 8 : i32
      %xor3A_152 = vector.broadcast %xor3A_151 : i32 to vector<16xi32>
      %xor3A_153 = arith.xori %iota3A, %xor3A_152 : vector<16xi32>
      %broadcast_in_dim3A_154 = vector.shape_cast %xor3A_153 : vector<16xi32> to vector<16x1xi32>
      %gather3A_155 = vector.shape_cast %broadcast_in_dim3A_154 : vector<16x1xi32> to vector<16xi32>
      %gather3A_156 = tpu.dynamic_gather %scan3A_149[%gather3A_155] in [0] : vector<16xf32>, vector<16xi32> -> vector<16xf32>
      %add3A_157 = arith.addf %scan3A_149, %gather3A_156 : vector<16xf32>
      %xor3A_158 = arith.constant 4 : i32
      %xor3A_159 = vector.broadcast %xor3A_158 : i32 to vector<16xi32>
      %xor3A_160 = arith.xori %iota3A, %xor3A_159 : vector<16xi32>
      %broadcast_in_dim3A_161 = vector.shape_cast %xor3A_160 : vector<16xi32> to vector<16x1xi32>
      %gather3A_162 = vector.shape_cast %broadcast_in_dim3A_161 : vector<16x1xi32> to vector<16xi32>
      %gather3A_163 = tpu.dynamic_gather %add3A_157[%gather3A_162] in [0] : vector<16xf32>, vector<16xi32> -> vector<16xf32>
      %add3A_164 = arith.addf %add3A_157, %gather3A_163 : vector<16xf32>
      %xor3A_165 = arith.constant 2 : i32
      %xor3A_166 = vector.broadcast %xor3A_165 : i32 to vector<16xi32>
      %xor3A_167 = arith.xori %iota3A, %xor3A_166 : vector<16xi32>
      %broadcast_in_dim3A_168 = vector.shape_cast %xor3A_167 : vector<16xi32> to vector<16x1xi32>
      %gather3A_169 = vector.shape_cast %broadcast_in_dim3A_168 : vector<16x1xi32> to vector<16xi32>
      %gather3A_170 = tpu.dynamic_gather %add3A_164[%gather3A_169] in [0] : vector<16xf32>, vector<16xi32> -> vector<16xf32>
      %add3A_171 = arith.addf %add3A_164, %gather3A_170 : vector<16xf32>
      %xor3A_172 = arith.constant 1 : i32
      %xor3A_173 = vector.broadcast %xor3A_172 : i32 to vector<16xi32>
      %xor3A_174 = arith.xori %iota3A, %xor3A_173 : vector<16xi32>
      %broadcast_in_dim3A_175 = vector.shape_cast %xor3A_174 : vector<16xi32> to vector<16x1xi32>
      %gather3A_176 = vector.shape_cast %broadcast_in_dim3A_175 : vector<16x1xi32> to vector<16xi32>
      %gather3A_177 = tpu.dynamic_gather %add3A_171[%gather3A_176] in [0] : vector<16xf32>, vector<16xi32> -> vector<16xf32>
      %add3A_178 = arith.addf %add3A_171, %gather3A_177 : vector<16xf32>
      %broadcast_in_dim3A_179 = arith.constant 0.000000e+00 : f32
      %broadcast_in_dim3A_180 = vector.broadcast %broadcast_in_dim3A_179 : f32 to vector<16xf32>
      %scan3A_181 = arith.constant 0 : i32
      %scan3A_182 = arith.constant 28 : i32
      %scan3A_183 = arith.addi %scan3A_181, %scan3A_182 : i32
      %scan3A_184 = arith.constant 1 : i32
      %scan3A_185 = scf.for %scan3A_2626 = %scan3A_181 to %scan3A_183 step %scan3A_184 iter_args(%scan3A_2627 = %broadcast_in_dim3A_180) -> (vector<16xf32>)  : i32 {
        %mul3A_2628 = arith.constant 16 : i32
        %mul3A_2629 = arith.muli %scan3A_2626, %mul3A_2628 : i32
        %add3A_2630 = arith.constant 2240 : i32
        %add3A_2631 = arith.addi %add3A_2630, %mul3A_2629 : i32
        %get3A = arith.index_cast %add3A_2631 : i32 to index
        %get3A_2632 = tpu.vector_load %arg4[%get3A] {strides = array<i32>} : memref<10752xf32, #tpu.memory_space<vmem>>, vector<16xf32>,
        %get3A_2633 = vector.shape_cast %get3A_2632 : vector<16xf32> to vector<16xf32>
        %add3A_2634 = arith.addf %scan3A_2627, %get3A_2633 : vector<16xf32>
        scf.yield %add3A_2634 : vector<16xf32>
      }
      %scan3A_186 = arith.constant 28 : i32
      %xor3A_187 = arith.constant 8 : i32
      %xor3A_188 = vector.broadcast %xor3A_187 : i32 to vector<16xi32>
      %xor3A_189 = arith.xori %iota3A, %xor3A_188 : vector<16xi32>
      %broadcast_in_dim3A_190 = vector.shape_cast %xor3A_189 : vector<16xi32> to vector<16x1xi32>
      %gather3A_191 = vector.shape_cast %broadcast_in_dim3A_190 : vector<16x1xi32> to vector<16xi32>
      %gather3A_192 = tpu.dynamic_gather %scan3A_185[%gather3A_191] in [0] : vector<16xf32>, vector<16xi32> -> vector<16xf32>
      %add3A_193 = arith.addf %scan3A_185, %gather3A_192 : vector<16xf32>
      %xor3A_194 = arith.constant 4 : i32
      %xor3A_195 = vector.broadcast %xor3A_194 : i32 to vector<16xi32>
      %xor3A_196 = arith.xori %iota3A, %xor3A_195 : vector<16xi32>
      %broadcast_in_dim3A_197 = vector.shape_cast %xor3A_196 : vector<16xi32> to vector<16x1xi32>
      %gather3A_198 = vector.shape_cast %broadcast_in_dim3A_197 : vector<16x1xi32> to vector<16xi32>
      %gather3A_199 = tpu.dynamic_gather %add3A_193[%gather3A_198] in [0] : vector<16xf32>, vector<16xi32> -> vector<16xf32>
      %add3A_200 = arith.addf %add3A_193, %gather3A_199 : vector<16xf32>
      %xor3A_201 = arith.constant 2 : i32
      %xor3A_202 = vector.broadcast %xor3A_201 : i32 to vector<16xi32>
      %xor3A_203 = arith.xori %iota3A, %xor3A_202 : vector<16xi32>
      %broadcast_in_dim3A_204 = vector.shape_cast %xor3A_203 : vector<16xi32> to vector<16x1xi32>
      %gather3A_205 = vector.shape_cast %broadcast_in_dim3A_204 : vector<16x1xi32> to vector<16xi32>
      %gather3A_206 = tpu.dynamic_gather %add3A_200[%gather3A_205] in [0] : vector<16xf32>, vector<16xi32> -> vector<16xf32>
      %add3A_207 = arith.addf %add3A_200, %gather3A_206 : vector<16xf32>
      %xor3A_208 = arith.constant 1 : i32
      %xor3A_209 = vector.broadcast %xor3A_208 : i32 to vector<16xi32>
      %xor3A_210 = arith.xori %iota3A, %xor3A_209 : vector<16xi32>
      %broadcast_in_dim3A_211 = vector.shape_cast %xor3A_210 : vector<16xi32> to vector<16x1xi32>
      %gather3A_212 = vector.shape_cast %broadcast_in_dim3A_211 : vector<16x1xi32> to vector<16xi32>
      %gather3A_213 = tpu.dynamic_gather %add3A_207[%gather3A_212] in [0] : vector<16xf32>, vector<16xi32> -> vector<16xf32>
      %add3A_214 = arith.addf %add3A_207, %gather3A_213 : vector<16xf32>
      %broadcast_in_dim3A_215 = arith.constant 0.000000e+00 : f32
      %broadcast_in_dim3A_216 = vector.broadcast %broadcast_in_dim3A_215 : f32 to vector<16xf32>
      %scan3A_217 = arith.constant 0 : i32
      %scan3A_218 = arith.constant 28 : i32
      %scan3A_219 = arith.addi %scan3A_217, %scan3A_218 : i32
      %scan3A_220 = arith.constant 1 : i32
      %scan3A_221 = scf.for %scan3A_2626 = %scan3A_217 to %scan3A_219 step %scan3A_220 iter_args(%scan3A_2627 = %broadcast_in_dim3A_216) -> (vector<16xf32>)  : i32 {
        %mul3A_2628 = arith.constant 16 : i32
        %mul3A_2629 = arith.muli %scan3A_2626, %mul3A_2628 : i32
        %add3A_2630 = arith.constant 2688 : i32
        %add3A_2631 = arith.addi %add3A_2630, %mul3A_2629 : i32
        %get3A = arith.index_cast %add3A_2631 : i32 to index
        %get3A_2632 = tpu.vector_load %arg4[%get3A] {strides = array<i32>} : memref<10752xf32, #tpu.memory_space<vmem>>, vector<16xf32>,
        %get3A_2633 = vector.shape_cast %get3A_2632 : vector<16xf32> to vector<16xf32>
        %add3A_2634 = arith.addf %scan3A_2627, %get3A_2633 : vector<16xf32>
        scf.yield %add3A_2634 : vector<16xf32>
      }
      %scan3A_222 = arith.constant 28 : i32
      %xor3A_223 = arith.constant 8 : i32
      %xor3A_224 = vector.broadcast %xor3A_223 : i32 to vector<16xi32>
      %xor3A_225 = arith.xori %iota3A, %xor3A_224 : vector<16xi32>
      %broadcast_in_dim3A_226 = vector.shape_cast %xor3A_225 : vector<16xi32> to vector<16x1xi32>
      %gather3A_227 = vector.shape_cast %broadcast_in_dim3A_226 : vector<16x1xi32> to vector<16xi32>
      %gather3A_228 = tpu.dynamic_gather %scan3A_221[%gather3A_227] in [0] : vector<16xf32>, vector<16xi32> -> vector<16xf32>
      %add3A_229 = arith.addf %scan3A_221, %gather3A_228 : vector<16xf32>
      %xor3A_230 = arith.constant 4 : i32
      %xor3A_231 = vector.broadcast %xor3A_230 : i32 to vector<16xi32>
      %xor3A_232 = arith.xori %iota3A, %xor3A_231 : vector<16xi32>
      %broadcast_in_dim3A_233 = vector.shape_cast %xor3A_232 : vector<16xi32> to vector<16x1xi32>
      %gather3A_234 = vector.shape_cast %broadcast_in_dim3A_233 : vector<16x1xi32> to vector<16xi32>
      %gather3A_235 = tpu.dynamic_gather %add3A_229[%gather3A_234] in [0] : vector<16xf32>, vector<16xi32> -> vector<16xf32>
      %add3A_236 = arith.addf %add3A_229, %gather3A_235 : vector<16xf32>
      %xor3A_237 = arith.constant 2 : i32
      %xor3A_238 = vector.broadcast %xor3A_237 : i32 to vector<16xi32>
      %xor3A_239 = arith.xori %iota3A, %xor3A_238 : vector<16xi32>
      %broadcast_in_dim3A_240 = vector.shape_cast %xor3A_239 : vector<16xi32> to vector<16x1xi32>
      %gather3A_241 = vector.shape_cast %broadcast_in_dim3A_240 : vector<16x1xi32> to vector<16xi32>
      %gather3A_242 = tpu.dynamic_gather %add3A_236[%gather3A_241] in [0] : vector<16xf32>, vector<16xi32> -> vector<16xf32>
      %add3A_243 = arith.addf %add3A_236, %gather3A_242 : vector<16xf32>
      %xor3A_244 = arith.constant 1 : i32
      %xor3A_245 = vector.broadcast %xor3A_244 : i32 to vector<16xi32>
      %xor3A_246 = arith.xori %iota3A, %xor3A_245 : vector<16xi32>
      %broadcast_in_dim3A_247 = vector.shape_cast %xor3A_246 : vector<16xi32> to vector<16x1xi32>
      %gather3A_248 = vector.shape_cast %broadcast_in_dim3A_247 : vector<16x1xi32> to vector<16xi32>
      %gather3A_249 = tpu.dynamic_gather %add3A_243[%gather3A_248] in [0] : vector<16xf32>, vector<16xi32> -> vector<16xf32>
      %add3A_250 = arith.addf %add3A_243, %gather3A_249 : vector<16xf32>
      %broadcast_in_dim3A_251 = arith.constant 0.000000e+00 : f32
      %broadcast_in_dim3A_252 = vector.broadcast %broadcast_in_dim3A_251 : f32 to vector<16xf32>
      %scan3A_253 = arith.constant 0 : i32
      %scan3A_254 = arith.constant 28 : i32
      %scan3A_255 = arith.addi %scan3A_253, %scan3A_254 : i32
      %scan3A_256 = arith.constant 1 : i32
      %scan3A_257 = scf.for %scan3A_2626 = %scan3A_253 to %scan3A_255 step %scan3A_256 iter_args(%scan3A_2627 = %broadcast_in_dim3A_252) -> (vector<16xf32>)  : i32 {
        %mul3A_2628 = arith.constant 16 : i32
        %mul3A_2629 = arith.muli %scan3A_2626, %mul3A_2628 : i32
        %add3A_2630 = arith.constant 3136 : i32
        %add3A_2631 = arith.addi %add3A_2630, %mul3A_2629 : i32
        %get3A = arith.index_cast %add3A_2631 : i32 to index
        %get3A_2632 = tpu.vector_load %arg4[%get3A] {strides = array<i32>} : memref<10752xf32, #tpu.memory_space<vmem>>, vector<16xf32>,
        %get3A_2633 = vector.shape_cast %get3A_2632 : vector<16xf32> to vector<16xf32>
        %add3A_2634 = arith.addf %scan3A_2627, %get3A_2633 : vector<16xf32>
        scf.yield %add3A_2634 : vector<16xf32>
      }
      %scan3A_258 = arith.constant 28 : i32
      %xor3A_259 = arith.constant 8 : i32
      %xor3A_260 = vector.broadcast %xor3A_259 : i32 to vector<16xi32>
      %xor3A_261 = arith.xori %iota3A, %xor3A_260 : vector<16xi32>
      %broadcast_in_dim3A_262 = vector.shape_cast %xor3A_261 : vector<16xi32> to vector<16x1xi32>
      %gather3A_263 = vector.shape_cast %broadcast_in_dim3A_262 : vector<16x1xi32> to vector<16xi32>
      %gather3A_264 = tpu.dynamic_gather %scan3A_257[%gather3A_263] in [0] : vector<16xf32>, vector<16xi32> -> vector<16xf32>
      %add3A_265 = arith.addf %scan3A_257, %gather3A_264 : vector<16xf32>
      %xor3A_266 = arith.constant 4 : i32
      %xor3A_267 = vector.broadcast %xor3A_266 : i32 to vector<16xi32>
      %xor3A_268 = arith.xori %iota3A, %xor3A_267 : vector<16xi32>
      %broadcast_in_dim3A_269 = vector.shape_cast %xor3A_268 : vector<16xi32> to vector<16x1xi32>
      %gather3A_270 = vector.shape_cast %broadcast_in_dim3A_269 : vector<16x1xi32> to vector<16xi32>
      %gather3A_271 = tpu.dynamic_gather %add3A_265[%gather3A_270] in [0] : vector<16xf32>, vector<16xi32> -> vector<16xf32>
      %add3A_272 = arith.addf %add3A_265, %gather3A_271 : vector<16xf32>
      %xor3A_273 = arith.constant 2 : i32
      %xor3A_274 = vector.broadcast %xor3A_273 : i32 to vector<16xi32>
      %xor3A_275 = arith.xori %iota3A, %xor3A_274 : vector<16xi32>
      %broadcast_in_dim3A_276 = vector.shape_cast %xor3A_275 : vector<16xi32> to vector<16x1xi32>
      %gather3A_277 = vector.shape_cast %broadcast_in_dim3A_276 : vector<16x1xi32> to vector<16xi32>
      %gather3A_278 = tpu.dynamic_gather %add3A_272[%gather3A_277] in [0] : vector<16xf32>, vector<16xi32> -> vector<16xf32>
      %add3A_279 = arith.addf %add3A_272, %gather3A_278 : vector<16xf32>
      %xor3A_280 = arith.constant 1 : i32
      %xor3A_281 = vector.broadcast %xor3A_280 : i32 to vector<16xi32>
      %xor3A_282 = arith.xori %iota3A, %xor3A_281 : vector<16xi32>
      %broadcast_in_dim3A_283 = vector.shape_cast %xor3A_282 : vector<16xi32> to vector<16x1xi32>
      %gather3A_284 = vector.shape_cast %broadcast_in_dim3A_283 : vector<16x1xi32> to vector<16xi32>
      %gather3A_285 = tpu.dynamic_gather %add3A_279[%gather3A_284] in [0] : vector<16xf32>, vector<16xi32> -> vector<16xf32>
      %add3A_286 = arith.addf %add3A_279, %gather3A_285 : vector<16xf32>
      %broadcast_in_dim3A_287 = arith.constant 0.000000e+00 : f32
      %broadcast_in_dim3A_288 = vector.broadcast %broadcast_in_dim3A_287 : f32 to vector<16xf32>
      %scan3A_289 = arith.constant 0 : i32
      %scan3A_290 = arith.constant 28 : i32
      %scan3A_291 = arith.addi %scan3A_289, %scan3A_290 : i32
      %scan3A_292 = arith.constant 1 : i32
      %scan3A_293 = scf.for %scan3A_2626 = %scan3A_289 to %scan3A_291 step %scan3A_292 iter_args(%scan3A_2627 = %broadcast_in_dim3A_288) -> (vector<16xf32>)  : i32 {
        %mul3A_2628 = arith.constant 16 : i32
        %mul3A_2629 = arith.muli %scan3A_2626, %mul3A_2628 : i32
        %add3A_2630 = arith.constant 3584 : i32
        %add3A_2631 = arith.addi %add3A_2630, %mul3A_2629 : i32
        %get3A = arith.index_cast %add3A_2631 : i32 to index
        %get3A_2632 = tpu.vector_load %arg4[%get3A] {strides = array<i32>} : memref<10752xf32, #tpu.memory_space<vmem>>, vector<16xf32>,
        %get3A_2633 = vector.shape_cast %get3A_2632 : vector<16xf32> to vector<16xf32>
        %add3A_2634 = arith.addf %scan3A_2627, %get3A_2633 : vector<16xf32>
        scf.yield %add3A_2634 : vector<16xf32>
      }
      %scan3A_294 = arith.constant 28 : i32
      %xor3A_295 = arith.constant 8 : i32
      %xor3A_296 = vector.broadcast %xor3A_295 : i32 to vector<16xi32>
      %xor3A_297 = arith.xori %iota3A, %xor3A_296 : vector<16xi32>
      %broadcast_in_dim3A_298 = vector.shape_cast %xor3A_297 : vector<16xi32> to vector<16x1xi32>
      %gather3A_299 = vector.shape_cast %broadcast_in_dim3A_298 : vector<16x1xi32> to vector<16xi32>
      %gather3A_300 = tpu.dynamic_gather %scan3A_293[%gather3A_299] in [0] : vector<16xf32>, vector<16xi32> -> vector<16xf32>
      %add3A_301 = arith.addf %scan3A_293, %gather3A_300 : vector<16xf32>
      %xor3A_302 = arith.constant 4 : i32
      %xor3A_303 = vector.broadcast %xor3A_302 : i32 to vector<16xi32>
      %xor3A_304 = arith.xori %iota3A, %xor3A_303 : vector<16xi32>
      %broadcast_in_dim3A_305 = vector.shape_cast %xor3A_304 : vector<16xi32> to vector<16x1xi32>
      %gather3A_306 = vector.shape_cast %broadcast_in_dim3A_305 : vector<16x1xi32> to vector<16xi32>
      %gather3A_307 = tpu.dynamic_gather %add3A_301[%gather3A_306] in [0] : vector<16xf32>, vector<16xi32> -> vector<16xf32>
      %add3A_308 = arith.addf %add3A_301, %gather3A_307 : vector<16xf32>
      %xor3A_309 = arith.constant 2 : i32
      %xor3A_310 = vector.broadcast %xor3A_309 : i32 to vector<16xi32>
      %xor3A_311 = arith.xori %iota3A, %xor3A_310 : vector<16xi32>
      %broadcast_in_dim3A_312 = vector.shape_cast %xor3A_311 : vector<16xi32> to vector<16x1xi32>
      %gather3A_313 = vector.shape_cast %broadcast_in_dim3A_312 : vector<16x1xi32> to vector<16xi32>
      %gather3A_314 = tpu.dynamic_gather %add3A_308[%gather3A_313] in [0] : vector<16xf32>, vector<16xi32> -> vector<16xf32>
      %add3A_315 = arith.addf %add3A_308, %gather3A_314 : vector<16xf32>
      %xor3A_316 = arith.constant 1 : i32
      %xor3A_317 = vector.broadcast %xor3A_316 : i32 to vector<16xi32>
      %xor3A_318 = arith.xori %iota3A, %xor3A_317 : vector<16xi32>
      %broadcast_in_dim3A_319 = vector.shape_cast %xor3A_318 : vector<16xi32> to vector<16x1xi32>
      %gather3A_320 = vector.shape_cast %broadcast_in_dim3A_319 : vector<16x1xi32> to vector<16xi32>
      %gather3A_321 = tpu.dynamic_gather %add3A_315[%gather3A_320] in [0] : vector<16xf32>, vector<16xi32> -> vector<16xf32>
      %add3A_322 = arith.addf %add3A_315, %gather3A_321 : vector<16xf32>
      %broadcast_in_dim3A_323 = arith.constant 0.000000e+00 : f32
      %broadcast_in_dim3A_324 = vector.broadcast %broadcast_in_dim3A_323 : f32 to vector<16xf32>
      %scan3A_325 = arith.constant 0 : i32
      %scan3A_326 = arith.constant 28 : i32
      %scan3A_327 = arith.addi %scan3A_325, %scan3A_326 : i32
      %scan3A_328 = arith.constant 1 : i32
      %scan3A_329 = scf.for %scan3A_2626 = %scan3A_325 to %scan3A_327 step %scan3A_328 iter_args(%scan3A_2627 = %broadcast_in_dim3A_324) -> (vector<16xf32>)  : i32 {
        %mul3A_2628 = arith.constant 16 : i32
        %mul3A_2629 = arith.muli %scan3A_2626, %mul3A_2628 : i32
        %add3A_2630 = arith.constant 4032 : i32
        %add3A_2631 = arith.addi %add3A_2630, %mul3A_2629 : i32
        %get3A = arith.index_cast %add3A_2631 : i32 to index
        %get3A_2632 = tpu.vector_load %arg4[%get3A] {strides = array<i32>} : memref<10752xf32, #tpu.memory_space<vmem>>, vector<16xf32>,
        %get3A_2633 = vector.shape_cast %get3A_2632 : vector<16xf32> to vector<16xf32>
        %add3A_2634 = arith.addf %scan3A_2627, %get3A_2633 : vector<16xf32>
        scf.yield %add3A_2634 : vector<16xf32>
      }
      %scan3A_330 = arith.constant 28 : i32
      %xor3A_331 = arith.constant 8 : i32
      %xor3A_332 = vector.broadcast %xor3A_331 : i32 to vector<16xi32>
      %xor3A_333 = arith.xori %iota3A, %xor3A_332 : vector<16xi32>
      %broadcast_in_dim3A_334 = vector.shape_cast %xor3A_333 : vector<16xi32> to vector<16x1xi32>
      %gather3A_335 = vector.shape_cast %broadcast_in_dim3A_334 : vector<16x1xi32> to vector<16xi32>
      %gather3A_336 = tpu.dynamic_gather %scan3A_329[%gather3A_335] in [0] : vector<16xf32>, vector<16xi32> -> vector<16xf32>
      %add3A_337 = arith.addf %scan3A_329, %gather3A_336 : vector<16xf32>
      %xor3A_338 = arith.constant 4 : i32
      %xor3A_339 = vector.broadcast %xor3A_338 : i32 to vector<16xi32>
      %xor3A_340 = arith.xori %iota3A, %xor3A_339 : vector<16xi32>
      %broadcast_in_dim3A_341 = vector.shape_cast %xor3A_340 : vector<16xi32> to vector<16x1xi32>
      %gather3A_342 = vector.shape_cast %broadcast_in_dim3A_341 : vector<16x1xi32> to vector<16xi32>
      %gather3A_343 = tpu.dynamic_gather %add3A_337[%gather3A_342] in [0] : vector<16xf32>, vector<16xi32> -> vector<16xf32>
      %add3A_344 = arith.addf %add3A_337, %gather3A_343 : vector<16xf32>
      %xor3A_345 = arith.constant 2 : i32
      %xor3A_346 = vector.broadcast %xor3A_345 : i32 to vector<16xi32>
      %xor3A_347 = arith.xori %iota3A, %xor3A_346 : vector<16xi32>
      %broadcast_in_dim3A_348 = vector.shape_cast %xor3A_347 : vector<16xi32> to vector<16x1xi32>
      %gather3A_349 = vector.shape_cast %broadcast_in_dim3A_348 : vector<16x1xi32> to vector<16xi32>
      %gather3A_350 = tpu.dynamic_gather %add3A_344[%gather3A_349] in [0] : vector<16xf32>, vector<16xi32> -> vector<16xf32>
      %add3A_351 = arith.addf %add3A_344, %gather3A_350 : vector<16xf32>
      %xor3A_352 = arith.constant 1 : i32
      %xor3A_353 = vector.broadcast %xor3A_352 : i32 to vector<16xi32>
      %xor3A_354 = arith.xori %iota3A, %xor3A_353 : vector<16xi32>
      %broadcast_in_dim3A_355 = vector.shape_cast %xor3A_354 : vector<16xi32> to vector<16x1xi32>
      %gather3A_356 = vector.shape_cast %broadcast_in_dim3A_355 : vector<16x1xi32> to vector<16xi32>
      %gather3A_357 = tpu.dynamic_gather %add3A_351[%gather3A_356] in [0] : vector<16xf32>, vector<16xi32> -> vector<16xf32>
      %add3A_358 = arith.addf %add3A_351, %gather3A_357 : vector<16xf32>
      %broadcast_in_dim3A_359 = arith.constant 0.000000e+00 : f32
      %broadcast_in_dim3A_360 = vector.broadcast %broadcast_in_dim3A_359 : f32 to vector<16xf32>
      %scan3A_361 = arith.constant 0 : i32
      %scan3A_362 = arith.constant 28 : i32
      %scan3A_363 = arith.addi %scan3A_361, %scan3A_362 : i32
      %scan3A_364 = arith.constant 1 : i32
      %scan3A_365 = scf.for %scan3A_2626 = %scan3A_361 to %scan3A_363 step %scan3A_364 iter_args(%scan3A_2627 = %broadcast_in_dim3A_360) -> (vector<16xf32>)  : i32 {
        %mul3A_2628 = arith.constant 16 : i32
        %mul3A_2629 = arith.muli %scan3A_2626, %mul3A_2628 : i32
        %add3A_2630 = arith.constant 4480 : i32
        %add3A_2631 = arith.addi %add3A_2630, %mul3A_2629 : i32
        %get3A = arith.index_cast %add3A_2631 : i32 to index
        %get3A_2632 = tpu.vector_load %arg4[%get3A] {strides = array<i32>} : memref<10752xf32, #tpu.memory_space<vmem>>, vector<16xf32>,
        %get3A_2633 = vector.shape_cast %get3A_2632 : vector<16xf32> to vector<16xf32>
        %add3A_2634 = arith.addf %scan3A_2627, %get3A_2633 : vector<16xf32>
        scf.yield %add3A_2634 : vector<16xf32>
      }
      %scan3A_366 = arith.constant 28 : i32
      %xor3A_367 = arith.constant 8 : i32
      %xor3A_368 = vector.broadcast %xor3A_367 : i32 to vector<16xi32>
      %xor3A_369 = arith.xori %iota3A, %xor3A_368 : vector<16xi32>
      %broadcast_in_dim3A_370 = vector.shape_cast %xor3A_369 : vector<16xi32> to vector<16x1xi32>
      %gather3A_371 = vector.shape_cast %broadcast_in_dim3A_370 : vector<16x1xi32> to vector<16xi32>
      %gather3A_372 = tpu.dynamic_gather %scan3A_365[%gather3A_371] in [0] : vector<16xf32>, vector<16xi32> -> vector<16xf32>
      %add3A_373 = arith.addf %scan3A_365, %gather3A_372 : vector<16xf32>
      %xor3A_374 = arith.constant 4 : i32
      %xor3A_375 = vector.broadcast %xor3A_374 : i32 to vector<16xi32>
      %xor3A_376 = arith.xori %iota3A, %xor3A_375 : vector<16xi32>
      %broadcast_in_dim3A_377 = vector.shape_cast %xor3A_376 : vector<16xi32> to vector<16x1xi32>
      %gather3A_378 = vector.shape_cast %broadcast_in_dim3A_377 : vector<16x1xi32> to vector<16xi32>
      %gather3A_379 = tpu.dynamic_gather %add3A_373[%gather3A_378] in [0] : vector<16xf32>, vector<16xi32> -> vector<16xf32>
      %add3A_380 = arith.addf %add3A_373, %gather3A_379 : vector<16xf32>
      %xor3A_381 = arith.constant 2 : i32
      %xor3A_382 = vector.broadcast %xor3A_381 : i32 to vector<16xi32>
      %xor3A_383 = arith.xori %iota3A, %xor3A_382 : vector<16xi32>
      %broadcast_in_dim3A_384 = vector.shape_cast %xor3A_383 : vector<16xi32> to vector<16x1xi32>
      %gather3A_385 = vector.shape_cast %broadcast_in_dim3A_384 : vector<16x1xi32> to vector<16xi32>
      %gather3A_386 = tpu.dynamic_gather %add3A_380[%gather3A_385] in [0] : vector<16xf32>, vector<16xi32> -> vector<16xf32>
      %add3A_387 = arith.addf %add3A_380, %gather3A_386 : vector<16xf32>
      %xor3A_388 = arith.constant 1 : i32
      %xor3A_389 = vector.broadcast %xor3A_388 : i32 to vector<16xi32>
      %xor3A_390 = arith.xori %iota3A, %xor3A_389 : vector<16xi32>
      %broadcast_in_dim3A_391 = vector.shape_cast %xor3A_390 : vector<16xi32> to vector<16x1xi32>
      %gather3A_392 = vector.shape_cast %broadcast_in_dim3A_391 : vector<16x1xi32> to vector<16xi32>
      %gather3A_393 = tpu.dynamic_gather %add3A_387[%gather3A_392] in [0] : vector<16xf32>, vector<16xi32> -> vector<16xf32>
      %add3A_394 = arith.addf %add3A_387, %gather3A_393 : vector<16xf32>
      %broadcast_in_dim3A_395 = arith.constant 0.000000e+00 : f32
      %broadcast_in_dim3A_396 = vector.broadcast %broadcast_in_dim3A_395 : f32 to vector<16xf32>
      %scan3A_397 = arith.constant 0 : i32
      %scan3A_398 = arith.constant 28 : i32
      %scan3A_399 = arith.addi %scan3A_397, %scan3A_398 : i32
      %scan3A_400 = arith.constant 1 : i32
      %scan3A_401 = scf.for %scan3A_2626 = %scan3A_397 to %scan3A_399 step %scan3A_400 iter_args(%scan3A_2627 = %broadcast_in_dim3A_396) -> (vector<16xf32>)  : i32 {
        %mul3A_2628 = arith.constant 16 : i32
        %mul3A_2629 = arith.muli %scan3A_2626, %mul3A_2628 : i32
        %add3A_2630 = arith.constant 4928 : i32
        %add3A_2631 = arith.addi %add3A_2630, %mul3A_2629 : i32
        %get3A = arith.index_cast %add3A_2631 : i32 to index
        %get3A_2632 = tpu.vector_load %arg4[%get3A] {strides = array<i32>} : memref<10752xf32, #tpu.memory_space<vmem>>, vector<16xf32>,
        %get3A_2633 = vector.shape_cast %get3A_2632 : vector<16xf32> to vector<16xf32>
        %add3A_2634 = arith.addf %scan3A_2627, %get3A_2633 : vector<16xf32>
        scf.yield %add3A_2634 : vector<16xf32>
      }
      %scan3A_402 = arith.constant 28 : i32
      %xor3A_403 = arith.constant 8 : i32
      %xor3A_404 = vector.broadcast %xor3A_403 : i32 to vector<16xi32>
      %xor3A_405 = arith.xori %iota3A, %xor3A_404 : vector<16xi32>
      %broadcast_in_dim3A_406 = vector.shape_cast %xor3A_405 : vector<16xi32> to vector<16x1xi32>
      %gather3A_407 = vector.shape_cast %broadcast_in_dim3A_406 : vector<16x1xi32> to vector<16xi32>
      %gather3A_408 = tpu.dynamic_gather %scan3A_401[%gather3A_407] in [0] : vector<16xf32>, vector<16xi32> -> vector<16xf32>
      %add3A_409 = arith.addf %scan3A_401, %gather3A_408 : vector<16xf32>
      %xor3A_410 = arith.constant 4 : i32
      %xor3A_411 = vector.broadcast %xor3A_410 : i32 to vector<16xi32>
      %xor3A_412 = arith.xori %iota3A, %xor3A_411 : vector<16xi32>
      %broadcast_in_dim3A_413 = vector.shape_cast %xor3A_412 : vector<16xi32> to vector<16x1xi32>
      %gather3A_414 = vector.shape_cast %broadcast_in_dim3A_413 : vector<16x1xi32> to vector<16xi32>
      %gather3A_415 = tpu.dynamic_gather %add3A_409[%gather3A_414] in [0] : vector<16xf32>, vector<16xi32> -> vector<16xf32>
      %add3A_416 = arith.addf %add3A_409, %gather3A_415 : vector<16xf32>
      %xor3A_417 = arith.constant 2 : i32
      %xor3A_418 = vector.broadcast %xor3A_417 : i32 to vector<16xi32>
      %xor3A_419 = arith.xori %iota3A, %xor3A_418 : vector<16xi32>
      %broadcast_in_dim3A_420 = vector.shape_cast %xor3A_419 : vector<16xi32> to vector<16x1xi32>
      %gather3A_421 = vector.shape_cast %broadcast_in_dim3A_420 : vector<16x1xi32> to vector<16xi32>
      %gather3A_422 = tpu.dynamic_gather %add3A_416[%gather3A_421] in [0] : vector<16xf32>, vector<16xi32> -> vector<16xf32>
      %add3A_423 = arith.addf %add3A_416, %gather3A_422 : vector<16xf32>
      %xor3A_424 = arith.constant 1 : i32
      %xor3A_425 = vector.broadcast %xor3A_424 : i32 to vector<16xi32>
      %xor3A_426 = arith.xori %iota3A, %xor3A_425 : vector<16xi32>
      %broadcast_in_dim3A_427 = vector.shape_cast %xor3A_426 : vector<16xi32> to vector<16x1xi32>
      %gather3A_428 = vector.shape_cast %broadcast_in_dim3A_427 : vector<16x1xi32> to vector<16xi32>
      %gather3A_429 = tpu.dynamic_gather %add3A_423[%gather3A_428] in [0] : vector<16xf32>, vector<16xi32> -> vector<16xf32>
      %add3A_430 = arith.addf %add3A_423, %gather3A_429 : vector<16xf32>
      %broadcast_in_dim3A_431 = arith.constant 0.000000e+00 : f32
      %broadcast_in_dim3A_432 = vector.broadcast %broadcast_in_dim3A_431 : f32 to vector<16xf32>
      %scan3A_433 = arith.constant 0 : i32
      %scan3A_434 = arith.constant 28 : i32
      %scan3A_435 = arith.addi %scan3A_433, %scan3A_434 : i32
      %scan3A_436 = arith.constant 1 : i32
      %scan3A_437 = scf.for %scan3A_2626 = %scan3A_433 to %scan3A_435 step %scan3A_436 iter_args(%scan3A_2627 = %broadcast_in_dim3A_432) -> (vector<16xf32>)  : i32 {
        %mul3A_2628 = arith.constant 16 : i32
        %mul3A_2629 = arith.muli %scan3A_2626, %mul3A_2628 : i32
        %add3A_2630 = arith.constant 5376 : i32
        %add3A_2631 = arith.addi %add3A_2630, %mul3A_2629 : i32
        %get3A = arith.index_cast %add3A_2631 : i32 to index
        %get3A_2632 = tpu.vector_load %arg4[%get3A] {strides = array<i32>} : memref<10752xf32, #tpu.memory_space<vmem>>, vector<16xf32>,
        %get3A_2633 = vector.shape_cast %get3A_2632 : vector<16xf32> to vector<16xf32>
        %add3A_2634 = arith.addf %scan3A_2627, %get3A_2633 : vector<16xf32>
        scf.yield %add3A_2634 : vector<16xf32>
      }
      %scan3A_438 = arith.constant 28 : i32
      %xor3A_439 = arith.constant 8 : i32
      %xor3A_440 = vector.broadcast %xor3A_439 : i32 to vector<16xi32>
      %xor3A_441 = arith.xori %iota3A, %xor3A_440 : vector<16xi32>
      %broadcast_in_dim3A_442 = vector.shape_cast %xor3A_441 : vector<16xi32> to vector<16x1xi32>
      %gather3A_443 = vector.shape_cast %broadcast_in_dim3A_442 : vector<16x1xi32> to vector<16xi32>
      %gather3A_444 = tpu.dynamic_gather %scan3A_437[%gather3A_443] in [0] : vector<16xf32>, vector<16xi32> -> vector<16xf32>
      %add3A_445 = arith.addf %scan3A_437, %gather3A_444 : vector<16xf32>
      %xor3A_446 = arith.constant 4 : i32
      %xor3A_447 = vector.broadcast %xor3A_446 : i32 to vector<16xi32>
      %xor3A_448 = arith.xori %iota3A, %xor3A_447 : vector<16xi32>
      %broadcast_in_dim3A_449 = vector.shape_cast %xor3A_448 : vector<16xi32> to vector<16x1xi32>
      %gather3A_450 = vector.shape_cast %broadcast_in_dim3A_449 : vector<16x1xi32> to vector<16xi32>
      %gather3A_451 = tpu.dynamic_gather %add3A_445[%gather3A_450] in [0] : vector<16xf32>, vector<16xi32> -> vector<16xf32>
      %add3A_452 = arith.addf %add3A_445, %gather3A_451 : vector<16xf32>
      %xor3A_453 = arith.constant 2 : i32
      %xor3A_454 = vector.broadcast %xor3A_453 : i32 to vector<16xi32>
      %xor3A_455 = arith.xori %iota3A, %xor3A_454 : vector<16xi32>
      %broadcast_in_dim3A_456 = vector.shape_cast %xor3A_455 : vector<16xi32> to vector<16x1xi32>
      %gather3A_457 = vector.shape_cast %broadcast_in_dim3A_456 : vector<16x1xi32> to vector<16xi32>
      %gather3A_458 = tpu.dynamic_gather %add3A_452[%gather3A_457] in [0] : vector<16xf32>, vector<16xi32> -> vector<16xf32>
      %add3A_459 = arith.addf %add3A_452, %gather3A_458 : vector<16xf32>
      %xor3A_460 = arith.constant 1 : i32
      %xor3A_461 = vector.broadcast %xor3A_460 : i32 to vector<16xi32>
      %xor3A_462 = arith.xori %iota3A, %xor3A_461 : vector<16xi32>
      %broadcast_in_dim3A_463 = vector.shape_cast %xor3A_462 : vector<16xi32> to vector<16x1xi32>
      %gather3A_464 = vector.shape_cast %broadcast_in_dim3A_463 : vector<16x1xi32> to vector<16xi32>
      %gather3A_465 = tpu.dynamic_gather %add3A_459[%gather3A_464] in [0] : vector<16xf32>, vector<16xi32> -> vector<16xf32>
      %add3A_466 = arith.addf %add3A_459, %gather3A_465 : vector<16xf32>
      %broadcast_in_dim3A_467 = arith.constant 0.000000e+00 : f32
      %broadcast_in_dim3A_468 = vector.broadcast %broadcast_in_dim3A_467 : f32 to vector<16xf32>
      %scan3A_469 = arith.constant 0 : i32
      %scan3A_470 = arith.constant 28 : i32
      %scan3A_471 = arith.addi %scan3A_469, %scan3A_470 : i32
      %scan3A_472 = arith.constant 1 : i32
      %scan3A_473 = scf.for %scan3A_2626 = %scan3A_469 to %scan3A_471 step %scan3A_472 iter_args(%scan3A_2627 = %broadcast_in_dim3A_468) -> (vector<16xf32>)  : i32 {
        %mul3A_2628 = arith.constant 16 : i32
        %mul3A_2629 = arith.muli %scan3A_2626, %mul3A_2628 : i32
        %add3A_2630 = arith.constant 5824 : i32
        %add3A_2631 = arith.addi %add3A_2630, %mul3A_2629 : i32
        %get3A = arith.index_cast %add3A_2631 : i32 to index
        %get3A_2632 = tpu.vector_load %arg4[%get3A] {strides = array<i32>} : memref<10752xf32, #tpu.memory_space<vmem>>, vector<16xf32>,
        %get3A_2633 = vector.shape_cast %get3A_2632 : vector<16xf32> to vector<16xf32>
        %add3A_2634 = arith.addf %scan3A_2627, %get3A_2633 : vector<16xf32>
        scf.yield %add3A_2634 : vector<16xf32>
      }
      %scan3A_474 = arith.constant 28 : i32
      %xor3A_475 = arith.constant 8 : i32
      %xor3A_476 = vector.broadcast %xor3A_475 : i32 to vector<16xi32>
      %xor3A_477 = arith.xori %iota3A, %xor3A_476 : vector<16xi32>
      %broadcast_in_dim3A_478 = vector.shape_cast %xor3A_477 : vector<16xi32> to vector<16x1xi32>
      %gather3A_479 = vector.shape_cast %broadcast_in_dim3A_478 : vector<16x1xi32> to vector<16xi32>
      %gather3A_480 = tpu.dynamic_gather %scan3A_473[%gather3A_479] in [0] : vector<16xf32>, vector<16xi32> -> vector<16xf32>
      %add3A_481 = arith.addf %scan3A_473, %gather3A_480 : vector<16xf32>
      %xor3A_482 = arith.constant 4 : i32
      %xor3A_483 = vector.broadcast %xor3A_482 : i32 to vector<16xi32>
      %xor3A_484 = arith.xori %iota3A, %xor3A_483 : vector<16xi32>
      %broadcast_in_dim3A_485 = vector.shape_cast %xor3A_484 : vector<16xi32> to vector<16x1xi32>
      %gather3A_486 = vector.shape_cast %broadcast_in_dim3A_485 : vector<16x1xi32> to vector<16xi32>
      %gather3A_487 = tpu.dynamic_gather %add3A_481[%gather3A_486] in [0] : vector<16xf32>, vector<16xi32> -> vector<16xf32>
      %add3A_488 = arith.addf %add3A_481, %gather3A_487 : vector<16xf32>
      %xor3A_489 = arith.constant 2 : i32
      %xor3A_490 = vector.broadcast %xor3A_489 : i32 to vector<16xi32>
      %xor3A_491 = arith.xori %iota3A, %xor3A_490 : vector<16xi32>
      %broadcast_in_dim3A_492 = vector.shape_cast %xor3A_491 : vector<16xi32> to vector<16x1xi32>
      %gather3A_493 = vector.shape_cast %broadcast_in_dim3A_492 : vector<16x1xi32> to vector<16xi32>
      %gather3A_494 = tpu.dynamic_gather %add3A_488[%gather3A_493] in [0] : vector<16xf32>, vector<16xi32> -> vector<16xf32>
      %add3A_495 = arith.addf %add3A_488, %gather3A_494 : vector<16xf32>
      %xor3A_496 = arith.constant 1 : i32
      %xor3A_497 = vector.broadcast %xor3A_496 : i32 to vector<16xi32>
      %xor3A_498 = arith.xori %iota3A, %xor3A_497 : vector<16xi32>
      %broadcast_in_dim3A_499 = vector.shape_cast %xor3A_498 : vector<16xi32> to vector<16x1xi32>
      %gather3A_500 = vector.shape_cast %broadcast_in_dim3A_499 : vector<16x1xi32> to vector<16xi32>
      %gather3A_501 = tpu.dynamic_gather %add3A_495[%gather3A_500] in [0] : vector<16xf32>, vector<16xi32> -> vector<16xf32>
      %add3A_502 = arith.addf %add3A_495, %gather3A_501 : vector<16xf32>
      %broadcast_in_dim3A_503 = arith.constant 0.000000e+00 : f32
      %broadcast_in_dim3A_504 = vector.broadcast %broadcast_in_dim3A_503 : f32 to vector<16xf32>
      %scan3A_505 = arith.constant 0 : i32
      %scan3A_506 = arith.constant 28 : i32
      %scan3A_507 = arith.addi %scan3A_505, %scan3A_506 : i32
      %scan3A_508 = arith.constant 1 : i32
      %scan3A_509 = scf.for %scan3A_2626 = %scan3A_505 to %scan3A_507 step %scan3A_508 iter_args(%scan3A_2627 = %broadcast_in_dim3A_504) -> (vector<16xf32>)  : i32 {
        %mul3A_2628 = arith.constant 16 : i32
        %mul3A_2629 = arith.muli %scan3A_2626, %mul3A_2628 : i32
        %add3A_2630 = arith.constant 6272 : i32
        %add3A_2631 = arith.addi %add3A_2630, %mul3A_2629 : i32
        %get3A = arith.index_cast %add3A_2631 : i32 to index
        %get3A_2632 = tpu.vector_load %arg4[%get3A] {strides = array<i32>} : memref<10752xf32, #tpu.memory_space<vmem>>, vector<16xf32>,
        %get3A_2633 = vector.shape_cast %get3A_2632 : vector<16xf32> to vector<16xf32>
        %add3A_2634 = arith.addf %scan3A_2627, %get3A_2633 : vector<16xf32>
        scf.yield %add3A_2634 : vector<16xf32>
      }
      %scan3A_510 = arith.constant 28 : i32
      %xor3A_511 = arith.constant 8 : i32
      %xor3A_512 = vector.broadcast %xor3A_511 : i32 to vector<16xi32>
      %xor3A_513 = arith.xori %iota3A, %xor3A_512 : vector<16xi32>
      %broadcast_in_dim3A_514 = vector.shape_cast %xor3A_513 : vector<16xi32> to vector<16x1xi32>
      %gather3A_515 = vector.shape_cast %broadcast_in_dim3A_514 : vector<16x1xi32> to vector<16xi32>
      %gather3A_516 = tpu.dynamic_gather %scan3A_509[%gather3A_515] in [0] : vector<16xf32>, vector<16xi32> -> vector<16xf32>
      %add3A_517 = arith.addf %scan3A_509, %gather3A_516 : vector<16xf32>
      %xor3A_518 = arith.constant 4 : i32
      %xor3A_519 = vector.broadcast %xor3A_518 : i32 to vector<16xi32>
      %xor3A_520 = arith.xori %iota3A, %xor3A_519 : vector<16xi32>
      %broadcast_in_dim3A_521 = vector.shape_cast %xor3A_520 : vector<16xi32> to vector<16x1xi32>
      %gather3A_522 = vector.shape_cast %broadcast_in_dim3A_521 : vector<16x1xi32> to vector<16xi32>
      %gather3A_523 = tpu.dynamic_gather %add3A_517[%gather3A_522] in [0] : vector<16xf32>, vector<16xi32> -> vector<16xf32>
      %add3A_524 = arith.addf %add3A_517, %gather3A_523 : vector<16xf32>
      %xor3A_525 = arith.constant 2 : i32
      %xor3A_526 = vector.broadcast %xor3A_525 : i32 to vector<16xi32>
      %xor3A_527 = arith.xori %iota3A, %xor3A_526 : vector<16xi32>
      %broadcast_in_dim3A_528 = vector.shape_cast %xor3A_527 : vector<16xi32> to vector<16x1xi32>
      %gather3A_529 = vector.shape_cast %broadcast_in_dim3A_528 : vector<16x1xi32> to vector<16xi32>
      %gather3A_530 = tpu.dynamic_gather %add3A_524[%gather3A_529] in [0] : vector<16xf32>, vector<16xi32> -> vector<16xf32>
      %add3A_531 = arith.addf %add3A_524, %gather3A_530 : vector<16xf32>
      %xor3A_532 = arith.constant 1 : i32
      %xor3A_533 = vector.broadcast %xor3A_532 : i32 to vector<16xi32>
      %xor3A_534 = arith.xori %iota3A, %xor3A_533 : vector<16xi32>
      %broadcast_in_dim3A_535 = vector.shape_cast %xor3A_534 : vector<16xi32> to vector<16x1xi32>
      %gather3A_536 = vector.shape_cast %broadcast_in_dim3A_535 : vector<16x1xi32> to vector<16xi32>
      %gather3A_537 = tpu.dynamic_gather %add3A_531[%gather3A_536] in [0] : vector<16xf32>, vector<16xi32> -> vector<16xf32>
      %add3A_538 = arith.addf %add3A_531, %gather3A_537 : vector<16xf32>
      %broadcast_in_dim3A_539 = arith.constant 0.000000e+00 : f32
      %broadcast_in_dim3A_540 = vector.broadcast %broadcast_in_dim3A_539 : f32 to vector<16xf32>
      %scan3A_541 = arith.constant 0 : i32
      %scan3A_542 = arith.constant 28 : i32
      %scan3A_543 = arith.addi %scan3A_541, %scan3A_542 : i32
      %scan3A_544 = arith.constant 1 : i32
      %scan3A_545 = scf.for %scan3A_2626 = %scan3A_541 to %scan3A_543 step %scan3A_544 iter_args(%scan3A_2627 = %broadcast_in_dim3A_540) -> (vector<16xf32>)  : i32 {
        %mul3A_2628 = arith.constant 16 : i32
        %mul3A_2629 = arith.muli %scan3A_2626, %mul3A_2628 : i32
        %add3A_2630 = arith.constant 6720 : i32
        %add3A_2631 = arith.addi %add3A_2630, %mul3A_2629 : i32
        %get3A = arith.index_cast %add3A_2631 : i32 to index
        %get3A_2632 = tpu.vector_load %arg4[%get3A] {strides = array<i32>} : memref<10752xf32, #tpu.memory_space<vmem>>, vector<16xf32>,
        %get3A_2633 = vector.shape_cast %get3A_2632 : vector<16xf32> to vector<16xf32>
        %add3A_2634 = arith.addf %scan3A_2627, %get3A_2633 : vector<16xf32>
        scf.yield %add3A_2634 : vector<16xf32>
      }
      %scan3A_546 = arith.constant 28 : i32
      %xor3A_547 = arith.constant 8 : i32
      %xor3A_548 = vector.broadcast %xor3A_547 : i32 to vector<16xi32>
      %xor3A_549 = arith.xori %iota3A, %xor3A_548 : vector<16xi32>
      %broadcast_in_dim3A_550 = vector.shape_cast %xor3A_549 : vector<16xi32> to vector<16x1xi32>
      %gather3A_551 = vector.shape_cast %broadcast_in_dim3A_550 : vector<16x1xi32> to vector<16xi32>
      %gather3A_552 = tpu.dynamic_gather %scan3A_545[%gather3A_551] in [0] : vector<16xf32>, vector<16xi32> -> vector<16xf32>
      %add3A_553 = arith.addf %scan3A_545, %gather3A_552 : vector<16xf32>
      %xor3A_554 = arith.constant 4 : i32
      %xor3A_555 = vector.broadcast %xor3A_554 : i32 to vector<16xi32>
      %xor3A_556 = arith.xori %iota3A, %xor3A_555 : vector<16xi32>
      %broadcast_in_dim3A_557 = vector.shape_cast %xor3A_556 : vector<16xi32> to vector<16x1xi32>
      %gather3A_558 = vector.shape_cast %broadcast_in_dim3A_557 : vector<16x1xi32> to vector<16xi32>
      %gather3A_559 = tpu.dynamic_gather %add3A_553[%gather3A_558] in [0] : vector<16xf32>, vector<16xi32> -> vector<16xf32>
      %add3A_560 = arith.addf %add3A_553, %gather3A_559 : vector<16xf32>
      %xor3A_561 = arith.constant 2 : i32
      %xor3A_562 = vector.broadcast %xor3A_561 : i32 to vector<16xi32>
      %xor3A_563 = arith.xori %iota3A, %xor3A_562 : vector<16xi32>
      %broadcast_in_dim3A_564 = vector.shape_cast %xor3A_563 : vector<16xi32> to vector<16x1xi32>
      %gather3A_565 = vector.shape_cast %broadcast_in_dim3A_564 : vector<16x1xi32> to vector<16xi32>
      %gather3A_566 = tpu.dynamic_gather %add3A_560[%gather3A_565] in [0] : vector<16xf32>, vector<16xi32> -> vector<16xf32>
      %add3A_567 = arith.addf %add3A_560, %gather3A_566 : vector<16xf32>
      %xor3A_568 = arith.constant 1 : i32
      %xor3A_569 = vector.broadcast %xor3A_568 : i32 to vector<16xi32>
      %xor3A_570 = arith.xori %iota3A, %xor3A_569 : vector<16xi32>
      %broadcast_in_dim3A_571 = vector.shape_cast %xor3A_570 : vector<16xi32> to vector<16x1xi32>
      %gather3A_572 = vector.shape_cast %broadcast_in_dim3A_571 : vector<16x1xi32> to vector<16xi32>
      %gather3A_573 = tpu.dynamic_gather %add3A_567[%gather3A_572] in [0] : vector<16xf32>, vector<16xi32> -> vector<16xf32>
      %add3A_574 = arith.addf %add3A_567, %gather3A_573 : vector<16xf32>
      %broadcast_in_dim3A_575 = arith.constant 0.000000e+00 : f32
      %broadcast_in_dim3A_576 = vector.broadcast %broadcast_in_dim3A_575 : f32 to vector<16xf32>
      %scan3A_577 = arith.constant 0 : i32
      %scan3A_578 = arith.constant 28 : i32
      %scan3A_579 = arith.addi %scan3A_577, %scan3A_578 : i32
      %scan3A_580 = arith.constant 1 : i32
      %scan3A_581 = scf.for %scan3A_2626 = %scan3A_577 to %scan3A_579 step %scan3A_580 iter_args(%scan3A_2627 = %broadcast_in_dim3A_576) -> (vector<16xf32>)  : i32 {
        %mul3A_2628 = arith.constant 16 : i32
        %mul3A_2629 = arith.muli %scan3A_2626, %mul3A_2628 : i32
        %add3A_2630 = arith.constant 7168 : i32
        %add3A_2631 = arith.addi %add3A_2630, %mul3A_2629 : i32
        %get3A = arith.index_cast %add3A_2631 : i32 to index
        %get3A_2632 = tpu.vector_load %arg4[%get3A] {strides = array<i32>} : memref<10752xf32, #tpu.memory_space<vmem>>, vector<16xf32>,
        %get3A_2633 = vector.shape_cast %get3A_2632 : vector<16xf32> to vector<16xf32>
        %add3A_2634 = arith.addf %scan3A_2627, %get3A_2633 : vector<16xf32>
        scf.yield %add3A_2634 : vector<16xf32>
      }
      %scan3A_582 = arith.constant 28 : i32
      %xor3A_583 = arith.constant 8 : i32
      %xor3A_584 = vector.broadcast %xor3A_583 : i32 to vector<16xi32>
      %xor3A_585 = arith.xori %iota3A, %xor3A_584 : vector<16xi32>
      %broadcast_in_dim3A_586 = vector.shape_cast %xor3A_585 : vector<16xi32> to vector<16x1xi32>
      %gather3A_587 = vector.shape_cast %broadcast_in_dim3A_586 : vector<16x1xi32> to vector<16xi32>
      %gather3A_588 = tpu.dynamic_gather %scan3A_581[%gather3A_587] in [0] : vector<16xf32>, vector<16xi32> -> vector<16xf32>
      %add3A_589 = arith.addf %scan3A_581, %gather3A_588 : vector<16xf32>
      %xor3A_590 = arith.constant 4 : i32
      %xor3A_591 = vector.broadcast %xor3A_590 : i32 to vector<16xi32>
      %xor3A_592 = arith.xori %iota3A, %xor3A_591 : vector<16xi32>
      %broadcast_in_dim3A_593 = vector.shape_cast %xor3A_592 : vector<16xi32> to vector<16x1xi32>
      %gather3A_594 = vector.shape_cast %broadcast_in_dim3A_593 : vector<16x1xi32> to vector<16xi32>
      %gather3A_595 = tpu.dynamic_gather %add3A_589[%gather3A_594] in [0] : vector<16xf32>, vector<16xi32> -> vector<16xf32>
      %add3A_596 = arith.addf %add3A_589, %gather3A_595 : vector<16xf32>
      %xor3A_597 = arith.constant 2 : i32
      %xor3A_598 = vector.broadcast %xor3A_597 : i32 to vector<16xi32>
      %xor3A_599 = arith.xori %iota3A, %xor3A_598 : vector<16xi32>
      %broadcast_in_dim3A_600 = vector.shape_cast %xor3A_599 : vector<16xi32> to vector<16x1xi32>
      %gather3A_601 = vector.shape_cast %broadcast_in_dim3A_600 : vector<16x1xi32> to vector<16xi32>
      %gather3A_602 = tpu.dynamic_gather %add3A_596[%gather3A_601] in [0] : vector<16xf32>, vector<16xi32> -> vector<16xf32>
      %add3A_603 = arith.addf %add3A_596, %gather3A_602 : vector<16xf32>
      %xor3A_604 = arith.constant 1 : i32
      %xor3A_605 = vector.broadcast %xor3A_604 : i32 to vector<16xi32>
      %xor3A_606 = arith.xori %iota3A, %xor3A_605 : vector<16xi32>
      %broadcast_in_dim3A_607 = vector.shape_cast %xor3A_606 : vector<16xi32> to vector<16x1xi32>
      %gather3A_608 = vector.shape_cast %broadcast_in_dim3A_607 : vector<16x1xi32> to vector<16xi32>
      %gather3A_609 = tpu.dynamic_gather %add3A_603[%gather3A_608] in [0] : vector<16xf32>, vector<16xi32> -> vector<16xf32>
      %add3A_610 = arith.addf %add3A_603, %gather3A_609 : vector<16xf32>
      %broadcast_in_dim3A_611 = arith.constant 0.000000e+00 : f32
      %broadcast_in_dim3A_612 = vector.broadcast %broadcast_in_dim3A_611 : f32 to vector<16xf32>
      %scan3A_613 = arith.constant 0 : i32
      %scan3A_614 = arith.constant 28 : i32
      %scan3A_615 = arith.addi %scan3A_613, %scan3A_614 : i32
      %scan3A_616 = arith.constant 1 : i32
      %scan3A_617 = scf.for %scan3A_2626 = %scan3A_613 to %scan3A_615 step %scan3A_616 iter_args(%scan3A_2627 = %broadcast_in_dim3A_612) -> (vector<16xf32>)  : i32 {
        %mul3A_2628 = arith.constant 16 : i32
        %mul3A_2629 = arith.muli %scan3A_2626, %mul3A_2628 : i32
        %add3A_2630 = arith.constant 7616 : i32
        %add3A_2631 = arith.addi %add3A_2630, %mul3A_2629 : i32
        %get3A = arith.index_cast %add3A_2631 : i32 to index
        %get3A_2632 = tpu.vector_load %arg4[%get3A] {strides = array<i32>} : memref<10752xf32, #tpu.memory_space<vmem>>, vector<16xf32>,
        %get3A_2633 = vector.shape_cast %get3A_2632 : vector<16xf32> to vector<16xf32>
        %add3A_2634 = arith.addf %scan3A_2627, %get3A_2633 : vector<16xf32>
        scf.yield %add3A_2634 : vector<16xf32>
      }
      %scan3A_618 = arith.constant 28 : i32
      %xor3A_619 = arith.constant 8 : i32
      %xor3A_620 = vector.broadcast %xor3A_619 : i32 to vector<16xi32>
      %xor3A_621 = arith.xori %iota3A, %xor3A_620 : vector<16xi32>
      %broadcast_in_dim3A_622 = vector.shape_cast %xor3A_621 : vector<16xi32> to vector<16x1xi32>
      %gather3A_623 = vector.shape_cast %broadcast_in_dim3A_622 : vector<16x1xi32> to vector<16xi32>
      %gather3A_624 = tpu.dynamic_gather %scan3A_617[%gather3A_623] in [0] : vector<16xf32>, vector<16xi32> -> vector<16xf32>
      %add3A_625 = arith.addf %scan3A_617, %gather3A_624 : vector<16xf32>
      %xor3A_626 = arith.constant 4 : i32
      %xor3A_627 = vector.broadcast %xor3A_626 : i32 to vector<16xi32>
      %xor3A_628 = arith.xori %iota3A, %xor3A_627 : vector<16xi32>
      %broadcast_in_dim3A_629 = vector.shape_cast %xor3A_628 : vector<16xi32> to vector<16x1xi32>
      %gather3A_630 = vector.shape_cast %broadcast_in_dim3A_629 : vector<16x1xi32> to vector<16xi32>
      %gather3A_631 = tpu.dynamic_gather %add3A_625[%gather3A_630] in [0] : vector<16xf32>, vector<16xi32> -> vector<16xf32>
      %add3A_632 = arith.addf %add3A_625, %gather3A_631 : vector<16xf32>
      %xor3A_633 = arith.constant 2 : i32
      %xor3A_634 = vector.broadcast %xor3A_633 : i32 to vector<16xi32>
      %xor3A_635 = arith.xori %iota3A, %xor3A_634 : vector<16xi32>
      %broadcast_in_dim3A_636 = vector.shape_cast %xor3A_635 : vector<16xi32> to vector<16x1xi32>
      %gather3A_637 = vector.shape_cast %broadcast_in_dim3A_636 : vector<16x1xi32> to vector<16xi32>
      %gather3A_638 = tpu.dynamic_gather %add3A_632[%gather3A_637] in [0] : vector<16xf32>, vector<16xi32> -> vector<16xf32>
      %add3A_639 = arith.addf %add3A_632, %gather3A_638 : vector<16xf32>
      %xor3A_640 = arith.constant 1 : i32
      %xor3A_641 = vector.broadcast %xor3A_640 : i32 to vector<16xi32>
      %xor3A_642 = arith.xori %iota3A, %xor3A_641 : vector<16xi32>
      %broadcast_in_dim3A_643 = vector.shape_cast %xor3A_642 : vector<16xi32> to vector<16x1xi32>
      %gather3A_644 = vector.shape_cast %broadcast_in_dim3A_643 : vector<16x1xi32> to vector<16xi32>
      %gather3A_645 = tpu.dynamic_gather %add3A_639[%gather3A_644] in [0] : vector<16xf32>, vector<16xi32> -> vector<16xf32>
      %add3A_646 = arith.addf %add3A_639, %gather3A_645 : vector<16xf32>
      %broadcast_in_dim3A_647 = arith.constant 0.000000e+00 : f32
      %broadcast_in_dim3A_648 = vector.broadcast %broadcast_in_dim3A_647 : f32 to vector<16xf32>
      %scan3A_649 = arith.constant 0 : i32
      %scan3A_650 = arith.constant 28 : i32
      %scan3A_651 = arith.addi %scan3A_649, %scan3A_650 : i32
      %scan3A_652 = arith.constant 1 : i32
      %scan3A_653 = scf.for %scan3A_2626 = %scan3A_649 to %scan3A_651 step %scan3A_652 iter_args(%scan3A_2627 = %broadcast_in_dim3A_648) -> (vector<16xf32>)  : i32 {
        %mul3A_2628 = arith.constant 16 : i32
        %mul3A_2629 = arith.muli %scan3A_2626, %mul3A_2628 : i32
        %add3A_2630 = arith.constant 8064 : i32
        %add3A_2631 = arith.addi %add3A_2630, %mul3A_2629 : i32
        %get3A = arith.index_cast %add3A_2631 : i32 to index
        %get3A_2632 = tpu.vector_load %arg4[%get3A] {strides = array<i32>} : memref<10752xf32, #tpu.memory_space<vmem>>, vector<16xf32>,
        %get3A_2633 = vector.shape_cast %get3A_2632 : vector<16xf32> to vector<16xf32>
        %add3A_2634 = arith.addf %scan3A_2627, %get3A_2633 : vector<16xf32>
        scf.yield %add3A_2634 : vector<16xf32>
      }
      %scan3A_654 = arith.constant 28 : i32
      %xor3A_655 = arith.constant 8 : i32
      %xor3A_656 = vector.broadcast %xor3A_655 : i32 to vector<16xi32>
      %xor3A_657 = arith.xori %iota3A, %xor3A_656 : vector<16xi32>
      %broadcast_in_dim3A_658 = vector.shape_cast %xor3A_657 : vector<16xi32> to vector<16x1xi32>
      %gather3A_659 = vector.shape_cast %broadcast_in_dim3A_658 : vector<16x1xi32> to vector<16xi32>
      %gather3A_660 = tpu.dynamic_gather %scan3A_653[%gather3A_659] in [0] : vector<16xf32>, vector<16xi32> -> vector<16xf32>
      %add3A_661 = arith.addf %scan3A_653, %gather3A_660 : vector<16xf32>
      %xor3A_662 = arith.constant 4 : i32
      %xor3A_663 = vector.broadcast %xor3A_662 : i32 to vector<16xi32>
      %xor3A_664 = arith.xori %iota3A, %xor3A_663 : vector<16xi32>
      %broadcast_in_dim3A_665 = vector.shape_cast %xor3A_664 : vector<16xi32> to vector<16x1xi32>
      %gather3A_666 = vector.shape_cast %broadcast_in_dim3A_665 : vector<16x1xi32> to vector<16xi32>
      %gather3A_667 = tpu.dynamic_gather %add3A_661[%gather3A_666] in [0] : vector<16xf32>, vector<16xi32> -> vector<16xf32>
      %add3A_668 = arith.addf %add3A_661, %gather3A_667 : vector<16xf32>
      %xor3A_669 = arith.constant 2 : i32
      %xor3A_670 = vector.broadcast %xor3A_669 : i32 to vector<16xi32>
      %xor3A_671 = arith.xori %iota3A, %xor3A_670 : vector<16xi32>
      %broadcast_in_dim3A_672 = vector.shape_cast %xor3A_671 : vector<16xi32> to vector<16x1xi32>
      %gather3A_673 = vector.shape_cast %broadcast_in_dim3A_672 : vector<16x1xi32> to vector<16xi32>
      %gather3A_674 = tpu.dynamic_gather %add3A_668[%gather3A_673] in [0] : vector<16xf32>, vector<16xi32> -> vector<16xf32>
      %add3A_675 = arith.addf %add3A_668, %gather3A_674 : vector<16xf32>
      %xor3A_676 = arith.constant 1 : i32
      %xor3A_677 = vector.broadcast %xor3A_676 : i32 to vector<16xi32>
      %xor3A_678 = arith.xori %iota3A, %xor3A_677 : vector<16xi32>
      %broadcast_in_dim3A_679 = vector.shape_cast %xor3A_678 : vector<16xi32> to vector<16x1xi32>
      %gather3A_680 = vector.shape_cast %broadcast_in_dim3A_679 : vector<16x1xi32> to vector<16xi32>
      %gather3A_681 = tpu.dynamic_gather %add3A_675[%gather3A_680] in [0] : vector<16xf32>, vector<16xi32> -> vector<16xf32>
      %add3A_682 = arith.addf %add3A_675, %gather3A_681 : vector<16xf32>
      %broadcast_in_dim3A_683 = arith.constant 0.000000e+00 : f32
      %broadcast_in_dim3A_684 = vector.broadcast %broadcast_in_dim3A_683 : f32 to vector<16xf32>
      %scan3A_685 = arith.constant 0 : i32
      %scan3A_686 = arith.constant 28 : i32
      %scan3A_687 = arith.addi %scan3A_685, %scan3A_686 : i32
      %scan3A_688 = arith.constant 1 : i32
      %scan3A_689 = scf.for %scan3A_2626 = %scan3A_685 to %scan3A_687 step %scan3A_688 iter_args(%scan3A_2627 = %broadcast_in_dim3A_684) -> (vector<16xf32>)  : i32 {
        %mul3A_2628 = arith.constant 16 : i32
        %mul3A_2629 = arith.muli %scan3A_2626, %mul3A_2628 : i32
        %add3A_2630 = arith.constant 8512 : i32
        %add3A_2631 = arith.addi %add3A_2630, %mul3A_2629 : i32
        %get3A = arith.index_cast %add3A_2631 : i32 to index
        %get3A_2632 = tpu.vector_load %arg4[%get3A] {strides = array<i32>} : memref<10752xf32, #tpu.memory_space<vmem>>, vector<16xf32>,
        %get3A_2633 = vector.shape_cast %get3A_2632 : vector<16xf32> to vector<16xf32>
        %add3A_2634 = arith.addf %scan3A_2627, %get3A_2633 : vector<16xf32>
        scf.yield %add3A_2634 : vector<16xf32>
      }
      %scan3A_690 = arith.constant 28 : i32
      %xor3A_691 = arith.constant 8 : i32
      %xor3A_692 = vector.broadcast %xor3A_691 : i32 to vector<16xi32>
      %xor3A_693 = arith.xori %iota3A, %xor3A_692 : vector<16xi32>
      %broadcast_in_dim3A_694 = vector.shape_cast %xor3A_693 : vector<16xi32> to vector<16x1xi32>
      %gather3A_695 = vector.shape_cast %broadcast_in_dim3A_694 : vector<16x1xi32> to vector<16xi32>
      %gather3A_696 = tpu.dynamic_gather %scan3A_689[%gather3A_695] in [0] : vector<16xf32>, vector<16xi32> -> vector<16xf32>
      %add3A_697 = arith.addf %scan3A_689, %gather3A_696 : vector<16xf32>
      %xor3A_698 = arith.constant 4 : i32
      %xor3A_699 = vector.broadcast %xor3A_698 : i32 to vector<16xi32>
      %xor3A_700 = arith.xori %iota3A, %xor3A_699 : vector<16xi32>
      %broadcast_in_dim3A_701 = vector.shape_cast %xor3A_700 : vector<16xi32> to vector<16x1xi32>
      %gather3A_702 = vector.shape_cast %broadcast_in_dim3A_701 : vector<16x1xi32> to vector<16xi32>
      %gather3A_703 = tpu.dynamic_gather %add3A_697[%gather3A_702] in [0] : vector<16xf32>, vector<16xi32> -> vector<16xf32>
      %add3A_704 = arith.addf %add3A_697, %gather3A_703 : vector<16xf32>
      %xor3A_705 = arith.constant 2 : i32
      %xor3A_706 = vector.broadcast %xor3A_705 : i32 to vector<16xi32>
      %xor3A_707 = arith.xori %iota3A, %xor3A_706 : vector<16xi32>
      %broadcast_in_dim3A_708 = vector.shape_cast %xor3A_707 : vector<16xi32> to vector<16x1xi32>
      %gather3A_709 = vector.shape_cast %broadcast_in_dim3A_708 : vector<16x1xi32> to vector<16xi32>
      %gather3A_710 = tpu.dynamic_gather %add3A_704[%gather3A_709] in [0] : vector<16xf32>, vector<16xi32> -> vector<16xf32>
      %add3A_711 = arith.addf %add3A_704, %gather3A_710 : vector<16xf32>
      %xor3A_712 = arith.constant 1 : i32
      %xor3A_713 = vector.broadcast %xor3A_712 : i32 to vector<16xi32>
      %xor3A_714 = arith.xori %iota3A, %xor3A_713 : vector<16xi32>
      %broadcast_in_dim3A_715 = vector.shape_cast %xor3A_714 : vector<16xi32> to vector<16x1xi32>
      %gather3A_716 = vector.shape_cast %broadcast_in_dim3A_715 : vector<16x1xi32> to vector<16xi32>
      %gather3A_717 = tpu.dynamic_gather %add3A_711[%gather3A_716] in [0] : vector<16xf32>, vector<16xi32> -> vector<16xf32>
      %add3A_718 = arith.addf %add3A_711, %gather3A_717 : vector<16xf32>
      %broadcast_in_dim3A_719 = arith.constant 0.000000e+00 : f32
      %broadcast_in_dim3A_720 = vector.broadcast %broadcast_in_dim3A_719 : f32 to vector<16xf32>
      %scan3A_721 = arith.constant 0 : i32
      %scan3A_722 = arith.constant 28 : i32
      %scan3A_723 = arith.addi %scan3A_721, %scan3A_722 : i32
      %scan3A_724 = arith.constant 1 : i32
      %scan3A_725 = scf.for %scan3A_2626 = %scan3A_721 to %scan3A_723 step %scan3A_724 iter_args(%scan3A_2627 = %broadcast_in_dim3A_720) -> (vector<16xf32>)  : i32 {
        %mul3A_2628 = arith.constant 16 : i32
        %mul3A_2629 = arith.muli %scan3A_2626, %mul3A_2628 : i32
        %add3A_2630 = arith.constant 8960 : i32
        %add3A_2631 = arith.addi %add3A_2630, %mul3A_2629 : i32
        %get3A = arith.index_cast %add3A_2631 : i32 to index
        %get3A_2632 = tpu.vector_load %arg4[%get3A] {strides = array<i32>} : memref<10752xf32, #tpu.memory_space<vmem>>, vector<16xf32>,
        %get3A_2633 = vector.shape_cast %get3A_2632 : vector<16xf32> to vector<16xf32>
        %add3A_2634 = arith.addf %scan3A_2627, %get3A_2633 : vector<16xf32>
        scf.yield %add3A_2634 : vector<16xf32>
      }
      %scan3A_726 = arith.constant 28 : i32
      %xor3A_727 = arith.constant 8 : i32
      %xor3A_728 = vector.broadcast %xor3A_727 : i32 to vector<16xi32>
      %xor3A_729 = arith.xori %iota3A, %xor3A_728 : vector<16xi32>
      %broadcast_in_dim3A_730 = vector.shape_cast %xor3A_729 : vector<16xi32> to vector<16x1xi32>
      %gather3A_731 = vector.shape_cast %broadcast_in_dim3A_730 : vector<16x1xi32> to vector<16xi32>
      %gather3A_732 = tpu.dynamic_gather %scan3A_725[%gather3A_731] in [0] : vector<16xf32>, vector<16xi32> -> vector<16xf32>
      %add3A_733 = arith.addf %scan3A_725, %gather3A_732 : vector<16xf32>
      %xor3A_734 = arith.constant 4 : i32
      %xor3A_735 = vector.broadcast %xor3A_734 : i32 to vector<16xi32>
      %xor3A_736 = arith.xori %iota3A, %xor3A_735 : vector<16xi32>
      %broadcast_in_dim3A_737 = vector.shape_cast %xor3A_736 : vector<16xi32> to vector<16x1xi32>
      %gather3A_738 = vector.shape_cast %broadcast_in_dim3A_737 : vector<16x1xi32> to vector<16xi32>
      %gather3A_739 = tpu.dynamic_gather %add3A_733[%gather3A_738] in [0] : vector<16xf32>, vector<16xi32> -> vector<16xf32>
      %add3A_740 = arith.addf %add3A_733, %gather3A_739 : vector<16xf32>
      %xor3A_741 = arith.constant 2 : i32
      %xor3A_742 = vector.broadcast %xor3A_741 : i32 to vector<16xi32>
      %xor3A_743 = arith.xori %iota3A, %xor3A_742 : vector<16xi32>
      %broadcast_in_dim3A_744 = vector.shape_cast %xor3A_743 : vector<16xi32> to vector<16x1xi32>
      %gather3A_745 = vector.shape_cast %broadcast_in_dim3A_744 : vector<16x1xi32> to vector<16xi32>
      %gather3A_746 = tpu.dynamic_gather %add3A_740[%gather3A_745] in [0] : vector<16xf32>, vector<16xi32> -> vector<16xf32>
      %add3A_747 = arith.addf %add3A_740, %gather3A_746 : vector<16xf32>
      %xor3A_748 = arith.constant 1 : i32
      %xor3A_749 = vector.broadcast %xor3A_748 : i32 to vector<16xi32>
      %xor3A_750 = arith.xori %iota3A, %xor3A_749 : vector<16xi32>
      %broadcast_in_dim3A_751 = vector.shape_cast %xor3A_750 : vector<16xi32> to vector<16x1xi32>
      %gather3A_752 = vector.shape_cast %broadcast_in_dim3A_751 : vector<16x1xi32> to vector<16xi32>
      %gather3A_753 = tpu.dynamic_gather %add3A_747[%gather3A_752] in [0] : vector<16xf32>, vector<16xi32> -> vector<16xf32>
      %add3A_754 = arith.addf %add3A_747, %gather3A_753 : vector<16xf32>
      %broadcast_in_dim3A_755 = arith.constant 0.000000e+00 : f32
      %broadcast_in_dim3A_756 = vector.broadcast %broadcast_in_dim3A_755 : f32 to vector<16xf32>
      %scan3A_757 = arith.constant 0 : i32
      %scan3A_758 = arith.constant 28 : i32
      %scan3A_759 = arith.addi %scan3A_757, %scan3A_758 : i32
      %scan3A_760 = arith.constant 1 : i32
      %scan3A_761 = scf.for %scan3A_2626 = %scan3A_757 to %scan3A_759 step %scan3A_760 iter_args(%scan3A_2627 = %broadcast_in_dim3A_756) -> (vector<16xf32>)  : i32 {
        %mul3A_2628 = arith.constant 16 : i32
        %mul3A_2629 = arith.muli %scan3A_2626, %mul3A_2628 : i32
        %add3A_2630 = arith.constant 9408 : i32
        %add3A_2631 = arith.addi %add3A_2630, %mul3A_2629 : i32
        %get3A = arith.index_cast %add3A_2631 : i32 to index
        %get3A_2632 = tpu.vector_load %arg4[%get3A] {strides = array<i32>} : memref<10752xf32, #tpu.memory_space<vmem>>, vector<16xf32>,
        %get3A_2633 = vector.shape_cast %get3A_2632 : vector<16xf32> to vector<16xf32>
        %add3A_2634 = arith.addf %scan3A_2627, %get3A_2633 : vector<16xf32>
        scf.yield %add3A_2634 : vector<16xf32>
      }
      %scan3A_762 = arith.constant 28 : i32
      %xor3A_763 = arith.constant 8 : i32
      %xor3A_764 = vector.broadcast %xor3A_763 : i32 to vector<16xi32>
      %xor3A_765 = arith.xori %iota3A, %xor3A_764 : vector<16xi32>
      %broadcast_in_dim3A_766 = vector.shape_cast %xor3A_765 : vector<16xi32> to vector<16x1xi32>
      %gather3A_767 = vector.shape_cast %broadcast_in_dim3A_766 : vector<16x1xi32> to vector<16xi32>
      %gather3A_768 = tpu.dynamic_gather %scan3A_761[%gather3A_767] in [0] : vector<16xf32>, vector<16xi32> -> vector<16xf32>
      %add3A_769 = arith.addf %scan3A_761, %gather3A_768 : vector<16xf32>
      %xor3A_770 = arith.constant 4 : i32
      %xor3A_771 = vector.broadcast %xor3A_770 : i32 to vector<16xi32>
      %xor3A_772 = arith.xori %iota3A, %xor3A_771 : vector<16xi32>
      %broadcast_in_dim3A_773 = vector.shape_cast %xor3A_772 : vector<16xi32> to vector<16x1xi32>
      %gather3A_774 = vector.shape_cast %broadcast_in_dim3A_773 : vector<16x1xi32> to vector<16xi32>
      %gather3A_775 = tpu.dynamic_gather %add3A_769[%gather3A_774] in [0] : vector<16xf32>, vector<16xi32> -> vector<16xf32>
      %add3A_776 = arith.addf %add3A_769, %gather3A_775 : vector<16xf32>
      %xor3A_777 = arith.constant 2 : i32
      %xor3A_778 = vector.broadcast %xor3A_777 : i32 to vector<16xi32>
      %xor3A_779 = arith.xori %iota3A, %xor3A_778 : vector<16xi32>
      %broadcast_in_dim3A_780 = vector.shape_cast %xor3A_779 : vector<16xi32> to vector<16x1xi32>
      %gather3A_781 = vector.shape_cast %broadcast_in_dim3A_780 : vector<16x1xi32> to vector<16xi32>
      %gather3A_782 = tpu.dynamic_gather %add3A_776[%gather3A_781] in [0] : vector<16xf32>, vector<16xi32> -> vector<16xf32>
      %add3A_783 = arith.addf %add3A_776, %gather3A_782 : vector<16xf32>
      %xor3A_784 = arith.constant 1 : i32
      %xor3A_785 = vector.broadcast %xor3A_784 : i32 to vector<16xi32>
      %xor3A_786 = arith.xori %iota3A, %xor3A_785 : vector<16xi32>
      %broadcast_in_dim3A_787 = vector.shape_cast %xor3A_786 : vector<16xi32> to vector<16x1xi32>
      %gather3A_788 = vector.shape_cast %broadcast_in_dim3A_787 : vector<16x1xi32> to vector<16xi32>
      %gather3A_789 = tpu.dynamic_gather %add3A_783[%gather3A_788] in [0] : vector<16xf32>, vector<16xi32> -> vector<16xf32>
      %add3A_790 = arith.addf %add3A_783, %gather3A_789 : vector<16xf32>
      %broadcast_in_dim3A_791 = arith.constant 0.000000e+00 : f32
      %broadcast_in_dim3A_792 = vector.broadcast %broadcast_in_dim3A_791 : f32 to vector<16xf32>
      %scan3A_793 = arith.constant 0 : i32
      %scan3A_794 = arith.constant 28 : i32
      %scan3A_795 = arith.addi %scan3A_793, %scan3A_794 : i32
      %scan3A_796 = arith.constant 1 : i32
      %scan3A_797 = scf.for %scan3A_2626 = %scan3A_793 to %scan3A_795 step %scan3A_796 iter_args(%scan3A_2627 = %broadcast_in_dim3A_792) -> (vector<16xf32>)  : i32 {
        %mul3A_2628 = arith.constant 16 : i32
        %mul3A_2629 = arith.muli %scan3A_2626, %mul3A_2628 : i32
        %add3A_2630 = arith.constant 9856 : i32
        %add3A_2631 = arith.addi %add3A_2630, %mul3A_2629 : i32
        %get3A = arith.index_cast %add3A_2631 : i32 to index
        %get3A_2632 = tpu.vector_load %arg4[%get3A] {strides = array<i32>} : memref<10752xf32, #tpu.memory_space<vmem>>, vector<16xf32>,
        %get3A_2633 = vector.shape_cast %get3A_2632 : vector<16xf32> to vector<16xf32>
        %add3A_2634 = arith.addf %scan3A_2627, %get3A_2633 : vector<16xf32>
        scf.yield %add3A_2634 : vector<16xf32>
      }
      %scan3A_798 = arith.constant 28 : i32
      %xor3A_799 = arith.constant 8 : i32
      %xor3A_800 = vector.broadcast %xor3A_799 : i32 to vector<16xi32>
      %xor3A_801 = arith.xori %iota3A, %xor3A_800 : vector<16xi32>
      %broadcast_in_dim3A_802 = vector.shape_cast %xor3A_801 : vector<16xi32> to vector<16x1xi32>
      %gather3A_803 = vector.shape_cast %broadcast_in_dim3A_802 : vector<16x1xi32> to vector<16xi32>
      %gather3A_804 = tpu.dynamic_gather %scan3A_797[%gather3A_803] in [0] : vector<16xf32>, vector<16xi32> -> vector<16xf32>
      %add3A_805 = arith.addf %scan3A_797, %gather3A_804 : vector<16xf32>
      %xor3A_806 = arith.constant 4 : i32
      %xor3A_807 = vector.broadcast %xor3A_806 : i32 to vector<16xi32>
      %xor3A_808 = arith.xori %iota3A, %xor3A_807 : vector<16xi32>
      %broadcast_in_dim3A_809 = vector.shape_cast %xor3A_808 : vector<16xi32> to vector<16x1xi32>
      %gather3A_810 = vector.shape_cast %broadcast_in_dim3A_809 : vector<16x1xi32> to vector<16xi32>
      %gather3A_811 = tpu.dynamic_gather %add3A_805[%gather3A_810] in [0] : vector<16xf32>, vector<16xi32> -> vector<16xf32>
      %add3A_812 = arith.addf %add3A_805, %gather3A_811 : vector<16xf32>
      %xor3A_813 = arith.constant 2 : i32
      %xor3A_814 = vector.broadcast %xor3A_813 : i32 to vector<16xi32>
      %xor3A_815 = arith.xori %iota3A, %xor3A_814 : vector<16xi32>
      %broadcast_in_dim3A_816 = vector.shape_cast %xor3A_815 : vector<16xi32> to vector<16x1xi32>
      %gather3A_817 = vector.shape_cast %broadcast_in_dim3A_816 : vector<16x1xi32> to vector<16xi32>
      %gather3A_818 = tpu.dynamic_gather %add3A_812[%gather3A_817] in [0] : vector<16xf32>, vector<16xi32> -> vector<16xf32>
      %add3A_819 = arith.addf %add3A_812, %gather3A_818 : vector<16xf32>
      %xor3A_820 = arith.constant 1 : i32
      %xor3A_821 = vector.broadcast %xor3A_820 : i32 to vector<16xi32>
      %xor3A_822 = arith.xori %iota3A, %xor3A_821 : vector<16xi32>
      %broadcast_in_dim3A_823 = vector.shape_cast %xor3A_822 : vector<16xi32> to vector<16x1xi32>
      %gather3A_824 = vector.shape_cast %broadcast_in_dim3A_823 : vector<16x1xi32> to vector<16xi32>
      %gather3A_825 = tpu.dynamic_gather %add3A_819[%gather3A_824] in [0] : vector<16xf32>, vector<16xi32> -> vector<16xf32>
      %add3A_826 = arith.addf %add3A_819, %gather3A_825 : vector<16xf32>
      %broadcast_in_dim3A_827 = arith.constant 0.000000e+00 : f32
      %broadcast_in_dim3A_828 = vector.broadcast %broadcast_in_dim3A_827 : f32 to vector<16xf32>
      %scan3A_829 = arith.constant 0 : i32
      %scan3A_830 = arith.constant 28 : i32
      %scan3A_831 = arith.addi %scan3A_829, %scan3A_830 : i32
      %scan3A_832 = arith.constant 1 : i32
      %scan3A_833 = scf.for %scan3A_2626 = %scan3A_829 to %scan3A_831 step %scan3A_832 iter_args(%scan3A_2627 = %broadcast_in_dim3A_828) -> (vector<16xf32>)  : i32 {
        %mul3A_2628 = arith.constant 16 : i32
        %mul3A_2629 = arith.muli %scan3A_2626, %mul3A_2628 : i32
        %add3A_2630 = arith.constant 10304 : i32
        %add3A_2631 = arith.addi %add3A_2630, %mul3A_2629 : i32
        %get3A = arith.index_cast %add3A_2631 : i32 to index
        %get3A_2632 = tpu.vector_load %arg4[%get3A] {strides = array<i32>} : memref<10752xf32, #tpu.memory_space<vmem>>, vector<16xf32>,
        %get3A_2633 = vector.shape_cast %get3A_2632 : vector<16xf32> to vector<16xf32>
        %add3A_2634 = arith.addf %scan3A_2627, %get3A_2633 : vector<16xf32>
        scf.yield %add3A_2634 : vector<16xf32>
      }
      %scan3A_834 = arith.constant 28 : i32
      %xor3A_835 = arith.constant 8 : i32
      %xor3A_836 = vector.broadcast %xor3A_835 : i32 to vector<16xi32>
      %xor3A_837 = arith.xori %iota3A, %xor3A_836 : vector<16xi32>
      %broadcast_in_dim3A_838 = vector.shape_cast %xor3A_837 : vector<16xi32> to vector<16x1xi32>
      %gather3A_839 = vector.shape_cast %broadcast_in_dim3A_838 : vector<16x1xi32> to vector<16xi32>
      %gather3A_840 = tpu.dynamic_gather %scan3A_833[%gather3A_839] in [0] : vector<16xf32>, vector<16xi32> -> vector<16xf32>
      %add3A_841 = arith.addf %scan3A_833, %gather3A_840 : vector<16xf32>
      %xor3A_842 = arith.constant 4 : i32
      %xor3A_843 = vector.broadcast %xor3A_842 : i32 to vector<16xi32>
      %xor3A_844 = arith.xori %iota3A, %xor3A_843 : vector<16xi32>
      %broadcast_in_dim3A_845 = vector.shape_cast %xor3A_844 : vector<16xi32> to vector<16x1xi32>
      %gather3A_846 = vector.shape_cast %broadcast_in_dim3A_845 : vector<16x1xi32> to vector<16xi32>
      %gather3A_847 = tpu.dynamic_gather %add3A_841[%gather3A_846] in [0] : vector<16xf32>, vector<16xi32> -> vector<16xf32>
      %add3A_848 = arith.addf %add3A_841, %gather3A_847 : vector<16xf32>
      %xor3A_849 = arith.constant 2 : i32
      %xor3A_850 = vector.broadcast %xor3A_849 : i32 to vector<16xi32>
      %xor3A_851 = arith.xori %iota3A, %xor3A_850 : vector<16xi32>
      %broadcast_in_dim3A_852 = vector.shape_cast %xor3A_851 : vector<16xi32> to vector<16x1xi32>
      %gather3A_853 = vector.shape_cast %broadcast_in_dim3A_852 : vector<16x1xi32> to vector<16xi32>
      %gather3A_854 = tpu.dynamic_gather %add3A_848[%gather3A_853] in [0] : vector<16xf32>, vector<16xi32> -> vector<16xf32>
      %add3A_855 = arith.addf %add3A_848, %gather3A_854 : vector<16xf32>
      %xor3A_856 = arith.constant 1 : i32
      %xor3A_857 = vector.broadcast %xor3A_856 : i32 to vector<16xi32>
      %xor3A_858 = arith.xori %iota3A, %xor3A_857 : vector<16xi32>
      %broadcast_in_dim3A_859 = vector.shape_cast %xor3A_858 : vector<16xi32> to vector<16x1xi32>
      %gather3A_860 = vector.shape_cast %broadcast_in_dim3A_859 : vector<16x1xi32> to vector<16xi32>
      %gather3A_861 = tpu.dynamic_gather %add3A_855[%gather3A_860] in [0] : vector<16xf32>, vector<16xi32> -> vector<16xf32>
      %add3A_862 = arith.addf %add3A_855, %gather3A_861 : vector<16xf32>
      %broadcast_in_dim3A_863 = arith.constant 0.000000e+00 : f32
      %broadcast_in_dim3A_864 = vector.broadcast %broadcast_in_dim3A_863 : f32 to vector<16xf32>
      %broadcast_in_dim3A_865 = arith.constant 0 : i32
      %broadcast_in_dim3A_866 = vector.broadcast %broadcast_in_dim3A_865 : i32 to vector<16xi32>
      %broadcast_in_dim3A_867 = arith.constant 0 : i32
      %broadcast_in_dim3A_868 = vector.broadcast %broadcast_in_dim3A_867 : i32 to vector<16xi32>
      %sub3A = arith.subf %add3A_34, %add3A_106 : vector<16xf32>
      %mul3A = arith.constant 5.000000e-01 : f32
      %mul3A_869 = vector.broadcast %mul3A : f32 to vector<16xf32>
      %mul3A_870 = arith.mulf %mul3A_869, %sub3A : vector<16xf32>
      %mul3A_871 = arith.mulf %mul3A_870, %sub3A : vector<16xf32>
      %gt3A = arith.cmpf ogt, %mul3A_871, %broadcast_in_dim3A_864 : vector<16xf32>
      %select_n3A = arith.select %gt3A, %mul3A_871, %broadcast_in_dim3A_864 : vector<16xi1>, vector<16xf32>
      %broadcast_in_dim3A_872 = arith.constant 0 : i32
      %broadcast_in_dim3A_873 = vector.broadcast %broadcast_in_dim3A_872 : i32 to vector<16xi32>
      %select_n3A_874 = arith.select %gt3A, %broadcast_in_dim3A_873, %broadcast_in_dim3A_866 : vector<16xi1>, vector<16xi32>
      %broadcast_in_dim3A_875 = arith.constant 1 : i32
      %broadcast_in_dim3A_876 = vector.broadcast %broadcast_in_dim3A_875 : i32 to vector<16xi32>
      %select_n3A_877 = arith.select %gt3A, %broadcast_in_dim3A_876, %broadcast_in_dim3A_868 : vector<16xi1>, vector<16xi32>
      %sub3A_878 = arith.subf %add3A_34, %add3A_178 : vector<16xf32>
      %mul3A_879 = arith.constant 5.000000e-01 : f32
      %mul3A_880 = vector.broadcast %mul3A_879 : f32 to vector<16xf32>
      %mul3A_881 = arith.mulf %mul3A_880, %sub3A_878 : vector<16xf32>
      %mul3A_882 = arith.mulf %mul3A_881, %sub3A_878 : vector<16xf32>
      %gt3A_883 = arith.cmpf ogt, %mul3A_882, %select_n3A : vector<16xf32>
      %select_n3A_884 = arith.select %gt3A_883, %mul3A_882, %select_n3A : vector<16xi1>, vector<16xf32>
      %broadcast_in_dim3A_885 = arith.constant 0 : i32
      %broadcast_in_dim3A_886 = vector.broadcast %broadcast_in_dim3A_885 : i32 to vector<16xi32>
      %select_n3A_887 = arith.select %gt3A_883, %broadcast_in_dim3A_886, %select_n3A_874 : vector<16xi1>, vector<16xi32>
      %broadcast_in_dim3A_888 = arith.constant 2 : i32
      %broadcast_in_dim3A_889 = vector.broadcast %broadcast_in_dim3A_888 : i32 to vector<16xi32>
      %select_n3A_890 = arith.select %gt3A_883, %broadcast_in_dim3A_889, %select_n3A_877 : vector<16xi1>, vector<16xi32>
      %sub3A_891 = arith.subf %add3A_34, %add3A_250 : vector<16xf32>
      %mul3A_892 = arith.constant 5.000000e-01 : f32
      %mul3A_893 = vector.broadcast %mul3A_892 : f32 to vector<16xf32>
      %mul3A_894 = arith.mulf %mul3A_893, %sub3A_891 : vector<16xf32>
      %mul3A_895 = arith.mulf %mul3A_894, %sub3A_891 : vector<16xf32>
      %gt3A_896 = arith.cmpf ogt, %mul3A_895, %select_n3A_884 : vector<16xf32>
      %select_n3A_897 = arith.select %gt3A_896, %mul3A_895, %select_n3A_884 : vector<16xi1>, vector<16xf32>
      %broadcast_in_dim3A_898 = arith.constant 0 : i32
      %broadcast_in_dim3A_899 = vector.broadcast %broadcast_in_dim3A_898 : i32 to vector<16xi32>
      %select_n3A_900 = arith.select %gt3A_896, %broadcast_in_dim3A_899, %select_n3A_887 : vector<16xi1>, vector<16xi32>
      %broadcast_in_dim3A_901 = arith.constant 3 : i32
      %broadcast_in_dim3A_902 = vector.broadcast %broadcast_in_dim3A_901 : i32 to vector<16xi32>
      %select_n3A_903 = arith.select %gt3A_896, %broadcast_in_dim3A_902, %select_n3A_890 : vector<16xi1>, vector<16xi32>
      %sub3A_904 = arith.subf %add3A_34, %add3A_322 : vector<16xf32>
      %mul3A_905 = arith.constant 5.000000e-01 : f32
      %mul3A_906 = vector.broadcast %mul3A_905 : f32 to vector<16xf32>
      %mul3A_907 = arith.mulf %mul3A_906, %sub3A_904 : vector<16xf32>
      %mul3A_908 = arith.mulf %mul3A_907, %sub3A_904 : vector<16xf32>
      %gt3A_909 = arith.cmpf ogt, %mul3A_908, %select_n3A_897 : vector<16xf32>
      %select_n3A_910 = arith.select %gt3A_909, %mul3A_908, %select_n3A_897 : vector<16xi1>, vector<16xf32>
      %broadcast_in_dim3A_911 = arith.constant 0 : i32
      %broadcast_in_dim3A_912 = vector.broadcast %broadcast_in_dim3A_911 : i32 to vector<16xi32>
      %select_n3A_913 = arith.select %gt3A_909, %broadcast_in_dim3A_912, %select_n3A_900 : vector<16xi1>, vector<16xi32>
      %broadcast_in_dim3A_914 = arith.constant 4 : i32
      %broadcast_in_dim3A_915 = vector.broadcast %broadcast_in_dim3A_914 : i32 to vector<16xi32>
      %select_n3A_916 = arith.select %gt3A_909, %broadcast_in_dim3A_915, %select_n3A_903 : vector<16xi1>, vector<16xi32>
      %sub3A_917 = arith.subf %add3A_34, %add3A_394 : vector<16xf32>
      %mul3A_918 = arith.constant 5.000000e-01 : f32
      %mul3A_919 = vector.broadcast %mul3A_918 : f32 to vector<16xf32>
      %mul3A_920 = arith.mulf %mul3A_919, %sub3A_917 : vector<16xf32>
      %mul3A_921 = arith.mulf %mul3A_920, %sub3A_917 : vector<16xf32>
      %gt3A_922 = arith.cmpf ogt, %mul3A_921, %select_n3A_910 : vector<16xf32>
      %select_n3A_923 = arith.select %gt3A_922, %mul3A_921, %select_n3A_910 : vector<16xi1>, vector<16xf32>
      %broadcast_in_dim3A_924 = arith.constant 0 : i32
      %broadcast_in_dim3A_925 = vector.broadcast %broadcast_in_dim3A_924 : i32 to vector<16xi32>
      %select_n3A_926 = arith.select %gt3A_922, %broadcast_in_dim3A_925, %select_n3A_913 : vector<16xi1>, vector<16xi32>
      %broadcast_in_dim3A_927 = arith.constant 5 : i32
      %broadcast_in_dim3A_928 = vector.broadcast %broadcast_in_dim3A_927 : i32 to vector<16xi32>
      %select_n3A_929 = arith.select %gt3A_922, %broadcast_in_dim3A_928, %select_n3A_916 : vector<16xi1>, vector<16xi32>
      %sub3A_930 = arith.subf %add3A_34, %add3A_466 : vector<16xf32>
      %mul3A_931 = arith.constant 5.000000e-01 : f32
      %mul3A_932 = vector.broadcast %mul3A_931 : f32 to vector<16xf32>
      %mul3A_933 = arith.mulf %mul3A_932, %sub3A_930 : vector<16xf32>
      %mul3A_934 = arith.mulf %mul3A_933, %sub3A_930 : vector<16xf32>
      %gt3A_935 = arith.cmpf ogt, %mul3A_934, %select_n3A_923 : vector<16xf32>
      %select_n3A_936 = arith.select %gt3A_935, %mul3A_934, %select_n3A_923 : vector<16xi1>, vector<16xf32>
      %broadcast_in_dim3A_937 = arith.constant 0 : i32
      %broadcast_in_dim3A_938 = vector.broadcast %broadcast_in_dim3A_937 : i32 to vector<16xi32>
      %select_n3A_939 = arith.select %gt3A_935, %broadcast_in_dim3A_938, %select_n3A_926 : vector<16xi1>, vector<16xi32>
      %broadcast_in_dim3A_940 = arith.constant 6 : i32
      %broadcast_in_dim3A_941 = vector.broadcast %broadcast_in_dim3A_940 : i32 to vector<16xi32>
      %select_n3A_942 = arith.select %gt3A_935, %broadcast_in_dim3A_941, %select_n3A_929 : vector<16xi1>, vector<16xi32>
      %sub3A_943 = arith.subf %add3A_34, %add3A_538 : vector<16xf32>
      %mul3A_944 = arith.constant 5.000000e-01 : f32
      %mul3A_945 = vector.broadcast %mul3A_944 : f32 to vector<16xf32>
      %mul3A_946 = arith.mulf %mul3A_945, %sub3A_943 : vector<16xf32>
      %mul3A_947 = arith.mulf %mul3A_946, %sub3A_943 : vector<16xf32>
      %gt3A_948 = arith.cmpf ogt, %mul3A_947, %select_n3A_936 : vector<16xf32>
      %select_n3A_949 = arith.select %gt3A_948, %mul3A_947, %select_n3A_936 : vector<16xi1>, vector<16xf32>
      %broadcast_in_dim3A_950 = arith.constant 0 : i32
      %broadcast_in_dim3A_951 = vector.broadcast %broadcast_in_dim3A_950 : i32 to vector<16xi32>
      %select_n3A_952 = arith.select %gt3A_948, %broadcast_in_dim3A_951, %select_n3A_939 : vector<16xi1>, vector<16xi32>
      %broadcast_in_dim3A_953 = arith.constant 7 : i32
      %broadcast_in_dim3A_954 = vector.broadcast %broadcast_in_dim3A_953 : i32 to vector<16xi32>
      %select_n3A_955 = arith.select %gt3A_948, %broadcast_in_dim3A_954, %select_n3A_942 : vector<16xi1>, vector<16xi32>
      %sub3A_956 = arith.subf %add3A_34, %add3A_610 : vector<16xf32>
      %mul3A_957 = arith.constant 5.000000e-01 : f32
      %mul3A_958 = vector.broadcast %mul3A_957 : f32 to vector<16xf32>
      %mul3A_959 = arith.mulf %mul3A_958, %sub3A_956 : vector<16xf32>
      %mul3A_960 = arith.mulf %mul3A_959, %sub3A_956 : vector<16xf32>
      %gt3A_961 = arith.cmpf ogt, %mul3A_960, %select_n3A_949 : vector<16xf32>
      %select_n3A_962 = arith.select %gt3A_961, %mul3A_960, %select_n3A_949 : vector<16xi1>, vector<16xf32>
      %broadcast_in_dim3A_963 = arith.constant 0 : i32
      %broadcast_in_dim3A_964 = vector.broadcast %broadcast_in_dim3A_963 : i32 to vector<16xi32>
      %select_n3A_965 = arith.select %gt3A_961, %broadcast_in_dim3A_964, %select_n3A_952 : vector<16xi1>, vector<16xi32>
      %broadcast_in_dim3A_966 = arith.constant 8 : i32
      %broadcast_in_dim3A_967 = vector.broadcast %broadcast_in_dim3A_966 : i32 to vector<16xi32>
      %select_n3A_968 = arith.select %gt3A_961, %broadcast_in_dim3A_967, %select_n3A_955 : vector<16xi1>, vector<16xi32>
      %sub3A_969 = arith.subf %add3A_34, %add3A_682 : vector<16xf32>
      %mul3A_970 = arith.constant 5.000000e-01 : f32
      %mul3A_971 = vector.broadcast %mul3A_970 : f32 to vector<16xf32>
      %mul3A_972 = arith.mulf %mul3A_971, %sub3A_969 : vector<16xf32>
      %mul3A_973 = arith.mulf %mul3A_972, %sub3A_969 : vector<16xf32>
      %gt3A_974 = arith.cmpf ogt, %mul3A_973, %select_n3A_962 : vector<16xf32>
      %select_n3A_975 = arith.select %gt3A_974, %mul3A_973, %select_n3A_962 : vector<16xi1>, vector<16xf32>
      %broadcast_in_dim3A_976 = arith.constant 0 : i32
      %broadcast_in_dim3A_977 = vector.broadcast %broadcast_in_dim3A_976 : i32 to vector<16xi32>
      %select_n3A_978 = arith.select %gt3A_974, %broadcast_in_dim3A_977, %select_n3A_965 : vector<16xi1>, vector<16xi32>
      %broadcast_in_dim3A_979 = arith.constant 9 : i32
      %broadcast_in_dim3A_980 = vector.broadcast %broadcast_in_dim3A_979 : i32 to vector<16xi32>
      %select_n3A_981 = arith.select %gt3A_974, %broadcast_in_dim3A_980, %select_n3A_968 : vector<16xi1>, vector<16xi32>
      %sub3A_982 = arith.subf %add3A_34, %add3A_754 : vector<16xf32>
      %mul3A_983 = arith.constant 5.000000e-01 : f32
      %mul3A_984 = vector.broadcast %mul3A_983 : f32 to vector<16xf32>
      %mul3A_985 = arith.mulf %mul3A_984, %sub3A_982 : vector<16xf32>
      %mul3A_986 = arith.mulf %mul3A_985, %sub3A_982 : vector<16xf32>
      %gt3A_987 = arith.cmpf ogt, %mul3A_986, %select_n3A_975 : vector<16xf32>
      %select_n3A_988 = arith.select %gt3A_987, %mul3A_986, %select_n3A_975 : vector<16xi1>, vector<16xf32>
      %broadcast_in_dim3A_989 = arith.constant 0 : i32
      %broadcast_in_dim3A_990 = vector.broadcast %broadcast_in_dim3A_989 : i32 to vector<16xi32>
      %select_n3A_991 = arith.select %gt3A_987, %broadcast_in_dim3A_990, %select_n3A_978 : vector<16xi1>, vector<16xi32>
      %broadcast_in_dim3A_992 = arith.constant 10 : i32
      %broadcast_in_dim3A_993 = vector.broadcast %broadcast_in_dim3A_992 : i32 to vector<16xi32>
      %select_n3A_994 = arith.select %gt3A_987, %broadcast_in_dim3A_993, %select_n3A_981 : vector<16xi1>, vector<16xi32>
      %sub3A_995 = arith.subf %add3A_34, %add3A_826 : vector<16xf32>
      %mul3A_996 = arith.constant 5.000000e-01 : f32
      %mul3A_997 = vector.broadcast %mul3A_996 : f32 to vector<16xf32>
      %mul3A_998 = arith.mulf %mul3A_997, %sub3A_995 : vector<16xf32>
      %mul3A_999 = arith.mulf %mul3A_998, %sub3A_995 : vector<16xf32>
      %gt3A_1000 = arith.cmpf ogt, %mul3A_999, %select_n3A_988 : vector<16xf32>
      %select_n3A_1001 = arith.select %gt3A_1000, %mul3A_999, %select_n3A_988 : vector<16xi1>, vector<16xf32>
      %broadcast_in_dim3A_1002 = arith.constant 0 : i32
      %broadcast_in_dim3A_1003 = vector.broadcast %broadcast_in_dim3A_1002 : i32 to vector<16xi32>
      %select_n3A_1004 = arith.select %gt3A_1000, %broadcast_in_dim3A_1003, %select_n3A_991 : vector<16xi1>, vector<16xi32>
      %broadcast_in_dim3A_1005 = arith.constant 11 : i32
      %broadcast_in_dim3A_1006 = vector.broadcast %broadcast_in_dim3A_1005 : i32 to vector<16xi32>
      %select_n3A_1007 = arith.select %gt3A_1000, %broadcast_in_dim3A_1006, %select_n3A_994 : vector<16xi1>, vector<16xi32>
      %sub3A_1008 = arith.subf %add3A_106, %add3A_178 : vector<16xf32>
      %mul3A_1009 = arith.constant 5.000000e-01 : f32
      %mul3A_1010 = vector.broadcast %mul3A_1009 : f32 to vector<16xf32>
      %mul3A_1011 = arith.mulf %mul3A_1010, %sub3A_1008 : vector<16xf32>
      %mul3A_1012 = arith.mulf %mul3A_1011, %sub3A_1008 : vector<16xf32>
      %gt3A_1013 = arith.cmpf ogt, %mul3A_1012, %select_n3A_1001 : vector<16xf32>
      %select_n3A_1014 = arith.select %gt3A_1013, %mul3A_1012, %select_n3A_1001 : vector<16xi1>, vector<16xf32>
      %broadcast_in_dim3A_1015 = arith.constant 1 : i32
      %broadcast_in_dim3A_1016 = vector.broadcast %broadcast_in_dim3A_1015 : i32 to vector<16xi32>
      %select_n3A_1017 = arith.select %gt3A_1013, %broadcast_in_dim3A_1016, %select_n3A_1004 : vector<16xi1>, vector<16xi32>
      %broadcast_in_dim3A_1018 = arith.constant 2 : i32
      %broadcast_in_dim3A_1019 = vector.broadcast %broadcast_in_dim3A_1018 : i32 to vector<16xi32>
      %select_n3A_1020 = arith.select %gt3A_1013, %broadcast_in_dim3A_1019, %select_n3A_1007 : vector<16xi1>, vector<16xi32>
      %sub3A_1021 = arith.subf %add3A_106, %add3A_250 : vector<16xf32>
      %mul3A_1022 = arith.constant 5.000000e-01 : f32
      %mul3A_1023 = vector.broadcast %mul3A_1022 : f32 to vector<16xf32>
      %mul3A_1024 = arith.mulf %mul3A_1023, %sub3A_1021 : vector<16xf32>
      %mul3A_1025 = arith.mulf %mul3A_1024, %sub3A_1021 : vector<16xf32>
      %gt3A_1026 = arith.cmpf ogt, %mul3A_1025, %select_n3A_1014 : vector<16xf32>
      %select_n3A_1027 = arith.select %gt3A_1026, %mul3A_1025, %select_n3A_1014 : vector<16xi1>, vector<16xf32>
      %broadcast_in_dim3A_1028 = arith.constant 1 : i32
      %broadcast_in_dim3A_1029 = vector.broadcast %broadcast_in_dim3A_1028 : i32 to vector<16xi32>
      %select_n3A_1030 = arith.select %gt3A_1026, %broadcast_in_dim3A_1029, %select_n3A_1017 : vector<16xi1>, vector<16xi32>
      %broadcast_in_dim3A_1031 = arith.constant 3 : i32
      %broadcast_in_dim3A_1032 = vector.broadcast %broadcast_in_dim3A_1031 : i32 to vector<16xi32>
      %select_n3A_1033 = arith.select %gt3A_1026, %broadcast_in_dim3A_1032, %select_n3A_1020 : vector<16xi1>, vector<16xi32>
      %sub3A_1034 = arith.subf %add3A_106, %add3A_322 : vector<16xf32>
      %mul3A_1035 = arith.constant 5.000000e-01 : f32
      %mul3A_1036 = vector.broadcast %mul3A_1035 : f32 to vector<16xf32>
      %mul3A_1037 = arith.mulf %mul3A_1036, %sub3A_1034 : vector<16xf32>
      %mul3A_1038 = arith.mulf %mul3A_1037, %sub3A_1034 : vector<16xf32>
      %gt3A_1039 = arith.cmpf ogt, %mul3A_1038, %select_n3A_1027 : vector<16xf32>
      %select_n3A_1040 = arith.select %gt3A_1039, %mul3A_1038, %select_n3A_1027 : vector<16xi1>, vector<16xf32>
      %broadcast_in_dim3A_1041 = arith.constant 1 : i32
      %broadcast_in_dim3A_1042 = vector.broadcast %broadcast_in_dim3A_1041 : i32 to vector<16xi32>
      %select_n3A_1043 = arith.select %gt3A_1039, %broadcast_in_dim3A_1042, %select_n3A_1030 : vector<16xi1>, vector<16xi32>
      %broadcast_in_dim3A_1044 = arith.constant 4 : i32
      %broadcast_in_dim3A_1045 = vector.broadcast %broadcast_in_dim3A_1044 : i32 to vector<16xi32>
      %select_n3A_1046 = arith.select %gt3A_1039, %broadcast_in_dim3A_1045, %select_n3A_1033 : vector<16xi1>, vector<16xi32>
      %sub3A_1047 = arith.subf %add3A_106, %add3A_394 : vector<16xf32>
      %mul3A_1048 = arith.constant 5.000000e-01 : f32
      %mul3A_1049 = vector.broadcast %mul3A_1048 : f32 to vector<16xf32>
      %mul3A_1050 = arith.mulf %mul3A_1049, %sub3A_1047 : vector<16xf32>
      %mul3A_1051 = arith.mulf %mul3A_1050, %sub3A_1047 : vector<16xf32>
      %gt3A_1052 = arith.cmpf ogt, %mul3A_1051, %select_n3A_1040 : vector<16xf32>
      %select_n3A_1053 = arith.select %gt3A_1052, %mul3A_1051, %select_n3A_1040 : vector<16xi1>, vector<16xf32>
      %broadcast_in_dim3A_1054 = arith.constant 1 : i32
      %broadcast_in_dim3A_1055 = vector.broadcast %broadcast_in_dim3A_1054 : i32 to vector<16xi32>
      %select_n3A_1056 = arith.select %gt3A_1052, %broadcast_in_dim3A_1055, %select_n3A_1043 : vector<16xi1>, vector<16xi32>
      %broadcast_in_dim3A_1057 = arith.constant 5 : i32
      %broadcast_in_dim3A_1058 = vector.broadcast %broadcast_in_dim3A_1057 : i32 to vector<16xi32>
      %select_n3A_1059 = arith.select %gt3A_1052, %broadcast_in_dim3A_1058, %select_n3A_1046 : vector<16xi1>, vector<16xi32>
      %sub3A_1060 = arith.subf %add3A_106, %add3A_466 : vector<16xf32>
      %mul3A_1061 = arith.constant 5.000000e-01 : f32
      %mul3A_1062 = vector.broadcast %mul3A_1061 : f32 to vector<16xf32>
      %mul3A_1063 = arith.mulf %mul3A_1062, %sub3A_1060 : vector<16xf32>
      %mul3A_1064 = arith.mulf %mul3A_1063, %sub3A_1060 : vector<16xf32>
      %gt3A_1065 = arith.cmpf ogt, %mul3A_1064, %select_n3A_1053 : vector<16xf32>
      %select_n3A_1066 = arith.select %gt3A_1065, %mul3A_1064, %select_n3A_1053 : vector<16xi1>, vector<16xf32>
      %broadcast_in_dim3A_1067 = arith.constant 1 : i32
      %broadcast_in_dim3A_1068 = vector.broadcast %broadcast_in_dim3A_1067 : i32 to vector<16xi32>
      %select_n3A_1069 = arith.select %gt3A_1065, %broadcast_in_dim3A_1068, %select_n3A_1056 : vector<16xi1>, vector<16xi32>
      %broadcast_in_dim3A_1070 = arith.constant 6 : i32
      %broadcast_in_dim3A_1071 = vector.broadcast %broadcast_in_dim3A_1070 : i32 to vector<16xi32>
      %select_n3A_1072 = arith.select %gt3A_1065, %broadcast_in_dim3A_1071, %select_n3A_1059 : vector<16xi1>, vector<16xi32>
      %sub3A_1073 = arith.subf %add3A_106, %add3A_538 : vector<16xf32>
      %mul3A_1074 = arith.constant 5.000000e-01 : f32
      %mul3A_1075 = vector.broadcast %mul3A_1074 : f32 to vector<16xf32>
      %mul3A_1076 = arith.mulf %mul3A_1075, %sub3A_1073 : vector<16xf32>
      %mul3A_1077 = arith.mulf %mul3A_1076, %sub3A_1073 : vector<16xf32>
      %gt3A_1078 = arith.cmpf ogt, %mul3A_1077, %select_n3A_1066 : vector<16xf32>
      %select_n3A_1079 = arith.select %gt3A_1078, %mul3A_1077, %select_n3A_1066 : vector<16xi1>, vector<16xf32>
      %broadcast_in_dim3A_1080 = arith.constant 1 : i32
      %broadcast_in_dim3A_1081 = vector.broadcast %broadcast_in_dim3A_1080 : i32 to vector<16xi32>
      %select_n3A_1082 = arith.select %gt3A_1078, %broadcast_in_dim3A_1081, %select_n3A_1069 : vector<16xi1>, vector<16xi32>
      %broadcast_in_dim3A_1083 = arith.constant 7 : i32
      %broadcast_in_dim3A_1084 = vector.broadcast %broadcast_in_dim3A_1083 : i32 to vector<16xi32>
      %select_n3A_1085 = arith.select %gt3A_1078, %broadcast_in_dim3A_1084, %select_n3A_1072 : vector<16xi1>, vector<16xi32>
      %sub3A_1086 = arith.subf %add3A_106, %add3A_610 : vector<16xf32>
      %mul3A_1087 = arith.constant 5.000000e-01 : f32
      %mul3A_1088 = vector.broadcast %mul3A_1087 : f32 to vector<16xf32>
      %mul3A_1089 = arith.mulf %mul3A_1088, %sub3A_1086 : vector<16xf32>
      %mul3A_1090 = arith.mulf %mul3A_1089, %sub3A_1086 : vector<16xf32>
      %gt3A_1091 = arith.cmpf ogt, %mul3A_1090, %select_n3A_1079 : vector<16xf32>
      %select_n3A_1092 = arith.select %gt3A_1091, %mul3A_1090, %select_n3A_1079 : vector<16xi1>, vector<16xf32>
      %broadcast_in_dim3A_1093 = arith.constant 1 : i32
      %broadcast_in_dim3A_1094 = vector.broadcast %broadcast_in_dim3A_1093 : i32 to vector<16xi32>
      %select_n3A_1095 = arith.select %gt3A_1091, %broadcast_in_dim3A_1094, %select_n3A_1082 : vector<16xi1>, vector<16xi32>
      %broadcast_in_dim3A_1096 = arith.constant 8 : i32
      %broadcast_in_dim3A_1097 = vector.broadcast %broadcast_in_dim3A_1096 : i32 to vector<16xi32>
      %select_n3A_1098 = arith.select %gt3A_1091, %broadcast_in_dim3A_1097, %select_n3A_1085 : vector<16xi1>, vector<16xi32>
      %sub3A_1099 = arith.subf %add3A_106, %add3A_682 : vector<16xf32>
      %mul3A_1100 = arith.constant 5.000000e-01 : f32
      %mul3A_1101 = vector.broadcast %mul3A_1100 : f32 to vector<16xf32>
      %mul3A_1102 = arith.mulf %mul3A_1101, %sub3A_1099 : vector<16xf32>
      %mul3A_1103 = arith.mulf %mul3A_1102, %sub3A_1099 : vector<16xf32>
      %gt3A_1104 = arith.cmpf ogt, %mul3A_1103, %select_n3A_1092 : vector<16xf32>
      %select_n3A_1105 = arith.select %gt3A_1104, %mul3A_1103, %select_n3A_1092 : vector<16xi1>, vector<16xf32>
      %broadcast_in_dim3A_1106 = arith.constant 1 : i32
      %broadcast_in_dim3A_1107 = vector.broadcast %broadcast_in_dim3A_1106 : i32 to vector<16xi32>
      %select_n3A_1108 = arith.select %gt3A_1104, %broadcast_in_dim3A_1107, %select_n3A_1095 : vector<16xi1>, vector<16xi32>
      %broadcast_in_dim3A_1109 = arith.constant 9 : i32
      %broadcast_in_dim3A_1110 = vector.broadcast %broadcast_in_dim3A_1109 : i32 to vector<16xi32>
      %select_n3A_1111 = arith.select %gt3A_1104, %broadcast_in_dim3A_1110, %select_n3A_1098 : vector<16xi1>, vector<16xi32>
      %sub3A_1112 = arith.subf %add3A_106, %add3A_754 : vector<16xf32>
      %mul3A_1113 = arith.constant 5.000000e-01 : f32
      %mul3A_1114 = vector.broadcast %mul3A_1113 : f32 to vector<16xf32>
      %mul3A_1115 = arith.mulf %mul3A_1114, %sub3A_1112 : vector<16xf32>
      %mul3A_1116 = arith.mulf %mul3A_1115, %sub3A_1112 : vector<16xf32>
      %gt3A_1117 = arith.cmpf ogt, %mul3A_1116, %select_n3A_1105 : vector<16xf32>
      %select_n3A_1118 = arith.select %gt3A_1117, %mul3A_1116, %select_n3A_1105 : vector<16xi1>, vector<16xf32>
      %broadcast_in_dim3A_1119 = arith.constant 1 : i32
      %broadcast_in_dim3A_1120 = vector.broadcast %broadcast_in_dim3A_1119 : i32 to vector<16xi32>
      %select_n3A_1121 = arith.select %gt3A_1117, %broadcast_in_dim3A_1120, %select_n3A_1108 : vector<16xi1>, vector<16xi32>
      %broadcast_in_dim3A_1122 = arith.constant 10 : i32
      %broadcast_in_dim3A_1123 = vector.broadcast %broadcast_in_dim3A_1122 : i32 to vector<16xi32>
      %select_n3A_1124 = arith.select %gt3A_1117, %broadcast_in_dim3A_1123, %select_n3A_1111 : vector<16xi1>, vector<16xi32>
      %sub3A_1125 = arith.subf %add3A_106, %add3A_826 : vector<16xf32>
      %mul3A_1126 = arith.constant 5.000000e-01 : f32
      %mul3A_1127 = vector.broadcast %mul3A_1126 : f32 to vector<16xf32>
      %mul3A_1128 = arith.mulf %mul3A_1127, %sub3A_1125 : vector<16xf32>
      %mul3A_1129 = arith.mulf %mul3A_1128, %sub3A_1125 : vector<16xf32>
      %gt3A_1130 = arith.cmpf ogt, %mul3A_1129, %select_n3A_1118 : vector<16xf32>
      %select_n3A_1131 = arith.select %gt3A_1130, %mul3A_1129, %select_n3A_1118 : vector<16xi1>, vector<16xf32>
      %broadcast_in_dim3A_1132 = arith.constant 1 : i32
      %broadcast_in_dim3A_1133 = vector.broadcast %broadcast_in_dim3A_1132 : i32 to vector<16xi32>
      %select_n3A_1134 = arith.select %gt3A_1130, %broadcast_in_dim3A_1133, %select_n3A_1121 : vector<16xi1>, vector<16xi32>
      %broadcast_in_dim3A_1135 = arith.constant 11 : i32
      %broadcast_in_dim3A_1136 = vector.broadcast %broadcast_in_dim3A_1135 : i32 to vector<16xi32>
      %select_n3A_1137 = arith.select %gt3A_1130, %broadcast_in_dim3A_1136, %select_n3A_1124 : vector<16xi1>, vector<16xi32>
      %sub3A_1138 = arith.subf %add3A_178, %add3A_250 : vector<16xf32>
      %mul3A_1139 = arith.constant 5.000000e-01 : f32
      %mul3A_1140 = vector.broadcast %mul3A_1139 : f32 to vector<16xf32>
      %mul3A_1141 = arith.mulf %mul3A_1140, %sub3A_1138 : vector<16xf32>
      %mul3A_1142 = arith.mulf %mul3A_1141, %sub3A_1138 : vector<16xf32>
      %gt3A_1143 = arith.cmpf ogt, %mul3A_1142, %select_n3A_1131 : vector<16xf32>
      %select_n3A_1144 = arith.select %gt3A_1143, %mul3A_1142, %select_n3A_1131 : vector<16xi1>, vector<16xf32>
      %broadcast_in_dim3A_1145 = arith.constant 2 : i32
      %broadcast_in_dim3A_1146 = vector.broadcast %broadcast_in_dim3A_1145 : i32 to vector<16xi32>
      %select_n3A_1147 = arith.select %gt3A_1143, %broadcast_in_dim3A_1146, %select_n3A_1134 : vector<16xi1>, vector<16xi32>
      %broadcast_in_dim3A_1148 = arith.constant 3 : i32
      %broadcast_in_dim3A_1149 = vector.broadcast %broadcast_in_dim3A_1148 : i32 to vector<16xi32>
      %select_n3A_1150 = arith.select %gt3A_1143, %broadcast_in_dim3A_1149, %select_n3A_1137 : vector<16xi1>, vector<16xi32>
      %sub3A_1151 = arith.subf %add3A_178, %add3A_322 : vector<16xf32>
      %mul3A_1152 = arith.constant 5.000000e-01 : f32
      %mul3A_1153 = vector.broadcast %mul3A_1152 : f32 to vector<16xf32>
      %mul3A_1154 = arith.mulf %mul3A_1153, %sub3A_1151 : vector<16xf32>
      %mul3A_1155 = arith.mulf %mul3A_1154, %sub3A_1151 : vector<16xf32>
      %gt3A_1156 = arith.cmpf ogt, %mul3A_1155, %select_n3A_1144 : vector<16xf32>
      %select_n3A_1157 = arith.select %gt3A_1156, %mul3A_1155, %select_n3A_1144 : vector<16xi1>, vector<16xf32>
      %broadcast_in_dim3A_1158 = arith.constant 2 : i32
      %broadcast_in_dim3A_1159 = vector.broadcast %broadcast_in_dim3A_1158 : i32 to vector<16xi32>
      %select_n3A_1160 = arith.select %gt3A_1156, %broadcast_in_dim3A_1159, %select_n3A_1147 : vector<16xi1>, vector<16xi32>
      %broadcast_in_dim3A_1161 = arith.constant 4 : i32
      %broadcast_in_dim3A_1162 = vector.broadcast %broadcast_in_dim3A_1161 : i32 to vector<16xi32>
      %select_n3A_1163 = arith.select %gt3A_1156, %broadcast_in_dim3A_1162, %select_n3A_1150 : vector<16xi1>, vector<16xi32>
      %sub3A_1164 = arith.subf %add3A_178, %add3A_394 : vector<16xf32>
      %mul3A_1165 = arith.constant 5.000000e-01 : f32
      %mul3A_1166 = vector.broadcast %mul3A_1165 : f32 to vector<16xf32>
      %mul3A_1167 = arith.mulf %mul3A_1166, %sub3A_1164 : vector<16xf32>
      %mul3A_1168 = arith.mulf %mul3A_1167, %sub3A_1164 : vector<16xf32>
      %gt3A_1169 = arith.cmpf ogt, %mul3A_1168, %select_n3A_1157 : vector<16xf32>
      %select_n3A_1170 = arith.select %gt3A_1169, %mul3A_1168, %select_n3A_1157 : vector<16xi1>, vector<16xf32>
      %broadcast_in_dim3A_1171 = arith.constant 2 : i32
      %broadcast_in_dim3A_1172 = vector.broadcast %broadcast_in_dim3A_1171 : i32 to vector<16xi32>
      %select_n3A_1173 = arith.select %gt3A_1169, %broadcast_in_dim3A_1172, %select_n3A_1160 : vector<16xi1>, vector<16xi32>
      %broadcast_in_dim3A_1174 = arith.constant 5 : i32
      %broadcast_in_dim3A_1175 = vector.broadcast %broadcast_in_dim3A_1174 : i32 to vector<16xi32>
      %select_n3A_1176 = arith.select %gt3A_1169, %broadcast_in_dim3A_1175, %select_n3A_1163 : vector<16xi1>, vector<16xi32>
      %sub3A_1177 = arith.subf %add3A_178, %add3A_466 : vector<16xf32>
      %mul3A_1178 = arith.constant 5.000000e-01 : f32
      %mul3A_1179 = vector.broadcast %mul3A_1178 : f32 to vector<16xf32>
      %mul3A_1180 = arith.mulf %mul3A_1179, %sub3A_1177 : vector<16xf32>
      %mul3A_1181 = arith.mulf %mul3A_1180, %sub3A_1177 : vector<16xf32>
      %gt3A_1182 = arith.cmpf ogt, %mul3A_1181, %select_n3A_1170 : vector<16xf32>
      %select_n3A_1183 = arith.select %gt3A_1182, %mul3A_1181, %select_n3A_1170 : vector<16xi1>, vector<16xf32>
      %broadcast_in_dim3A_1184 = arith.constant 2 : i32
      %broadcast_in_dim3A_1185 = vector.broadcast %broadcast_in_dim3A_1184 : i32 to vector<16xi32>
      %select_n3A_1186 = arith.select %gt3A_1182, %broadcast_in_dim3A_1185, %select_n3A_1173 : vector<16xi1>, vector<16xi32>
      %broadcast_in_dim3A_1187 = arith.constant 6 : i32
      %broadcast_in_dim3A_1188 = vector.broadcast %broadcast_in_dim3A_1187 : i32 to vector<16xi32>
      %select_n3A_1189 = arith.select %gt3A_1182, %broadcast_in_dim3A_1188, %select_n3A_1176 : vector<16xi1>, vector<16xi32>
      %sub3A_1190 = arith.subf %add3A_178, %add3A_538 : vector<16xf32>
      %mul3A_1191 = arith.constant 5.000000e-01 : f32
      %mul3A_1192 = vector.broadcast %mul3A_1191 : f32 to vector<16xf32>
      %mul3A_1193 = arith.mulf %mul3A_1192, %sub3A_1190 : vector<16xf32>
      %mul3A_1194 = arith.mulf %mul3A_1193, %sub3A_1190 : vector<16xf32>
      %gt3A_1195 = arith.cmpf ogt, %mul3A_1194, %select_n3A_1183 : vector<16xf32>
      %select_n3A_1196 = arith.select %gt3A_1195, %mul3A_1194, %select_n3A_1183 : vector<16xi1>, vector<16xf32>
      %broadcast_in_dim3A_1197 = arith.constant 2 : i32
      %broadcast_in_dim3A_1198 = vector.broadcast %broadcast_in_dim3A_1197 : i32 to vector<16xi32>
      %select_n3A_1199 = arith.select %gt3A_1195, %broadcast_in_dim3A_1198, %select_n3A_1186 : vector<16xi1>, vector<16xi32>
      %broadcast_in_dim3A_1200 = arith.constant 7 : i32
      %broadcast_in_dim3A_1201 = vector.broadcast %broadcast_in_dim3A_1200 : i32 to vector<16xi32>
      %select_n3A_1202 = arith.select %gt3A_1195, %broadcast_in_dim3A_1201, %select_n3A_1189 : vector<16xi1>, vector<16xi32>
      %sub3A_1203 = arith.subf %add3A_178, %add3A_610 : vector<16xf32>
      %mul3A_1204 = arith.constant 5.000000e-01 : f32
      %mul3A_1205 = vector.broadcast %mul3A_1204 : f32 to vector<16xf32>
      %mul3A_1206 = arith.mulf %mul3A_1205, %sub3A_1203 : vector<16xf32>
      %mul3A_1207 = arith.mulf %mul3A_1206, %sub3A_1203 : vector<16xf32>
      %gt3A_1208 = arith.cmpf ogt, %mul3A_1207, %select_n3A_1196 : vector<16xf32>
      %select_n3A_1209 = arith.select %gt3A_1208, %mul3A_1207, %select_n3A_1196 : vector<16xi1>, vector<16xf32>
      %broadcast_in_dim3A_1210 = arith.constant 2 : i32
      %broadcast_in_dim3A_1211 = vector.broadcast %broadcast_in_dim3A_1210 : i32 to vector<16xi32>
      %select_n3A_1212 = arith.select %gt3A_1208, %broadcast_in_dim3A_1211, %select_n3A_1199 : vector<16xi1>, vector<16xi32>
      %broadcast_in_dim3A_1213 = arith.constant 8 : i32
      %broadcast_in_dim3A_1214 = vector.broadcast %broadcast_in_dim3A_1213 : i32 to vector<16xi32>
      %select_n3A_1215 = arith.select %gt3A_1208, %broadcast_in_dim3A_1214, %select_n3A_1202 : vector<16xi1>, vector<16xi32>
      %sub3A_1216 = arith.subf %add3A_178, %add3A_682 : vector<16xf32>
      %mul3A_1217 = arith.constant 5.000000e-01 : f32
      %mul3A_1218 = vector.broadcast %mul3A_1217 : f32 to vector<16xf32>
      %mul3A_1219 = arith.mulf %mul3A_1218, %sub3A_1216 : vector<16xf32>
      %mul3A_1220 = arith.mulf %mul3A_1219, %sub3A_1216 : vector<16xf32>
      %gt3A_1221 = arith.cmpf ogt, %mul3A_1220, %select_n3A_1209 : vector<16xf32>
      %select_n3A_1222 = arith.select %gt3A_1221, %mul3A_1220, %select_n3A_1209 : vector<16xi1>, vector<16xf32>
      %broadcast_in_dim3A_1223 = arith.constant 2 : i32
      %broadcast_in_dim3A_1224 = vector.broadcast %broadcast_in_dim3A_1223 : i32 to vector<16xi32>
      %select_n3A_1225 = arith.select %gt3A_1221, %broadcast_in_dim3A_1224, %select_n3A_1212 : vector<16xi1>, vector<16xi32>
      %broadcast_in_dim3A_1226 = arith.constant 9 : i32
      %broadcast_in_dim3A_1227 = vector.broadcast %broadcast_in_dim3A_1226 : i32 to vector<16xi32>
      %select_n3A_1228 = arith.select %gt3A_1221, %broadcast_in_dim3A_1227, %select_n3A_1215 : vector<16xi1>, vector<16xi32>
      %sub3A_1229 = arith.subf %add3A_178, %add3A_754 : vector<16xf32>
      %mul3A_1230 = arith.constant 5.000000e-01 : f32
      %mul3A_1231 = vector.broadcast %mul3A_1230 : f32 to vector<16xf32>
      %mul3A_1232 = arith.mulf %mul3A_1231, %sub3A_1229 : vector<16xf32>
      %mul3A_1233 = arith.mulf %mul3A_1232, %sub3A_1229 : vector<16xf32>
      %gt3A_1234 = arith.cmpf ogt, %mul3A_1233, %select_n3A_1222 : vector<16xf32>
      %select_n3A_1235 = arith.select %gt3A_1234, %mul3A_1233, %select_n3A_1222 : vector<16xi1>, vector<16xf32>
      %broadcast_in_dim3A_1236 = arith.constant 2 : i32
      %broadcast_in_dim3A_1237 = vector.broadcast %broadcast_in_dim3A_1236 : i32 to vector<16xi32>
      %select_n3A_1238 = arith.select %gt3A_1234, %broadcast_in_dim3A_1237, %select_n3A_1225 : vector<16xi1>, vector<16xi32>
      %broadcast_in_dim3A_1239 = arith.constant 10 : i32
      %broadcast_in_dim3A_1240 = vector.broadcast %broadcast_in_dim3A_1239 : i32 to vector<16xi32>
      %select_n3A_1241 = arith.select %gt3A_1234, %broadcast_in_dim3A_1240, %select_n3A_1228 : vector<16xi1>, vector<16xi32>
      %sub3A_1242 = arith.subf %add3A_178, %add3A_826 : vector<16xf32>
      %mul3A_1243 = arith.constant 5.000000e-01 : f32
      %mul3A_1244 = vector.broadcast %mul3A_1243 : f32 to vector<16xf32>
      %mul3A_1245 = arith.mulf %mul3A_1244, %sub3A_1242 : vector<16xf32>
      %mul3A_1246 = arith.mulf %mul3A_1245, %sub3A_1242 : vector<16xf32>
      %gt3A_1247 = arith.cmpf ogt, %mul3A_1246, %select_n3A_1235 : vector<16xf32>
      %select_n3A_1248 = arith.select %gt3A_1247, %mul3A_1246, %select_n3A_1235 : vector<16xi1>, vector<16xf32>
      %broadcast_in_dim3A_1249 = arith.constant 2 : i32
      %broadcast_in_dim3A_1250 = vector.broadcast %broadcast_in_dim3A_1249 : i32 to vector<16xi32>
      %select_n3A_1251 = arith.select %gt3A_1247, %broadcast_in_dim3A_1250, %select_n3A_1238 : vector<16xi1>, vector<16xi32>
      %broadcast_in_dim3A_1252 = arith.constant 11 : i32
      %broadcast_in_dim3A_1253 = vector.broadcast %broadcast_in_dim3A_1252 : i32 to vector<16xi32>
      %select_n3A_1254 = arith.select %gt3A_1247, %broadcast_in_dim3A_1253, %select_n3A_1241 : vector<16xi1>, vector<16xi32>
      %sub3A_1255 = arith.subf %add3A_250, %add3A_322 : vector<16xf32>
      %mul3A_1256 = arith.constant 5.000000e-01 : f32
      %mul3A_1257 = vector.broadcast %mul3A_1256 : f32 to vector<16xf32>
      %mul3A_1258 = arith.mulf %mul3A_1257, %sub3A_1255 : vector<16xf32>
      %mul3A_1259 = arith.mulf %mul3A_1258, %sub3A_1255 : vector<16xf32>
      %gt3A_1260 = arith.cmpf ogt, %mul3A_1259, %select_n3A_1248 : vector<16xf32>
      %select_n3A_1261 = arith.select %gt3A_1260, %mul3A_1259, %select_n3A_1248 : vector<16xi1>, vector<16xf32>
      %broadcast_in_dim3A_1262 = arith.constant 3 : i32
      %broadcast_in_dim3A_1263 = vector.broadcast %broadcast_in_dim3A_1262 : i32 to vector<16xi32>
      %select_n3A_1264 = arith.select %gt3A_1260, %broadcast_in_dim3A_1263, %select_n3A_1251 : vector<16xi1>, vector<16xi32>
      %broadcast_in_dim3A_1265 = arith.constant 4 : i32
      %broadcast_in_dim3A_1266 = vector.broadcast %broadcast_in_dim3A_1265 : i32 to vector<16xi32>
      %select_n3A_1267 = arith.select %gt3A_1260, %broadcast_in_dim3A_1266, %select_n3A_1254 : vector<16xi1>, vector<16xi32>
      %sub3A_1268 = arith.subf %add3A_250, %add3A_394 : vector<16xf32>
      %mul3A_1269 = arith.constant 5.000000e-01 : f32
      %mul3A_1270 = vector.broadcast %mul3A_1269 : f32 to vector<16xf32>
      %mul3A_1271 = arith.mulf %mul3A_1270, %sub3A_1268 : vector<16xf32>
      %mul3A_1272 = arith.mulf %mul3A_1271, %sub3A_1268 : vector<16xf32>
      %gt3A_1273 = arith.cmpf ogt, %mul3A_1272, %select_n3A_1261 : vector<16xf32>
      %select_n3A_1274 = arith.select %gt3A_1273, %mul3A_1272, %select_n3A_1261 : vector<16xi1>, vector<16xf32>
      %broadcast_in_dim3A_1275 = arith.constant 3 : i32
      %broadcast_in_dim3A_1276 = vector.broadcast %broadcast_in_dim3A_1275 : i32 to vector<16xi32>
      %select_n3A_1277 = arith.select %gt3A_1273, %broadcast_in_dim3A_1276, %select_n3A_1264 : vector<16xi1>, vector<16xi32>
      %broadcast_in_dim3A_1278 = arith.constant 5 : i32
      %broadcast_in_dim3A_1279 = vector.broadcast %broadcast_in_dim3A_1278 : i32 to vector<16xi32>
      %select_n3A_1280 = arith.select %gt3A_1273, %broadcast_in_dim3A_1279, %select_n3A_1267 : vector<16xi1>, vector<16xi32>
      %sub3A_1281 = arith.subf %add3A_250, %add3A_466 : vector<16xf32>
      %mul3A_1282 = arith.constant 5.000000e-01 : f32
      %mul3A_1283 = vector.broadcast %mul3A_1282 : f32 to vector<16xf32>
      %mul3A_1284 = arith.mulf %mul3A_1283, %sub3A_1281 : vector<16xf32>
      %mul3A_1285 = arith.mulf %mul3A_1284, %sub3A_1281 : vector<16xf32>
      %gt3A_1286 = arith.cmpf ogt, %mul3A_1285, %select_n3A_1274 : vector<16xf32>
      %select_n3A_1287 = arith.select %gt3A_1286, %mul3A_1285, %select_n3A_1274 : vector<16xi1>, vector<16xf32>
      %broadcast_in_dim3A_1288 = arith.constant 3 : i32
      %broadcast_in_dim3A_1289 = vector.broadcast %broadcast_in_dim3A_1288 : i32 to vector<16xi32>
      %select_n3A_1290 = arith.select %gt3A_1286, %broadcast_in_dim3A_1289, %select_n3A_1277 : vector<16xi1>, vector<16xi32>
      %broadcast_in_dim3A_1291 = arith.constant 6 : i32
      %broadcast_in_dim3A_1292 = vector.broadcast %broadcast_in_dim3A_1291 : i32 to vector<16xi32>
      %select_n3A_1293 = arith.select %gt3A_1286, %broadcast_in_dim3A_1292, %select_n3A_1280 : vector<16xi1>, vector<16xi32>
      %sub3A_1294 = arith.subf %add3A_250, %add3A_538 : vector<16xf32>
      %mul3A_1295 = arith.constant 5.000000e-01 : f32
      %mul3A_1296 = vector.broadcast %mul3A_1295 : f32 to vector<16xf32>
      %mul3A_1297 = arith.mulf %mul3A_1296, %sub3A_1294 : vector<16xf32>
      %mul3A_1298 = arith.mulf %mul3A_1297, %sub3A_1294 : vector<16xf32>
      %gt3A_1299 = arith.cmpf ogt, %mul3A_1298, %select_n3A_1287 : vector<16xf32>
      %select_n3A_1300 = arith.select %gt3A_1299, %mul3A_1298, %select_n3A_1287 : vector<16xi1>, vector<16xf32>
      %broadcast_in_dim3A_1301 = arith.constant 3 : i32
      %broadcast_in_dim3A_1302 = vector.broadcast %broadcast_in_dim3A_1301 : i32 to vector<16xi32>
      %select_n3A_1303 = arith.select %gt3A_1299, %broadcast_in_dim3A_1302, %select_n3A_1290 : vector<16xi1>, vector<16xi32>
      %broadcast_in_dim3A_1304 = arith.constant 7 : i32
      %broadcast_in_dim3A_1305 = vector.broadcast %broadcast_in_dim3A_1304 : i32 to vector<16xi32>
      %select_n3A_1306 = arith.select %gt3A_1299, %broadcast_in_dim3A_1305, %select_n3A_1293 : vector<16xi1>, vector<16xi32>
      %sub3A_1307 = arith.subf %add3A_250, %add3A_610 : vector<16xf32>
      %mul3A_1308 = arith.constant 5.000000e-01 : f32
      %mul3A_1309 = vector.broadcast %mul3A_1308 : f32 to vector<16xf32>
      %mul3A_1310 = arith.mulf %mul3A_1309, %sub3A_1307 : vector<16xf32>
      %mul3A_1311 = arith.mulf %mul3A_1310, %sub3A_1307 : vector<16xf32>
      %gt3A_1312 = arith.cmpf ogt, %mul3A_1311, %select_n3A_1300 : vector<16xf32>
      %select_n3A_1313 = arith.select %gt3A_1312, %mul3A_1311, %select_n3A_1300 : vector<16xi1>, vector<16xf32>
      %broadcast_in_dim3A_1314 = arith.constant 3 : i32
      %broadcast_in_dim3A_1315 = vector.broadcast %broadcast_in_dim3A_1314 : i32 to vector<16xi32>
      %select_n3A_1316 = arith.select %gt3A_1312, %broadcast_in_dim3A_1315, %select_n3A_1303 : vector<16xi1>, vector<16xi32>
      %broadcast_in_dim3A_1317 = arith.constant 8 : i32
      %broadcast_in_dim3A_1318 = vector.broadcast %broadcast_in_dim3A_1317 : i32 to vector<16xi32>
      %select_n3A_1319 = arith.select %gt3A_1312, %broadcast_in_dim3A_1318, %select_n3A_1306 : vector<16xi1>, vector<16xi32>
      %sub3A_1320 = arith.subf %add3A_250, %add3A_682 : vector<16xf32>
      %mul3A_1321 = arith.constant 5.000000e-01 : f32
      %mul3A_1322 = vector.broadcast %mul3A_1321 : f32 to vector<16xf32>
      %mul3A_1323 = arith.mulf %mul3A_1322, %sub3A_1320 : vector<16xf32>
      %mul3A_1324 = arith.mulf %mul3A_1323, %sub3A_1320 : vector<16xf32>
      %gt3A_1325 = arith.cmpf ogt, %mul3A_1324, %select_n3A_1313 : vector<16xf32>
      %select_n3A_1326 = arith.select %gt3A_1325, %mul3A_1324, %select_n3A_1313 : vector<16xi1>, vector<16xf32>
      %broadcast_in_dim3A_1327 = arith.constant 3 : i32
      %broadcast_in_dim3A_1328 = vector.broadcast %broadcast_in_dim3A_1327 : i32 to vector<16xi32>
      %select_n3A_1329 = arith.select %gt3A_1325, %broadcast_in_dim3A_1328, %select_n3A_1316 : vector<16xi1>, vector<16xi32>
      %broadcast_in_dim3A_1330 = arith.constant 9 : i32
      %broadcast_in_dim3A_1331 = vector.broadcast %broadcast_in_dim3A_1330 : i32 to vector<16xi32>
      %select_n3A_1332 = arith.select %gt3A_1325, %broadcast_in_dim3A_1331, %select_n3A_1319 : vector<16xi1>, vector<16xi32>
      %sub3A_1333 = arith.subf %add3A_250, %add3A_754 : vector<16xf32>
      %mul3A_1334 = arith.constant 5.000000e-01 : f32
      %mul3A_1335 = vector.broadcast %mul3A_1334 : f32 to vector<16xf32>
      %mul3A_1336 = arith.mulf %mul3A_1335, %sub3A_1333 : vector<16xf32>
      %mul3A_1337 = arith.mulf %mul3A_1336, %sub3A_1333 : vector<16xf32>
      %gt3A_1338 = arith.cmpf ogt, %mul3A_1337, %select_n3A_1326 : vector<16xf32>
      %select_n3A_1339 = arith.select %gt3A_1338, %mul3A_1337, %select_n3A_1326 : vector<16xi1>, vector<16xf32>
      %broadcast_in_dim3A_1340 = arith.constant 3 : i32
      %broadcast_in_dim3A_1341 = vector.broadcast %broadcast_in_dim3A_1340 : i32 to vector<16xi32>
      %select_n3A_1342 = arith.select %gt3A_1338, %broadcast_in_dim3A_1341, %select_n3A_1329 : vector<16xi1>, vector<16xi32>
      %broadcast_in_dim3A_1343 = arith.constant 10 : i32
      %broadcast_in_dim3A_1344 = vector.broadcast %broadcast_in_dim3A_1343 : i32 to vector<16xi32>
      %select_n3A_1345 = arith.select %gt3A_1338, %broadcast_in_dim3A_1344, %select_n3A_1332 : vector<16xi1>, vector<16xi32>
      %sub3A_1346 = arith.subf %add3A_250, %add3A_826 : vector<16xf32>
      %mul3A_1347 = arith.constant 5.000000e-01 : f32
      %mul3A_1348 = vector.broadcast %mul3A_1347 : f32 to vector<16xf32>
      %mul3A_1349 = arith.mulf %mul3A_1348, %sub3A_1346 : vector<16xf32>
      %mul3A_1350 = arith.mulf %mul3A_1349, %sub3A_1346 : vector<16xf32>
      %gt3A_1351 = arith.cmpf ogt, %mul3A_1350, %select_n3A_1339 : vector<16xf32>
      %select_n3A_1352 = arith.select %gt3A_1351, %mul3A_1350, %select_n3A_1339 : vector<16xi1>, vector<16xf32>
      %broadcast_in_dim3A_1353 = arith.constant 3 : i32
      %broadcast_in_dim3A_1354 = vector.broadcast %broadcast_in_dim3A_1353 : i32 to vector<16xi32>
      %select_n3A_1355 = arith.select %gt3A_1351, %broadcast_in_dim3A_1354, %select_n3A_1342 : vector<16xi1>, vector<16xi32>
      %broadcast_in_dim3A_1356 = arith.constant 11 : i32
      %broadcast_in_dim3A_1357 = vector.broadcast %broadcast_in_dim3A_1356 : i32 to vector<16xi32>
      %select_n3A_1358 = arith.select %gt3A_1351, %broadcast_in_dim3A_1357, %select_n3A_1345 : vector<16xi1>, vector<16xi32>
      %sub3A_1359 = arith.subf %add3A_322, %add3A_394 : vector<16xf32>
      %mul3A_1360 = arith.constant 5.000000e-01 : f32
      %mul3A_1361 = vector.broadcast %mul3A_1360 : f32 to vector<16xf32>
      %mul3A_1362 = arith.mulf %mul3A_1361, %sub3A_1359 : vector<16xf32>
      %mul3A_1363 = arith.mulf %mul3A_1362, %sub3A_1359 : vector<16xf32>
      %gt3A_1364 = arith.cmpf ogt, %mul3A_1363, %select_n3A_1352 : vector<16xf32>
      %select_n3A_1365 = arith.select %gt3A_1364, %mul3A_1363, %select_n3A_1352 : vector<16xi1>, vector<16xf32>
      %broadcast_in_dim3A_1366 = arith.constant 4 : i32
      %broadcast_in_dim3A_1367 = vector.broadcast %broadcast_in_dim3A_1366 : i32 to vector<16xi32>
      %select_n3A_1368 = arith.select %gt3A_1364, %broadcast_in_dim3A_1367, %select_n3A_1355 : vector<16xi1>, vector<16xi32>
      %broadcast_in_dim3A_1369 = arith.constant 5 : i32
      %broadcast_in_dim3A_1370 = vector.broadcast %broadcast_in_dim3A_1369 : i32 to vector<16xi32>
      %select_n3A_1371 = arith.select %gt3A_1364, %broadcast_in_dim3A_1370, %select_n3A_1358 : vector<16xi1>, vector<16xi32>
      %sub3A_1372 = arith.subf %add3A_322, %add3A_466 : vector<16xf32>
      %mul3A_1373 = arith.constant 5.000000e-01 : f32
      %mul3A_1374 = vector.broadcast %mul3A_1373 : f32 to vector<16xf32>
      %mul3A_1375 = arith.mulf %mul3A_1374, %sub3A_1372 : vector<16xf32>
      %mul3A_1376 = arith.mulf %mul3A_1375, %sub3A_1372 : vector<16xf32>
      %gt3A_1377 = arith.cmpf ogt, %mul3A_1376, %select_n3A_1365 : vector<16xf32>
      %select_n3A_1378 = arith.select %gt3A_1377, %mul3A_1376, %select_n3A_1365 : vector<16xi1>, vector<16xf32>
      %broadcast_in_dim3A_1379 = arith.constant 4 : i32
      %broadcast_in_dim3A_1380 = vector.broadcast %broadcast_in_dim3A_1379 : i32 to vector<16xi32>
      %select_n3A_1381 = arith.select %gt3A_1377, %broadcast_in_dim3A_1380, %select_n3A_1368 : vector<16xi1>, vector<16xi32>
      %broadcast_in_dim3A_1382 = arith.constant 6 : i32
      %broadcast_in_dim3A_1383 = vector.broadcast %broadcast_in_dim3A_1382 : i32 to vector<16xi32>
      %select_n3A_1384 = arith.select %gt3A_1377, %broadcast_in_dim3A_1383, %select_n3A_1371 : vector<16xi1>, vector<16xi32>
      %sub3A_1385 = arith.subf %add3A_322, %add3A_538 : vector<16xf32>
      %mul3A_1386 = arith.constant 5.000000e-01 : f32
      %mul3A_1387 = vector.broadcast %mul3A_1386 : f32 to vector<16xf32>
      %mul3A_1388 = arith.mulf %mul3A_1387, %sub3A_1385 : vector<16xf32>
      %mul3A_1389 = arith.mulf %mul3A_1388, %sub3A_1385 : vector<16xf32>
      %gt3A_1390 = arith.cmpf ogt, %mul3A_1389, %select_n3A_1378 : vector<16xf32>
      %select_n3A_1391 = arith.select %gt3A_1390, %mul3A_1389, %select_n3A_1378 : vector<16xi1>, vector<16xf32>
      %broadcast_in_dim3A_1392 = arith.constant 4 : i32
      %broadcast_in_dim3A_1393 = vector.broadcast %broadcast_in_dim3A_1392 : i32 to vector<16xi32>
      %select_n3A_1394 = arith.select %gt3A_1390, %broadcast_in_dim3A_1393, %select_n3A_1381 : vector<16xi1>, vector<16xi32>
      %broadcast_in_dim3A_1395 = arith.constant 7 : i32
      %broadcast_in_dim3A_1396 = vector.broadcast %broadcast_in_dim3A_1395 : i32 to vector<16xi32>
      %select_n3A_1397 = arith.select %gt3A_1390, %broadcast_in_dim3A_1396, %select_n3A_1384 : vector<16xi1>, vector<16xi32>
      %sub3A_1398 = arith.subf %add3A_322, %add3A_610 : vector<16xf32>
      %mul3A_1399 = arith.constant 5.000000e-01 : f32
      %mul3A_1400 = vector.broadcast %mul3A_1399 : f32 to vector<16xf32>
      %mul3A_1401 = arith.mulf %mul3A_1400, %sub3A_1398 : vector<16xf32>
      %mul3A_1402 = arith.mulf %mul3A_1401, %sub3A_1398 : vector<16xf32>
      %gt3A_1403 = arith.cmpf ogt, %mul3A_1402, %select_n3A_1391 : vector<16xf32>
      %select_n3A_1404 = arith.select %gt3A_1403, %mul3A_1402, %select_n3A_1391 : vector<16xi1>, vector<16xf32>
      %broadcast_in_dim3A_1405 = arith.constant 4 : i32
      %broadcast_in_dim3A_1406 = vector.broadcast %broadcast_in_dim3A_1405 : i32 to vector<16xi32>
      %select_n3A_1407 = arith.select %gt3A_1403, %broadcast_in_dim3A_1406, %select_n3A_1394 : vector<16xi1>, vector<16xi32>
      %broadcast_in_dim3A_1408 = arith.constant 8 : i32
      %broadcast_in_dim3A_1409 = vector.broadcast %broadcast_in_dim3A_1408 : i32 to vector<16xi32>
      %select_n3A_1410 = arith.select %gt3A_1403, %broadcast_in_dim3A_1409, %select_n3A_1397 : vector<16xi1>, vector<16xi32>
      %sub3A_1411 = arith.subf %add3A_322, %add3A_682 : vector<16xf32>
      %mul3A_1412 = arith.constant 5.000000e-01 : f32
      %mul3A_1413 = vector.broadcast %mul3A_1412 : f32 to vector<16xf32>
      %mul3A_1414 = arith.mulf %mul3A_1413, %sub3A_1411 : vector<16xf32>
      %mul3A_1415 = arith.mulf %mul3A_1414, %sub3A_1411 : vector<16xf32>
      %gt3A_1416 = arith.cmpf ogt, %mul3A_1415, %select_n3A_1404 : vector<16xf32>
      %select_n3A_1417 = arith.select %gt3A_1416, %mul3A_1415, %select_n3A_1404 : vector<16xi1>, vector<16xf32>
      %broadcast_in_dim3A_1418 = arith.constant 4 : i32
      %broadcast_in_dim3A_1419 = vector.broadcast %broadcast_in_dim3A_1418 : i32 to vector<16xi32>
      %select_n3A_1420 = arith.select %gt3A_1416, %broadcast_in_dim3A_1419, %select_n3A_1407 : vector<16xi1>, vector<16xi32>
      %broadcast_in_dim3A_1421 = arith.constant 9 : i32
      %broadcast_in_dim3A_1422 = vector.broadcast %broadcast_in_dim3A_1421 : i32 to vector<16xi32>
      %select_n3A_1423 = arith.select %gt3A_1416, %broadcast_in_dim3A_1422, %select_n3A_1410 : vector<16xi1>, vector<16xi32>
      %sub3A_1424 = arith.subf %add3A_322, %add3A_754 : vector<16xf32>
      %mul3A_1425 = arith.constant 5.000000e-01 : f32
      %mul3A_1426 = vector.broadcast %mul3A_1425 : f32 to vector<16xf32>
      %mul3A_1427 = arith.mulf %mul3A_1426, %sub3A_1424 : vector<16xf32>
      %mul3A_1428 = arith.mulf %mul3A_1427, %sub3A_1424 : vector<16xf32>
      %gt3A_1429 = arith.cmpf ogt, %mul3A_1428, %select_n3A_1417 : vector<16xf32>
      %select_n3A_1430 = arith.select %gt3A_1429, %mul3A_1428, %select_n3A_1417 : vector<16xi1>, vector<16xf32>
      %broadcast_in_dim3A_1431 = arith.constant 4 : i32
      %broadcast_in_dim3A_1432 = vector.broadcast %broadcast_in_dim3A_1431 : i32 to vector<16xi32>
      %select_n3A_1433 = arith.select %gt3A_1429, %broadcast_in_dim3A_1432, %select_n3A_1420 : vector<16xi1>, vector<16xi32>
      %broadcast_in_dim3A_1434 = arith.constant 10 : i32
      %broadcast_in_dim3A_1435 = vector.broadcast %broadcast_in_dim3A_1434 : i32 to vector<16xi32>
      %select_n3A_1436 = arith.select %gt3A_1429, %broadcast_in_dim3A_1435, %select_n3A_1423 : vector<16xi1>, vector<16xi32>
      %sub3A_1437 = arith.subf %add3A_322, %add3A_826 : vector<16xf32>
      %mul3A_1438 = arith.constant 5.000000e-01 : f32
      %mul3A_1439 = vector.broadcast %mul3A_1438 : f32 to vector<16xf32>
      %mul3A_1440 = arith.mulf %mul3A_1439, %sub3A_1437 : vector<16xf32>
      %mul3A_1441 = arith.mulf %mul3A_1440, %sub3A_1437 : vector<16xf32>
      %gt3A_1442 = arith.cmpf ogt, %mul3A_1441, %select_n3A_1430 : vector<16xf32>
      %select_n3A_1443 = arith.select %gt3A_1442, %mul3A_1441, %select_n3A_1430 : vector<16xi1>, vector<16xf32>
      %broadcast_in_dim3A_1444 = arith.constant 4 : i32
      %broadcast_in_dim3A_1445 = vector.broadcast %broadcast_in_dim3A_1444 : i32 to vector<16xi32>
      %select_n3A_1446 = arith.select %gt3A_1442, %broadcast_in_dim3A_1445, %select_n3A_1433 : vector<16xi1>, vector<16xi32>
      %broadcast_in_dim3A_1447 = arith.constant 11 : i32
      %broadcast_in_dim3A_1448 = vector.broadcast %broadcast_in_dim3A_1447 : i32 to vector<16xi32>
      %select_n3A_1449 = arith.select %gt3A_1442, %broadcast_in_dim3A_1448, %select_n3A_1436 : vector<16xi1>, vector<16xi32>
      %sub3A_1450 = arith.subf %add3A_394, %add3A_466 : vector<16xf32>
      %mul3A_1451 = arith.constant 5.000000e-01 : f32
      %mul3A_1452 = vector.broadcast %mul3A_1451 : f32 to vector<16xf32>
      %mul3A_1453 = arith.mulf %mul3A_1452, %sub3A_1450 : vector<16xf32>
      %mul3A_1454 = arith.mulf %mul3A_1453, %sub3A_1450 : vector<16xf32>
      %gt3A_1455 = arith.cmpf ogt, %mul3A_1454, %select_n3A_1443 : vector<16xf32>
      %select_n3A_1456 = arith.select %gt3A_1455, %mul3A_1454, %select_n3A_1443 : vector<16xi1>, vector<16xf32>
      %broadcast_in_dim3A_1457 = arith.constant 5 : i32
      %broadcast_in_dim3A_1458 = vector.broadcast %broadcast_in_dim3A_1457 : i32 to vector<16xi32>
      %select_n3A_1459 = arith.select %gt3A_1455, %broadcast_in_dim3A_1458, %select_n3A_1446 : vector<16xi1>, vector<16xi32>
      %broadcast_in_dim3A_1460 = arith.constant 6 : i32
      %broadcast_in_dim3A_1461 = vector.broadcast %broadcast_in_dim3A_1460 : i32 to vector<16xi32>
      %select_n3A_1462 = arith.select %gt3A_1455, %broadcast_in_dim3A_1461, %select_n3A_1449 : vector<16xi1>, vector<16xi32>
      %sub3A_1463 = arith.subf %add3A_394, %add3A_538 : vector<16xf32>
      %mul3A_1464 = arith.constant 5.000000e-01 : f32
      %mul3A_1465 = vector.broadcast %mul3A_1464 : f32 to vector<16xf32>
      %mul3A_1466 = arith.mulf %mul3A_1465, %sub3A_1463 : vector<16xf32>
      %mul3A_1467 = arith.mulf %mul3A_1466, %sub3A_1463 : vector<16xf32>
      %gt3A_1468 = arith.cmpf ogt, %mul3A_1467, %select_n3A_1456 : vector<16xf32>
      %select_n3A_1469 = arith.select %gt3A_1468, %mul3A_1467, %select_n3A_1456 : vector<16xi1>, vector<16xf32>
      %broadcast_in_dim3A_1470 = arith.constant 5 : i32
      %broadcast_in_dim3A_1471 = vector.broadcast %broadcast_in_dim3A_1470 : i32 to vector<16xi32>
      %select_n3A_1472 = arith.select %gt3A_1468, %broadcast_in_dim3A_1471, %select_n3A_1459 : vector<16xi1>, vector<16xi32>
      %broadcast_in_dim3A_1473 = arith.constant 7 : i32
      %broadcast_in_dim3A_1474 = vector.broadcast %broadcast_in_dim3A_1473 : i32 to vector<16xi32>
      %select_n3A_1475 = arith.select %gt3A_1468, %broadcast_in_dim3A_1474, %select_n3A_1462 : vector<16xi1>, vector<16xi32>
      %sub3A_1476 = arith.subf %add3A_394, %add3A_610 : vector<16xf32>
      %mul3A_1477 = arith.constant 5.000000e-01 : f32
      %mul3A_1478 = vector.broadcast %mul3A_1477 : f32 to vector<16xf32>
      %mul3A_1479 = arith.mulf %mul3A_1478, %sub3A_1476 : vector<16xf32>
      %mul3A_1480 = arith.mulf %mul3A_1479, %sub3A_1476 : vector<16xf32>
      %gt3A_1481 = arith.cmpf ogt, %mul3A_1480, %select_n3A_1469 : vector<16xf32>
      %select_n3A_1482 = arith.select %gt3A_1481, %mul3A_1480, %select_n3A_1469 : vector<16xi1>, vector<16xf32>
      %broadcast_in_dim3A_1483 = arith.constant 5 : i32
      %broadcast_in_dim3A_1484 = vector.broadcast %broadcast_in_dim3A_1483 : i32 to vector<16xi32>
      %select_n3A_1485 = arith.select %gt3A_1481, %broadcast_in_dim3A_1484, %select_n3A_1472 : vector<16xi1>, vector<16xi32>
      %broadcast_in_dim3A_1486 = arith.constant 8 : i32
      %broadcast_in_dim3A_1487 = vector.broadcast %broadcast_in_dim3A_1486 : i32 to vector<16xi32>
      %select_n3A_1488 = arith.select %gt3A_1481, %broadcast_in_dim3A_1487, %select_n3A_1475 : vector<16xi1>, vector<16xi32>
      %sub3A_1489 = arith.subf %add3A_394, %add3A_682 : vector<16xf32>
      %mul3A_1490 = arith.constant 5.000000e-01 : f32
      %mul3A_1491 = vector.broadcast %mul3A_1490 : f32 to vector<16xf32>
      %mul3A_1492 = arith.mulf %mul3A_1491, %sub3A_1489 : vector<16xf32>
      %mul3A_1493 = arith.mulf %mul3A_1492, %sub3A_1489 : vector<16xf32>
      %gt3A_1494 = arith.cmpf ogt, %mul3A_1493, %select_n3A_1482 : vector<16xf32>
      %select_n3A_1495 = arith.select %gt3A_1494, %mul3A_1493, %select_n3A_1482 : vector<16xi1>, vector<16xf32>
      %broadcast_in_dim3A_1496 = arith.constant 5 : i32
      %broadcast_in_dim3A_1497 = vector.broadcast %broadcast_in_dim3A_1496 : i32 to vector<16xi32>
      %select_n3A_1498 = arith.select %gt3A_1494, %broadcast_in_dim3A_1497, %select_n3A_1485 : vector<16xi1>, vector<16xi32>
      %broadcast_in_dim3A_1499 = arith.constant 9 : i32
      %broadcast_in_dim3A_1500 = vector.broadcast %broadcast_in_dim3A_1499 : i32 to vector<16xi32>
      %select_n3A_1501 = arith.select %gt3A_1494, %broadcast_in_dim3A_1500, %select_n3A_1488 : vector<16xi1>, vector<16xi32>
      %sub3A_1502 = arith.subf %add3A_394, %add3A_754 : vector<16xf32>
      %mul3A_1503 = arith.constant 5.000000e-01 : f32
      %mul3A_1504 = vector.broadcast %mul3A_1503 : f32 to vector<16xf32>
      %mul3A_1505 = arith.mulf %mul3A_1504, %sub3A_1502 : vector<16xf32>
      %mul3A_1506 = arith.mulf %mul3A_1505, %sub3A_1502 : vector<16xf32>
      %gt3A_1507 = arith.cmpf ogt, %mul3A_1506, %select_n3A_1495 : vector<16xf32>
      %select_n3A_1508 = arith.select %gt3A_1507, %mul3A_1506, %select_n3A_1495 : vector<16xi1>, vector<16xf32>
      %broadcast_in_dim3A_1509 = arith.constant 5 : i32
      %broadcast_in_dim3A_1510 = vector.broadcast %broadcast_in_dim3A_1509 : i32 to vector<16xi32>
      %select_n3A_1511 = arith.select %gt3A_1507, %broadcast_in_dim3A_1510, %select_n3A_1498 : vector<16xi1>, vector<16xi32>
      %broadcast_in_dim3A_1512 = arith.constant 10 : i32
      %broadcast_in_dim3A_1513 = vector.broadcast %broadcast_in_dim3A_1512 : i32 to vector<16xi32>
      %select_n3A_1514 = arith.select %gt3A_1507, %broadcast_in_dim3A_1513, %select_n3A_1501 : vector<16xi1>, vector<16xi32>
      %sub3A_1515 = arith.subf %add3A_394, %add3A_826 : vector<16xf32>
      %mul3A_1516 = arith.constant 5.000000e-01 : f32
      %mul3A_1517 = vector.broadcast %mul3A_1516 : f32 to vector<16xf32>
      %mul3A_1518 = arith.mulf %mul3A_1517, %sub3A_1515 : vector<16xf32>
      %mul3A_1519 = arith.mulf %mul3A_1518, %sub3A_1515 : vector<16xf32>
      %gt3A_1520 = arith.cmpf ogt, %mul3A_1519, %select_n3A_1508 : vector<16xf32>
      %select_n3A_1521 = arith.select %gt3A_1520, %mul3A_1519, %select_n3A_1508 : vector<16xi1>, vector<16xf32>
      %broadcast_in_dim3A_1522 = arith.constant 5 : i32
      %broadcast_in_dim3A_1523 = vector.broadcast %broadcast_in_dim3A_1522 : i32 to vector<16xi32>
      %select_n3A_1524 = arith.select %gt3A_1520, %broadcast_in_dim3A_1523, %select_n3A_1511 : vector<16xi1>, vector<16xi32>
      %broadcast_in_dim3A_1525 = arith.constant 11 : i32
      %broadcast_in_dim3A_1526 = vector.broadcast %broadcast_in_dim3A_1525 : i32 to vector<16xi32>
      %select_n3A_1527 = arith.select %gt3A_1520, %broadcast_in_dim3A_1526, %select_n3A_1514 : vector<16xi1>, vector<16xi32>
      %sub3A_1528 = arith.subf %add3A_466, %add3A_538 : vector<16xf32>
      %mul3A_1529 = arith.constant 5.000000e-01 : f32
      %mul3A_1530 = vector.broadcast %mul3A_1529 : f32 to vector<16xf32>
      %mul3A_1531 = arith.mulf %mul3A_1530, %sub3A_1528 : vector<16xf32>
      %mul3A_1532 = arith.mulf %mul3A_1531, %sub3A_1528 : vector<16xf32>
      %gt3A_1533 = arith.cmpf ogt, %mul3A_1532, %select_n3A_1521 : vector<16xf32>
      %select_n3A_1534 = arith.select %gt3A_1533, %mul3A_1532, %select_n3A_1521 : vector<16xi1>, vector<16xf32>
      %broadcast_in_dim3A_1535 = arith.constant 6 : i32
      %broadcast_in_dim3A_1536 = vector.broadcast %broadcast_in_dim3A_1535 : i32 to vector<16xi32>
      %select_n3A_1537 = arith.select %gt3A_1533, %broadcast_in_dim3A_1536, %select_n3A_1524 : vector<16xi1>, vector<16xi32>
      %broadcast_in_dim3A_1538 = arith.constant 7 : i32
      %broadcast_in_dim3A_1539 = vector.broadcast %broadcast_in_dim3A_1538 : i32 to vector<16xi32>
      %select_n3A_1540 = arith.select %gt3A_1533, %broadcast_in_dim3A_1539, %select_n3A_1527 : vector<16xi1>, vector<16xi32>
      %sub3A_1541 = arith.subf %add3A_466, %add3A_610 : vector<16xf32>
      %mul3A_1542 = arith.constant 5.000000e-01 : f32
      %mul3A_1543 = vector.broadcast %mul3A_1542 : f32 to vector<16xf32>
      %mul3A_1544 = arith.mulf %mul3A_1543, %sub3A_1541 : vector<16xf32>
      %mul3A_1545 = arith.mulf %mul3A_1544, %sub3A_1541 : vector<16xf32>
      %gt3A_1546 = arith.cmpf ogt, %mul3A_1545, %select_n3A_1534 : vector<16xf32>
      %select_n3A_1547 = arith.select %gt3A_1546, %mul3A_1545, %select_n3A_1534 : vector<16xi1>, vector<16xf32>
      %broadcast_in_dim3A_1548 = arith.constant 6 : i32
      %broadcast_in_dim3A_1549 = vector.broadcast %broadcast_in_dim3A_1548 : i32 to vector<16xi32>
      %select_n3A_1550 = arith.select %gt3A_1546, %broadcast_in_dim3A_1549, %select_n3A_1537 : vector<16xi1>, vector<16xi32>
      %broadcast_in_dim3A_1551 = arith.constant 8 : i32
      %broadcast_in_dim3A_1552 = vector.broadcast %broadcast_in_dim3A_1551 : i32 to vector<16xi32>
      %select_n3A_1553 = arith.select %gt3A_1546, %broadcast_in_dim3A_1552, %select_n3A_1540 : vector<16xi1>, vector<16xi32>
      %sub3A_1554 = arith.subf %add3A_466, %add3A_682 : vector<16xf32>
      %mul3A_1555 = arith.constant 5.000000e-01 : f32
      %mul3A_1556 = vector.broadcast %mul3A_1555 : f32 to vector<16xf32>
      %mul3A_1557 = arith.mulf %mul3A_1556, %sub3A_1554 : vector<16xf32>
      %mul3A_1558 = arith.mulf %mul3A_1557, %sub3A_1554 : vector<16xf32>
      %gt3A_1559 = arith.cmpf ogt, %mul3A_1558, %select_n3A_1547 : vector<16xf32>
      %select_n3A_1560 = arith.select %gt3A_1559, %mul3A_1558, %select_n3A_1547 : vector<16xi1>, vector<16xf32>
      %broadcast_in_dim3A_1561 = arith.constant 6 : i32
      %broadcast_in_dim3A_1562 = vector.broadcast %broadcast_in_dim3A_1561 : i32 to vector<16xi32>
      %select_n3A_1563 = arith.select %gt3A_1559, %broadcast_in_dim3A_1562, %select_n3A_1550 : vector<16xi1>, vector<16xi32>
      %broadcast_in_dim3A_1564 = arith.constant 9 : i32
      %broadcast_in_dim3A_1565 = vector.broadcast %broadcast_in_dim3A_1564 : i32 to vector<16xi32>
      %select_n3A_1566 = arith.select %gt3A_1559, %broadcast_in_dim3A_1565, %select_n3A_1553 : vector<16xi1>, vector<16xi32>
      %sub3A_1567 = arith.subf %add3A_466, %add3A_754 : vector<16xf32>
      %mul3A_1568 = arith.constant 5.000000e-01 : f32
      %mul3A_1569 = vector.broadcast %mul3A_1568 : f32 to vector<16xf32>
      %mul3A_1570 = arith.mulf %mul3A_1569, %sub3A_1567 : vector<16xf32>
      %mul3A_1571 = arith.mulf %mul3A_1570, %sub3A_1567 : vector<16xf32>
      %gt3A_1572 = arith.cmpf ogt, %mul3A_1571, %select_n3A_1560 : vector<16xf32>
      %select_n3A_1573 = arith.select %gt3A_1572, %mul3A_1571, %select_n3A_1560 : vector<16xi1>, vector<16xf32>
      %broadcast_in_dim3A_1574 = arith.constant 6 : i32
      %broadcast_in_dim3A_1575 = vector.broadcast %broadcast_in_dim3A_1574 : i32 to vector<16xi32>
      %select_n3A_1576 = arith.select %gt3A_1572, %broadcast_in_dim3A_1575, %select_n3A_1563 : vector<16xi1>, vector<16xi32>
      %broadcast_in_dim3A_1577 = arith.constant 10 : i32
      %broadcast_in_dim3A_1578 = vector.broadcast %broadcast_in_dim3A_1577 : i32 to vector<16xi32>
      %select_n3A_1579 = arith.select %gt3A_1572, %broadcast_in_dim3A_1578, %select_n3A_1566 : vector<16xi1>, vector<16xi32>
      %sub3A_1580 = arith.subf %add3A_466, %add3A_826 : vector<16xf32>
      %mul3A_1581 = arith.constant 5.000000e-01 : f32
      %mul3A_1582 = vector.broadcast %mul3A_1581 : f32 to vector<16xf32>
      %mul3A_1583 = arith.mulf %mul3A_1582, %sub3A_1580 : vector<16xf32>
      %mul3A_1584 = arith.mulf %mul3A_1583, %sub3A_1580 : vector<16xf32>
      %gt3A_1585 = arith.cmpf ogt, %mul3A_1584, %select_n3A_1573 : vector<16xf32>
      %select_n3A_1586 = arith.select %gt3A_1585, %mul3A_1584, %select_n3A_1573 : vector<16xi1>, vector<16xf32>
      %broadcast_in_dim3A_1587 = arith.constant 6 : i32
      %broadcast_in_dim3A_1588 = vector.broadcast %broadcast_in_dim3A_1587 : i32 to vector<16xi32>
      %select_n3A_1589 = arith.select %gt3A_1585, %broadcast_in_dim3A_1588, %select_n3A_1576 : vector<16xi1>, vector<16xi32>
      %broadcast_in_dim3A_1590 = arith.constant 11 : i32
      %broadcast_in_dim3A_1591 = vector.broadcast %broadcast_in_dim3A_1590 : i32 to vector<16xi32>
      %select_n3A_1592 = arith.select %gt3A_1585, %broadcast_in_dim3A_1591, %select_n3A_1579 : vector<16xi1>, vector<16xi32>
      %sub3A_1593 = arith.subf %add3A_538, %add3A_610 : vector<16xf32>
      %mul3A_1594 = arith.constant 5.000000e-01 : f32
      %mul3A_1595 = vector.broadcast %mul3A_1594 : f32 to vector<16xf32>
      %mul3A_1596 = arith.mulf %mul3A_1595, %sub3A_1593 : vector<16xf32>
      %mul3A_1597 = arith.mulf %mul3A_1596, %sub3A_1593 : vector<16xf32>
      %gt3A_1598 = arith.cmpf ogt, %mul3A_1597, %select_n3A_1586 : vector<16xf32>
      %select_n3A_1599 = arith.select %gt3A_1598, %mul3A_1597, %select_n3A_1586 : vector<16xi1>, vector<16xf32>
      %broadcast_in_dim3A_1600 = arith.constant 7 : i32
      %broadcast_in_dim3A_1601 = vector.broadcast %broadcast_in_dim3A_1600 : i32 to vector<16xi32>
      %select_n3A_1602 = arith.select %gt3A_1598, %broadcast_in_dim3A_1601, %select_n3A_1589 : vector<16xi1>, vector<16xi32>
      %broadcast_in_dim3A_1603 = arith.constant 8 : i32
      %broadcast_in_dim3A_1604 = vector.broadcast %broadcast_in_dim3A_1603 : i32 to vector<16xi32>
      %select_n3A_1605 = arith.select %gt3A_1598, %broadcast_in_dim3A_1604, %select_n3A_1592 : vector<16xi1>, vector<16xi32>
      %sub3A_1606 = arith.subf %add3A_538, %add3A_682 : vector<16xf32>
      %mul3A_1607 = arith.constant 5.000000e-01 : f32
      %mul3A_1608 = vector.broadcast %mul3A_1607 : f32 to vector<16xf32>
      %mul3A_1609 = arith.mulf %mul3A_1608, %sub3A_1606 : vector<16xf32>
      %mul3A_1610 = arith.mulf %mul3A_1609, %sub3A_1606 : vector<16xf32>
      %gt3A_1611 = arith.cmpf ogt, %mul3A_1610, %select_n3A_1599 : vector<16xf32>
      %select_n3A_1612 = arith.select %gt3A_1611, %mul3A_1610, %select_n3A_1599 : vector<16xi1>, vector<16xf32>
      %broadcast_in_dim3A_1613 = arith.constant 7 : i32
      %broadcast_in_dim3A_1614 = vector.broadcast %broadcast_in_dim3A_1613 : i32 to vector<16xi32>
      %select_n3A_1615 = arith.select %gt3A_1611, %broadcast_in_dim3A_1614, %select_n3A_1602 : vector<16xi1>, vector<16xi32>
      %broadcast_in_dim3A_1616 = arith.constant 9 : i32
      %broadcast_in_dim3A_1617 = vector.broadcast %broadcast_in_dim3A_1616 : i32 to vector<16xi32>
      %select_n3A_1618 = arith.select %gt3A_1611, %broadcast_in_dim3A_1617, %select_n3A_1605 : vector<16xi1>, vector<16xi32>
      %sub3A_1619 = arith.subf %add3A_538, %add3A_754 : vector<16xf32>
      %mul3A_1620 = arith.constant 5.000000e-01 : f32
      %mul3A_1621 = vector.broadcast %mul3A_1620 : f32 to vector<16xf32>
      %mul3A_1622 = arith.mulf %mul3A_1621, %sub3A_1619 : vector<16xf32>
      %mul3A_1623 = arith.mulf %mul3A_1622, %sub3A_1619 : vector<16xf32>
      %gt3A_1624 = arith.cmpf ogt, %mul3A_1623, %select_n3A_1612 : vector<16xf32>
      %select_n3A_1625 = arith.select %gt3A_1624, %mul3A_1623, %select_n3A_1612 : vector<16xi1>, vector<16xf32>
      %broadcast_in_dim3A_1626 = arith.constant 7 : i32
      %broadcast_in_dim3A_1627 = vector.broadcast %broadcast_in_dim3A_1626 : i32 to vector<16xi32>
      %select_n3A_1628 = arith.select %gt3A_1624, %broadcast_in_dim3A_1627, %select_n3A_1615 : vector<16xi1>, vector<16xi32>
      %broadcast_in_dim3A_1629 = arith.constant 10 : i32
      %broadcast_in_dim3A_1630 = vector.broadcast %broadcast_in_dim3A_1629 : i32 to vector<16xi32>
      %select_n3A_1631 = arith.select %gt3A_1624, %broadcast_in_dim3A_1630, %select_n3A_1618 : vector<16xi1>, vector<16xi32>
      %sub3A_1632 = arith.subf %add3A_538, %add3A_826 : vector<16xf32>
      %mul3A_1633 = arith.constant 5.000000e-01 : f32
      %mul3A_1634 = vector.broadcast %mul3A_1633 : f32 to vector<16xf32>
      %mul3A_1635 = arith.mulf %mul3A_1634, %sub3A_1632 : vector<16xf32>
      %mul3A_1636 = arith.mulf %mul3A_1635, %sub3A_1632 : vector<16xf32>
      %gt3A_1637 = arith.cmpf ogt, %mul3A_1636, %select_n3A_1625 : vector<16xf32>
      %select_n3A_1638 = arith.select %gt3A_1637, %mul3A_1636, %select_n3A_1625 : vector<16xi1>, vector<16xf32>
      %broadcast_in_dim3A_1639 = arith.constant 7 : i32
      %broadcast_in_dim3A_1640 = vector.broadcast %broadcast_in_dim3A_1639 : i32 to vector<16xi32>
      %select_n3A_1641 = arith.select %gt3A_1637, %broadcast_in_dim3A_1640, %select_n3A_1628 : vector<16xi1>, vector<16xi32>
      %broadcast_in_dim3A_1642 = arith.constant 11 : i32
      %broadcast_in_dim3A_1643 = vector.broadcast %broadcast_in_dim3A_1642 : i32 to vector<16xi32>
      %select_n3A_1644 = arith.select %gt3A_1637, %broadcast_in_dim3A_1643, %select_n3A_1631 : vector<16xi1>, vector<16xi32>
      %sub3A_1645 = arith.subf %add3A_610, %add3A_682 : vector<16xf32>
      %mul3A_1646 = arith.constant 5.000000e-01 : f32
      %mul3A_1647 = vector.broadcast %mul3A_1646 : f32 to vector<16xf32>
      %mul3A_1648 = arith.mulf %mul3A_1647, %sub3A_1645 : vector<16xf32>
      %mul3A_1649 = arith.mulf %mul3A_1648, %sub3A_1645 : vector<16xf32>
      %gt3A_1650 = arith.cmpf ogt, %mul3A_1649, %select_n3A_1638 : vector<16xf32>
      %select_n3A_1651 = arith.select %gt3A_1650, %mul3A_1649, %select_n3A_1638 : vector<16xi1>, vector<16xf32>
      %broadcast_in_dim3A_1652 = arith.constant 8 : i32
      %broadcast_in_dim3A_1653 = vector.broadcast %broadcast_in_dim3A_1652 : i32 to vector<16xi32>
      %select_n3A_1654 = arith.select %gt3A_1650, %broadcast_in_dim3A_1653, %select_n3A_1641 : vector<16xi1>, vector<16xi32>
      %broadcast_in_dim3A_1655 = arith.constant 9 : i32
      %broadcast_in_dim3A_1656 = vector.broadcast %broadcast_in_dim3A_1655 : i32 to vector<16xi32>
      %select_n3A_1657 = arith.select %gt3A_1650, %broadcast_in_dim3A_1656, %select_n3A_1644 : vector<16xi1>, vector<16xi32>
      %sub3A_1658 = arith.subf %add3A_610, %add3A_754 : vector<16xf32>
      %mul3A_1659 = arith.constant 5.000000e-01 : f32
      %mul3A_1660 = vector.broadcast %mul3A_1659 : f32 to vector<16xf32>
      %mul3A_1661 = arith.mulf %mul3A_1660, %sub3A_1658 : vector<16xf32>
      %mul3A_1662 = arith.mulf %mul3A_1661, %sub3A_1658 : vector<16xf32>
      %gt3A_1663 = arith.cmpf ogt, %mul3A_1662, %select_n3A_1651 : vector<16xf32>
      %select_n3A_1664 = arith.select %gt3A_1663, %mul3A_1662, %select_n3A_1651 : vector<16xi1>, vector<16xf32>
      %broadcast_in_dim3A_1665 = arith.constant 8 : i32
      %broadcast_in_dim3A_1666 = vector.broadcast %broadcast_in_dim3A_1665 : i32 to vector<16xi32>
      %select_n3A_1667 = arith.select %gt3A_1663, %broadcast_in_dim3A_1666, %select_n3A_1654 : vector<16xi1>, vector<16xi32>
      %broadcast_in_dim3A_1668 = arith.constant 10 : i32
      %broadcast_in_dim3A_1669 = vector.broadcast %broadcast_in_dim3A_1668 : i32 to vector<16xi32>
      %select_n3A_1670 = arith.select %gt3A_1663, %broadcast_in_dim3A_1669, %select_n3A_1657 : vector<16xi1>, vector<16xi32>
      %sub3A_1671 = arith.subf %add3A_610, %add3A_826 : vector<16xf32>
      %mul3A_1672 = arith.constant 5.000000e-01 : f32
      %mul3A_1673 = vector.broadcast %mul3A_1672 : f32 to vector<16xf32>
      %mul3A_1674 = arith.mulf %mul3A_1673, %sub3A_1671 : vector<16xf32>
      %mul3A_1675 = arith.mulf %mul3A_1674, %sub3A_1671 : vector<16xf32>
      %gt3A_1676 = arith.cmpf ogt, %mul3A_1675, %select_n3A_1664 : vector<16xf32>
      %select_n3A_1677 = arith.select %gt3A_1676, %mul3A_1675, %select_n3A_1664 : vector<16xi1>, vector<16xf32>
      %broadcast_in_dim3A_1678 = arith.constant 8 : i32
      %broadcast_in_dim3A_1679 = vector.broadcast %broadcast_in_dim3A_1678 : i32 to vector<16xi32>
      %select_n3A_1680 = arith.select %gt3A_1676, %broadcast_in_dim3A_1679, %select_n3A_1667 : vector<16xi1>, vector<16xi32>
      %broadcast_in_dim3A_1681 = arith.constant 11 : i32
      %broadcast_in_dim3A_1682 = vector.broadcast %broadcast_in_dim3A_1681 : i32 to vector<16xi32>
      %select_n3A_1683 = arith.select %gt3A_1676, %broadcast_in_dim3A_1682, %select_n3A_1670 : vector<16xi1>, vector<16xi32>
      %sub3A_1684 = arith.subf %add3A_682, %add3A_754 : vector<16xf32>
      %mul3A_1685 = arith.constant 5.000000e-01 : f32
      %mul3A_1686 = vector.broadcast %mul3A_1685 : f32 to vector<16xf32>
      %mul3A_1687 = arith.mulf %mul3A_1686, %sub3A_1684 : vector<16xf32>
      %mul3A_1688 = arith.mulf %mul3A_1687, %sub3A_1684 : vector<16xf32>
      %gt3A_1689 = arith.cmpf ogt, %mul3A_1688, %select_n3A_1677 : vector<16xf32>
      %select_n3A_1690 = arith.select %gt3A_1689, %mul3A_1688, %select_n3A_1677 : vector<16xi1>, vector<16xf32>
      %broadcast_in_dim3A_1691 = arith.constant 9 : i32
      %broadcast_in_dim3A_1692 = vector.broadcast %broadcast_in_dim3A_1691 : i32 to vector<16xi32>
      %select_n3A_1693 = arith.select %gt3A_1689, %broadcast_in_dim3A_1692, %select_n3A_1680 : vector<16xi1>, vector<16xi32>
      %broadcast_in_dim3A_1694 = arith.constant 10 : i32
      %broadcast_in_dim3A_1695 = vector.broadcast %broadcast_in_dim3A_1694 : i32 to vector<16xi32>
      %select_n3A_1696 = arith.select %gt3A_1689, %broadcast_in_dim3A_1695, %select_n3A_1683 : vector<16xi1>, vector<16xi32>
      %sub3A_1697 = arith.subf %add3A_682, %add3A_826 : vector<16xf32>
      %mul3A_1698 = arith.constant 5.000000e-01 : f32
      %mul3A_1699 = vector.broadcast %mul3A_1698 : f32 to vector<16xf32>
      %mul3A_1700 = arith.mulf %mul3A_1699, %sub3A_1697 : vector<16xf32>
      %mul3A_1701 = arith.mulf %mul3A_1700, %sub3A_1697 : vector<16xf32>
      %gt3A_1702 = arith.cmpf ogt, %mul3A_1701, %select_n3A_1690 : vector<16xf32>
      %select_n3A_1703 = arith.select %gt3A_1702, %mul3A_1701, %select_n3A_1690 : vector<16xi1>, vector<16xf32>
      %broadcast_in_dim3A_1704 = arith.constant 9 : i32
      %broadcast_in_dim3A_1705 = vector.broadcast %broadcast_in_dim3A_1704 : i32 to vector<16xi32>
      %select_n3A_1706 = arith.select %gt3A_1702, %broadcast_in_dim3A_1705, %select_n3A_1693 : vector<16xi1>, vector<16xi32>
      %broadcast_in_dim3A_1707 = arith.constant 11 : i32
      %broadcast_in_dim3A_1708 = vector.broadcast %broadcast_in_dim3A_1707 : i32 to vector<16xi32>
      %select_n3A_1709 = arith.select %gt3A_1702, %broadcast_in_dim3A_1708, %select_n3A_1696 : vector<16xi1>, vector<16xi32>
      %sub3A_1710 = arith.subf %add3A_754, %add3A_826 : vector<16xf32>
      %mul3A_1711 = arith.constant 5.000000e-01 : f32
      %mul3A_1712 = vector.broadcast %mul3A_1711 : f32 to vector<16xf32>
      %mul3A_1713 = arith.mulf %mul3A_1712, %sub3A_1710 : vector<16xf32>
      %mul3A_1714 = arith.mulf %mul3A_1713, %sub3A_1710 : vector<16xf32>
      %gt3A_1715 = arith.cmpf ogt, %mul3A_1714, %select_n3A_1703 : vector<16xf32>
      %select_n3A_1716 = arith.select %gt3A_1715, %mul3A_1714, %select_n3A_1703 : vector<16xi1>, vector<16xf32>
      %broadcast_in_dim3A_1717 = arith.constant 10 : i32
      %broadcast_in_dim3A_1718 = vector.broadcast %broadcast_in_dim3A_1717 : i32 to vector<16xi32>
      %select_n3A_1719 = arith.select %gt3A_1715, %broadcast_in_dim3A_1718, %select_n3A_1706 : vector<16xi1>, vector<16xi32>
      %broadcast_in_dim3A_1720 = arith.constant 11 : i32
      %broadcast_in_dim3A_1721 = vector.broadcast %broadcast_in_dim3A_1720 : i32 to vector<16xi32>
      %select_n3A_1722 = arith.select %gt3A_1715, %broadcast_in_dim3A_1721, %select_n3A_1709 : vector<16xi1>, vector<16xi32>
      %broadcast_in_dim3A_1723 = arith.constant 0.000000e+00 : f32
      %broadcast_in_dim3A_1724 = vector.broadcast %broadcast_in_dim3A_1723 : f32 to vector<16xf32>
      %broadcast_in_dim3A_1725 = arith.constant 0 : i32
      %broadcast_in_dim3A_1726 = vector.broadcast %broadcast_in_dim3A_1725 : i32 to vector<16xi32>
      %broadcast_in_dim3A_1727 = arith.constant 0 : i32
      %broadcast_in_dim3A_1728 = vector.broadcast %broadcast_in_dim3A_1727 : i32 to vector<16xi32>
      %sub3A_1729 = arith.subf %add3A_70, %add3A_142 : vector<16xf32>
      %mul3A_1730 = arith.constant 5.000000e-01 : f32
      %mul3A_1731 = vector.broadcast %mul3A_1730 : f32 to vector<16xf32>
      %mul3A_1732 = arith.mulf %mul3A_1731, %sub3A_1729 : vector<16xf32>
      %mul3A_1733 = arith.mulf %mul3A_1732, %sub3A_1729 : vector<16xf32>
      %gt3A_1734 = arith.cmpf ogt, %mul3A_1733, %broadcast_in_dim3A_1724 : vector<16xf32>
      %select_n3A_1735 = arith.select %gt3A_1734, %mul3A_1733, %broadcast_in_dim3A_1724 : vector<16xi1>, vector<16xf32>
      %broadcast_in_dim3A_1736 = arith.constant 0 : i32
      %broadcast_in_dim3A_1737 = vector.broadcast %broadcast_in_dim3A_1736 : i32 to vector<16xi32>
      %select_n3A_1738 = arith.select %gt3A_1734, %broadcast_in_dim3A_1737, %broadcast_in_dim3A_1726 : vector<16xi1>, vector<16xi32>
      %broadcast_in_dim3A_1739 = arith.constant 1 : i32
      %broadcast_in_dim3A_1740 = vector.broadcast %broadcast_in_dim3A_1739 : i32 to vector<16xi32>
      %select_n3A_1741 = arith.select %gt3A_1734, %broadcast_in_dim3A_1740, %broadcast_in_dim3A_1728 : vector<16xi1>, vector<16xi32>
      %sub3A_1742 = arith.subf %add3A_70, %add3A_214 : vector<16xf32>
      %mul3A_1743 = arith.constant 5.000000e-01 : f32
      %mul3A_1744 = vector.broadcast %mul3A_1743 : f32 to vector<16xf32>
      %mul3A_1745 = arith.mulf %mul3A_1744, %sub3A_1742 : vector<16xf32>
      %mul3A_1746 = arith.mulf %mul3A_1745, %sub3A_1742 : vector<16xf32>
      %gt3A_1747 = arith.cmpf ogt, %mul3A_1746, %select_n3A_1735 : vector<16xf32>
      %select_n3A_1748 = arith.select %gt3A_1747, %mul3A_1746, %select_n3A_1735 : vector<16xi1>, vector<16xf32>
      %broadcast_in_dim3A_1749 = arith.constant 0 : i32
      %broadcast_in_dim3A_1750 = vector.broadcast %broadcast_in_dim3A_1749 : i32 to vector<16xi32>
      %select_n3A_1751 = arith.select %gt3A_1747, %broadcast_in_dim3A_1750, %select_n3A_1738 : vector<16xi1>, vector<16xi32>
      %broadcast_in_dim3A_1752 = arith.constant 2 : i32
      %broadcast_in_dim3A_1753 = vector.broadcast %broadcast_in_dim3A_1752 : i32 to vector<16xi32>
      %select_n3A_1754 = arith.select %gt3A_1747, %broadcast_in_dim3A_1753, %select_n3A_1741 : vector<16xi1>, vector<16xi32>
      %sub3A_1755 = arith.subf %add3A_70, %add3A_286 : vector<16xf32>
      %mul3A_1756 = arith.constant 5.000000e-01 : f32
      %mul3A_1757 = vector.broadcast %mul3A_1756 : f32 to vector<16xf32>
      %mul3A_1758 = arith.mulf %mul3A_1757, %sub3A_1755 : vector<16xf32>
      %mul3A_1759 = arith.mulf %mul3A_1758, %sub3A_1755 : vector<16xf32>
      %gt3A_1760 = arith.cmpf ogt, %mul3A_1759, %select_n3A_1748 : vector<16xf32>
      %select_n3A_1761 = arith.select %gt3A_1760, %mul3A_1759, %select_n3A_1748 : vector<16xi1>, vector<16xf32>
      %broadcast_in_dim3A_1762 = arith.constant 0 : i32
      %broadcast_in_dim3A_1763 = vector.broadcast %broadcast_in_dim3A_1762 : i32 to vector<16xi32>
      %select_n3A_1764 = arith.select %gt3A_1760, %broadcast_in_dim3A_1763, %select_n3A_1751 : vector<16xi1>, vector<16xi32>
      %broadcast_in_dim3A_1765 = arith.constant 3 : i32
      %broadcast_in_dim3A_1766 = vector.broadcast %broadcast_in_dim3A_1765 : i32 to vector<16xi32>
      %select_n3A_1767 = arith.select %gt3A_1760, %broadcast_in_dim3A_1766, %select_n3A_1754 : vector<16xi1>, vector<16xi32>
      %sub3A_1768 = arith.subf %add3A_70, %add3A_358 : vector<16xf32>
      %mul3A_1769 = arith.constant 5.000000e-01 : f32
      %mul3A_1770 = vector.broadcast %mul3A_1769 : f32 to vector<16xf32>
      %mul3A_1771 = arith.mulf %mul3A_1770, %sub3A_1768 : vector<16xf32>
      %mul3A_1772 = arith.mulf %mul3A_1771, %sub3A_1768 : vector<16xf32>
      %gt3A_1773 = arith.cmpf ogt, %mul3A_1772, %select_n3A_1761 : vector<16xf32>
      %select_n3A_1774 = arith.select %gt3A_1773, %mul3A_1772, %select_n3A_1761 : vector<16xi1>, vector<16xf32>
      %broadcast_in_dim3A_1775 = arith.constant 0 : i32
      %broadcast_in_dim3A_1776 = vector.broadcast %broadcast_in_dim3A_1775 : i32 to vector<16xi32>
      %select_n3A_1777 = arith.select %gt3A_1773, %broadcast_in_dim3A_1776, %select_n3A_1764 : vector<16xi1>, vector<16xi32>
      %broadcast_in_dim3A_1778 = arith.constant 4 : i32
      %broadcast_in_dim3A_1779 = vector.broadcast %broadcast_in_dim3A_1778 : i32 to vector<16xi32>
      %select_n3A_1780 = arith.select %gt3A_1773, %broadcast_in_dim3A_1779, %select_n3A_1767 : vector<16xi1>, vector<16xi32>
      %sub3A_1781 = arith.subf %add3A_70, %add3A_430 : vector<16xf32>
      %mul3A_1782 = arith.constant 5.000000e-01 : f32
      %mul3A_1783 = vector.broadcast %mul3A_1782 : f32 to vector<16xf32>
      %mul3A_1784 = arith.mulf %mul3A_1783, %sub3A_1781 : vector<16xf32>
      %mul3A_1785 = arith.mulf %mul3A_1784, %sub3A_1781 : vector<16xf32>
      %gt3A_1786 = arith.cmpf ogt, %mul3A_1785, %select_n3A_1774 : vector<16xf32>
      %select_n3A_1787 = arith.select %gt3A_1786, %mul3A_1785, %select_n3A_1774 : vector<16xi1>, vector<16xf32>
      %broadcast_in_dim3A_1788 = arith.constant 0 : i32
      %broadcast_in_dim3A_1789 = vector.broadcast %broadcast_in_dim3A_1788 : i32 to vector<16xi32>
      %select_n3A_1790 = arith.select %gt3A_1786, %broadcast_in_dim3A_1789, %select_n3A_1777 : vector<16xi1>, vector<16xi32>
      %broadcast_in_dim3A_1791 = arith.constant 5 : i32
      %broadcast_in_dim3A_1792 = vector.broadcast %broadcast_in_dim3A_1791 : i32 to vector<16xi32>
      %select_n3A_1793 = arith.select %gt3A_1786, %broadcast_in_dim3A_1792, %select_n3A_1780 : vector<16xi1>, vector<16xi32>
      %sub3A_1794 = arith.subf %add3A_70, %add3A_502 : vector<16xf32>
      %mul3A_1795 = arith.constant 5.000000e-01 : f32
      %mul3A_1796 = vector.broadcast %mul3A_1795 : f32 to vector<16xf32>
      %mul3A_1797 = arith.mulf %mul3A_1796, %sub3A_1794 : vector<16xf32>
      %mul3A_1798 = arith.mulf %mul3A_1797, %sub3A_1794 : vector<16xf32>
      %gt3A_1799 = arith.cmpf ogt, %mul3A_1798, %select_n3A_1787 : vector<16xf32>
      %select_n3A_1800 = arith.select %gt3A_1799, %mul3A_1798, %select_n3A_1787 : vector<16xi1>, vector<16xf32>
      %broadcast_in_dim3A_1801 = arith.constant 0 : i32
      %broadcast_in_dim3A_1802 = vector.broadcast %broadcast_in_dim3A_1801 : i32 to vector<16xi32>
      %select_n3A_1803 = arith.select %gt3A_1799, %broadcast_in_dim3A_1802, %select_n3A_1790 : vector<16xi1>, vector<16xi32>
      %broadcast_in_dim3A_1804 = arith.constant 6 : i32
      %broadcast_in_dim3A_1805 = vector.broadcast %broadcast_in_dim3A_1804 : i32 to vector<16xi32>
      %select_n3A_1806 = arith.select %gt3A_1799, %broadcast_in_dim3A_1805, %select_n3A_1793 : vector<16xi1>, vector<16xi32>
      %sub3A_1807 = arith.subf %add3A_70, %add3A_574 : vector<16xf32>
      %mul3A_1808 = arith.constant 5.000000e-01 : f32
      %mul3A_1809 = vector.broadcast %mul3A_1808 : f32 to vector<16xf32>
      %mul3A_1810 = arith.mulf %mul3A_1809, %sub3A_1807 : vector<16xf32>
      %mul3A_1811 = arith.mulf %mul3A_1810, %sub3A_1807 : vector<16xf32>
      %gt3A_1812 = arith.cmpf ogt, %mul3A_1811, %select_n3A_1800 : vector<16xf32>
      %select_n3A_1813 = arith.select %gt3A_1812, %mul3A_1811, %select_n3A_1800 : vector<16xi1>, vector<16xf32>
      %broadcast_in_dim3A_1814 = arith.constant 0 : i32
      %broadcast_in_dim3A_1815 = vector.broadcast %broadcast_in_dim3A_1814 : i32 to vector<16xi32>
      %select_n3A_1816 = arith.select %gt3A_1812, %broadcast_in_dim3A_1815, %select_n3A_1803 : vector<16xi1>, vector<16xi32>
      %broadcast_in_dim3A_1817 = arith.constant 7 : i32
      %broadcast_in_dim3A_1818 = vector.broadcast %broadcast_in_dim3A_1817 : i32 to vector<16xi32>
      %select_n3A_1819 = arith.select %gt3A_1812, %broadcast_in_dim3A_1818, %select_n3A_1806 : vector<16xi1>, vector<16xi32>
      %sub3A_1820 = arith.subf %add3A_70, %add3A_646 : vector<16xf32>
      %mul3A_1821 = arith.constant 5.000000e-01 : f32
      %mul3A_1822 = vector.broadcast %mul3A_1821 : f32 to vector<16xf32>
      %mul3A_1823 = arith.mulf %mul3A_1822, %sub3A_1820 : vector<16xf32>
      %mul3A_1824 = arith.mulf %mul3A_1823, %sub3A_1820 : vector<16xf32>
      %gt3A_1825 = arith.cmpf ogt, %mul3A_1824, %select_n3A_1813 : vector<16xf32>
      %select_n3A_1826 = arith.select %gt3A_1825, %mul3A_1824, %select_n3A_1813 : vector<16xi1>, vector<16xf32>
      %broadcast_in_dim3A_1827 = arith.constant 0 : i32
      %broadcast_in_dim3A_1828 = vector.broadcast %broadcast_in_dim3A_1827 : i32 to vector<16xi32>
      %select_n3A_1829 = arith.select %gt3A_1825, %broadcast_in_dim3A_1828, %select_n3A_1816 : vector<16xi1>, vector<16xi32>
      %broadcast_in_dim3A_1830 = arith.constant 8 : i32
      %broadcast_in_dim3A_1831 = vector.broadcast %broadcast_in_dim3A_1830 : i32 to vector<16xi32>
      %select_n3A_1832 = arith.select %gt3A_1825, %broadcast_in_dim3A_1831, %select_n3A_1819 : vector<16xi1>, vector<16xi32>
      %sub3A_1833 = arith.subf %add3A_70, %add3A_718 : vector<16xf32>
      %mul3A_1834 = arith.constant 5.000000e-01 : f32
      %mul3A_1835 = vector.broadcast %mul3A_1834 : f32 to vector<16xf32>
      %mul3A_1836 = arith.mulf %mul3A_1835, %sub3A_1833 : vector<16xf32>
      %mul3A_1837 = arith.mulf %mul3A_1836, %sub3A_1833 : vector<16xf32>
      %gt3A_1838 = arith.cmpf ogt, %mul3A_1837, %select_n3A_1826 : vector<16xf32>
      %select_n3A_1839 = arith.select %gt3A_1838, %mul3A_1837, %select_n3A_1826 : vector<16xi1>, vector<16xf32>
      %broadcast_in_dim3A_1840 = arith.constant 0 : i32
      %broadcast_in_dim3A_1841 = vector.broadcast %broadcast_in_dim3A_1840 : i32 to vector<16xi32>
      %select_n3A_1842 = arith.select %gt3A_1838, %broadcast_in_dim3A_1841, %select_n3A_1829 : vector<16xi1>, vector<16xi32>
      %broadcast_in_dim3A_1843 = arith.constant 9 : i32
      %broadcast_in_dim3A_1844 = vector.broadcast %broadcast_in_dim3A_1843 : i32 to vector<16xi32>
      %select_n3A_1845 = arith.select %gt3A_1838, %broadcast_in_dim3A_1844, %select_n3A_1832 : vector<16xi1>, vector<16xi32>
      %sub3A_1846 = arith.subf %add3A_70, %add3A_790 : vector<16xf32>
      %mul3A_1847 = arith.constant 5.000000e-01 : f32
      %mul3A_1848 = vector.broadcast %mul3A_1847 : f32 to vector<16xf32>
      %mul3A_1849 = arith.mulf %mul3A_1848, %sub3A_1846 : vector<16xf32>
      %mul3A_1850 = arith.mulf %mul3A_1849, %sub3A_1846 : vector<16xf32>
      %gt3A_1851 = arith.cmpf ogt, %mul3A_1850, %select_n3A_1839 : vector<16xf32>
      %select_n3A_1852 = arith.select %gt3A_1851, %mul3A_1850, %select_n3A_1839 : vector<16xi1>, vector<16xf32>
      %broadcast_in_dim3A_1853 = arith.constant 0 : i32
      %broadcast_in_dim3A_1854 = vector.broadcast %broadcast_in_dim3A_1853 : i32 to vector<16xi32>
      %select_n3A_1855 = arith.select %gt3A_1851, %broadcast_in_dim3A_1854, %select_n3A_1842 : vector<16xi1>, vector<16xi32>
      %broadcast_in_dim3A_1856 = arith.constant 10 : i32
      %broadcast_in_dim3A_1857 = vector.broadcast %broadcast_in_dim3A_1856 : i32 to vector<16xi32>
      %select_n3A_1858 = arith.select %gt3A_1851, %broadcast_in_dim3A_1857, %select_n3A_1845 : vector<16xi1>, vector<16xi32>
      %sub3A_1859 = arith.subf %add3A_70, %add3A_862 : vector<16xf32>
      %mul3A_1860 = arith.constant 5.000000e-01 : f32
      %mul3A_1861 = vector.broadcast %mul3A_1860 : f32 to vector<16xf32>
      %mul3A_1862 = arith.mulf %mul3A_1861, %sub3A_1859 : vector<16xf32>
      %mul3A_1863 = arith.mulf %mul3A_1862, %sub3A_1859 : vector<16xf32>
      %gt3A_1864 = arith.cmpf ogt, %mul3A_1863, %select_n3A_1852 : vector<16xf32>
      %select_n3A_1865 = arith.select %gt3A_1864, %mul3A_1863, %select_n3A_1852 : vector<16xi1>, vector<16xf32>
      %broadcast_in_dim3A_1866 = arith.constant 0 : i32
      %broadcast_in_dim3A_1867 = vector.broadcast %broadcast_in_dim3A_1866 : i32 to vector<16xi32>
      %select_n3A_1868 = arith.select %gt3A_1864, %broadcast_in_dim3A_1867, %select_n3A_1855 : vector<16xi1>, vector<16xi32>
      %broadcast_in_dim3A_1869 = arith.constant 11 : i32
      %broadcast_in_dim3A_1870 = vector.broadcast %broadcast_in_dim3A_1869 : i32 to vector<16xi32>
      %select_n3A_1871 = arith.select %gt3A_1864, %broadcast_in_dim3A_1870, %select_n3A_1858 : vector<16xi1>, vector<16xi32>
      %sub3A_1872 = arith.subf %add3A_142, %add3A_214 : vector<16xf32>
      %mul3A_1873 = arith.constant 5.000000e-01 : f32
      %mul3A_1874 = vector.broadcast %mul3A_1873 : f32 to vector<16xf32>
      %mul3A_1875 = arith.mulf %mul3A_1874, %sub3A_1872 : vector<16xf32>
      %mul3A_1876 = arith.mulf %mul3A_1875, %sub3A_1872 : vector<16xf32>
      %gt3A_1877 = arith.cmpf ogt, %mul3A_1876, %select_n3A_1865 : vector<16xf32>
      %select_n3A_1878 = arith.select %gt3A_1877, %mul3A_1876, %select_n3A_1865 : vector<16xi1>, vector<16xf32>
      %broadcast_in_dim3A_1879 = arith.constant 1 : i32
      %broadcast_in_dim3A_1880 = vector.broadcast %broadcast_in_dim3A_1879 : i32 to vector<16xi32>
      %select_n3A_1881 = arith.select %gt3A_1877, %broadcast_in_dim3A_1880, %select_n3A_1868 : vector<16xi1>, vector<16xi32>
      %broadcast_in_dim3A_1882 = arith.constant 2 : i32
      %broadcast_in_dim3A_1883 = vector.broadcast %broadcast_in_dim3A_1882 : i32 to vector<16xi32>
      %select_n3A_1884 = arith.select %gt3A_1877, %broadcast_in_dim3A_1883, %select_n3A_1871 : vector<16xi1>, vector<16xi32>
      %sub3A_1885 = arith.subf %add3A_142, %add3A_286 : vector<16xf32>
      %mul3A_1886 = arith.constant 5.000000e-01 : f32
      %mul3A_1887 = vector.broadcast %mul3A_1886 : f32 to vector<16xf32>
      %mul3A_1888 = arith.mulf %mul3A_1887, %sub3A_1885 : vector<16xf32>
      %mul3A_1889 = arith.mulf %mul3A_1888, %sub3A_1885 : vector<16xf32>
      %gt3A_1890 = arith.cmpf ogt, %mul3A_1889, %select_n3A_1878 : vector<16xf32>
      %select_n3A_1891 = arith.select %gt3A_1890, %mul3A_1889, %select_n3A_1878 : vector<16xi1>, vector<16xf32>
      %broadcast_in_dim3A_1892 = arith.constant 1 : i32
      %broadcast_in_dim3A_1893 = vector.broadcast %broadcast_in_dim3A_1892 : i32 to vector<16xi32>
      %select_n3A_1894 = arith.select %gt3A_1890, %broadcast_in_dim3A_1893, %select_n3A_1881 : vector<16xi1>, vector<16xi32>
      %broadcast_in_dim3A_1895 = arith.constant 3 : i32
      %broadcast_in_dim3A_1896 = vector.broadcast %broadcast_in_dim3A_1895 : i32 to vector<16xi32>
      %select_n3A_1897 = arith.select %gt3A_1890, %broadcast_in_dim3A_1896, %select_n3A_1884 : vector<16xi1>, vector<16xi32>
      %sub3A_1898 = arith.subf %add3A_142, %add3A_358 : vector<16xf32>
      %mul3A_1899 = arith.constant 5.000000e-01 : f32
      %mul3A_1900 = vector.broadcast %mul3A_1899 : f32 to vector<16xf32>
      %mul3A_1901 = arith.mulf %mul3A_1900, %sub3A_1898 : vector<16xf32>
      %mul3A_1902 = arith.mulf %mul3A_1901, %sub3A_1898 : vector<16xf32>
      %gt3A_1903 = arith.cmpf ogt, %mul3A_1902, %select_n3A_1891 : vector<16xf32>
      %select_n3A_1904 = arith.select %gt3A_1903, %mul3A_1902, %select_n3A_1891 : vector<16xi1>, vector<16xf32>
      %broadcast_in_dim3A_1905 = arith.constant 1 : i32
      %broadcast_in_dim3A_1906 = vector.broadcast %broadcast_in_dim3A_1905 : i32 to vector<16xi32>
      %select_n3A_1907 = arith.select %gt3A_1903, %broadcast_in_dim3A_1906, %select_n3A_1894 : vector<16xi1>, vector<16xi32>
      %broadcast_in_dim3A_1908 = arith.constant 4 : i32
      %broadcast_in_dim3A_1909 = vector.broadcast %broadcast_in_dim3A_1908 : i32 to vector<16xi32>
      %select_n3A_1910 = arith.select %gt3A_1903, %broadcast_in_dim3A_1909, %select_n3A_1897 : vector<16xi1>, vector<16xi32>
      %sub3A_1911 = arith.subf %add3A_142, %add3A_430 : vector<16xf32>
      %mul3A_1912 = arith.constant 5.000000e-01 : f32
      %mul3A_1913 = vector.broadcast %mul3A_1912 : f32 to vector<16xf32>
      %mul3A_1914 = arith.mulf %mul3A_1913, %sub3A_1911 : vector<16xf32>
      %mul3A_1915 = arith.mulf %mul3A_1914, %sub3A_1911 : vector<16xf32>
      %gt3A_1916 = arith.cmpf ogt, %mul3A_1915, %select_n3A_1904 : vector<16xf32>
      %select_n3A_1917 = arith.select %gt3A_1916, %mul3A_1915, %select_n3A_1904 : vector<16xi1>, vector<16xf32>
      %broadcast_in_dim3A_1918 = arith.constant 1 : i32
      %broadcast_in_dim3A_1919 = vector.broadcast %broadcast_in_dim3A_1918 : i32 to vector<16xi32>
      %select_n3A_1920 = arith.select %gt3A_1916, %broadcast_in_dim3A_1919, %select_n3A_1907 : vector<16xi1>, vector<16xi32>
      %broadcast_in_dim3A_1921 = arith.constant 5 : i32
      %broadcast_in_dim3A_1922 = vector.broadcast %broadcast_in_dim3A_1921 : i32 to vector<16xi32>
      %select_n3A_1923 = arith.select %gt3A_1916, %broadcast_in_dim3A_1922, %select_n3A_1910 : vector<16xi1>, vector<16xi32>
      %sub3A_1924 = arith.subf %add3A_142, %add3A_502 : vector<16xf32>
      %mul3A_1925 = arith.constant 5.000000e-01 : f32
      %mul3A_1926 = vector.broadcast %mul3A_1925 : f32 to vector<16xf32>
      %mul3A_1927 = arith.mulf %mul3A_1926, %sub3A_1924 : vector<16xf32>
      %mul3A_1928 = arith.mulf %mul3A_1927, %sub3A_1924 : vector<16xf32>
      %gt3A_1929 = arith.cmpf ogt, %mul3A_1928, %select_n3A_1917 : vector<16xf32>
      %select_n3A_1930 = arith.select %gt3A_1929, %mul3A_1928, %select_n3A_1917 : vector<16xi1>, vector<16xf32>
      %broadcast_in_dim3A_1931 = arith.constant 1 : i32
      %broadcast_in_dim3A_1932 = vector.broadcast %broadcast_in_dim3A_1931 : i32 to vector<16xi32>
      %select_n3A_1933 = arith.select %gt3A_1929, %broadcast_in_dim3A_1932, %select_n3A_1920 : vector<16xi1>, vector<16xi32>
      %broadcast_in_dim3A_1934 = arith.constant 6 : i32
      %broadcast_in_dim3A_1935 = vector.broadcast %broadcast_in_dim3A_1934 : i32 to vector<16xi32>
      %select_n3A_1936 = arith.select %gt3A_1929, %broadcast_in_dim3A_1935, %select_n3A_1923 : vector<16xi1>, vector<16xi32>
      %sub3A_1937 = arith.subf %add3A_142, %add3A_574 : vector<16xf32>
      %mul3A_1938 = arith.constant 5.000000e-01 : f32
      %mul3A_1939 = vector.broadcast %mul3A_1938 : f32 to vector<16xf32>
      %mul3A_1940 = arith.mulf %mul3A_1939, %sub3A_1937 : vector<16xf32>
      %mul3A_1941 = arith.mulf %mul3A_1940, %sub3A_1937 : vector<16xf32>
      %gt3A_1942 = arith.cmpf ogt, %mul3A_1941, %select_n3A_1930 : vector<16xf32>
      %select_n3A_1943 = arith.select %gt3A_1942, %mul3A_1941, %select_n3A_1930 : vector<16xi1>, vector<16xf32>
      %broadcast_in_dim3A_1944 = arith.constant 1 : i32
      %broadcast_in_dim3A_1945 = vector.broadcast %broadcast_in_dim3A_1944 : i32 to vector<16xi32>
      %select_n3A_1946 = arith.select %gt3A_1942, %broadcast_in_dim3A_1945, %select_n3A_1933 : vector<16xi1>, vector<16xi32>
      %broadcast_in_dim3A_1947 = arith.constant 7 : i32
      %broadcast_in_dim3A_1948 = vector.broadcast %broadcast_in_dim3A_1947 : i32 to vector<16xi32>
      %select_n3A_1949 = arith.select %gt3A_1942, %broadcast_in_dim3A_1948, %select_n3A_1936 : vector<16xi1>, vector<16xi32>
      %sub3A_1950 = arith.subf %add3A_142, %add3A_646 : vector<16xf32>
      %mul3A_1951 = arith.constant 5.000000e-01 : f32
      %mul3A_1952 = vector.broadcast %mul3A_1951 : f32 to vector<16xf32>
      %mul3A_1953 = arith.mulf %mul3A_1952, %sub3A_1950 : vector<16xf32>
      %mul3A_1954 = arith.mulf %mul3A_1953, %sub3A_1950 : vector<16xf32>
      %gt3A_1955 = arith.cmpf ogt, %mul3A_1954, %select_n3A_1943 : vector<16xf32>
      %select_n3A_1956 = arith.select %gt3A_1955, %mul3A_1954, %select_n3A_1943 : vector<16xi1>, vector<16xf32>
      %broadcast_in_dim3A_1957 = arith.constant 1 : i32
      %broadcast_in_dim3A_1958 = vector.broadcast %broadcast_in_dim3A_1957 : i32 to vector<16xi32>
      %select_n3A_1959 = arith.select %gt3A_1955, %broadcast_in_dim3A_1958, %select_n3A_1946 : vector<16xi1>, vector<16xi32>
      %broadcast_in_dim3A_1960 = arith.constant 8 : i32
      %broadcast_in_dim3A_1961 = vector.broadcast %broadcast_in_dim3A_1960 : i32 to vector<16xi32>
      %select_n3A_1962 = arith.select %gt3A_1955, %broadcast_in_dim3A_1961, %select_n3A_1949 : vector<16xi1>, vector<16xi32>
      %sub3A_1963 = arith.subf %add3A_142, %add3A_718 : vector<16xf32>
      %mul3A_1964 = arith.constant 5.000000e-01 : f32
      %mul3A_1965 = vector.broadcast %mul3A_1964 : f32 to vector<16xf32>
      %mul3A_1966 = arith.mulf %mul3A_1965, %sub3A_1963 : vector<16xf32>
      %mul3A_1967 = arith.mulf %mul3A_1966, %sub3A_1963 : vector<16xf32>
      %gt3A_1968 = arith.cmpf ogt, %mul3A_1967, %select_n3A_1956 : vector<16xf32>
      %select_n3A_1969 = arith.select %gt3A_1968, %mul3A_1967, %select_n3A_1956 : vector<16xi1>, vector<16xf32>
      %broadcast_in_dim3A_1970 = arith.constant 1 : i32
      %broadcast_in_dim3A_1971 = vector.broadcast %broadcast_in_dim3A_1970 : i32 to vector<16xi32>
      %select_n3A_1972 = arith.select %gt3A_1968, %broadcast_in_dim3A_1971, %select_n3A_1959 : vector<16xi1>, vector<16xi32>
      %broadcast_in_dim3A_1973 = arith.constant 9 : i32
      %broadcast_in_dim3A_1974 = vector.broadcast %broadcast_in_dim3A_1973 : i32 to vector<16xi32>
      %select_n3A_1975 = arith.select %gt3A_1968, %broadcast_in_dim3A_1974, %select_n3A_1962 : vector<16xi1>, vector<16xi32>
      %sub3A_1976 = arith.subf %add3A_142, %add3A_790 : vector<16xf32>
      %mul3A_1977 = arith.constant 5.000000e-01 : f32
      %mul3A_1978 = vector.broadcast %mul3A_1977 : f32 to vector<16xf32>
      %mul3A_1979 = arith.mulf %mul3A_1978, %sub3A_1976 : vector<16xf32>
      %mul3A_1980 = arith.mulf %mul3A_1979, %sub3A_1976 : vector<16xf32>
      %gt3A_1981 = arith.cmpf ogt, %mul3A_1980, %select_n3A_1969 : vector<16xf32>
      %select_n3A_1982 = arith.select %gt3A_1981, %mul3A_1980, %select_n3A_1969 : vector<16xi1>, vector<16xf32>
      %broadcast_in_dim3A_1983 = arith.constant 1 : i32
      %broadcast_in_dim3A_1984 = vector.broadcast %broadcast_in_dim3A_1983 : i32 to vector<16xi32>
      %select_n3A_1985 = arith.select %gt3A_1981, %broadcast_in_dim3A_1984, %select_n3A_1972 : vector<16xi1>, vector<16xi32>
      %broadcast_in_dim3A_1986 = arith.constant 10 : i32
      %broadcast_in_dim3A_1987 = vector.broadcast %broadcast_in_dim3A_1986 : i32 to vector<16xi32>
      %select_n3A_1988 = arith.select %gt3A_1981, %broadcast_in_dim3A_1987, %select_n3A_1975 : vector<16xi1>, vector<16xi32>
      %sub3A_1989 = arith.subf %add3A_142, %add3A_862 : vector<16xf32>
      %mul3A_1990 = arith.constant 5.000000e-01 : f32
      %mul3A_1991 = vector.broadcast %mul3A_1990 : f32 to vector<16xf32>
      %mul3A_1992 = arith.mulf %mul3A_1991, %sub3A_1989 : vector<16xf32>
      %mul3A_1993 = arith.mulf %mul3A_1992, %sub3A_1989 : vector<16xf32>
      %gt3A_1994 = arith.cmpf ogt, %mul3A_1993, %select_n3A_1982 : vector<16xf32>
      %select_n3A_1995 = arith.select %gt3A_1994, %mul3A_1993, %select_n3A_1982 : vector<16xi1>, vector<16xf32>
      %broadcast_in_dim3A_1996 = arith.constant 1 : i32
      %broadcast_in_dim3A_1997 = vector.broadcast %broadcast_in_dim3A_1996 : i32 to vector<16xi32>
      %select_n3A_1998 = arith.select %gt3A_1994, %broadcast_in_dim3A_1997, %select_n3A_1985 : vector<16xi1>, vector<16xi32>
      %broadcast_in_dim3A_1999 = arith.constant 11 : i32
      %broadcast_in_dim3A_2000 = vector.broadcast %broadcast_in_dim3A_1999 : i32 to vector<16xi32>
      %select_n3A_2001 = arith.select %gt3A_1994, %broadcast_in_dim3A_2000, %select_n3A_1988 : vector<16xi1>, vector<16xi32>
      %sub3A_2002 = arith.subf %add3A_214, %add3A_286 : vector<16xf32>
      %mul3A_2003 = arith.constant 5.000000e-01 : f32
      %mul3A_2004 = vector.broadcast %mul3A_2003 : f32 to vector<16xf32>
      %mul3A_2005 = arith.mulf %mul3A_2004, %sub3A_2002 : vector<16xf32>
      %mul3A_2006 = arith.mulf %mul3A_2005, %sub3A_2002 : vector<16xf32>
      %gt3A_2007 = arith.cmpf ogt, %mul3A_2006, %select_n3A_1995 : vector<16xf32>
      %select_n3A_2008 = arith.select %gt3A_2007, %mul3A_2006, %select_n3A_1995 : vector<16xi1>, vector<16xf32>
      %broadcast_in_dim3A_2009 = arith.constant 2 : i32
      %broadcast_in_dim3A_2010 = vector.broadcast %broadcast_in_dim3A_2009 : i32 to vector<16xi32>
      %select_n3A_2011 = arith.select %gt3A_2007, %broadcast_in_dim3A_2010, %select_n3A_1998 : vector<16xi1>, vector<16xi32>
      %broadcast_in_dim3A_2012 = arith.constant 3 : i32
      %broadcast_in_dim3A_2013 = vector.broadcast %broadcast_in_dim3A_2012 : i32 to vector<16xi32>
      %select_n3A_2014 = arith.select %gt3A_2007, %broadcast_in_dim3A_2013, %select_n3A_2001 : vector<16xi1>, vector<16xi32>
      %sub3A_2015 = arith.subf %add3A_214, %add3A_358 : vector<16xf32>
      %mul3A_2016 = arith.constant 5.000000e-01 : f32
      %mul3A_2017 = vector.broadcast %mul3A_2016 : f32 to vector<16xf32>
      %mul3A_2018 = arith.mulf %mul3A_2017, %sub3A_2015 : vector<16xf32>
      %mul3A_2019 = arith.mulf %mul3A_2018, %sub3A_2015 : vector<16xf32>
      %gt3A_2020 = arith.cmpf ogt, %mul3A_2019, %select_n3A_2008 : vector<16xf32>
      %select_n3A_2021 = arith.select %gt3A_2020, %mul3A_2019, %select_n3A_2008 : vector<16xi1>, vector<16xf32>
      %broadcast_in_dim3A_2022 = arith.constant 2 : i32
      %broadcast_in_dim3A_2023 = vector.broadcast %broadcast_in_dim3A_2022 : i32 to vector<16xi32>
      %select_n3A_2024 = arith.select %gt3A_2020, %broadcast_in_dim3A_2023, %select_n3A_2011 : vector<16xi1>, vector<16xi32>
      %broadcast_in_dim3A_2025 = arith.constant 4 : i32
      %broadcast_in_dim3A_2026 = vector.broadcast %broadcast_in_dim3A_2025 : i32 to vector<16xi32>
      %select_n3A_2027 = arith.select %gt3A_2020, %broadcast_in_dim3A_2026, %select_n3A_2014 : vector<16xi1>, vector<16xi32>
      %sub3A_2028 = arith.subf %add3A_214, %add3A_430 : vector<16xf32>
      %mul3A_2029 = arith.constant 5.000000e-01 : f32
      %mul3A_2030 = vector.broadcast %mul3A_2029 : f32 to vector<16xf32>
      %mul3A_2031 = arith.mulf %mul3A_2030, %sub3A_2028 : vector<16xf32>
      %mul3A_2032 = arith.mulf %mul3A_2031, %sub3A_2028 : vector<16xf32>
      %gt3A_2033 = arith.cmpf ogt, %mul3A_2032, %select_n3A_2021 : vector<16xf32>
      %select_n3A_2034 = arith.select %gt3A_2033, %mul3A_2032, %select_n3A_2021 : vector<16xi1>, vector<16xf32>
      %broadcast_in_dim3A_2035 = arith.constant 2 : i32
      %broadcast_in_dim3A_2036 = vector.broadcast %broadcast_in_dim3A_2035 : i32 to vector<16xi32>
      %select_n3A_2037 = arith.select %gt3A_2033, %broadcast_in_dim3A_2036, %select_n3A_2024 : vector<16xi1>, vector<16xi32>
      %broadcast_in_dim3A_2038 = arith.constant 5 : i32
      %broadcast_in_dim3A_2039 = vector.broadcast %broadcast_in_dim3A_2038 : i32 to vector<16xi32>
      %select_n3A_2040 = arith.select %gt3A_2033, %broadcast_in_dim3A_2039, %select_n3A_2027 : vector<16xi1>, vector<16xi32>
      %sub3A_2041 = arith.subf %add3A_214, %add3A_502 : vector<16xf32>
      %mul3A_2042 = arith.constant 5.000000e-01 : f32
      %mul3A_2043 = vector.broadcast %mul3A_2042 : f32 to vector<16xf32>
      %mul3A_2044 = arith.mulf %mul3A_2043, %sub3A_2041 : vector<16xf32>
      %mul3A_2045 = arith.mulf %mul3A_2044, %sub3A_2041 : vector<16xf32>
      %gt3A_2046 = arith.cmpf ogt, %mul3A_2045, %select_n3A_2034 : vector<16xf32>
      %select_n3A_2047 = arith.select %gt3A_2046, %mul3A_2045, %select_n3A_2034 : vector<16xi1>, vector<16xf32>
      %broadcast_in_dim3A_2048 = arith.constant 2 : i32
      %broadcast_in_dim3A_2049 = vector.broadcast %broadcast_in_dim3A_2048 : i32 to vector<16xi32>
      %select_n3A_2050 = arith.select %gt3A_2046, %broadcast_in_dim3A_2049, %select_n3A_2037 : vector<16xi1>, vector<16xi32>
      %broadcast_in_dim3A_2051 = arith.constant 6 : i32
      %broadcast_in_dim3A_2052 = vector.broadcast %broadcast_in_dim3A_2051 : i32 to vector<16xi32>
      %select_n3A_2053 = arith.select %gt3A_2046, %broadcast_in_dim3A_2052, %select_n3A_2040 : vector<16xi1>, vector<16xi32>
      %sub3A_2054 = arith.subf %add3A_214, %add3A_574 : vector<16xf32>
      %mul3A_2055 = arith.constant 5.000000e-01 : f32
      %mul3A_2056 = vector.broadcast %mul3A_2055 : f32 to vector<16xf32>
      %mul3A_2057 = arith.mulf %mul3A_2056, %sub3A_2054 : vector<16xf32>
      %mul3A_2058 = arith.mulf %mul3A_2057, %sub3A_2054 : vector<16xf32>
      %gt3A_2059 = arith.cmpf ogt, %mul3A_2058, %select_n3A_2047 : vector<16xf32>
      %select_n3A_2060 = arith.select %gt3A_2059, %mul3A_2058, %select_n3A_2047 : vector<16xi1>, vector<16xf32>
      %broadcast_in_dim3A_2061 = arith.constant 2 : i32
      %broadcast_in_dim3A_2062 = vector.broadcast %broadcast_in_dim3A_2061 : i32 to vector<16xi32>
      %select_n3A_2063 = arith.select %gt3A_2059, %broadcast_in_dim3A_2062, %select_n3A_2050 : vector<16xi1>, vector<16xi32>
      %broadcast_in_dim3A_2064 = arith.constant 7 : i32
      %broadcast_in_dim3A_2065 = vector.broadcast %broadcast_in_dim3A_2064 : i32 to vector<16xi32>
      %select_n3A_2066 = arith.select %gt3A_2059, %broadcast_in_dim3A_2065, %select_n3A_2053 : vector<16xi1>, vector<16xi32>
      %sub3A_2067 = arith.subf %add3A_214, %add3A_646 : vector<16xf32>
      %mul3A_2068 = arith.constant 5.000000e-01 : f32
      %mul3A_2069 = vector.broadcast %mul3A_2068 : f32 to vector<16xf32>
      %mul3A_2070 = arith.mulf %mul3A_2069, %sub3A_2067 : vector<16xf32>
      %mul3A_2071 = arith.mulf %mul3A_2070, %sub3A_2067 : vector<16xf32>
      %gt3A_2072 = arith.cmpf ogt, %mul3A_2071, %select_n3A_2060 : vector<16xf32>
      %select_n3A_2073 = arith.select %gt3A_2072, %mul3A_2071, %select_n3A_2060 : vector<16xi1>, vector<16xf32>
      %broadcast_in_dim3A_2074 = arith.constant 2 : i32
      %broadcast_in_dim3A_2075 = vector.broadcast %broadcast_in_dim3A_2074 : i32 to vector<16xi32>
      %select_n3A_2076 = arith.select %gt3A_2072, %broadcast_in_dim3A_2075, %select_n3A_2063 : vector<16xi1>, vector<16xi32>
      %broadcast_in_dim3A_2077 = arith.constant 8 : i32
      %broadcast_in_dim3A_2078 = vector.broadcast %broadcast_in_dim3A_2077 : i32 to vector<16xi32>
      %select_n3A_2079 = arith.select %gt3A_2072, %broadcast_in_dim3A_2078, %select_n3A_2066 : vector<16xi1>, vector<16xi32>
      %sub3A_2080 = arith.subf %add3A_214, %add3A_718 : vector<16xf32>
      %mul3A_2081 = arith.constant 5.000000e-01 : f32
      %mul3A_2082 = vector.broadcast %mul3A_2081 : f32 to vector<16xf32>
      %mul3A_2083 = arith.mulf %mul3A_2082, %sub3A_2080 : vector<16xf32>
      %mul3A_2084 = arith.mulf %mul3A_2083, %sub3A_2080 : vector<16xf32>
      %gt3A_2085 = arith.cmpf ogt, %mul3A_2084, %select_n3A_2073 : vector<16xf32>
      %select_n3A_2086 = arith.select %gt3A_2085, %mul3A_2084, %select_n3A_2073 : vector<16xi1>, vector<16xf32>
      %broadcast_in_dim3A_2087 = arith.constant 2 : i32
      %broadcast_in_dim3A_2088 = vector.broadcast %broadcast_in_dim3A_2087 : i32 to vector<16xi32>
      %select_n3A_2089 = arith.select %gt3A_2085, %broadcast_in_dim3A_2088, %select_n3A_2076 : vector<16xi1>, vector<16xi32>
      %broadcast_in_dim3A_2090 = arith.constant 9 : i32
      %broadcast_in_dim3A_2091 = vector.broadcast %broadcast_in_dim3A_2090 : i32 to vector<16xi32>
      %select_n3A_2092 = arith.select %gt3A_2085, %broadcast_in_dim3A_2091, %select_n3A_2079 : vector<16xi1>, vector<16xi32>
      %sub3A_2093 = arith.subf %add3A_214, %add3A_790 : vector<16xf32>
      %mul3A_2094 = arith.constant 5.000000e-01 : f32
      %mul3A_2095 = vector.broadcast %mul3A_2094 : f32 to vector<16xf32>
      %mul3A_2096 = arith.mulf %mul3A_2095, %sub3A_2093 : vector<16xf32>
      %mul3A_2097 = arith.mulf %mul3A_2096, %sub3A_2093 : vector<16xf32>
      %gt3A_2098 = arith.cmpf ogt, %mul3A_2097, %select_n3A_2086 : vector<16xf32>
      %select_n3A_2099 = arith.select %gt3A_2098, %mul3A_2097, %select_n3A_2086 : vector<16xi1>, vector<16xf32>
      %broadcast_in_dim3A_2100 = arith.constant 2 : i32
      %broadcast_in_dim3A_2101 = vector.broadcast %broadcast_in_dim3A_2100 : i32 to vector<16xi32>
      %select_n3A_2102 = arith.select %gt3A_2098, %broadcast_in_dim3A_2101, %select_n3A_2089 : vector<16xi1>, vector<16xi32>
      %broadcast_in_dim3A_2103 = arith.constant 10 : i32
      %broadcast_in_dim3A_2104 = vector.broadcast %broadcast_in_dim3A_2103 : i32 to vector<16xi32>
      %select_n3A_2105 = arith.select %gt3A_2098, %broadcast_in_dim3A_2104, %select_n3A_2092 : vector<16xi1>, vector<16xi32>
      %sub3A_2106 = arith.subf %add3A_214, %add3A_862 : vector<16xf32>
      %mul3A_2107 = arith.constant 5.000000e-01 : f32
      %mul3A_2108 = vector.broadcast %mul3A_2107 : f32 to vector<16xf32>
      %mul3A_2109 = arith.mulf %mul3A_2108, %sub3A_2106 : vector<16xf32>
      %mul3A_2110 = arith.mulf %mul3A_2109, %sub3A_2106 : vector<16xf32>
      %gt3A_2111 = arith.cmpf ogt, %mul3A_2110, %select_n3A_2099 : vector<16xf32>
      %select_n3A_2112 = arith.select %gt3A_2111, %mul3A_2110, %select_n3A_2099 : vector<16xi1>, vector<16xf32>
      %broadcast_in_dim3A_2113 = arith.constant 2 : i32
      %broadcast_in_dim3A_2114 = vector.broadcast %broadcast_in_dim3A_2113 : i32 to vector<16xi32>
      %select_n3A_2115 = arith.select %gt3A_2111, %broadcast_in_dim3A_2114, %select_n3A_2102 : vector<16xi1>, vector<16xi32>
      %broadcast_in_dim3A_2116 = arith.constant 11 : i32
      %broadcast_in_dim3A_2117 = vector.broadcast %broadcast_in_dim3A_2116 : i32 to vector<16xi32>
      %select_n3A_2118 = arith.select %gt3A_2111, %broadcast_in_dim3A_2117, %select_n3A_2105 : vector<16xi1>, vector<16xi32>
      %sub3A_2119 = arith.subf %add3A_286, %add3A_358 : vector<16xf32>
      %mul3A_2120 = arith.constant 5.000000e-01 : f32
      %mul3A_2121 = vector.broadcast %mul3A_2120 : f32 to vector<16xf32>
      %mul3A_2122 = arith.mulf %mul3A_2121, %sub3A_2119 : vector<16xf32>
      %mul3A_2123 = arith.mulf %mul3A_2122, %sub3A_2119 : vector<16xf32>
      %gt3A_2124 = arith.cmpf ogt, %mul3A_2123, %select_n3A_2112 : vector<16xf32>
      %select_n3A_2125 = arith.select %gt3A_2124, %mul3A_2123, %select_n3A_2112 : vector<16xi1>, vector<16xf32>
      %broadcast_in_dim3A_2126 = arith.constant 3 : i32
      %broadcast_in_dim3A_2127 = vector.broadcast %broadcast_in_dim3A_2126 : i32 to vector<16xi32>
      %select_n3A_2128 = arith.select %gt3A_2124, %broadcast_in_dim3A_2127, %select_n3A_2115 : vector<16xi1>, vector<16xi32>
      %broadcast_in_dim3A_2129 = arith.constant 4 : i32
      %broadcast_in_dim3A_2130 = vector.broadcast %broadcast_in_dim3A_2129 : i32 to vector<16xi32>
      %select_n3A_2131 = arith.select %gt3A_2124, %broadcast_in_dim3A_2130, %select_n3A_2118 : vector<16xi1>, vector<16xi32>
      %sub3A_2132 = arith.subf %add3A_286, %add3A_430 : vector<16xf32>
      %mul3A_2133 = arith.constant 5.000000e-01 : f32
      %mul3A_2134 = vector.broadcast %mul3A_2133 : f32 to vector<16xf32>
      %mul3A_2135 = arith.mulf %mul3A_2134, %sub3A_2132 : vector<16xf32>
      %mul3A_2136 = arith.mulf %mul3A_2135, %sub3A_2132 : vector<16xf32>
      %gt3A_2137 = arith.cmpf ogt, %mul3A_2136, %select_n3A_2125 : vector<16xf32>
      %select_n3A_2138 = arith.select %gt3A_2137, %mul3A_2136, %select_n3A_2125 : vector<16xi1>, vector<16xf32>
      %broadcast_in_dim3A_2139 = arith.constant 3 : i32
      %broadcast_in_dim3A_2140 = vector.broadcast %broadcast_in_dim3A_2139 : i32 to vector<16xi32>
      %select_n3A_2141 = arith.select %gt3A_2137, %broadcast_in_dim3A_2140, %select_n3A_2128 : vector<16xi1>, vector<16xi32>
      %broadcast_in_dim3A_2142 = arith.constant 5 : i32
      %broadcast_in_dim3A_2143 = vector.broadcast %broadcast_in_dim3A_2142 : i32 to vector<16xi32>
      %select_n3A_2144 = arith.select %gt3A_2137, %broadcast_in_dim3A_2143, %select_n3A_2131 : vector<16xi1>, vector<16xi32>
      %sub3A_2145 = arith.subf %add3A_286, %add3A_502 : vector<16xf32>
      %mul3A_2146 = arith.constant 5.000000e-01 : f32
      %mul3A_2147 = vector.broadcast %mul3A_2146 : f32 to vector<16xf32>
      %mul3A_2148 = arith.mulf %mul3A_2147, %sub3A_2145 : vector<16xf32>
      %mul3A_2149 = arith.mulf %mul3A_2148, %sub3A_2145 : vector<16xf32>
      %gt3A_2150 = arith.cmpf ogt, %mul3A_2149, %select_n3A_2138 : vector<16xf32>
      %select_n3A_2151 = arith.select %gt3A_2150, %mul3A_2149, %select_n3A_2138 : vector<16xi1>, vector<16xf32>
      %broadcast_in_dim3A_2152 = arith.constant 3 : i32
      %broadcast_in_dim3A_2153 = vector.broadcast %broadcast_in_dim3A_2152 : i32 to vector<16xi32>
      %select_n3A_2154 = arith.select %gt3A_2150, %broadcast_in_dim3A_2153, %select_n3A_2141 : vector<16xi1>, vector<16xi32>
      %broadcast_in_dim3A_2155 = arith.constant 6 : i32
      %broadcast_in_dim3A_2156 = vector.broadcast %broadcast_in_dim3A_2155 : i32 to vector<16xi32>
      %select_n3A_2157 = arith.select %gt3A_2150, %broadcast_in_dim3A_2156, %select_n3A_2144 : vector<16xi1>, vector<16xi32>
      %sub3A_2158 = arith.subf %add3A_286, %add3A_574 : vector<16xf32>
      %mul3A_2159 = arith.constant 5.000000e-01 : f32
      %mul3A_2160 = vector.broadcast %mul3A_2159 : f32 to vector<16xf32>
      %mul3A_2161 = arith.mulf %mul3A_2160, %sub3A_2158 : vector<16xf32>
      %mul3A_2162 = arith.mulf %mul3A_2161, %sub3A_2158 : vector<16xf32>
      %gt3A_2163 = arith.cmpf ogt, %mul3A_2162, %select_n3A_2151 : vector<16xf32>
      %select_n3A_2164 = arith.select %gt3A_2163, %mul3A_2162, %select_n3A_2151 : vector<16xi1>, vector<16xf32>
      %broadcast_in_dim3A_2165 = arith.constant 3 : i32
      %broadcast_in_dim3A_2166 = vector.broadcast %broadcast_in_dim3A_2165 : i32 to vector<16xi32>
      %select_n3A_2167 = arith.select %gt3A_2163, %broadcast_in_dim3A_2166, %select_n3A_2154 : vector<16xi1>, vector<16xi32>
      %broadcast_in_dim3A_2168 = arith.constant 7 : i32
      %broadcast_in_dim3A_2169 = vector.broadcast %broadcast_in_dim3A_2168 : i32 to vector<16xi32>
      %select_n3A_2170 = arith.select %gt3A_2163, %broadcast_in_dim3A_2169, %select_n3A_2157 : vector<16xi1>, vector<16xi32>
      %sub3A_2171 = arith.subf %add3A_286, %add3A_646 : vector<16xf32>
      %mul3A_2172 = arith.constant 5.000000e-01 : f32
      %mul3A_2173 = vector.broadcast %mul3A_2172 : f32 to vector<16xf32>
      %mul3A_2174 = arith.mulf %mul3A_2173, %sub3A_2171 : vector<16xf32>
      %mul3A_2175 = arith.mulf %mul3A_2174, %sub3A_2171 : vector<16xf32>
      %gt3A_2176 = arith.cmpf ogt, %mul3A_2175, %select_n3A_2164 : vector<16xf32>
      %select_n3A_2177 = arith.select %gt3A_2176, %mul3A_2175, %select_n3A_2164 : vector<16xi1>, vector<16xf32>
      %broadcast_in_dim3A_2178 = arith.constant 3 : i32
      %broadcast_in_dim3A_2179 = vector.broadcast %broadcast_in_dim3A_2178 : i32 to vector<16xi32>
      %select_n3A_2180 = arith.select %gt3A_2176, %broadcast_in_dim3A_2179, %select_n3A_2167 : vector<16xi1>, vector<16xi32>
      %broadcast_in_dim3A_2181 = arith.constant 8 : i32
      %broadcast_in_dim3A_2182 = vector.broadcast %broadcast_in_dim3A_2181 : i32 to vector<16xi32>
      %select_n3A_2183 = arith.select %gt3A_2176, %broadcast_in_dim3A_2182, %select_n3A_2170 : vector<16xi1>, vector<16xi32>
      %sub3A_2184 = arith.subf %add3A_286, %add3A_718 : vector<16xf32>
      %mul3A_2185 = arith.constant 5.000000e-01 : f32
      %mul3A_2186 = vector.broadcast %mul3A_2185 : f32 to vector<16xf32>
      %mul3A_2187 = arith.mulf %mul3A_2186, %sub3A_2184 : vector<16xf32>
      %mul3A_2188 = arith.mulf %mul3A_2187, %sub3A_2184 : vector<16xf32>
      %gt3A_2189 = arith.cmpf ogt, %mul3A_2188, %select_n3A_2177 : vector<16xf32>
      %select_n3A_2190 = arith.select %gt3A_2189, %mul3A_2188, %select_n3A_2177 : vector<16xi1>, vector<16xf32>
      %broadcast_in_dim3A_2191 = arith.constant 3 : i32
      %broadcast_in_dim3A_2192 = vector.broadcast %broadcast_in_dim3A_2191 : i32 to vector<16xi32>
      %select_n3A_2193 = arith.select %gt3A_2189, %broadcast_in_dim3A_2192, %select_n3A_2180 : vector<16xi1>, vector<16xi32>
      %broadcast_in_dim3A_2194 = arith.constant 9 : i32
      %broadcast_in_dim3A_2195 = vector.broadcast %broadcast_in_dim3A_2194 : i32 to vector<16xi32>
      %select_n3A_2196 = arith.select %gt3A_2189, %broadcast_in_dim3A_2195, %select_n3A_2183 : vector<16xi1>, vector<16xi32>
      %sub3A_2197 = arith.subf %add3A_286, %add3A_790 : vector<16xf32>
      %mul3A_2198 = arith.constant 5.000000e-01 : f32
      %mul3A_2199 = vector.broadcast %mul3A_2198 : f32 to vector<16xf32>
      %mul3A_2200 = arith.mulf %mul3A_2199, %sub3A_2197 : vector<16xf32>
      %mul3A_2201 = arith.mulf %mul3A_2200, %sub3A_2197 : vector<16xf32>
      %gt3A_2202 = arith.cmpf ogt, %mul3A_2201, %select_n3A_2190 : vector<16xf32>
      %select_n3A_2203 = arith.select %gt3A_2202, %mul3A_2201, %select_n3A_2190 : vector<16xi1>, vector<16xf32>
      %broadcast_in_dim3A_2204 = arith.constant 3 : i32
      %broadcast_in_dim3A_2205 = vector.broadcast %broadcast_in_dim3A_2204 : i32 to vector<16xi32>
      %select_n3A_2206 = arith.select %gt3A_2202, %broadcast_in_dim3A_2205, %select_n3A_2193 : vector<16xi1>, vector<16xi32>
      %broadcast_in_dim3A_2207 = arith.constant 10 : i32
      %broadcast_in_dim3A_2208 = vector.broadcast %broadcast_in_dim3A_2207 : i32 to vector<16xi32>
      %select_n3A_2209 = arith.select %gt3A_2202, %broadcast_in_dim3A_2208, %select_n3A_2196 : vector<16xi1>, vector<16xi32>
      %sub3A_2210 = arith.subf %add3A_286, %add3A_862 : vector<16xf32>
      %mul3A_2211 = arith.constant 5.000000e-01 : f32
      %mul3A_2212 = vector.broadcast %mul3A_2211 : f32 to vector<16xf32>
      %mul3A_2213 = arith.mulf %mul3A_2212, %sub3A_2210 : vector<16xf32>
      %mul3A_2214 = arith.mulf %mul3A_2213, %sub3A_2210 : vector<16xf32>
      %gt3A_2215 = arith.cmpf ogt, %mul3A_2214, %select_n3A_2203 : vector<16xf32>
      %select_n3A_2216 = arith.select %gt3A_2215, %mul3A_2214, %select_n3A_2203 : vector<16xi1>, vector<16xf32>
      %broadcast_in_dim3A_2217 = arith.constant 3 : i32
      %broadcast_in_dim3A_2218 = vector.broadcast %broadcast_in_dim3A_2217 : i32 to vector<16xi32>
      %select_n3A_2219 = arith.select %gt3A_2215, %broadcast_in_dim3A_2218, %select_n3A_2206 : vector<16xi1>, vector<16xi32>
      %broadcast_in_dim3A_2220 = arith.constant 11 : i32
      %broadcast_in_dim3A_2221 = vector.broadcast %broadcast_in_dim3A_2220 : i32 to vector<16xi32>
      %select_n3A_2222 = arith.select %gt3A_2215, %broadcast_in_dim3A_2221, %select_n3A_2209 : vector<16xi1>, vector<16xi32>
      %sub3A_2223 = arith.subf %add3A_358, %add3A_430 : vector<16xf32>
      %mul3A_2224 = arith.constant 5.000000e-01 : f32
      %mul3A_2225 = vector.broadcast %mul3A_2224 : f32 to vector<16xf32>
      %mul3A_2226 = arith.mulf %mul3A_2225, %sub3A_2223 : vector<16xf32>
      %mul3A_2227 = arith.mulf %mul3A_2226, %sub3A_2223 : vector<16xf32>
      %gt3A_2228 = arith.cmpf ogt, %mul3A_2227, %select_n3A_2216 : vector<16xf32>
      %select_n3A_2229 = arith.select %gt3A_2228, %mul3A_2227, %select_n3A_2216 : vector<16xi1>, vector<16xf32>
      %broadcast_in_dim3A_2230 = arith.constant 4 : i32
      %broadcast_in_dim3A_2231 = vector.broadcast %broadcast_in_dim3A_2230 : i32 to vector<16xi32>
      %select_n3A_2232 = arith.select %gt3A_2228, %broadcast_in_dim3A_2231, %select_n3A_2219 : vector<16xi1>, vector<16xi32>
      %broadcast_in_dim3A_2233 = arith.constant 5 : i32
      %broadcast_in_dim3A_2234 = vector.broadcast %broadcast_in_dim3A_2233 : i32 to vector<16xi32>
      %select_n3A_2235 = arith.select %gt3A_2228, %broadcast_in_dim3A_2234, %select_n3A_2222 : vector<16xi1>, vector<16xi32>
      %sub3A_2236 = arith.subf %add3A_358, %add3A_502 : vector<16xf32>
      %mul3A_2237 = arith.constant 5.000000e-01 : f32
      %mul3A_2238 = vector.broadcast %mul3A_2237 : f32 to vector<16xf32>
      %mul3A_2239 = arith.mulf %mul3A_2238, %sub3A_2236 : vector<16xf32>
      %mul3A_2240 = arith.mulf %mul3A_2239, %sub3A_2236 : vector<16xf32>
      %gt3A_2241 = arith.cmpf ogt, %mul3A_2240, %select_n3A_2229 : vector<16xf32>
      %select_n3A_2242 = arith.select %gt3A_2241, %mul3A_2240, %select_n3A_2229 : vector<16xi1>, vector<16xf32>
      %broadcast_in_dim3A_2243 = arith.constant 4 : i32
      %broadcast_in_dim3A_2244 = vector.broadcast %broadcast_in_dim3A_2243 : i32 to vector<16xi32>
      %select_n3A_2245 = arith.select %gt3A_2241, %broadcast_in_dim3A_2244, %select_n3A_2232 : vector<16xi1>, vector<16xi32>
      %broadcast_in_dim3A_2246 = arith.constant 6 : i32
      %broadcast_in_dim3A_2247 = vector.broadcast %broadcast_in_dim3A_2246 : i32 to vector<16xi32>
      %select_n3A_2248 = arith.select %gt3A_2241, %broadcast_in_dim3A_2247, %select_n3A_2235 : vector<16xi1>, vector<16xi32>
      %sub3A_2249 = arith.subf %add3A_358, %add3A_574 : vector<16xf32>
      %mul3A_2250 = arith.constant 5.000000e-01 : f32
      %mul3A_2251 = vector.broadcast %mul3A_2250 : f32 to vector<16xf32>
      %mul3A_2252 = arith.mulf %mul3A_2251, %sub3A_2249 : vector<16xf32>
      %mul3A_2253 = arith.mulf %mul3A_2252, %sub3A_2249 : vector<16xf32>
      %gt3A_2254 = arith.cmpf ogt, %mul3A_2253, %select_n3A_2242 : vector<16xf32>
      %select_n3A_2255 = arith.select %gt3A_2254, %mul3A_2253, %select_n3A_2242 : vector<16xi1>, vector<16xf32>
      %broadcast_in_dim3A_2256 = arith.constant 4 : i32
      %broadcast_in_dim3A_2257 = vector.broadcast %broadcast_in_dim3A_2256 : i32 to vector<16xi32>
      %select_n3A_2258 = arith.select %gt3A_2254, %broadcast_in_dim3A_2257, %select_n3A_2245 : vector<16xi1>, vector<16xi32>
      %broadcast_in_dim3A_2259 = arith.constant 7 : i32
      %broadcast_in_dim3A_2260 = vector.broadcast %broadcast_in_dim3A_2259 : i32 to vector<16xi32>
      %select_n3A_2261 = arith.select %gt3A_2254, %broadcast_in_dim3A_2260, %select_n3A_2248 : vector<16xi1>, vector<16xi32>
      %sub3A_2262 = arith.subf %add3A_358, %add3A_646 : vector<16xf32>
      %mul3A_2263 = arith.constant 5.000000e-01 : f32
      %mul3A_2264 = vector.broadcast %mul3A_2263 : f32 to vector<16xf32>
      %mul3A_2265 = arith.mulf %mul3A_2264, %sub3A_2262 : vector<16xf32>
      %mul3A_2266 = arith.mulf %mul3A_2265, %sub3A_2262 : vector<16xf32>
      %gt3A_2267 = arith.cmpf ogt, %mul3A_2266, %select_n3A_2255 : vector<16xf32>
      %select_n3A_2268 = arith.select %gt3A_2267, %mul3A_2266, %select_n3A_2255 : vector<16xi1>, vector<16xf32>
      %broadcast_in_dim3A_2269 = arith.constant 4 : i32
      %broadcast_in_dim3A_2270 = vector.broadcast %broadcast_in_dim3A_2269 : i32 to vector<16xi32>
      %select_n3A_2271 = arith.select %gt3A_2267, %broadcast_in_dim3A_2270, %select_n3A_2258 : vector<16xi1>, vector<16xi32>
      %broadcast_in_dim3A_2272 = arith.constant 8 : i32
      %broadcast_in_dim3A_2273 = vector.broadcast %broadcast_in_dim3A_2272 : i32 to vector<16xi32>
      %select_n3A_2274 = arith.select %gt3A_2267, %broadcast_in_dim3A_2273, %select_n3A_2261 : vector<16xi1>, vector<16xi32>
      %sub3A_2275 = arith.subf %add3A_358, %add3A_718 : vector<16xf32>
      %mul3A_2276 = arith.constant 5.000000e-01 : f32
      %mul3A_2277 = vector.broadcast %mul3A_2276 : f32 to vector<16xf32>
      %mul3A_2278 = arith.mulf %mul3A_2277, %sub3A_2275 : vector<16xf32>
      %mul3A_2279 = arith.mulf %mul3A_2278, %sub3A_2275 : vector<16xf32>
      %gt3A_2280 = arith.cmpf ogt, %mul3A_2279, %select_n3A_2268 : vector<16xf32>
      %select_n3A_2281 = arith.select %gt3A_2280, %mul3A_2279, %select_n3A_2268 : vector<16xi1>, vector<16xf32>
      %broadcast_in_dim3A_2282 = arith.constant 4 : i32
      %broadcast_in_dim3A_2283 = vector.broadcast %broadcast_in_dim3A_2282 : i32 to vector<16xi32>
      %select_n3A_2284 = arith.select %gt3A_2280, %broadcast_in_dim3A_2283, %select_n3A_2271 : vector<16xi1>, vector<16xi32>
      %broadcast_in_dim3A_2285 = arith.constant 9 : i32
      %broadcast_in_dim3A_2286 = vector.broadcast %broadcast_in_dim3A_2285 : i32 to vector<16xi32>
      %select_n3A_2287 = arith.select %gt3A_2280, %broadcast_in_dim3A_2286, %select_n3A_2274 : vector<16xi1>, vector<16xi32>
      %sub3A_2288 = arith.subf %add3A_358, %add3A_790 : vector<16xf32>
      %mul3A_2289 = arith.constant 5.000000e-01 : f32
      %mul3A_2290 = vector.broadcast %mul3A_2289 : f32 to vector<16xf32>
      %mul3A_2291 = arith.mulf %mul3A_2290, %sub3A_2288 : vector<16xf32>
      %mul3A_2292 = arith.mulf %mul3A_2291, %sub3A_2288 : vector<16xf32>
      %gt3A_2293 = arith.cmpf ogt, %mul3A_2292, %select_n3A_2281 : vector<16xf32>
      %select_n3A_2294 = arith.select %gt3A_2293, %mul3A_2292, %select_n3A_2281 : vector<16xi1>, vector<16xf32>
      %broadcast_in_dim3A_2295 = arith.constant 4 : i32
      %broadcast_in_dim3A_2296 = vector.broadcast %broadcast_in_dim3A_2295 : i32 to vector<16xi32>
      %select_n3A_2297 = arith.select %gt3A_2293, %broadcast_in_dim3A_2296, %select_n3A_2284 : vector<16xi1>, vector<16xi32>
      %broadcast_in_dim3A_2298 = arith.constant 10 : i32
      %broadcast_in_dim3A_2299 = vector.broadcast %broadcast_in_dim3A_2298 : i32 to vector<16xi32>
      %select_n3A_2300 = arith.select %gt3A_2293, %broadcast_in_dim3A_2299, %select_n3A_2287 : vector<16xi1>, vector<16xi32>
      %sub3A_2301 = arith.subf %add3A_358, %add3A_862 : vector<16xf32>
      %mul3A_2302 = arith.constant 5.000000e-01 : f32
      %mul3A_2303 = vector.broadcast %mul3A_2302 : f32 to vector<16xf32>
      %mul3A_2304 = arith.mulf %mul3A_2303, %sub3A_2301 : vector<16xf32>
      %mul3A_2305 = arith.mulf %mul3A_2304, %sub3A_2301 : vector<16xf32>
      %gt3A_2306 = arith.cmpf ogt, %mul3A_2305, %select_n3A_2294 : vector<16xf32>
      %select_n3A_2307 = arith.select %gt3A_2306, %mul3A_2305, %select_n3A_2294 : vector<16xi1>, vector<16xf32>
      %broadcast_in_dim3A_2308 = arith.constant 4 : i32
      %broadcast_in_dim3A_2309 = vector.broadcast %broadcast_in_dim3A_2308 : i32 to vector<16xi32>
      %select_n3A_2310 = arith.select %gt3A_2306, %broadcast_in_dim3A_2309, %select_n3A_2297 : vector<16xi1>, vector<16xi32>
      %broadcast_in_dim3A_2311 = arith.constant 11 : i32
      %broadcast_in_dim3A_2312 = vector.broadcast %broadcast_in_dim3A_2311 : i32 to vector<16xi32>
      %select_n3A_2313 = arith.select %gt3A_2306, %broadcast_in_dim3A_2312, %select_n3A_2300 : vector<16xi1>, vector<16xi32>
      %sub3A_2314 = arith.subf %add3A_430, %add3A_502 : vector<16xf32>
      %mul3A_2315 = arith.constant 5.000000e-01 : f32
      %mul3A_2316 = vector.broadcast %mul3A_2315 : f32 to vector<16xf32>
      %mul3A_2317 = arith.mulf %mul3A_2316, %sub3A_2314 : vector<16xf32>
      %mul3A_2318 = arith.mulf %mul3A_2317, %sub3A_2314 : vector<16xf32>
      %gt3A_2319 = arith.cmpf ogt, %mul3A_2318, %select_n3A_2307 : vector<16xf32>
      %select_n3A_2320 = arith.select %gt3A_2319, %mul3A_2318, %select_n3A_2307 : vector<16xi1>, vector<16xf32>
      %broadcast_in_dim3A_2321 = arith.constant 5 : i32
      %broadcast_in_dim3A_2322 = vector.broadcast %broadcast_in_dim3A_2321 : i32 to vector<16xi32>
      %select_n3A_2323 = arith.select %gt3A_2319, %broadcast_in_dim3A_2322, %select_n3A_2310 : vector<16xi1>, vector<16xi32>
      %broadcast_in_dim3A_2324 = arith.constant 6 : i32
      %broadcast_in_dim3A_2325 = vector.broadcast %broadcast_in_dim3A_2324 : i32 to vector<16xi32>
      %select_n3A_2326 = arith.select %gt3A_2319, %broadcast_in_dim3A_2325, %select_n3A_2313 : vector<16xi1>, vector<16xi32>
      %sub3A_2327 = arith.subf %add3A_430, %add3A_574 : vector<16xf32>
      %mul3A_2328 = arith.constant 5.000000e-01 : f32
      %mul3A_2329 = vector.broadcast %mul3A_2328 : f32 to vector<16xf32>
      %mul3A_2330 = arith.mulf %mul3A_2329, %sub3A_2327 : vector<16xf32>
      %mul3A_2331 = arith.mulf %mul3A_2330, %sub3A_2327 : vector<16xf32>
      %gt3A_2332 = arith.cmpf ogt, %mul3A_2331, %select_n3A_2320 : vector<16xf32>
      %select_n3A_2333 = arith.select %gt3A_2332, %mul3A_2331, %select_n3A_2320 : vector<16xi1>, vector<16xf32>
      %broadcast_in_dim3A_2334 = arith.constant 5 : i32
      %broadcast_in_dim3A_2335 = vector.broadcast %broadcast_in_dim3A_2334 : i32 to vector<16xi32>
      %select_n3A_2336 = arith.select %gt3A_2332, %broadcast_in_dim3A_2335, %select_n3A_2323 : vector<16xi1>, vector<16xi32>
      %broadcast_in_dim3A_2337 = arith.constant 7 : i32
      %broadcast_in_dim3A_2338 = vector.broadcast %broadcast_in_dim3A_2337 : i32 to vector<16xi32>
      %select_n3A_2339 = arith.select %gt3A_2332, %broadcast_in_dim3A_2338, %select_n3A_2326 : vector<16xi1>, vector<16xi32>
      %sub3A_2340 = arith.subf %add3A_430, %add3A_646 : vector<16xf32>
      %mul3A_2341 = arith.constant 5.000000e-01 : f32
      %mul3A_2342 = vector.broadcast %mul3A_2341 : f32 to vector<16xf32>
      %mul3A_2343 = arith.mulf %mul3A_2342, %sub3A_2340 : vector<16xf32>
      %mul3A_2344 = arith.mulf %mul3A_2343, %sub3A_2340 : vector<16xf32>
      %gt3A_2345 = arith.cmpf ogt, %mul3A_2344, %select_n3A_2333 : vector<16xf32>
      %select_n3A_2346 = arith.select %gt3A_2345, %mul3A_2344, %select_n3A_2333 : vector<16xi1>, vector<16xf32>
      %broadcast_in_dim3A_2347 = arith.constant 5 : i32
      %broadcast_in_dim3A_2348 = vector.broadcast %broadcast_in_dim3A_2347 : i32 to vector<16xi32>
      %select_n3A_2349 = arith.select %gt3A_2345, %broadcast_in_dim3A_2348, %select_n3A_2336 : vector<16xi1>, vector<16xi32>
      %broadcast_in_dim3A_2350 = arith.constant 8 : i32
      %broadcast_in_dim3A_2351 = vector.broadcast %broadcast_in_dim3A_2350 : i32 to vector<16xi32>
      %select_n3A_2352 = arith.select %gt3A_2345, %broadcast_in_dim3A_2351, %select_n3A_2339 : vector<16xi1>, vector<16xi32>
      %sub3A_2353 = arith.subf %add3A_430, %add3A_718 : vector<16xf32>
      %mul3A_2354 = arith.constant 5.000000e-01 : f32
      %mul3A_2355 = vector.broadcast %mul3A_2354 : f32 to vector<16xf32>
      %mul3A_2356 = arith.mulf %mul3A_2355, %sub3A_2353 : vector<16xf32>
      %mul3A_2357 = arith.mulf %mul3A_2356, %sub3A_2353 : vector<16xf32>
      %gt3A_2358 = arith.cmpf ogt, %mul3A_2357, %select_n3A_2346 : vector<16xf32>
      %select_n3A_2359 = arith.select %gt3A_2358, %mul3A_2357, %select_n3A_2346 : vector<16xi1>, vector<16xf32>
      %broadcast_in_dim3A_2360 = arith.constant 5 : i32
      %broadcast_in_dim3A_2361 = vector.broadcast %broadcast_in_dim3A_2360 : i32 to vector<16xi32>
      %select_n3A_2362 = arith.select %gt3A_2358, %broadcast_in_dim3A_2361, %select_n3A_2349 : vector<16xi1>, vector<16xi32>
      %broadcast_in_dim3A_2363 = arith.constant 9 : i32
      %broadcast_in_dim3A_2364 = vector.broadcast %broadcast_in_dim3A_2363 : i32 to vector<16xi32>
      %select_n3A_2365 = arith.select %gt3A_2358, %broadcast_in_dim3A_2364, %select_n3A_2352 : vector<16xi1>, vector<16xi32>
      %sub3A_2366 = arith.subf %add3A_430, %add3A_790 : vector<16xf32>
      %mul3A_2367 = arith.constant 5.000000e-01 : f32
      %mul3A_2368 = vector.broadcast %mul3A_2367 : f32 to vector<16xf32>
      %mul3A_2369 = arith.mulf %mul3A_2368, %sub3A_2366 : vector<16xf32>
      %mul3A_2370 = arith.mulf %mul3A_2369, %sub3A_2366 : vector<16xf32>
      %gt3A_2371 = arith.cmpf ogt, %mul3A_2370, %select_n3A_2359 : vector<16xf32>
      %select_n3A_2372 = arith.select %gt3A_2371, %mul3A_2370, %select_n3A_2359 : vector<16xi1>, vector<16xf32>
      %broadcast_in_dim3A_2373 = arith.constant 5 : i32
      %broadcast_in_dim3A_2374 = vector.broadcast %broadcast_in_dim3A_2373 : i32 to vector<16xi32>
      %select_n3A_2375 = arith.select %gt3A_2371, %broadcast_in_dim3A_2374, %select_n3A_2362 : vector<16xi1>, vector<16xi32>
      %broadcast_in_dim3A_2376 = arith.constant 10 : i32
      %broadcast_in_dim3A_2377 = vector.broadcast %broadcast_in_dim3A_2376 : i32 to vector<16xi32>
      %select_n3A_2378 = arith.select %gt3A_2371, %broadcast_in_dim3A_2377, %select_n3A_2365 : vector<16xi1>, vector<16xi32>
      %sub3A_2379 = arith.subf %add3A_430, %add3A_862 : vector<16xf32>
      %mul3A_2380 = arith.constant 5.000000e-01 : f32
      %mul3A_2381 = vector.broadcast %mul3A_2380 : f32 to vector<16xf32>
      %mul3A_2382 = arith.mulf %mul3A_2381, %sub3A_2379 : vector<16xf32>
      %mul3A_2383 = arith.mulf %mul3A_2382, %sub3A_2379 : vector<16xf32>
      %gt3A_2384 = arith.cmpf ogt, %mul3A_2383, %select_n3A_2372 : vector<16xf32>
      %select_n3A_2385 = arith.select %gt3A_2384, %mul3A_2383, %select_n3A_2372 : vector<16xi1>, vector<16xf32>
      %broadcast_in_dim3A_2386 = arith.constant 5 : i32
      %broadcast_in_dim3A_2387 = vector.broadcast %broadcast_in_dim3A_2386 : i32 to vector<16xi32>
      %select_n3A_2388 = arith.select %gt3A_2384, %broadcast_in_dim3A_2387, %select_n3A_2375 : vector<16xi1>, vector<16xi32>
      %broadcast_in_dim3A_2389 = arith.constant 11 : i32
      %broadcast_in_dim3A_2390 = vector.broadcast %broadcast_in_dim3A_2389 : i32 to vector<16xi32>
      %select_n3A_2391 = arith.select %gt3A_2384, %broadcast_in_dim3A_2390, %select_n3A_2378 : vector<16xi1>, vector<16xi32>
      %sub3A_2392 = arith.subf %add3A_502, %add3A_574 : vector<16xf32>
      %mul3A_2393 = arith.constant 5.000000e-01 : f32
      %mul3A_2394 = vector.broadcast %mul3A_2393 : f32 to vector<16xf32>
      %mul3A_2395 = arith.mulf %mul3A_2394, %sub3A_2392 : vector<16xf32>
      %mul3A_2396 = arith.mulf %mul3A_2395, %sub3A_2392 : vector<16xf32>
      %gt3A_2397 = arith.cmpf ogt, %mul3A_2396, %select_n3A_2385 : vector<16xf32>
      %select_n3A_2398 = arith.select %gt3A_2397, %mul3A_2396, %select_n3A_2385 : vector<16xi1>, vector<16xf32>
      %broadcast_in_dim3A_2399 = arith.constant 6 : i32
      %broadcast_in_dim3A_2400 = vector.broadcast %broadcast_in_dim3A_2399 : i32 to vector<16xi32>
      %select_n3A_2401 = arith.select %gt3A_2397, %broadcast_in_dim3A_2400, %select_n3A_2388 : vector<16xi1>, vector<16xi32>
      %broadcast_in_dim3A_2402 = arith.constant 7 : i32
      %broadcast_in_dim3A_2403 = vector.broadcast %broadcast_in_dim3A_2402 : i32 to vector<16xi32>
      %select_n3A_2404 = arith.select %gt3A_2397, %broadcast_in_dim3A_2403, %select_n3A_2391 : vector<16xi1>, vector<16xi32>
      %sub3A_2405 = arith.subf %add3A_502, %add3A_646 : vector<16xf32>
      %mul3A_2406 = arith.constant 5.000000e-01 : f32
      %mul3A_2407 = vector.broadcast %mul3A_2406 : f32 to vector<16xf32>
      %mul3A_2408 = arith.mulf %mul3A_2407, %sub3A_2405 : vector<16xf32>
      %mul3A_2409 = arith.mulf %mul3A_2408, %sub3A_2405 : vector<16xf32>
      %gt3A_2410 = arith.cmpf ogt, %mul3A_2409, %select_n3A_2398 : vector<16xf32>
      %select_n3A_2411 = arith.select %gt3A_2410, %mul3A_2409, %select_n3A_2398 : vector<16xi1>, vector<16xf32>
      %broadcast_in_dim3A_2412 = arith.constant 6 : i32
      %broadcast_in_dim3A_2413 = vector.broadcast %broadcast_in_dim3A_2412 : i32 to vector<16xi32>
      %select_n3A_2414 = arith.select %gt3A_2410, %broadcast_in_dim3A_2413, %select_n3A_2401 : vector<16xi1>, vector<16xi32>
      %broadcast_in_dim3A_2415 = arith.constant 8 : i32
      %broadcast_in_dim3A_2416 = vector.broadcast %broadcast_in_dim3A_2415 : i32 to vector<16xi32>
      %select_n3A_2417 = arith.select %gt3A_2410, %broadcast_in_dim3A_2416, %select_n3A_2404 : vector<16xi1>, vector<16xi32>
      %sub3A_2418 = arith.subf %add3A_502, %add3A_718 : vector<16xf32>
      %mul3A_2419 = arith.constant 5.000000e-01 : f32
      %mul3A_2420 = vector.broadcast %mul3A_2419 : f32 to vector<16xf32>
      %mul3A_2421 = arith.mulf %mul3A_2420, %sub3A_2418 : vector<16xf32>
      %mul3A_2422 = arith.mulf %mul3A_2421, %sub3A_2418 : vector<16xf32>
      %gt3A_2423 = arith.cmpf ogt, %mul3A_2422, %select_n3A_2411 : vector<16xf32>
      %select_n3A_2424 = arith.select %gt3A_2423, %mul3A_2422, %select_n3A_2411 : vector<16xi1>, vector<16xf32>
      %broadcast_in_dim3A_2425 = arith.constant 6 : i32
      %broadcast_in_dim3A_2426 = vector.broadcast %broadcast_in_dim3A_2425 : i32 to vector<16xi32>
      %select_n3A_2427 = arith.select %gt3A_2423, %broadcast_in_dim3A_2426, %select_n3A_2414 : vector<16xi1>, vector<16xi32>
      %broadcast_in_dim3A_2428 = arith.constant 9 : i32
      %broadcast_in_dim3A_2429 = vector.broadcast %broadcast_in_dim3A_2428 : i32 to vector<16xi32>
      %select_n3A_2430 = arith.select %gt3A_2423, %broadcast_in_dim3A_2429, %select_n3A_2417 : vector<16xi1>, vector<16xi32>
      %sub3A_2431 = arith.subf %add3A_502, %add3A_790 : vector<16xf32>
      %mul3A_2432 = arith.constant 5.000000e-01 : f32
      %mul3A_2433 = vector.broadcast %mul3A_2432 : f32 to vector<16xf32>
      %mul3A_2434 = arith.mulf %mul3A_2433, %sub3A_2431 : vector<16xf32>
      %mul3A_2435 = arith.mulf %mul3A_2434, %sub3A_2431 : vector<16xf32>
      %gt3A_2436 = arith.cmpf ogt, %mul3A_2435, %select_n3A_2424 : vector<16xf32>
      %select_n3A_2437 = arith.select %gt3A_2436, %mul3A_2435, %select_n3A_2424 : vector<16xi1>, vector<16xf32>
      %broadcast_in_dim3A_2438 = arith.constant 6 : i32
      %broadcast_in_dim3A_2439 = vector.broadcast %broadcast_in_dim3A_2438 : i32 to vector<16xi32>
      %select_n3A_2440 = arith.select %gt3A_2436, %broadcast_in_dim3A_2439, %select_n3A_2427 : vector<16xi1>, vector<16xi32>
      %broadcast_in_dim3A_2441 = arith.constant 10 : i32
      %broadcast_in_dim3A_2442 = vector.broadcast %broadcast_in_dim3A_2441 : i32 to vector<16xi32>
      %select_n3A_2443 = arith.select %gt3A_2436, %broadcast_in_dim3A_2442, %select_n3A_2430 : vector<16xi1>, vector<16xi32>
      %sub3A_2444 = arith.subf %add3A_502, %add3A_862 : vector<16xf32>
      %mul3A_2445 = arith.constant 5.000000e-01 : f32
      %mul3A_2446 = vector.broadcast %mul3A_2445 : f32 to vector<16xf32>
      %mul3A_2447 = arith.mulf %mul3A_2446, %sub3A_2444 : vector<16xf32>
      %mul3A_2448 = arith.mulf %mul3A_2447, %sub3A_2444 : vector<16xf32>
      %gt3A_2449 = arith.cmpf ogt, %mul3A_2448, %select_n3A_2437 : vector<16xf32>
      %select_n3A_2450 = arith.select %gt3A_2449, %mul3A_2448, %select_n3A_2437 : vector<16xi1>, vector<16xf32>
      %broadcast_in_dim3A_2451 = arith.constant 6 : i32
      %broadcast_in_dim3A_2452 = vector.broadcast %broadcast_in_dim3A_2451 : i32 to vector<16xi32>
      %select_n3A_2453 = arith.select %gt3A_2449, %broadcast_in_dim3A_2452, %select_n3A_2440 : vector<16xi1>, vector<16xi32>
      %broadcast_in_dim3A_2454 = arith.constant 11 : i32
      %broadcast_in_dim3A_2455 = vector.broadcast %broadcast_in_dim3A_2454 : i32 to vector<16xi32>
      %select_n3A_2456 = arith.select %gt3A_2449, %broadcast_in_dim3A_2455, %select_n3A_2443 : vector<16xi1>, vector<16xi32>
      %sub3A_2457 = arith.subf %add3A_574, %add3A_646 : vector<16xf32>
      %mul3A_2458 = arith.constant 5.000000e-01 : f32
      %mul3A_2459 = vector.broadcast %mul3A_2458 : f32 to vector<16xf32>
      %mul3A_2460 = arith.mulf %mul3A_2459, %sub3A_2457 : vector<16xf32>
      %mul3A_2461 = arith.mulf %mul3A_2460, %sub3A_2457 : vector<16xf32>
      %gt3A_2462 = arith.cmpf ogt, %mul3A_2461, %select_n3A_2450 : vector<16xf32>
      %select_n3A_2463 = arith.select %gt3A_2462, %mul3A_2461, %select_n3A_2450 : vector<16xi1>, vector<16xf32>
      %broadcast_in_dim3A_2464 = arith.constant 7 : i32
      %broadcast_in_dim3A_2465 = vector.broadcast %broadcast_in_dim3A_2464 : i32 to vector<16xi32>
      %select_n3A_2466 = arith.select %gt3A_2462, %broadcast_in_dim3A_2465, %select_n3A_2453 : vector<16xi1>, vector<16xi32>
      %broadcast_in_dim3A_2467 = arith.constant 8 : i32
      %broadcast_in_dim3A_2468 = vector.broadcast %broadcast_in_dim3A_2467 : i32 to vector<16xi32>
      %select_n3A_2469 = arith.select %gt3A_2462, %broadcast_in_dim3A_2468, %select_n3A_2456 : vector<16xi1>, vector<16xi32>
      %sub3A_2470 = arith.subf %add3A_574, %add3A_718 : vector<16xf32>
      %mul3A_2471 = arith.constant 5.000000e-01 : f32
      %mul3A_2472 = vector.broadcast %mul3A_2471 : f32 to vector<16xf32>
      %mul3A_2473 = arith.mulf %mul3A_2472, %sub3A_2470 : vector<16xf32>
      %mul3A_2474 = arith.mulf %mul3A_2473, %sub3A_2470 : vector<16xf32>
      %gt3A_2475 = arith.cmpf ogt, %mul3A_2474, %select_n3A_2463 : vector<16xf32>
      %select_n3A_2476 = arith.select %gt3A_2475, %mul3A_2474, %select_n3A_2463 : vector<16xi1>, vector<16xf32>
      %broadcast_in_dim3A_2477 = arith.constant 7 : i32
      %broadcast_in_dim3A_2478 = vector.broadcast %broadcast_in_dim3A_2477 : i32 to vector<16xi32>
      %select_n3A_2479 = arith.select %gt3A_2475, %broadcast_in_dim3A_2478, %select_n3A_2466 : vector<16xi1>, vector<16xi32>
      %broadcast_in_dim3A_2480 = arith.constant 9 : i32
      %broadcast_in_dim3A_2481 = vector.broadcast %broadcast_in_dim3A_2480 : i32 to vector<16xi32>
      %select_n3A_2482 = arith.select %gt3A_2475, %broadcast_in_dim3A_2481, %select_n3A_2469 : vector<16xi1>, vector<16xi32>
      %sub3A_2483 = arith.subf %add3A_574, %add3A_790 : vector<16xf32>
      %mul3A_2484 = arith.constant 5.000000e-01 : f32
      %mul3A_2485 = vector.broadcast %mul3A_2484 : f32 to vector<16xf32>
      %mul3A_2486 = arith.mulf %mul3A_2485, %sub3A_2483 : vector<16xf32>
      %mul3A_2487 = arith.mulf %mul3A_2486, %sub3A_2483 : vector<16xf32>
      %gt3A_2488 = arith.cmpf ogt, %mul3A_2487, %select_n3A_2476 : vector<16xf32>
      %select_n3A_2489 = arith.select %gt3A_2488, %mul3A_2487, %select_n3A_2476 : vector<16xi1>, vector<16xf32>
      %broadcast_in_dim3A_2490 = arith.constant 7 : i32
      %broadcast_in_dim3A_2491 = vector.broadcast %broadcast_in_dim3A_2490 : i32 to vector<16xi32>
      %select_n3A_2492 = arith.select %gt3A_2488, %broadcast_in_dim3A_2491, %select_n3A_2479 : vector<16xi1>, vector<16xi32>
      %broadcast_in_dim3A_2493 = arith.constant 10 : i32
      %broadcast_in_dim3A_2494 = vector.broadcast %broadcast_in_dim3A_2493 : i32 to vector<16xi32>
      %select_n3A_2495 = arith.select %gt3A_2488, %broadcast_in_dim3A_2494, %select_n3A_2482 : vector<16xi1>, vector<16xi32>
      %sub3A_2496 = arith.subf %add3A_574, %add3A_862 : vector<16xf32>
      %mul3A_2497 = arith.constant 5.000000e-01 : f32
      %mul3A_2498 = vector.broadcast %mul3A_2497 : f32 to vector<16xf32>
      %mul3A_2499 = arith.mulf %mul3A_2498, %sub3A_2496 : vector<16xf32>
      %mul3A_2500 = arith.mulf %mul3A_2499, %sub3A_2496 : vector<16xf32>
      %gt3A_2501 = arith.cmpf ogt, %mul3A_2500, %select_n3A_2489 : vector<16xf32>
      %select_n3A_2502 = arith.select %gt3A_2501, %mul3A_2500, %select_n3A_2489 : vector<16xi1>, vector<16xf32>
      %broadcast_in_dim3A_2503 = arith.constant 7 : i32
      %broadcast_in_dim3A_2504 = vector.broadcast %broadcast_in_dim3A_2503 : i32 to vector<16xi32>
      %select_n3A_2505 = arith.select %gt3A_2501, %broadcast_in_dim3A_2504, %select_n3A_2492 : vector<16xi1>, vector<16xi32>
      %broadcast_in_dim3A_2506 = arith.constant 11 : i32
      %broadcast_in_dim3A_2507 = vector.broadcast %broadcast_in_dim3A_2506 : i32 to vector<16xi32>
      %select_n3A_2508 = arith.select %gt3A_2501, %broadcast_in_dim3A_2507, %select_n3A_2495 : vector<16xi1>, vector<16xi32>
      %sub3A_2509 = arith.subf %add3A_646, %add3A_718 : vector<16xf32>
      %mul3A_2510 = arith.constant 5.000000e-01 : f32
      %mul3A_2511 = vector.broadcast %mul3A_2510 : f32 to vector<16xf32>
      %mul3A_2512 = arith.mulf %mul3A_2511, %sub3A_2509 : vector<16xf32>
      %mul3A_2513 = arith.mulf %mul3A_2512, %sub3A_2509 : vector<16xf32>
      %gt3A_2514 = arith.cmpf ogt, %mul3A_2513, %select_n3A_2502 : vector<16xf32>
      %select_n3A_2515 = arith.select %gt3A_2514, %mul3A_2513, %select_n3A_2502 : vector<16xi1>, vector<16xf32>
      %broadcast_in_dim3A_2516 = arith.constant 8 : i32
      %broadcast_in_dim3A_2517 = vector.broadcast %broadcast_in_dim3A_2516 : i32 to vector<16xi32>
      %select_n3A_2518 = arith.select %gt3A_2514, %broadcast_in_dim3A_2517, %select_n3A_2505 : vector<16xi1>, vector<16xi32>
      %broadcast_in_dim3A_2519 = arith.constant 9 : i32
      %broadcast_in_dim3A_2520 = vector.broadcast %broadcast_in_dim3A_2519 : i32 to vector<16xi32>
      %select_n3A_2521 = arith.select %gt3A_2514, %broadcast_in_dim3A_2520, %select_n3A_2508 : vector<16xi1>, vector<16xi32>
      %sub3A_2522 = arith.subf %add3A_646, %add3A_790 : vector<16xf32>
      %mul3A_2523 = arith.constant 5.000000e-01 : f32
      %mul3A_2524 = vector.broadcast %mul3A_2523 : f32 to vector<16xf32>
      %mul3A_2525 = arith.mulf %mul3A_2524, %sub3A_2522 : vector<16xf32>
      %mul3A_2526 = arith.mulf %mul3A_2525, %sub3A_2522 : vector<16xf32>
      %gt3A_2527 = arith.cmpf ogt, %mul3A_2526, %select_n3A_2515 : vector<16xf32>
      %select_n3A_2528 = arith.select %gt3A_2527, %mul3A_2526, %select_n3A_2515 : vector<16xi1>, vector<16xf32>
      %broadcast_in_dim3A_2529 = arith.constant 8 : i32
      %broadcast_in_dim3A_2530 = vector.broadcast %broadcast_in_dim3A_2529 : i32 to vector<16xi32>
      %select_n3A_2531 = arith.select %gt3A_2527, %broadcast_in_dim3A_2530, %select_n3A_2518 : vector<16xi1>, vector<16xi32>
      %broadcast_in_dim3A_2532 = arith.constant 10 : i32
      %broadcast_in_dim3A_2533 = vector.broadcast %broadcast_in_dim3A_2532 : i32 to vector<16xi32>
      %select_n3A_2534 = arith.select %gt3A_2527, %broadcast_in_dim3A_2533, %select_n3A_2521 : vector<16xi1>, vector<16xi32>
      %sub3A_2535 = arith.subf %add3A_646, %add3A_862 : vector<16xf32>
      %mul3A_2536 = arith.constant 5.000000e-01 : f32
      %mul3A_2537 = vector.broadcast %mul3A_2536 : f32 to vector<16xf32>
      %mul3A_2538 = arith.mulf %mul3A_2537, %sub3A_2535 : vector<16xf32>
      %mul3A_2539 = arith.mulf %mul3A_2538, %sub3A_2535 : vector<16xf32>
      %gt3A_2540 = arith.cmpf ogt, %mul3A_2539, %select_n3A_2528 : vector<16xf32>
      %select_n3A_2541 = arith.select %gt3A_2540, %mul3A_2539, %select_n3A_2528 : vector<16xi1>, vector<16xf32>
      %broadcast_in_dim3A_2542 = arith.constant 8 : i32
      %broadcast_in_dim3A_2543 = vector.broadcast %broadcast_in_dim3A_2542 : i32 to vector<16xi32>
      %select_n3A_2544 = arith.select %gt3A_2540, %broadcast_in_dim3A_2543, %select_n3A_2531 : vector<16xi1>, vector<16xi32>
      %broadcast_in_dim3A_2545 = arith.constant 11 : i32
      %broadcast_in_dim3A_2546 = vector.broadcast %broadcast_in_dim3A_2545 : i32 to vector<16xi32>
      %select_n3A_2547 = arith.select %gt3A_2540, %broadcast_in_dim3A_2546, %select_n3A_2534 : vector<16xi1>, vector<16xi32>
      %sub3A_2548 = arith.subf %add3A_718, %add3A_790 : vector<16xf32>
      %mul3A_2549 = arith.constant 5.000000e-01 : f32
      %mul3A_2550 = vector.broadcast %mul3A_2549 : f32 to vector<16xf32>
      %mul3A_2551 = arith.mulf %mul3A_2550, %sub3A_2548 : vector<16xf32>
      %mul3A_2552 = arith.mulf %mul3A_2551, %sub3A_2548 : vector<16xf32>
      %gt3A_2553 = arith.cmpf ogt, %mul3A_2552, %select_n3A_2541 : vector<16xf32>
      %select_n3A_2554 = arith.select %gt3A_2553, %mul3A_2552, %select_n3A_2541 : vector<16xi1>, vector<16xf32>
      %broadcast_in_dim3A_2555 = arith.constant 9 : i32
      %broadcast_in_dim3A_2556 = vector.broadcast %broadcast_in_dim3A_2555 : i32 to vector<16xi32>
      %select_n3A_2557 = arith.select %gt3A_2553, %broadcast_in_dim3A_2556, %select_n3A_2544 : vector<16xi1>, vector<16xi32>
      %broadcast_in_dim3A_2558 = arith.constant 10 : i32
      %broadcast_in_dim3A_2559 = vector.broadcast %broadcast_in_dim3A_2558 : i32 to vector<16xi32>
      %select_n3A_2560 = arith.select %gt3A_2553, %broadcast_in_dim3A_2559, %select_n3A_2547 : vector<16xi1>, vector<16xi32>
      %sub3A_2561 = arith.subf %add3A_718, %add3A_862 : vector<16xf32>
      %mul3A_2562 = arith.constant 5.000000e-01 : f32
      %mul3A_2563 = vector.broadcast %mul3A_2562 : f32 to vector<16xf32>
      %mul3A_2564 = arith.mulf %mul3A_2563, %sub3A_2561 : vector<16xf32>
      %mul3A_2565 = arith.mulf %mul3A_2564, %sub3A_2561 : vector<16xf32>
      %gt3A_2566 = arith.cmpf ogt, %mul3A_2565, %select_n3A_2554 : vector<16xf32>
      %select_n3A_2567 = arith.select %gt3A_2566, %mul3A_2565, %select_n3A_2554 : vector<16xi1>, vector<16xf32>
      %broadcast_in_dim3A_2568 = arith.constant 9 : i32
      %broadcast_in_dim3A_2569 = vector.broadcast %broadcast_in_dim3A_2568 : i32 to vector<16xi32>
      %select_n3A_2570 = arith.select %gt3A_2566, %broadcast_in_dim3A_2569, %select_n3A_2557 : vector<16xi1>, vector<16xi32>
      %broadcast_in_dim3A_2571 = arith.constant 11 : i32
      %broadcast_in_dim3A_2572 = vector.broadcast %broadcast_in_dim3A_2571 : i32 to vector<16xi32>
      %select_n3A_2573 = arith.select %gt3A_2566, %broadcast_in_dim3A_2572, %select_n3A_2560 : vector<16xi1>, vector<16xi32>
      %sub3A_2574 = arith.subf %add3A_790, %add3A_862 : vector<16xf32>
      %mul3A_2575 = arith.constant 5.000000e-01 : f32
      %mul3A_2576 = vector.broadcast %mul3A_2575 : f32 to vector<16xf32>
      %mul3A_2577 = arith.mulf %mul3A_2576, %sub3A_2574 : vector<16xf32>
      %mul3A_2578 = arith.mulf %mul3A_2577, %sub3A_2574 : vector<16xf32>
      %gt3A_2579 = arith.cmpf ogt, %mul3A_2578, %select_n3A_2567 : vector<16xf32>
      %select_n3A_2580 = arith.select %gt3A_2579, %mul3A_2578, %select_n3A_2567 : vector<16xi1>, vector<16xf32>
      %broadcast_in_dim3A_2581 = arith.constant 10 : i32
      %broadcast_in_dim3A_2582 = vector.broadcast %broadcast_in_dim3A_2581 : i32 to vector<16xi32>
      %select_n3A_2583 = arith.select %gt3A_2579, %broadcast_in_dim3A_2582, %select_n3A_2570 : vector<16xi1>, vector<16xi32>
      %broadcast_in_dim3A_2584 = arith.constant 11 : i32
      %broadcast_in_dim3A_2585 = vector.broadcast %broadcast_in_dim3A_2584 : i32 to vector<16xi32>
      %select_n3A_2586 = arith.select %gt3A_2579, %broadcast_in_dim3A_2585, %select_n3A_2573 : vector<16xi1>, vector<16xi32>
      %mul3A_2587 = arith.constant 2 : i32
      %mul3A_2588 = vector.broadcast %mul3A_2587 : i32 to vector<16xi32>
      %mul3A_2589 = arith.muli %mul3A_2588, %select_n3A_1719 : vector<16xi32>
      %mul3A_2590 = arith.constant 2 : i32
      %mul3A_2591 = vector.broadcast %mul3A_2590 : i32 to vector<16xi32>
      %mul3A_2592 = arith.muli %mul3A_2591, %select_n3A_2583 : vector<16xi32>
      %add3A_2593 = arith.constant 1 : i32
      %add3A_2594 = vector.broadcast %add3A_2593 : i32 to vector<16xi32>
      %add3A_2595 = arith.addi %mul3A_2592, %add3A_2594 : vector<16xi32>
      %mul3A_2596 = arith.constant 2 : i32
      %mul3A_2597 = vector.broadcast %mul3A_2596 : i32 to vector<16xi32>
      %mul3A_2598 = arith.muli %mul3A_2597, %select_n3A_1722 : vector<16xi32>
      %mul3A_2599 = arith.constant 2 : i32
      %mul3A_2600 = vector.broadcast %mul3A_2599 : i32 to vector<16xi32>
      %mul3A_2601 = arith.muli %mul3A_2600, %select_n3A_2586 : vector<16xi32>
      %add3A_2602 = arith.constant 1 : i32
      %add3A_2603 = vector.broadcast %add3A_2602 : i32 to vector<16xi32>
      %add3A_2604 = arith.addi %mul3A_2601, %add3A_2603 : vector<16xi32>
      %eq3A_2605 = arith.constant 0 : i32
      %eq3A_2606 = vector.broadcast %eq3A_2605 : i32 to vector<16xi32>
      %eq3A_2607 = arith.cmpi eq, %iota3A, %eq3A_2606 : vector<16xi32>
      %eq3A_2608 = arith.constant 1 : i32
      %eq3A_2609 = vector.broadcast %eq3A_2608 : i32 to vector<16xi32>
      %eq3A_2610 = arith.cmpi eq, %iota3A, %eq3A_2609 : vector<16xi32>
      %eq3A_2611 = arith.constant 2 : i32
      %eq3A_2612 = vector.broadcast %eq3A_2611 : i32 to vector<16xi32>
      %eq3A_2613 = arith.cmpi eq, %iota3A, %eq3A_2612 : vector<16xi32>
      %eq3A_2614 = arith.constant 3 : i32
      %eq3A_2615 = vector.broadcast %eq3A_2614 : i32 to vector<16xi32>
      %eq3A_2616 = arith.cmpi eq, %iota3A, %eq3A_2615 : vector<16xi32>
      %broadcast_in_dim3A_2617 = arith.constant 0 : i32
      %broadcast_in_dim3A_2618 = vector.broadcast %broadcast_in_dim3A_2617 : i32 to vector<16xi32>
      %select_n3A_2619 = arith.select %eq3A_2616, %add3A_2604, %broadcast_in_dim3A_2618 : vector<16xi1>, vector<16xi32>
      %select_n3A_2620 = arith.select %eq3A_2613, %mul3A_2598, %select_n3A_2619 : vector<16xi1>, vector<16xi32>
      %select_n3A_2621 = arith.select %eq3A_2610, %add3A_2595, %select_n3A_2620 : vector<16xi1>, vector<16xi32>
      %select_n3A_2622 = arith.select %eq3A_2607, %mul3A_2589, %select_n3A_2621 : vector<16xi1>, vector<16xi32>
      %swap3A = arith.constant 0 : index
      %swap3A_2623 = tpu.vector_load %arg5[%swap3A] {strides = array<i32>} : memref<16xi32, #tpu.memory_space<vmem>>, vector<16xi32>,
      %swap3A_2624 = vector.shape_cast %swap3A_2623 : vector<16xi32> to vector<16xi32>
      %swap3A_2625 = vector.shape_cast %select_n3A_2622 : vector<16xi32> to vector<16xi32>
      tpu.vector_store %arg5[%swap3A], %swap3A_2625 {strides = array<i32>} : memref<16xi32, #tpu.memory_space<vmem>>, vector<16xi32>,
      "tpu.region"() ({
        %run_scoped3A = tpu.sem_alloc : memref<!tpu.dma_semaphore, #tpu.memory_space<semaphore_mem>>
        tpu.enqueue_dma source(%arg5 : memref<16xi32, #tpu.memory_space<vmem>>) target(%arg3 : memref<16xi32, #tpu.memory_space<hbm>>) target_semaphore(%run_scoped3A : memref<!tpu.dma_semaphore, #tpu.memory_space<semaphore_mem>>)
        tpu.wait_dma2 semaphore(%run_scoped3A : memref<!tpu.dma_semaphore, #tpu.memory_space<semaphore_mem>>) src(%arg5 : memref<16xi32, #tpu.memory_space<vmem>>) dst(%arg3 : memref<16xi32, #tpu.memory_space<hbm>>)
        tpu.yield
      }) : () -> ()
    } else {
    }
    return
  }
}

module attributes {stable_mosaic.version = 14 : i64} {
  func.func @_gather_body(%arg0: i32, %arg1: i32, %arg2: memref<16xi32, #tpu.memory_space<smem>>, %arg3: memref<1x48x224x224xf32, #tpu.memory_space<vmem>>, %arg4: memref<1x48x224x224xf32, #tpu.memory_space<vmem>>) attributes {dimension_semantics = [#tpu.dimension_semantics<arbitrary>, #tpu.dimension_semantics<arbitrary>], iteration_bounds = array<i64: 4, 2>, scalar_prefetch = 1 : i64, scratch_operands = 0 : i64, tpu.core_type = #tpu.core_type<tc>, window_params = [{transform_indices = @transform_0, window_bounds = array<i64: 1, 48, 224, 224>}, {transform_indices = @transform_1, window_bounds = array<i64: 1, 48, 224, 224>}]} {
    %get3A = arith.constant 0 : index
    %get3A_0 = arith.constant 0 : index
    %get3A_1 = arith.constant 0 : index
    %get3A_2 = arith.constant 0 : index
    %get3A_3 = vector.load %arg3[%get3A, %get3A_0, %get3A_1, %get3A_2] : memref<1x48x224x224xf32, #tpu.memory_space<vmem>>, vector<1x48x224x224xf32>
    %swap3A = arith.constant 0 : index
    %swap3A_4 = arith.constant 0 : index
    %swap3A_5 = arith.constant 0 : index
    %swap3A_6 = arith.constant 0 : index
    %swap3A_7 = vector.load %arg4[%swap3A, %swap3A_4, %swap3A_5, %swap3A_6] : memref<1x48x224x224xf32, #tpu.memory_space<vmem>>, vector<1x48x224x224xf32>
    tpu.vector_store %arg4[%swap3A, %swap3A_4, %swap3A_5, %swap3A_6], %get3A_3 {strides = array<i32>} : memref<1x48x224x224xf32, #tpu.memory_space<vmem>>, vector<1x48x224x224xf32>,
    return
  }
  func.func @transform_0(%arg0: i32, %arg1: i32, %arg2: memref<16xi32, #tpu.memory_space<smem>>) -> (i32, i32, i32, i32) {
    %get3A = arith.index_cast %arg0 : i32 to index
    %get3A_0 = memref.load %arg2[%get3A] : memref<16xi32, #tpu.memory_space<smem>>
    %c0_i32 = arith.constant 0 : i32
    %c0_i32_1 = arith.constant 0 : i32
    %c0_i32_2 = arith.constant 0 : i32
    return %get3A_0, %arg1, %c0_i32, %c0_i32_1 : i32, i32, i32, i32
  }
  func.func @transform_1(%arg0: i32, %arg1: i32, %arg2: memref<16xi32, #tpu.memory_space<smem>>) -> (i32, i32, i32, i32) {
    %c0_i32 = arith.constant 0 : i32
    %c0_i32_0 = arith.constant 0 : i32
    %c0_i32_1 = arith.constant 0 : i32
    return %arg0, %arg1, %c0_i32, %c0_i32_0 : i32, i32, i32, i32
  }
}

module attributes {stable_mosaic.version = 14 : i64} {
  func.func @_mae_body(%arg0: i32, %arg1: i32, %arg2: i32, %arg3: memref<1x48x224x224xf32, #tpu.memory_space<vmem>>, %arg4: memref<1x48x224x224xf32, #tpu.memory_space<vmem>>, %arg5: memref<1x1x224x224xf32, #tpu.memory_space<vmem>>, %arg6: memref<1x1x1x224xf32, #tpu.memory_space<vmem>>) attributes {dimension_semantics = [#tpu.dimension_semantics<parallel>, #tpu.dimension_semantics<parallel>, #tpu.dimension_semantics<parallel>], iteration_bounds = array<i64: 2, 2, 12>, scalar_prefetch = 0 : i64, scratch_operands = 0 : i64, tpu.core_type = #tpu.core_type<tc>, window_params = [{transform_indices = @transform_0, window_bounds = array<i64: 1, 48, 224, 224>}, {transform_indices = @transform_1, window_bounds = array<i64: 1, 48, 224, 224>}, {transform_indices = @transform_2, window_bounds = array<i64: 1, 1, 224, 224>}, {transform_indices = @transform_3, window_bounds = array<i64: 1, 1, 1, 224>}]} {
    %get3A = arith.constant 0 : index
    %get3A_0 = arith.constant 0 : index
    %get3A_1 = arith.constant 0 : index
    %get3A_2 = arith.constant 0 : index
    %get3A_3 = vector.load %arg3[%get3A, %get3A_0, %get3A_1, %get3A_2] : memref<1x48x224x224xf32, #tpu.memory_space<vmem>>, vector<1x48x224x224xf32>
    %get3A_4 = vector.shape_cast %get3A_3 : vector<1x48x224x224xf32> to vector<48x224x224xf32>
    %get3A_5 = arith.constant 0 : index
    %get3A_6 = arith.constant 0 : index
    %get3A_7 = arith.constant 0 : index
    %get3A_8 = arith.constant 0 : index
    %get3A_9 = vector.load %arg4[%get3A_5, %get3A_6, %get3A_7, %get3A_8] : memref<1x48x224x224xf32, #tpu.memory_space<vmem>>, vector<1x48x224x224xf32>
    %get3A_10 = vector.shape_cast %get3A_9 : vector<1x48x224x224xf32> to vector<48x224x224xf32>
    %sub3A = arith.subf %get3A_4, %get3A_10 : vector<48x224x224xf32>
    %abs3A = math.absf %sub3A : vector<48x224x224xf32>
    %get3A_11 = arith.constant 0 : index
    %get3A_12 = arith.constant 0 : index
    %get3A_13 = arith.constant 0 : index
    %get3A_14 = arith.constant 0 : index
    %get3A_15 = vector.load %arg5[%get3A_11, %get3A_12, %get3A_13, %get3A_14] : memref<1x1x224x224xf32, #tpu.memory_space<vmem>>, vector<1x1x224x224xf32>
    %get3A_16 = vector.shape_cast %get3A_15 : vector<1x1x224x224xf32> to vector<1x224x224xf32>
    %mul3A = vector.broadcast %get3A_16 : vector<1x224x224xf32> to vector<48x224x224xf32>
    %mul3A_17 = arith.mulf %abs3A, %mul3A : vector<48x224x224xf32>
    %reduce_sum3A = arith.constant dense<0.000000e+00> : vector<224xf32>
    %reduce_sum3A_18 = vector.multi_reduction <add>, %mul3A_17, %reduce_sum3A [0, 1] : vector<48x224x224xf32> to vector<224xf32>
    %broadcast_in_dim3A = vector.shape_cast %reduce_sum3A_18 : vector<224xf32> to vector<1x1x1x224xf32>
    %swap3A = arith.constant 0 : index
    %swap3A_19 = arith.constant 0 : index
    %swap3A_20 = arith.constant 0 : index
    %swap3A_21 = arith.constant 0 : index
    %swap3A_22 = vector.load %arg6[%swap3A, %swap3A_19, %swap3A_20, %swap3A_21] : memref<1x1x1x224xf32, #tpu.memory_space<vmem>>, vector<1x1x1x224xf32>
    tpu.vector_store %arg6[%swap3A, %swap3A_19, %swap3A_20, %swap3A_21], %broadcast_in_dim3A {strides = array<i32>} : memref<1x1x1x224xf32, #tpu.memory_space<vmem>>, vector<1x1x1x224xf32>,
    return
  }
  func.func @transform_0(%arg0: i32, %arg1: i32, %arg2: i32) -> (i32, i32, i32, i32) {
    %mul3A = arith.constant 2 : i32
    %mul3A_0 = arith.muli %mul3A, %arg2 : i32
    %add3A = arith.addi %mul3A_0, %arg0 : i32
    %c0_i32 = arith.constant 0 : i32
    %c0_i32_1 = arith.constant 0 : i32
    %c0_i32_2 = arith.constant 0 : i32
    return %add3A, %arg1, %c0_i32, %c0_i32_1 : i32, i32, i32, i32
  }
  func.func @transform_1(%arg0: i32, %arg1: i32, %arg2: i32) -> (i32, i32, i32, i32) {
    %c0_i32 = arith.constant 0 : i32
    %c0_i32_0 = arith.constant 0 : i32
    %c0_i32_1 = arith.constant 0 : i32
    return %arg0, %arg1, %c0_i32, %c0_i32_0 : i32, i32, i32, i32
  }
  func.func @transform_2(%arg0: i32, %arg1: i32, %arg2: i32) -> (i32, i32, i32, i32) {
    %c0_i32 = arith.constant 0 : i32
    %c0_i32_0 = arith.constant 0 : i32
    %c0_i32_1 = arith.constant 0 : i32
    %c0_i32_2 = arith.constant 0 : i32
    return %arg0, %c0_i32, %c0_i32_0, %c0_i32_1 : i32, i32, i32, i32
  }
  func.func @transform_3(%arg0: i32, %arg1: i32, %arg2: i32) -> (i32, i32, i32, i32) {
    %mul3A = arith.constant 2 : i32
    %mul3A_0 = arith.muli %mul3A, %arg2 : i32
    %add3A = arith.addi %mul3A_0, %arg0 : i32
    %c0_i32 = arith.constant 0 : i32
    %c0_i32_1 = arith.constant 0 : i32
    %c0_i32_2 = arith.constant 0 : i32
    return %add3A, %arg1, %c0_i32, %c0_i32_1 : i32, i32, i32, i32
  }
}

</mosaic_0001>

<sc_bundles>
// kernel: kernel.5.cloned.1.call-start
scs
__scs_entry_jumppad:
0x0: {  	(pc) =	sbr.rel $0x88, $3  }
0x1: {  	(tag) =	ssettag $0x0;
	lr =	simm.s32 $0x1  }
0x2: {  	[smem:$0x3F9E] =	sst lr;
	_ =	strace $0xD0000000  }
0x3: {  	_ = 	snop  }
0x4: {  	_ = 	snop  }
0x5: {  	_ = 	snop  }
0x6: {  	_ = 	snop  }
0x7: {  	_ = 	snop  }
__scs_overlays_trampoline_lowered:
0x8: {  	[smem:$0x3FAD] =	sst s0  }
0x9: {  	[smem:$0x3FAE] =	sst s1  }
0xa: {  	[smem:$0x3FAF] =	sst s2  }
0xb: {  	[smem:$0x3FB0] =	sst s3  }
0xc: {  	[smem:$0x3FB1] =	sst s4  }
0xd: {  	[smem:$0x3FB2] =	sst s5  }
0xe: {  	[smem:$0x3FB3] =	sst s6  }
0xf: {  	[smem:$0x3FB4] =	sst s7  }
0x10: {  	[smem:$0x3FB5] =	sst s8  }
0x11: {  	[smem:$0x3FB6] =	sst s9;
	s0 =	simm.s32 @!p0 $0x0  }
0x12: {  	s1 =	sld [smem:$0x3F9C];
	s0 =	simm.s32 @p0 $0x1  }
0x13: {  	[smem:$0x3FB7] =	sst s0;
	s0 =	simm.s32 @!p1 $0x0  }
0x14: {  	s2 =	sld [smem:$0x3F9B];
	s0 =	simm.s32 @p1 $0x1  }
0x15: {  	[smem:$0x3FB8] =	sst s0;
	s0 =	simm.s32 @!p2 $0x0  }
0x16: {  	s3 =	sld [smem:$0x3FDB];
	s0 =	simm.s32 @p2 $0x1  }
0x17: {  	s4 =	simm.s32 $0x1BF5;
	[smem:$0x3FBA] =	sst s0  }
0x18: {  	s0 =	sld [smem:$0x3F9D];
	_ =	swait.ge [sflag:s4], $0x0  }
0x19: {  	s7 =	sld [smem:$0x3F9E]  }
0x1a: {  	s8 =	sadd.s32 $0xFFFFE003, lr  }
0x1b: {  	s9 =	sadd.s32 $0xFFFFFEF7, lr;
	s5 =	simm.s32 $0xFFFFFFFF;
	p2 =	slt.u32 s8, $0xFFFFF086  }
0x1c: {  	p1 =	slt.u32 s9, $0xF7A;
	s5 =	simm.s32 @!p2 $0x0  }
0x1d: {  	s5 =	simm.s32 @p1 $0x1;
	p0 =	seq.s32 s7, s2  }
0x1e: {  	s7 =	smul.u32 @!p0 $0xF7A, s2;
	p2 =	seq.s32 @!p0 s5, $0x0  }
0x1f: {  	s9 =	smul.u32 $0xF7A, s1;
	s8 =	simm.s32 @!p0 $0x1BF5;
	p2 =	por !p2, p0  }
0x20: {  	[sflag:s8] =	ssyncset.s32 @!p0 $0xFFFFF086;
	s6 =	sadd.s32 @!p0 s3, s7;
	s7 =	simm.s32 @!p0 $0x108  }
0x21: {  	s3 =	sadd.s32 s3, s9;
	s6 =	sadd.s32 @!p0 $0x88, s6;
	s7 =	simm.s32 @p2 $0x1082  }
0x22: {  	[simem:s7], [sflag:s8] =	dma.local @!p0 [hbm:s6], $0xF7A  }
0x23: {  	s9 =	sor.u32 $0xD0000000, s2;
	s6 =	simm.s32 $0x108;
	_ =	swait.ge @!p0 [sflag:s8], $0x0  }
0x24: {  	s3 =	sadd.s32 $0x88, s3;
	s6 =	simm.s32 @!p1 $0x1082;
	[sflag:s4] =	ssyncset.s32 $0xFFFFF086  }
0x25: {  	[simem:s6], [sflag:s4] =	dma.local [hbm:s3], $0xF7A  }
0x26: {  	[smem:$0x3F9E] =	sst s1;
	(tag) =	ssettag s2;
	_ =	strace s9  }
0x27: {  	s1 =	sld [smem:$0x3FAE]  }
0x28: {  	s2 =	sld [smem:$0x3FAF]  }
0x29: {  	s4 =	sld [smem:$0x3FB1]  }
0x2a: {  	p0 =	seq.s32 s5, $0x0;
	s5 =	sld [smem:$0x3FB2]  }
0x2b: {  	s6 =	sld [smem:$0x3FB3]  }
0x2c: {  	s7 =	sld [smem:$0x3FB4]  }
0x2d: {  	s3 =	simm.s32 $0x108;
	s8 =	sld [smem:$0x3FB5]  }
0x2e: {  	s3 =	simm.s32 @!p0 $0x1082;
	s9 =	sld [smem:$0x3FB6]  }
0x2f: {  	lr =	sadd.s32 s0, s3;
	s0 =	sld [smem:$0x3FAD]  }
0x30: {  	s3 =	sld [smem:$0x3FB0]  }
0x31: {  	[smem:$0x3FB9] =	sst s10  }
0x32: {  	s10 =	sld [smem:$0x3FB7];
	_ =	sdelay $0x3  }
0x33: {  	p0 =	seq.s32 s10, $0x1;
	s10 =	sld [smem:$0x3FB9];
	_ =	sdelay $0x3  }
0x34: {  	[smem:$0x3FB9] =	sst s10  }
0x35: {  	s10 =	sld [smem:$0x3FB8];
	_ =	sdelay $0x3  }
0x36: {  	p1 =	seq.s32 s10, $0x1;
	s10 =	sld [smem:$0x3FB9];
	_ =	sdelay $0x3  }
0x37: {  	[smem:$0x3FB9] =	sst s10  }
0x38: {  	s10 =	sld [smem:$0x3FBA]  }
0x39: {  	_ = 	snop;
	(pc) =	sbr.ind lr, $3  }
0x3a: {  	_ = 	snop  }
0x3b: {  	_ = 	snop  }
0x3c: {  	p2 =	seq.s32 s10, $0x1;
	s10 =	sld [smem:$0x3FB9]  }
0x3d: {  	_ =	shalt  }
0x3e: {  	_ =	shalt  }
0x3f: {  	_ =	shalt  }
0x40: {  	_ =	shalt  }
0x41: {  	_ =	shalt  }
0x42: {  	_ =	shalt  }
0x43: {  	_ =	shalt  }
0x44: {  	_ =	shalt  }
0x45: {  	_ =	shalt  }
0x46: {  	_ =	shalt  }
0x47: {  	_ =	shalt  }
0x48: {  	_ =	shalt  }
0x49: {  	_ =	shalt  }
0x4a: {  	_ =	shalt  }
0x4b: {  	_ =	shalt  }
0x4c: {  	_ =	shalt  }
0x4d: {  	_ =	shalt  }
0x4e: {  	_ =	shalt  }
0x4f: {  	_ =	shalt  }
0x50: {  	_ =	shalt  }
0x51: {  	_ =	shalt  }
0x52: {  	_ =	shalt  }
0x53: {  	_ =	shalt  }
0x54: {  	_ =	shalt  }
0x55: {  	_ =	shalt  }
0x56: {  	_ =	shalt  }
0x57: {  	_ =	shalt  }
0x58: {  	_ =	shalt  }
0x59: {  	_ =	shalt  }
0x5a: {  	_ =	shalt  }
0x5b: {  	_ =	shalt  }
0x5c: {  	_ =	shalt  }
0x5d: {  	_ =	shalt  }
0x5e: {  	_ =	shalt  }
0x5f: {  	_ =	shalt  }
0x60: {  	_ =	shalt  }
0x61: {  	_ =	shalt  }
0x62: {  	_ =	shalt  }
0x63: {  	_ =	shalt  }
0x64: {  	_ =	shalt  }
0x65: {  	_ =	shalt  }
0x66: {  	_ =	shalt  }
0x67: {  	_ =	shalt  }
0x68: {  	_ =	shalt  }
0x69: {  	_ =	shalt  }
0x6a: {  	_ =	shalt  }
0x6b: {  	_ =	shalt  }
0x6c: {  	_ =	shalt  }
0x6d: {  	_ =	shalt  }
0x6e: {  	_ =	shalt  }
0x6f: {  	_ =	shalt  }
0x70: {  	_ =	shalt  }
0x71: {  	_ =	shalt  }
0x72: {  	_ =	shalt  }
0x73: {  	_ =	shalt  }
0x74: {  	_ =	shalt  }
0x75: {  	_ =	shalt  }
0x76: {  	_ =	shalt  }
0x77: {  	_ =	shalt  }
0x78: {  	_ =	shalt  }
0x79: {  	_ =	shalt  }
0x7a: {  	_ =	shalt  }
0x7b: {  	_ =	shalt  }
0x7c: {  	_ =	shalt  }
0x7d: {  	_ =	shalt  }
0x7e: {  	_ =	shalt  }
0x7f: {  	_ =	shalt  }
0x80: {  	_ =	shalt  }
0x81: {  	_ =	shalt  }
0x82: {  	_ =	shalt  }
0x83: {  	_ =	shalt  }
0x84: {  	_ =	shalt  }
0x85: {  	_ =	shalt  }
0x86: {  	_ =	shalt  }
0x87: {  	_ =	shalt  }
.Lfunc_end0:
.L_simem_size_0:
called_computation_lowered:
.L_overlay_start_0:
0x88: {  	s2 =	sld [smem:$0x3FD9]  }
0x89: {  	s3 =	sld [smem:$0x3FFE];
	_ =	sdelay $0x1  }
0x8a: {  	s1 =	srdreg.scid  }
0x8b: {  	s0 =	sand.u32 $0x1, s1  }
0x8c: {  	s17 =	sshll.u32 s0, $0xA;
	s2 =	sadd.s32 s3, s2  }
0x8d: {  	s2 =	sadd.s32 s2, s17  }
0x8e: {  	[smem:$0x3FC5] =	sst s2  }
0x8f: {  	_ = 	snop  }
0x90: {  	s2 =	sld [smem:$0x3FD0];
	(tm) =	ssettm $0x1  }
0x91: {  	s18 =	sld [smem:$0x3FFB];
	_ =	sdelay $0x3  }
0x92: {  	_ =	strace s18  }
0x93: {  	s3 =	sld [smem:$0x3FFC];
	_ =	sdelay $0x3  }
0x94: {  	_ =	strace s3  }
0x95: {  	s3 =	sld [smem:$0x3FFD];
	_ =	sdelay $0x3  }
0x96: {  	_ =	strace s3  }
0x97: {  	_ =	strace $0x8FFFFFFF  }
0x98: {  	s19 =	sld [smem:$0x3FDB];
	_ =	sdelay $0x1  }
0x99: {  	s4 =	simm.s32 $_scs_section_size  }
0x9a: {  	s5 =	simm.s32 $_size__tile_overlayer_lowered;
	s6 =	simm.s32 $_tile_overlayer_lowered  }
0x9b: {  	s22 =	simm.s32 $0x1BFF;
	s21 =	sshll.u32 s6, $0x1;
	s3 =	sadd.s32 s4, s19  }
0x9c: {  	s7 =	simm.s32 $0x0;
	s20 =	sshll.u32 s5, $0x1;
	s5 =	sadd.s32 s21, s3  }
0x9d: {  	[timem:s7], [sflag:s22] =	dma.local [hbm:s5], s20  }
0x9e: {  	_ =	swait.ge [sflag:s22], s20  }
0x9f: {  	s4 =	ssub.s32 $0x0, s20;
	[sflag:s22] =	ssyncset.done $0x0  }
0xa0: {  	[sflag:s22] =	ssyncadd.s32 s4;
	_ =	sdelay $0x1  }
0xa1: {  	s23 =	simm.s32 $0x1B8B  }
0xa2: {  	_ =	swait.ge [sflag:s23], $0x1  }
0xa3: {  	[sflag:s23] =	ssyncset.done $0x0  }
0xa4: {  	s25 =	simm.s32 $0x1B8E;
	s24 =	sld [smem:$0x3FFE];
	[sflag:s23] =	ssyncadd.s32 $0xFFFFFFFF  }
0xa5: {  	s26 =	simm.s32 $execute0_lowered;
	[smem:$0x3FD2] =	sst s25  }
0xa6: {  	s5 =	sshll.u32 s26, $0x1;
	_ =	strace $0x80000046;
	[dreg:$0x1] =	wrdreg $0xFFFFFFFF  }
0xa7: {  	s28 =	simm.s32 $_size_execute0_lowered;
	s3 =	sadd.s32 s3, s5;
	[dreg:$0x0] =	wrdreg $0x0  }
0xa8: {  	s5 =	sshll.u32 s28, $0x1;
	[dreg:$0x2] =	wrdreg s3  }
0xa9: {  	[dreg:$0x3] =	wrdreg s5  }
0xaa: {  	[dreg:$0x4] =	wrdreg $0xC0  }
0xab: {  	_ =	task [dreg:s7], $0x5FFFF  }
0xac: {  	[dreg:$0x1] =	wrdreg $0xFFFFFFFF  }
0xad: {  	[dreg:$0x0] =	wrdreg $0x60  }
0xae: {  	[dreg:$0x2] =	wrdreg s2  }
0xaf: {  	[dreg:$0x3] =	wrdreg s24  }
0xb0: {  	[dreg:$0x4] =	wrdreg $0x9  }
0xb1: {  	_ =	task.clear_ibuf [dreg:s7], $0x5FFFF;
	_ =	strace $0x90000046  }
0xb2: {  	s29 =	simm.s32 $0x9;
	_ =	strace $0x80000048  }
0xb3: {  	_ =	swait.ge [sflag:s29], $0x1  }
0xb4: {  	[sflag:s29] =	ssyncadd.s32 $0xFFFFFFFF  }
0xb5: {  	_ =	strace $0x90000048  }
0xb6: {  	_ =	sfence  }
0xb7: {  	s30 =	sld [smem:$0x0];
	_ =	sdelay $0x2  }
0xb8: {  	s31 =	sshll.u32 s1, $0xD;
	s1 =	sshrl.u32 s1, $0x2  }
0xb9: {  	s3 =	sand.u32 $0x4000, s31;
	s1 =	sadd.s32 s1, s30  }
0xba: {  	s0 =	sor.u32 s3, s0;
	s1 =	sshll.u32 s1, $0x11  }
0xbb: {  	s0 =	sor.u32 s1, s0  }
0xbc: {  	s0 =	sadd.s32 $0x8F2B, s0  }
0xbd: {  	[sflag:s0] =	ssyncadd.remote.s32 $0x1  }
0xbe: {  	_ =	sfence.sel $0xFFFF  }
0xbf: {  	[dreg:$0x0] =	wrdreg $0xFFFFFFFF;
	(pc) =	sbr.abs _section_cstart, $3  }
0xc0: {  	[dreg:$0x1] =	wrdreg $0xFFFFFFFF  }
0xc1: {  	_ =	task.clear_ibuf [dreg:s7], $0x2FFFF;
	_ =	strace $0x9FFFFFFF  }
0xc2: {  	(tm) =	ssettm $0x7FFFFFFF  }
0xc3: {  	_ =	shalt  }
tec
execute0_lowered:
.L_overlay_start_1:
0x0: {  	(tag) =	ssettag $0x1  }
0x1: {  	s0 =	srdreg.scid  }
0x2: {  	s4 =	sand.u32 $0x1, s0;
	s0 =	stileid.u32  }
0x3: {  	s5 =	sor.u32 s0, s4  }
0x4: {  	p0 =	sne.s32 s5, $0x0  }
.Ltmp0:
0x5: {  	_ = 	snop;
	(pc) =	sbr.rel @p0 .LBB2_25-.Ltmp0, $4  }
0x6: {  	_ = 	snop  }
0x7: {  	s2 =	rddreg [dreg:$0x0]  }
0x8: {  	s3 =	rddreg [dreg:$0x1]  }
0x9: {  	s1 =	rddreg [dreg:$0x2];
	_ =	strace $0x80000047  }
0xa: {  	v0 =	vimm.s32 $0x76543210;
	v1 =	vimm.s32 $0xFEDCBA98  }
0xb: {  	v2 =	vimm.s32 $0xBA98FEDC;
	v3 =	vimm.s32 $0x32107654;
	v4 =	vimm.s32 $0xDCFE98BA  }
0xc: {  	v5 =	vimm.s32 $0x54761032;
	v6 =	vimm.s32 $0xEFCDAB89;
	v7 =	vimm.s32 $0x67452301  }
0xd: {  	v0 =	vunpack.c.l.s4.s8 v0;
	v1 =	vunpack.c.l.s4.s8 v1;
	v2 =	vunpack.c.l.s4.s8 v2  }
0xe: {  	v3 =	vunpack.c.l.s4.s8 v3;
	v4 =	vunpack.c.l.s4.s8 v4;
	v5 =	vunpack.c.l.s4.s8 v5  }
0xf: {  	v6 =	vunpack.c.l.s4.s8 v6;
	v7 =	vunpack.c.l.s4.s8 v7;
	v2 =	vunpack.c.0.s8.s32 v2  }
0x10: {  	v3 =	vunpack.c.0.s8.s32 v3;
	v4 =	vunpack.c.0.s8.s32 v4;
	v5 =	vunpack.c.0.s8.s32 v5  }
0x11: {  	v1 =	vunpack.c.0.s8.s32 v1;
	v6 =	vunpack.c.0.s8.s32 v6;
	v7 =	vunpack.c.0.s8.s32 v7  }
0x12: {  	v0 =	vunpack.c.0.s8.s32 v0;
	v2 =	vcombine.low v3, v2  }
0x13: {  	s4 =	ssub.s32 $0x2, s4;
	v3 =	vcombine.low v5, v4;
	v1 =	vand.u32 $0xF, v1;
	v4 =	vcombine.low v7, v6  }
0x14: {  	s6 =	simm.s32 $0x1;
	s7 =	simm.s32 $0x2A00;
	s5 =	sshrl.u32 s4, $0x1;
	v5 =	vimm.s32 $0x1;
	v0 =	vcombine.low v1, v0;
	v1 =	vand.u32 $0xF, v2  }
0x15: {  	s8 =	simm.s32 $0x0;
	s4 =	ssub.s32 s4, s5;
	s5 =	simm.s32 $0x0;
	v2 =	vand.u32 $0xF, v3;
	v3 =	vand.u32 $0xF, v4;
	v4 =	vimm.s32 $0x0  }
.LBB2_2:
0x16: {  	[tilespmem:s5], [sflag:$0x1] =	stream.linear.gather [hbm4b:s2+s5], $0x2A00, $0x38;
	[tilespmem:$0x2A80] =	vst v63  }
0x17: {  	_ =	swait.ge [sflag:s6], $0x2A00  }
0x18: {  	[sflag:s6] =	ssyncset.done $0x0  }
0x19: {  	[sflag:s6] =	ssyncadd.s32 $0xFFFFD600  }
0x1a: {  	v6 =	vld [tilespmem:$0x0]  }
0x1b: {  	v7 =	vld [tilespmem:$0x1C0]  }
0x1c: {  	v8 =	vld [tilespmem:$0x10]  }
0x1d: {  	v9 =	vld [tilespmem:$0x1D0]  }
0x1e: {  	v10 =	vld [tilespmem:$0x20]  }
0x1f: {  	v11 =	vld [tilespmem:$0x1E0]  }
0x20: {  	v12 =	vld [tilespmem:$0x30];
	v6 =	vadd.f32 $0.0e+00, v6;
	v7 =	vadd.f32 $0.0e+00, v7  }
0x21: {  	v13 =	vld [tilespmem:$0x1F0]  }
0x22: {  	v6 =	vadd.f32 v8, v6;
	v8 =	vld [tilespmem:$0x40];
	v7 =	vadd.f32 v9, v7  }
0x23: {  	v9 =	vld [tilespmem:$0x200]  }
0x24: {  	v6 =	vadd.f32 v10, v6;
	v10 =	vld [tilespmem:$0x50];
	v7 =	vadd.f32 v11, v7  }
0x25: {  	v11 =	vld [tilespmem:$0x210]  }
0x26: {  	v6 =	vadd.f32 v12, v6;
	v12 =	vld [tilespmem:$0x60];
	v7 =	vadd.f32 v13, v7  }
0x27: {  	v13 =	vld [tilespmem:$0x220]  }
0x28: {  	v6 =	vadd.f32 v8, v6;
	v8 =	vld [tilespmem:$0x70];
	v7 =	vadd.f32 v9, v7  }
0x29: {  	v9 =	vld [tilespmem:$0x230]  }
0x2a: {  	v6 =	vadd.f32 v10, v6;
	v10 =	vld [tilespmem:$0x80];
	v7 =	vadd.f32 v11, v7  }
0x2b: {  	v11 =	vld [tilespmem:$0x240]  }
0x2c: {  	v6 =	vadd.f32 v12, v6;
	v12 =	vld [tilespmem:$0x90];
	v7 =	vadd.f32 v13, v7  }
0x2d: {  	v13 =	vld [tilespmem:$0x250]  }
0x2e: {  	v6 =	vadd.f32 v8, v6;
	v8 =	vld [tilespmem:$0xA0];
	v7 =	vadd.f32 v9, v7  }
0x2f: {  	v9 =	vld [tilespmem:$0x260]  }
0x30: {  	v6 =	vadd.f32 v10, v6;
	v10 =	vld [tilespmem:$0xB0];
	v7 =	vadd.f32 v11, v7  }
0x31: {  	v11 =	vld [tilespmem:$0x270]  }
0x32: {  	v6 =	vadd.f32 v12, v6;
	v12 =	vld [tilespmem:$0xC0];
	v7 =	vadd.f32 v13, v7  }
0x33: {  	v13 =	vld [tilespmem:$0x280]  }
0x34: {  	v6 =	vadd.f32 v8, v6;
	v8 =	vld [tilespmem:$0xD0];
	v7 =	vadd.f32 v9, v7  }
0x35: {  	v9 =	vld [tilespmem:$0x290]  }
0x36: {  	v6 =	vadd.f32 v10, v6;
	v10 =	vld [tilespmem:$0xE0];
	v7 =	vadd.f32 v11, v7  }
0x37: {  	v11 =	vld [tilespmem:$0x2A0]  }
0x38: {  	v6 =	vadd.f32 v12, v6;
	v12 =	vld [tilespmem:$0xF0];
	v7 =	vadd.f32 v13, v7  }
0x39: {  	v13 =	vld [tilespmem:$0x2B0]  }
0x3a: {  	v6 =	vadd.f32 v8, v6;
	v8 =	vld [tilespmem:$0x100];
	v7 =	vadd.f32 v9, v7  }
0x3b: {  	v9 =	vld [tilespmem:$0x2C0]  }
0x3c: {  	v6 =	vadd.f32 v10, v6;
	v10 =	vld [tilespmem:$0x110];
	v7 =	vadd.f32 v11, v7  }
0x3d: {  	v11 =	vld [tilespmem:$0x2D0]  }
0x3e: {  	v6 =	vadd.f32 v12, v6;
	v12 =	vld [tilespmem:$0x120];
	v7 =	vadd.f32 v13, v7  }
0x3f: {  	v13 =	vld [tilespmem:$0x2E0]  }
0x40: {  	v6 =	vadd.f32 v8, v6;
	v8 =	vld [tilespmem:$0x130];
	v7 =	vadd.f32 v9, v7  }
0x41: {  	v9 =	vld [tilespmem:$0x2F0]  }
0x42: {  	v6 =	vadd.f32 v10, v6;
	v10 =	vld [tilespmem:$0x140];
	v7 =	vadd.f32 v11, v7  }
0x43: {  	v11 =	vld [tilespmem:$0x300]  }
0x44: {  	v6 =	vadd.f32 v12, v6;
	v12 =	vld [tilespmem:$0x150];
	v7 =	vadd.f32 v13, v7  }
0x45: {  	v13 =	vld [tilespmem:$0x310]  }
0x46: {  	v6 =	vadd.f32 v8, v6;
	v8 =	vld [tilespmem:$0x160];
	v7 =	vadd.f32 v9, v7  }
0x47: {  	v9 =	vld [tilespmem:$0x320]  }
0x48: {  	v6 =	vadd.f32 v10, v6;
	v10 =	vld [tilespmem:$0x170];
	v7 =	vadd.f32 v11, v7  }
0x49: {  	v11 =	vld [tilespmem:$0x330]  }
0x4a: {  	v6 =	vadd.f32 v12, v6;
	v12 =	vld [tilespmem:$0x180];
	v7 =	vadd.f32 v13, v7  }
0x4b: {  	v13 =	vld [tilespmem:$0x340]  }
0x4c: {  	v6 =	vadd.f32 v8, v6;
	v8 =	vld [tilespmem:$0x190];
	v7 =	vadd.f32 v9, v7  }
0x4d: {  	v9 =	vld [tilespmem:$0x350]  }
0x4e: {  	v6 =	vadd.f32 v10, v6;
	v10 =	vld [tilespmem:$0x1A0];
	v7 =	vadd.f32 v11, v7  }
0x4f: {  	v11 =	vld [tilespmem:$0x360]  }
0x50: {  	v6 =	vadd.f32 v12, v6;
	v12 =	vld [tilespmem:$0x1B0];
	v7 =	vadd.f32 v13, v7  }
0x51: {  	v13 =	vld [tilespmem:$0x370]  }
0x52: {  	v6 =	vadd.f32 v8, v6;
	v7 =	vadd.f32 v9, v7;
	_ =	sdelay $0x1  }
0x53: {  	v6 =	vadd.f32 v10, v6;
	v7 =	vadd.f32 v11, v7;
	_ =	sdelay $0x1  }
0x54: {  	v6 =	vadd.f32 v12, v6;
	v7 =	vadd.f32 v13, v7;
	_ =	sdelay $0x1  }
0x55: {  	v8 =	vperm.xlane v6, v0;
	v9 =	vperm.xlane v7, v0;
	_ =	sdelay $0x1  }
0x56: {  	v6 =	vadd.f32 v8, v6;
	v7 =	vadd.f32 v9, v7;
	_ =	sdelay $0x1  }
0x57: {  	v8 =	vperm.xlane v6, v1;
	v9 =	vperm.xlane v7, v1;
	_ =	sdelay $0x1  }
0x58: {  	v6 =	vadd.f32 v8, v6;
	v7 =	vadd.f32 v9, v7;
	_ =	sdelay $0x1  }
0x59: {  	v8 =	vperm.xlane v6, v2;
	v9 =	vperm.xlane v7, v2;
	_ =	sdelay $0x1  }
0x5a: {  	v14 =	vadd.f32 v8, v6;
	v6 =	vadd.f32 v9, v7  }
0x5b: {  	s10 =	sand.u32 $0x1F0, s5  }
0x5c: {  	s9 =	simm.s32 $0x10;
	v8 =	vimm.f32 $0.0e+00;
	v9 =	vld [tilespmem:s10+$0x380];
	v16 =	vperm.xlane v14, v3;
	v7 =	vperm.xlane v6, v3  }
.LBB2_3:
0x5d: {  	p0 =	sne.s32 s9, $0x1B0  }
.Ltmp1:
0x5e: {  	_ = 	snop;
	(pc) =	sbr.rel @p0 .LBB2_3-.Ltmp1, $3  }
0x5f: {  	_ =	sdelay $0x1  }
0x60: {  	s10 =	sand.u32 $0x1F0, s9;
	s9 =	sadd.s32 $0x10, s9;
	v8 =	vadd.f32 v9, v8  }
0x61: {  	v9 =	vld [tilespmem:s10+$0x380]  }
0x62: {  	v10 =	vld [tilespmem:$0x540];
	_ =	sdelay $0x1  }
0x63: {  	v11 =	vld [tilespmem:$0x550];
	_ =	sdelay $0x1  }
0x64: {  	v12 =	vld [tilespmem:$0x560]  }
0x65: {  	v10 =	vadd.f32 $0.0e+00, v10  }
0x66: {  	v13 =	vld [tilespmem:$0x570]  }
0x67: {  	v10 =	vadd.f32 v11, v10  }
0x68: {  	v11 =	vld [tilespmem:$0x580]  }
0x69: {  	v10 =	vadd.f32 v12, v10  }
0x6a: {  	v12 =	vld [tilespmem:$0x590]  }
0x6b: {  	v10 =	vadd.f32 v13, v10  }
0x6c: {  	v13 =	vld [tilespmem:$0x5A0]  }
0x6d: {  	v10 =	vadd.f32 v11, v10  }
0x6e: {  	v11 =	vld [tilespmem:$0x5B0]  }
0x6f: {  	v10 =	vadd.f32 v12, v10  }
0x70: {  	v12 =	vld [tilespmem:$0x5C0]  }
0x71: {  	v10 =	vadd.f32 v13, v10  }
0x72: {  	v13 =	vld [tilespmem:$0x5D0]  }
0x73: {  	v10 =	vadd.f32 v11, v10  }
0x74: {  	v11 =	vld [tilespmem:$0x5E0]  }
0x75: {  	v10 =	vadd.f32 v12, v10  }
0x76: {  	v12 =	vld [tilespmem:$0x5F0]  }
0x77: {  	v10 =	vadd.f32 v13, v10  }
0x78: {  	v13 =	vld [tilespmem:$0x600]  }
0x79: {  	v10 =	vadd.f32 v11, v10  }
0x7a: {  	v11 =	vld [tilespmem:$0x610]  }
0x7b: {  	v10 =	vadd.f32 v12, v10  }
0x7c: {  	v12 =	vld [tilespmem:$0x620]  }
0x7d: {  	v10 =	vadd.f32 v13, v10  }
0x7e: {  	v13 =	vld [tilespmem:$0x630]  }
0x7f: {  	v10 =	vadd.f32 v11, v10  }
0x80: {  	v11 =	vld [tilespmem:$0x640]  }
0x81: {  	v10 =	vadd.f32 v12, v10  }
0x82: {  	v12 =	vld [tilespmem:$0x650]  }
0x83: {  	v10 =	vadd.f32 v13, v10  }
0x84: {  	v13 =	vld [tilespmem:$0x660]  }
0x85: {  	v10 =	vadd.f32 v11, v10  }
0x86: {  	v11 =	vld [tilespmem:$0x670]  }
0x87: {  	v10 =	vadd.f32 v12, v10  }
0x88: {  	v12 =	vld [tilespmem:$0x680]  }
0x89: {  	v10 =	vadd.f32 v13, v10  }
0x8a: {  	v13 =	vld [tilespmem:$0x690]  }
0x8b: {  	v10 =	vadd.f32 v11, v10  }
0x8c: {  	v11 =	vld [tilespmem:$0x6A0]  }
0x8d: {  	v10 =	vadd.f32 v12, v10  }
0x8e: {  	v12 =	vld [tilespmem:$0x6B0]  }
0x8f: {  	v10 =	vadd.f32 v13, v10  }
0x90: {  	v13 =	vld [tilespmem:$0x6C0]  }
0x91: {  	v10 =	vadd.f32 v11, v10  }
0x92: {  	v11 =	vld [tilespmem:$0x6D0]  }
0x93: {  	v10 =	vadd.f32 v12, v10  }
0x94: {  	v12 =	vld [tilespmem:$0x6E0]  }
0x95: {  	v10 =	vadd.f32 v13, v10  }
0x96: {  	v13 =	vld [tilespmem:$0x6F0]  }
0x97: {  	v10 =	vadd.f32 v11, v10;
	_ =	sdelay $0x1  }
0x98: {  	v10 =	vadd.f32 v12, v10;
	_ =	sdelay $0x1  }
0x99: {  	v8 =	vadd.f32 v9, v8;
	v9 =	vadd.f32 v13, v10;
	_ =	sdelay $0x1  }
0x9a: {  	v10 =	vperm.xlane v8, v0;
	v11 =	vperm.xlane v9, v0;
	_ =	sdelay $0x1  }
0x9b: {  	v8 =	vadd.f32 v10, v8;
	v9 =	vadd.f32 v11, v9;
	_ =	sdelay $0x1  }
0x9c: {  	v10 =	vperm.xlane v8, v1;
	v11 =	vperm.xlane v9, v1;
	_ =	sdelay $0x1  }
0x9d: {  	v8 =	vadd.f32 v10, v8;
	v9 =	vadd.f32 v11, v9;
	_ =	sdelay $0x1  }
0x9e: {  	v10 =	vperm.xlane v8, v2;
	v11 =	vperm.xlane v9, v2;
	_ =	sdelay $0x1  }
0x9f: {  	s9 =	simm.s32 $0x0;
	v17 =	vadd.f32 v10, v8;
	v8 =	vadd.f32 v11, v9  }
0xa0: {  	s10 =	sand.u32 $0x1F0, s9  }
0xa1: {  	s9 =	simm.s32 $0x10;
	v10 =	vimm.f32 $0.0e+00;
	v19 =	vperm.xlane v17, v3;
	v11 =	vld [tilespmem:s10+$0x700];
	v9 =	vperm.xlane v8, v3  }
.LBB2_5:
0xa2: {  	p0 =	sne.s32 s9, $0x1B0  }
.Ltmp2:
0xa3: {  	_ = 	snop;
	(pc) =	sbr.rel @p0 .LBB2_5-.Ltmp2, $3  }
0xa4: {  	_ =	sdelay $0x1  }
0xa5: {  	s10 =	sand.u32 $0x1F0, s9;
	s9 =	sadd.s32 $0x10, s9;
	v10 =	vadd.f32 v11, v10  }
0xa6: {  	v11 =	vld [tilespmem:s10+$0x700]  }
0xa7: {  	v12 =	vld [tilespmem:$0x8C0];
	_ =	sdelay $0x1  }
0xa8: {  	v13 =	vld [tilespmem:$0x8D0];
	_ =	sdelay $0x1  }
0xa9: {  	v15 =	vld [tilespmem:$0x8E0]  }
0xaa: {  	v12 =	vadd.f32 $0.0e+00, v12  }
0xab: {  	v18 =	vld [tilespmem:$0x8F0]  }
0xac: {  	v12 =	vadd.f32 v13, v12  }
0xad: {  	v13 =	vld [tilespmem:$0x900]  }
0xae: {  	v12 =	vadd.f32 v15, v12  }
0xaf: {  	v15 =	vld [tilespmem:$0x910]  }
0xb0: {  	v12 =	vadd.f32 v18, v12  }
0xb1: {  	v18 =	vld [tilespmem:$0x920]  }
0xb2: {  	v12 =	vadd.f32 v13, v12  }
0xb3: {  	v13 =	vld [tilespmem:$0x930]  }
0xb4: {  	v12 =	vadd.f32 v15, v12  }
0xb5: {  	v15 =	vld [tilespmem:$0x940]  }
0xb6: {  	v12 =	vadd.f32 v18, v12  }
0xb7: {  	v18 =	vld [tilespmem:$0x950]  }
0xb8: {  	v12 =	vadd.f32 v13, v12  }
0xb9: {  	v13 =	vld [tilespmem:$0x960]  }
0xba: {  	v12 =	vadd.f32 v15, v12  }
0xbb: {  	v15 =	vld [tilespmem:$0x970]  }
0xbc: {  	v12 =	vadd.f32 v18, v12  }
0xbd: {  	v18 =	vld [tilespmem:$0x980]  }
0xbe: {  	v12 =	vadd.f32 v13, v12  }
0xbf: {  	v13 =	vld [tilespmem:$0x990]  }
0xc0: {  	v12 =	vadd.f32 v15, v12  }
0xc1: {  	v15 =	vld [tilespmem:$0x9A0]  }
0xc2: {  	v12 =	vadd.f32 v18, v12  }
0xc3: {  	v18 =	vld [tilespmem:$0x9B0]  }
0xc4: {  	v12 =	vadd.f32 v13, v12  }
0xc5: {  	v13 =	vld [tilespmem:$0x9C0]  }
0xc6: {  	v12 =	vadd.f32 v15, v12  }
0xc7: {  	v15 =	vld [tilespmem:$0x9D0]  }
0xc8: {  	v12 =	vadd.f32 v18, v12  }
0xc9: {  	v18 =	vld [tilespmem:$0x9E0]  }
0xca: {  	v12 =	vadd.f32 v13, v12  }
0xcb: {  	v13 =	vld [tilespmem:$0x9F0]  }
0xcc: {  	v12 =	vadd.f32 v15, v12  }
0xcd: {  	v15 =	vld [tilespmem:$0xA00]  }
0xce: {  	v12 =	vadd.f32 v18, v12  }
0xcf: {  	v18 =	vld [tilespmem:$0xA10]  }
0xd0: {  	v12 =	vadd.f32 v13, v12  }
0xd1: {  	v13 =	vld [tilespmem:$0xA20]  }
0xd2: {  	v12 =	vadd.f32 v15, v12  }
0xd3: {  	v15 =	vld [tilespmem:$0xA30]  }
0xd4: {  	v12 =	vadd.f32 v18, v12  }
0xd5: {  	v18 =	vld [tilespmem:$0xA40]  }
0xd6: {  	v12 =	vadd.f32 v13, v12  }
0xd7: {  	v13 =	vld [tilespmem:$0xA50]  }
0xd8: {  	v12 =	vadd.f32 v15, v12  }
0xd9: {  	v15 =	vld [tilespmem:$0xA60]  }
0xda: {  	v12 =	vadd.f32 v18, v12  }
0xdb: {  	v18 =	vld [tilespmem:$0xA70]  }
0xdc: {  	v12 =	vadd.f32 v13, v12;
	_ =	sdelay $0x1  }
0xdd: {  	v12 =	vadd.f32 v15, v12;
	_ =	sdelay $0x1  }
0xde: {  	v10 =	vadd.f32 v11, v10;
	v11 =	vadd.f32 v18, v12;
	_ =	sdelay $0x1  }
0xdf: {  	v12 =	vperm.xlane v10, v0;
	v13 =	vperm.xlane v11, v0;
	_ =	sdelay $0x1  }
0xe0: {  	v10 =	vadd.f32 v12, v10;
	v11 =	vadd.f32 v13, v11;
	_ =	sdelay $0x1  }
0xe1: {  	v12 =	vperm.xlane v10, v1;
	v13 =	vperm.xlane v11, v1;
	_ =	sdelay $0x1  }
0xe2: {  	v10 =	vadd.f32 v12, v10;
	v11 =	vadd.f32 v13, v11;
	_ =	sdelay $0x1  }
0xe3: {  	v12 =	vperm.xlane v10, v2;
	v13 =	vperm.xlane v11, v2;
	_ =	sdelay $0x1  }
0xe4: {  	s9 =	simm.s32 $0x0;
	v24 =	vadd.f32 v12, v10;
	v10 =	vadd.f32 v13, v11  }
0xe5: {  	s10 =	sand.u32 $0x1F0, s9  }
0xe6: {  	s9 =	simm.s32 $0x10;
	v12 =	vimm.f32 $0.0e+00;
	v25 =	vperm.xlane v24, v3;
	v13 =	vld [tilespmem:s10+$0xA80];
	v11 =	vperm.xlane v10, v3  }
.LBB2_7:
0xe7: {  	p0 =	sne.s32 s9, $0x1B0  }
.Ltmp3:
0xe8: {  	_ = 	snop;
	(pc) =	sbr.rel @p0 .LBB2_7-.Ltmp3, $3  }
0xe9: {  	_ =	sdelay $0x1  }
0xea: {  	s10 =	sand.u32 $0x1F0, s9;
	s9 =	sadd.s32 $0x10, s9;
	v12 =	vadd.f32 v13, v12  }
0xeb: {  	v13 =	vld [tilespmem:s10+$0xA80]  }
0xec: {  	v15 =	vld [tilespmem:$0xC40];
	_ =	sdelay $0x1  }
0xed: {  	v18 =	vld [tilespmem:$0xC50];
	_ =	sdelay $0x1  }
0xee: {  	v20 =	vld [tilespmem:$0xC60]  }
0xef: {  	v15 =	vadd.f32 $0.0e+00, v15  }
0xf0: {  	v21 =	vld [tilespmem:$0xC70]  }
0xf1: {  	v15 =	vadd.f32 v18, v15  }
0xf2: {  	v18 =	vld [tilespmem:$0xC80]  }
0xf3: {  	v15 =	vadd.f32 v20, v15  }
0xf4: {  	v20 =	vld [tilespmem:$0xC90]  }
0xf5: {  	v15 =	vadd.f32 v21, v15  }
0xf6: {  	v56 =	vld [tilespmem:$0xCA0]  }
0xf7: {  	v15 =	vadd.f32 v18, v15  }
0xf8: {  	v18 =	vld [tilespmem:$0xCB0]  }
0xf9: {  	v15 =	vadd.f32 v20, v15  }
0xfa: {  	v20 =	vld [tilespmem:$0xCC0]  }
0xfb: {  	v15 =	vadd.f32 v56, v15  }
0xfc: {  	v57 =	vld [tilespmem:$0xCD0]  }
0xfd: {  	v15 =	vadd.f32 v18, v15  }
0xfe: {  	v18 =	vld [tilespmem:$0xCE0]  }
0xff: {  	v15 =	vadd.f32 v20, v15  }
0x100: {  	v20 =	vld [tilespmem:$0xCF0]  }
0x101: {  	v15 =	vadd.f32 v57, v15  }
0x102: {  	v58 =	vld [tilespmem:$0xD00]  }
0x103: {  	v15 =	vadd.f32 v18, v15  }
0x104: {  	v18 =	vld [tilespmem:$0xD10]  }
0x105: {  	v15 =	vadd.f32 v20, v15  }
0x106: {  	v20 =	vld [tilespmem:$0xD20]  }
0x107: {  	v15 =	vadd.f32 v58, v15  }
0x108: {  	v59 =	vld [tilespmem:$0xD30]  }
0x109: {  	v15 =	vadd.f32 v18, v15  }
0x10a: {  	v18 =	vld [tilespmem:$0xD40]  }
0x10b: {  	v15 =	vadd.f32 v20, v15  }
0x10c: {  	v20 =	vld [tilespmem:$0xD50]  }
0x10d: {  	v15 =	vadd.f32 v59, v15  }
0x10e: {  	v60 =	vld [tilespmem:$0xD60]  }
0x10f: {  	v15 =	vadd.f32 v18, v15  }
0x110: {  	v18 =	vld [tilespmem:$0xD70]  }
0x111: {  	v15 =	vadd.f32 v20, v15  }
0x112: {  	v20 =	vld [tilespmem:$0xD80]  }
0x113: {  	v15 =	vadd.f32 v60, v15  }
0x114: {  	v61 =	vld [tilespmem:$0xD90]  }
0x115: {  	v15 =	vadd.f32 v18, v15  }
0x116: {  	v18 =	vld [tilespmem:$0xDA0]  }
0x117: {  	v15 =	vadd.f32 v20, v15  }
0x118: {  	v20 =	vld [tilespmem:$0xDB0]  }
0x119: {  	v15 =	vadd.f32 v61, v15  }
0x11a: {  	v62 =	vld [tilespmem:$0xDC0]  }
0x11b: {  	v15 =	vadd.f32 v18, v15  }
0x11c: {  	v18 =	vld [tilespmem:$0xDD0]  }
0x11d: {  	v15 =	vadd.f32 v20, v15  }
0x11e: {  	v20 =	vld [tilespmem:$0xDE0]  }
0x11f: {  	v15 =	vadd.f32 v62, v15  }
0x120: {  	v63 =	vld [tilespmem:$0xDF0]  }
0x121: {  	v15 =	vadd.f32 v18, v15;
	_ =	sdelay $0x1  }
0x122: {  	v15 =	vadd.f32 v20, v15;
	_ =	sdelay $0x1  }
0x123: {  	v12 =	vadd.f32 v13, v12;
	v13 =	vadd.f32 v63, v15;
	_ =	sdelay $0x1  }
0x124: {  	v15 =	vperm.xlane v12, v0;
	v18 =	vperm.xlane v13, v0;
	_ =	sdelay $0x1  }
0x125: {  	v12 =	vadd.f32 v15, v12;
	v13 =	vadd.f32 v18, v13;
	_ =	sdelay $0x1  }
0x126: {  	v15 =	vperm.xlane v12, v1;
	v18 =	vperm.xlane v13, v1;
	_ =	sdelay $0x1  }
0x127: {  	v12 =	vadd.f32 v15, v12;
	v13 =	vadd.f32 v18, v13;
	_ =	sdelay $0x1  }
0x128: {  	v15 =	vperm.xlane v12, v2;
	v18 =	vperm.xlane v13, v2;
	_ =	sdelay $0x1  }
0x129: {  	s9 =	simm.s32 $0x0;
	v28 =	vadd.f32 v15, v12;
	v12 =	vadd.f32 v18, v13  }
0x12a: {  	s10 =	sand.u32 $0x1F0, s9  }
0x12b: {  	s9 =	simm.s32 $0x10;
	v15 =	vimm.f32 $0.0e+00;
	v29 =	vperm.xlane v28, v3;
	v18 =	vld [tilespmem:s10+$0xE00];
	v13 =	vperm.xlane v12, v3  }
.LBB2_9:
0x12c: {  	p0 =	sne.s32 s9, $0x1B0  }
.Ltmp4:
0x12d: {  	_ = 	snop;
	(pc) =	sbr.rel @p0 .LBB2_9-.Ltmp4, $3  }
0x12e: {  	_ =	sdelay $0x1  }
0x12f: {  	s10 =	sand.u32 $0x1F0, s9;
	s9 =	sadd.s32 $0x10, s9;
	v15 =	vadd.f32 v18, v15  }
0x130: {  	v18 =	vld [tilespmem:s10+$0xE00]  }
0x131: {  	v20 =	vld [tilespmem:$0xFC0];
	_ =	sdelay $0x1  }
0x132: {  	v21 =	vld [tilespmem:$0xFD0];
	_ =	sdelay $0x1  }
0x133: {  	v22 =	vld [tilespmem:$0xFE0]  }
0x134: {  	v20 =	vadd.f32 $0.0e+00, v20  }
0x135: {  	v23 =	vld [tilespmem:$0xFF0]  }
0x136: {  	v20 =	vadd.f32 v21, v20  }
0x137: {  	v21 =	vld [tilespmem:$0x1000]  }
0x138: {  	v20 =	vadd.f32 v22, v20  }
0x139: {  	v22 =	vld [tilespmem:$0x1010]  }
0x13a: {  	v20 =	vadd.f32 v23, v20  }
0x13b: {  	v23 =	vld [tilespmem:$0x1020]  }
0x13c: {  	v20 =	vadd.f32 v21, v20  }
0x13d: {  	v21 =	vld [tilespmem:$0x1030]  }
0x13e: {  	v20 =	vadd.f32 v22, v20  }
0x13f: {  	v22 =	vld [tilespmem:$0x1040]  }
0x140: {  	v20 =	vadd.f32 v23, v20  }
0x141: {  	v23 =	vld [tilespmem:$0x1050]  }
0x142: {  	v20 =	vadd.f32 v21, v20  }
0x143: {  	v21 =	vld [tilespmem:$0x1060]  }
0x144: {  	v20 =	vadd.f32 v22, v20  }
0x145: {  	v22 =	vld [tilespmem:$0x1070]  }
0x146: {  	v20 =	vadd.f32 v23, v20  }
0x147: {  	v23 =	vld [tilespmem:$0x1080]  }
0x148: {  	v20 =	vadd.f32 v21, v20  }
0x149: {  	v21 =	vld [tilespmem:$0x1090]  }
0x14a: {  	v20 =	vadd.f32 v22, v20  }
0x14b: {  	v22 =	vld [tilespmem:$0x10A0]  }
0x14c: {  	v20 =	vadd.f32 v23, v20  }
0x14d: {  	v23 =	vld [tilespmem:$0x10B0]  }
0x14e: {  	v20 =	vadd.f32 v21, v20  }
0x14f: {  	v21 =	vld [tilespmem:$0x10C0]  }
0x150: {  	v20 =	vadd.f32 v22, v20  }
0x151: {  	v22 =	vld [tilespmem:$0x10D0]  }
0x152: {  	v20 =	vadd.f32 v23, v20  }
0x153: {  	v23 =	vld [tilespmem:$0x10E0]  }
0x154: {  	v20 =	vadd.f32 v21, v20  }
0x155: {  	v21 =	vld [tilespmem:$0x10F0]  }
0x156: {  	v20 =	vadd.f32 v22, v20  }
0x157: {  	v22 =	vld [tilespmem:$0x1100]  }
0x158: {  	v20 =	vadd.f32 v23, v20  }
0x159: {  	v23 =	vld [tilespmem:$0x1110]  }
0x15a: {  	v20 =	vadd.f32 v21, v20  }
0x15b: {  	v21 =	vld [tilespmem:$0x1120]  }
0x15c: {  	v20 =	vadd.f32 v22, v20  }
0x15d: {  	v22 =	vld [tilespmem:$0x1130]  }
0x15e: {  	v20 =	vadd.f32 v23, v20  }
0x15f: {  	v23 =	vld [tilespmem:$0x1140]  }
0x160: {  	v20 =	vadd.f32 v21, v20  }
0x161: {  	v21 =	vld [tilespmem:$0x1150]  }
0x162: {  	v20 =	vadd.f32 v22, v20  }
0x163: {  	v22 =	vld [tilespmem:$0x1160]  }
0x164: {  	v20 =	vadd.f32 v23, v20  }
0x165: {  	v23 =	vld [tilespmem:$0x1170]  }
0x166: {  	v20 =	vadd.f32 v21, v20;
	_ =	sdelay $0x1  }
0x167: {  	v20 =	vadd.f32 v22, v20;
	_ =	sdelay $0x1  }
0x168: {  	v15 =	vadd.f32 v18, v15;
	v18 =	vadd.f32 v23, v20;
	_ =	sdelay $0x1  }
0x169: {  	v20 =	vperm.xlane v15, v0;
	v21 =	vperm.xlane v18, v0;
	_ =	sdelay $0x1  }
0x16a: {  	v15 =	vadd.f32 v20, v15;
	v18 =	vadd.f32 v21, v18;
	_ =	sdelay $0x1  }
0x16b: {  	v20 =	vperm.xlane v15, v1;
	v21 =	vperm.xlane v18, v1;
	_ =	sdelay $0x1  }
0x16c: {  	v15 =	vadd.f32 v20, v15;
	v18 =	vadd.f32 v21, v18;
	_ =	sdelay $0x1  }
0x16d: {  	v20 =	vperm.xlane v15, v2;
	v21 =	vperm.xlane v18, v2;
	_ =	sdelay $0x1  }
0x16e: {  	s9 =	simm.s32 $0x0;
	v32 =	vadd.f32 v20, v15;
	v15 =	vadd.f32 v21, v18  }
0x16f: {  	s10 =	sand.u32 $0x1F0, s9  }
0x170: {  	s9 =	simm.s32 $0x10;
	v20 =	vimm.f32 $0.0e+00;
	v33 =	vperm.xlane v32, v3;
	v21 =	vld [tilespmem:s10+$0x1180];
	v18 =	vperm.xlane v15, v3  }
.LBB2_11:
0x171: {  	p0 =	sne.s32 s9, $0x1B0  }
.Ltmp5:
0x172: {  	_ = 	snop;
	(pc) =	sbr.rel @p0 .LBB2_11-.Ltmp5, $3  }
0x173: {  	_ =	sdelay $0x1  }
0x174: {  	s10 =	sand.u32 $0x1F0, s9;
	s9 =	sadd.s32 $0x10, s9;
	v20 =	vadd.f32 v21, v20  }
0x175: {  	v21 =	vld [tilespmem:s10+$0x1180]  }
0x176: {  	v22 =	vld [tilespmem:$0x1340];
	_ =	sdelay $0x1  }
0x177: {  	v23 =	vld [tilespmem:$0x1350];
	_ =	sdelay $0x1  }
0x178: {  	v26 =	vld [tilespmem:$0x1360]  }
0x179: {  	v22 =	vadd.f32 $0.0e+00, v22  }
0x17a: {  	v27 =	vld [tilespmem:$0x1370]  }
0x17b: {  	v22 =	vadd.f32 v23, v22  }
0x17c: {  	v23 =	vld [tilespmem:$0x1380]  }
0x17d: {  	v22 =	vadd.f32 v26, v22  }
0x17e: {  	v26 =	vld [tilespmem:$0x1390]  }
0x17f: {  	v22 =	vadd.f32 v27, v22  }
0x180: {  	v27 =	vld [tilespmem:$0x13A0]  }
0x181: {  	v22 =	vadd.f32 v23, v22  }
0x182: {  	v23 =	vld [tilespmem:$0x13B0]  }
0x183: {  	v22 =	vadd.f32 v26, v22  }
0x184: {  	v26 =	vld [tilespmem:$0x13C0]  }
0x185: {  	v22 =	vadd.f32 v27, v22  }
0x186: {  	v27 =	vld [tilespmem:$0x13D0]  }
0x187: {  	v22 =	vadd.f32 v23, v22  }
0x188: {  	v23 =	vld [tilespmem:$0x13E0]  }
0x189: {  	v22 =	vadd.f32 v26, v22  }
0x18a: {  	v26 =	vld [tilespmem:$0x13F0]  }
0x18b: {  	v22 =	vadd.f32 v27, v22  }
0x18c: {  	v27 =	vld [tilespmem:$0x1400]  }
0x18d: {  	v22 =	vadd.f32 v23, v22  }
0x18e: {  	v23 =	vld [tilespmem:$0x1410]  }
0x18f: {  	v22 =	vadd.f32 v26, v22  }
0x190: {  	v26 =	vld [tilespmem:$0x1420]  }
0x191: {  	v22 =	vadd.f32 v27, v22  }
0x192: {  	v27 =	vld [tilespmem:$0x1430]  }
0x193: {  	v22 =	vadd.f32 v23, v22  }
0x194: {  	v23 =	vld [tilespmem:$0x1440]  }
0x195: {  	v22 =	vadd.f32 v26, v22  }
0x196: {  	v26 =	vld [tilespmem:$0x1450]  }
0x197: {  	v22 =	vadd.f32 v27, v22  }
0x198: {  	v27 =	vld [tilespmem:$0x1460]  }
0x199: {  	v22 =	vadd.f32 v23, v22  }
0x19a: {  	v23 =	vld [tilespmem:$0x1470]  }
0x19b: {  	v22 =	vadd.f32 v26, v22  }
0x19c: {  	v26 =	vld [tilespmem:$0x1480]  }
0x19d: {  	v22 =	vadd.f32 v27, v22  }
0x19e: {  	v27 =	vld [tilespmem:$0x1490]  }
0x19f: {  	v22 =	vadd.f32 v23, v22  }
0x1a0: {  	v23 =	vld [tilespmem:$0x14A0]  }
0x1a1: {  	v22 =	vadd.f32 v26, v22  }
0x1a2: {  	v26 =	vld [tilespmem:$0x14B0]  }
0x1a3: {  	v22 =	vadd.f32 v27, v22  }
0x1a4: {  	v27 =	vld [tilespmem:$0x14C0]  }
0x1a5: {  	v22 =	vadd.f32 v23, v22  }
0x1a6: {  	v23 =	vld [tilespmem:$0x14D0]  }
0x1a7: {  	v22 =	vadd.f32 v26, v22  }
0x1a8: {  	v26 =	vld [tilespmem:$0x14E0]  }
0x1a9: {  	v22 =	vadd.f32 v27, v22  }
0x1aa: {  	v27 =	vld [tilespmem:$0x14F0]  }
0x1ab: {  	v22 =	vadd.f32 v23, v22;
	_ =	sdelay $0x1  }
0x1ac: {  	v22 =	vadd.f32 v26, v22;
	_ =	sdelay $0x1  }
0x1ad: {  	v20 =	vadd.f32 v21, v20;
	v21 =	vadd.f32 v27, v22;
	_ =	sdelay $0x1  }
0x1ae: {  	v22 =	vperm.xlane v20, v0;
	v23 =	vperm.xlane v21, v0;
	_ =	sdelay $0x1  }
0x1af: {  	v20 =	vadd.f32 v22, v20;
	v21 =	vadd.f32 v23, v21;
	_ =	sdelay $0x1  }
0x1b0: {  	v22 =	vperm.xlane v20, v1;
	v23 =	vperm.xlane v21, v1;
	_ =	sdelay $0x1  }
0x1b1: {  	v20 =	vadd.f32 v22, v20;
	v21 =	vadd.f32 v23, v21;
	_ =	sdelay $0x1  }
0x1b2: {  	v22 =	vperm.xlane v20, v2;
	v23 =	vperm.xlane v21, v2;
	_ =	sdelay $0x1  }
0x1b3: {  	s9 =	simm.s32 $0x0;
	v36 =	vadd.f32 v22, v20;
	v20 =	vadd.f32 v23, v21  }
0x1b4: {  	s10 =	sand.u32 $0x1F0, s9  }
0x1b5: {  	s9 =	simm.s32 $0x10;
	v22 =	vimm.f32 $0.0e+00;
	v37 =	vperm.xlane v36, v3;
	v23 =	vld [tilespmem:s10+$0x1500];
	v21 =	vperm.xlane v20, v3  }
.LBB2_13:
0x1b6: {  	p0 =	sne.s32 s9, $0x1B0  }
.Ltmp6:
0x1b7: {  	_ = 	snop;
	(pc) =	sbr.rel @p0 .LBB2_13-.Ltmp6, $3  }
0x1b8: {  	_ =	sdelay $0x1  }
0x1b9: {  	s10 =	sand.u32 $0x1F0, s9;
	s9 =	sadd.s32 $0x10, s9;
	v22 =	vadd.f32 v23, v22  }
0x1ba: {  	v23 =	vld [tilespmem:s10+$0x1500]  }
0x1bb: {  	v26 =	vld [tilespmem:$0x16C0];
	_ =	sdelay $0x1  }
0x1bc: {  	v27 =	vld [tilespmem:$0x16D0];
	_ =	sdelay $0x1  }
0x1bd: {  	v30 =	vld [tilespmem:$0x16E0]  }
0x1be: {  	v26 =	vadd.f32 $0.0e+00, v26  }
0x1bf: {  	v31 =	vld [tilespmem:$0x16F0]  }
0x1c0: {  	v26 =	vadd.f32 v27, v26  }
0x1c1: {  	v27 =	vld [tilespmem:$0x1700]  }
0x1c2: {  	v26 =	vadd.f32 v30, v26  }
0x1c3: {  	v30 =	vld [tilespmem:$0x1710]  }
0x1c4: {  	v26 =	vadd.f32 v31, v26  }
0x1c5: {  	v31 =	vld [tilespmem:$0x1720]  }
0x1c6: {  	v26 =	vadd.f32 v27, v26  }
0x1c7: {  	v27 =	vld [tilespmem:$0x1730]  }
0x1c8: {  	v26 =	vadd.f32 v30, v26  }
0x1c9: {  	v30 =	vld [tilespmem:$0x1740]  }
0x1ca: {  	v26 =	vadd.f32 v31, v26  }
0x1cb: {  	v31 =	vld [tilespmem:$0x1750]  }
0x1cc: {  	v26 =	vadd.f32 v27, v26  }
0x1cd: {  	v27 =	vld [tilespmem:$0x1760]  }
0x1ce: {  	v26 =	vadd.f32 v30, v26  }
0x1cf: {  	v30 =	vld [tilespmem:$0x1770]  }
0x1d0: {  	v26 =	vadd.f32 v31, v26  }
0x1d1: {  	v31 =	vld [tilespmem:$0x1780]  }
0x1d2: {  	v26 =	vadd.f32 v27, v26  }
0x1d3: {  	v27 =	vld [tilespmem:$0x1790]  }
0x1d4: {  	v26 =	vadd.f32 v30, v26  }
0x1d5: {  	v30 =	vld [tilespmem:$0x17A0]  }
0x1d6: {  	v26 =	vadd.f32 v31, v26  }
0x1d7: {  	v31 =	vld [tilespmem:$0x17B0]  }
0x1d8: {  	v26 =	vadd.f32 v27, v26  }
0x1d9: {  	v27 =	vld [tilespmem:$0x17C0]  }
0x1da: {  	v26 =	vadd.f32 v30, v26  }
0x1db: {  	v30 =	vld [tilespmem:$0x17D0]  }
0x1dc: {  	v26 =	vadd.f32 v31, v26  }
0x1dd: {  	v31 =	vld [tilespmem:$0x17E0]  }
0x1de: {  	v26 =	vadd.f32 v27, v26  }
0x1df: {  	v27 =	vld [tilespmem:$0x17F0]  }
0x1e0: {  	v26 =	vadd.f32 v30, v26  }
0x1e1: {  	v30 =	vld [tilespmem:$0x1800]  }
0x1e2: {  	v26 =	vadd.f32 v31, v26  }
0x1e3: {  	v31 =	vld [tilespmem:$0x1810]  }
0x1e4: {  	v26 =	vadd.f32 v27, v26  }
0x1e5: {  	v27 =	vld [tilespmem:$0x1820]  }
0x1e6: {  	v26 =	vadd.f32 v30, v26  }
0x1e7: {  	v30 =	vld [tilespmem:$0x1830]  }
0x1e8: {  	v26 =	vadd.f32 v31, v26  }
0x1e9: {  	v31 =	vld [tilespmem:$0x1840]  }
0x1ea: {  	v26 =	vadd.f32 v27, v26  }
0x1eb: {  	v27 =	vld [tilespmem:$0x1850]  }
0x1ec: {  	v26 =	vadd.f32 v30, v26  }
0x1ed: {  	v30 =	vld [tilespmem:$0x1860]  }
0x1ee: {  	v26 =	vadd.f32 v31, v26  }
0x1ef: {  	v31 =	vld [tilespmem:$0x1870]  }
0x1f0: {  	v26 =	vadd.f32 v27, v26;
	_ =	sdelay $0x1  }
0x1f1: {  	v26 =	vadd.f32 v30, v26;
	_ =	sdelay $0x1  }
0x1f2: {  	v22 =	vadd.f32 v23, v22;
	v23 =	vadd.f32 v31, v26;
	_ =	sdelay $0x1  }
0x1f3: {  	v26 =	vperm.xlane v22, v0;
	v27 =	vperm.xlane v23, v0;
	_ =	sdelay $0x1  }
0x1f4: {  	v22 =	vadd.f32 v26, v22;
	v23 =	vadd.f32 v27, v23;
	_ =	sdelay $0x1  }
0x1f5: {  	v26 =	vperm.xlane v22, v1;
	v27 =	vperm.xlane v23, v1;
	_ =	sdelay $0x1  }
0x1f6: {  	v22 =	vadd.f32 v26, v22;
	v23 =	vadd.f32 v27, v23;
	_ =	sdelay $0x1  }
0x1f7: {  	v26 =	vperm.xlane v22, v2;
	v27 =	vperm.xlane v23, v2;
	_ =	sdelay $0x1  }
0x1f8: {  	s9 =	simm.s32 $0x0;
	v40 =	vadd.f32 v26, v22;
	v22 =	vadd.f32 v27, v23  }
0x1f9: {  	s10 =	sand.u32 $0x1F0, s9  }
0x1fa: {  	s9 =	simm.s32 $0x10;
	v26 =	vimm.f32 $0.0e+00;
	v41 =	vperm.xlane v40, v3;
	v27 =	vld [tilespmem:s10+$0x1880];
	v23 =	vperm.xlane v22, v3  }
.LBB2_15:
0x1fb: {  	p0 =	sne.s32 s9, $0x1B0  }
.Ltmp7:
0x1fc: {  	_ = 	snop;
	(pc) =	sbr.rel @p0 .LBB2_15-.Ltmp7, $3  }
0x1fd: {  	_ =	sdelay $0x1  }
0x1fe: {  	s10 =	sand.u32 $0x1F0, s9;
	s9 =	sadd.s32 $0x10, s9;
	v26 =	vadd.f32 v27, v26  }
0x1ff: {  	v27 =	vld [tilespmem:s10+$0x1880]  }
0x200: {  	v30 =	vld [tilespmem:$0x1A40];
	_ =	sdelay $0x1  }
0x201: {  	v31 =	vld [tilespmem:$0x1A50];
	_ =	sdelay $0x1  }
0x202: {  	v34 =	vld [tilespmem:$0x1A60]  }
0x203: {  	v30 =	vadd.f32 $0.0e+00, v30  }
0x204: {  	v35 =	vld [tilespmem:$0x1A70]  }
0x205: {  	v30 =	vadd.f32 v31, v30  }
0x206: {  	v31 =	vld [tilespmem:$0x1A80]  }
0x207: {  	v30 =	vadd.f32 v34, v30  }
0x208: {  	v48 =	vld [tilespmem:$0x1A90]  }
0x209: {  	v30 =	vadd.f32 v35, v30  }
0x20a: {  	v49 =	vld [tilespmem:$0x1AA0]  }
0x20b: {  	v30 =	vadd.f32 v31, v30  }
0x20c: {  	v31 =	vld [tilespmem:$0x1AB0]  }
0x20d: {  	v30 =	vadd.f32 v48, v30  }
0x20e: {  	v50 =	vld [tilespmem:$0x1AC0]  }
0x20f: {  	v30 =	vadd.f32 v49, v30  }
0x210: {  	v51 =	vld [tilespmem:$0x1AD0]  }
0x211: {  	v30 =	vadd.f32 v31, v30  }
0x212: {  	v31 =	vld [tilespmem:$0x1AE0]  }
0x213: {  	v30 =	vadd.f32 v50, v30  }
0x214: {  	v52 =	vld [tilespmem:$0x1AF0]  }
0x215: {  	v30 =	vadd.f32 v51, v30  }
0x216: {  	v53 =	vld [tilespmem:$0x1B00]  }
0x217: {  	v30 =	vadd.f32 v31, v30  }
0x218: {  	v31 =	vld [tilespmem:$0x1B10]  }
0x219: {  	v30 =	vadd.f32 v52, v30  }
0x21a: {  	v54 =	vld [tilespmem:$0x1B20]  }
0x21b: {  	v30 =	vadd.f32 v53, v30  }
0x21c: {  	v55 =	vld [tilespmem:$0x1B30]  }
0x21d: {  	v30 =	vadd.f32 v31, v30  }
0x21e: {  	v31 =	vld [tilespmem:$0x1B40]  }
0x21f: {  	v30 =	vadd.f32 v54, v30  }
0x220: {  	v56 =	vld [tilespmem:$0x1B50]  }
0x221: {  	v30 =	vadd.f32 v55, v30  }
0x222: {  	v57 =	vld [tilespmem:$0x1B60]  }
0x223: {  	v30 =	vadd.f32 v31, v30  }
0x224: {  	v31 =	vld [tilespmem:$0x1B70]  }
0x225: {  	v30 =	vadd.f32 v56, v30  }
0x226: {  	v58 =	vld [tilespmem:$0x1B80]  }
0x227: {  	v30 =	vadd.f32 v57, v30  }
0x228: {  	v59 =	vld [tilespmem:$0x1B90]  }
0x229: {  	v30 =	vadd.f32 v31, v30  }
0x22a: {  	v31 =	vld [tilespmem:$0x1BA0]  }
0x22b: {  	v30 =	vadd.f32 v58, v30  }
0x22c: {  	v60 =	vld [tilespmem:$0x1BB0]  }
0x22d: {  	v30 =	vadd.f32 v59, v30  }
0x22e: {  	v61 =	vld [tilespmem:$0x1BC0]  }
0x22f: {  	v30 =	vadd.f32 v31, v30  }
0x230: {  	v31 =	vld [tilespmem:$0x1BD0]  }
0x231: {  	v30 =	vadd.f32 v60, v30  }
0x232: {  	v62 =	vld [tilespmem:$0x1BE0]  }
0x233: {  	v30 =	vadd.f32 v61, v30  }
0x234: {  	v63 =	vld [tilespmem:$0x1BF0]  }
0x235: {  	v30 =	vadd.f32 v31, v30;
	_ =	sdelay $0x1  }
0x236: {  	v30 =	vadd.f32 v62, v30;
	_ =	sdelay $0x1  }
0x237: {  	v26 =	vadd.f32 v27, v26;
	v27 =	vadd.f32 v63, v30;
	_ =	sdelay $0x1  }
0x238: {  	v30 =	vperm.xlane v26, v0;
	v31 =	vperm.xlane v27, v0;
	_ =	sdelay $0x1  }
0x239: {  	v26 =	vadd.f32 v30, v26;
	v27 =	vadd.f32 v31, v27;
	_ =	sdelay $0x1  }
0x23a: {  	v30 =	vperm.xlane v26, v1;
	v31 =	vperm.xlane v27, v1;
	_ =	sdelay $0x1  }
0x23b: {  	v26 =	vadd.f32 v30, v26;
	v27 =	vadd.f32 v31, v27;
	_ =	sdelay $0x1  }
0x23c: {  	v30 =	vperm.xlane v26, v2;
	v31 =	vperm.xlane v27, v2;
	_ =	sdelay $0x1  }
0x23d: {  	s9 =	simm.s32 $0x0;
	v42 =	vadd.f32 v30, v26;
	v26 =	vadd.f32 v31, v27  }
0x23e: {  	s10 =	sand.u32 $0x1F0, s9  }
0x23f: {  	s9 =	simm.s32 $0x10;
	v30 =	vimm.f32 $0.0e+00;
	v43 =	vperm.xlane v42, v3;
	v31 =	vld [tilespmem:s10+$0x1C00];
	v27 =	vperm.xlane v26, v3  }
.LBB2_17:
0x240: {  	p0 =	sne.s32 s9, $0x1B0  }
.Ltmp8:
0x241: {  	_ = 	snop;
	(pc) =	sbr.rel @p0 .LBB2_17-.Ltmp8, $3  }
0x242: {  	_ =	sdelay $0x1  }
0x243: {  	s10 =	sand.u32 $0x1F0, s9;
	s9 =	sadd.s32 $0x10, s9;
	v30 =	vadd.f32 v31, v30  }
0x244: {  	v31 =	vld [tilespmem:s10+$0x1C00]  }
0x245: {  	v34 =	vld [tilespmem:$0x1DC0];
	_ =	sdelay $0x1  }
0x246: {  	v35 =	vld [tilespmem:$0x1DD0];
	_ =	sdelay $0x1  }
0x247: {  	v38 =	vld [tilespmem:$0x1DE0]  }
0x248: {  	v34 =	vadd.f32 $0.0e+00, v34  }
0x249: {  	v39 =	vld [tilespmem:$0x1DF0]  }
0x24a: {  	v34 =	vadd.f32 v35, v34  }
0x24b: {  	v58 =	vld [tilespmem:$0x1E00]  }
0x24c: {  	v34 =	vadd.f32 v38, v34  }
0x24d: {  	v59 =	vld [tilespmem:$0x1E10]  }
0x24e: {  	v34 =	vadd.f32 v39, v34  }
0x24f: {  	v60 =	vld [tilespmem:$0x1E20]  }
0x250: {  	v34 =	vadd.f32 v58, v34  }
0x251: {  	v61 =	vld [tilespmem:$0x1E30]  }
0x252: {  	v34 =	vadd.f32 v59, v34  }
0x253: {  	v62 =	vld [tilespmem:$0x1E40]  }
0x254: {  	v34 =	vadd.f32 v60, v34  }
0x255: {  	v63 =	vld [tilespmem:$0x1E50]  }
0x256: {  	v34 =	vadd.f32 v61, v34  }
0x257: {  	v44 =	vld [tilespmem:$0x1E60]  }
0x258: {  	v34 =	vadd.f32 v62, v34  }
0x259: {  	v45 =	vld [tilespmem:$0x1E70]  }
0x25a: {  	v34 =	vadd.f32 v63, v34  }
0x25b: {  	v46 =	vld [tilespmem:$0x1E80]  }
0x25c: {  	v34 =	vadd.f32 v44, v34  }
0x25d: {  	v47 =	vld [tilespmem:$0x1E90]  }
0x25e: {  	v34 =	vadd.f32 v45, v34  }
0x25f: {  	v48 =	vld [tilespmem:$0x1EA0]  }
0x260: {  	v34 =	vadd.f32 v46, v34  }
0x261: {  	v49 =	vld [tilespmem:$0x1EB0]  }
0x262: {  	v34 =	vadd.f32 v47, v34  }
0x263: {  	v50 =	vld [tilespmem:$0x1EC0]  }
0x264: {  	v34 =	vadd.f32 v48, v34  }
0x265: {  	v51 =	vld [tilespmem:$0x1ED0]  }
0x266: {  	v34 =	vadd.f32 v49, v34  }
0x267: {  	v52 =	vld [tilespmem:$0x1EE0]  }
0x268: {  	v34 =	vadd.f32 v50, v34  }
0x269: {  	v53 =	vld [tilespmem:$0x1EF0]  }
0x26a: {  	v34 =	vadd.f32 v51, v34  }
0x26b: {  	v54 =	vld [tilespmem:$0x1F00]  }
0x26c: {  	v34 =	vadd.f32 v52, v34  }
0x26d: {  	v55 =	vld [tilespmem:$0x1F10]  }
0x26e: {  	v34 =	vadd.f32 v53, v34  }
0x26f: {  	v56 =	vld [tilespmem:$0x1F20]  }
0x270: {  	v34 =	vadd.f32 v54, v34  }
0x271: {  	v57 =	vld [tilespmem:$0x1F30]  }
0x272: {  	v34 =	vadd.f32 v55, v34  }
0x273: {  	v58 =	vld [tilespmem:$0x1F40]  }
0x274: {  	v34 =	vadd.f32 v56, v34  }
0x275: {  	v59 =	vld [tilespmem:$0x1F50]  }
0x276: {  	v34 =	vadd.f32 v57, v34  }
0x277: {  	v60 =	vld [tilespmem:$0x1F60]  }
0x278: {  	v34 =	vadd.f32 v58, v34  }
0x279: {  	v61 =	vld [tilespmem:$0x1F70]  }
0x27a: {  	v34 =	vadd.f32 v59, v34;
	_ =	sdelay $0x1  }
0x27b: {  	v34 =	vadd.f32 v60, v34;
	_ =	sdelay $0x1  }
0x27c: {  	v30 =	vadd.f32 v31, v30;
	v31 =	vadd.f32 v61, v34;
	_ =	sdelay $0x1  }
0x27d: {  	v62 =	vperm.xlane v30, v0;
	v63 =	vperm.xlane v31, v0;
	_ =	sdelay $0x1  }
0x27e: {  	v30 =	vadd.f32 v62, v30;
	v31 =	vadd.f32 v63, v31;
	_ =	sdelay $0x1  }
0x27f: {  	v34 =	vperm.xlane v30, v1;
	v35 =	vperm.xlane v31, v1;
	_ =	sdelay $0x1  }
0x280: {  	v30 =	vadd.f32 v34, v30;
	v31 =	vadd.f32 v35, v31;
	_ =	sdelay $0x1  }
0x281: {  	v34 =	vperm.xlane v30, v2;
	v35 =	vperm.xlane v31, v2;
	_ =	sdelay $0x1  }
0x282: {  	s9 =	simm.s32 $0x0;
	v44 =	vadd.f32 v34, v30;
	v30 =	vadd.f32 v35, v31  }
0x283: {  	s10 =	sand.u32 $0x1F0, s9  }
0x284: {  	s9 =	simm.s32 $0x10;
	v34 =	vimm.f32 $0.0e+00;
	v45 =	vperm.xlane v44, v3;
	v35 =	vld [tilespmem:s10+$0x1F80];
	v31 =	vperm.xlane v30, v3  }
.LBB2_19:
0x285: {  	p0 =	sne.s32 s9, $0x1B0  }
.Ltmp9:
0x286: {  	_ = 	snop;
	(pc) =	sbr.rel @p0 .LBB2_19-.Ltmp9, $3  }
0x287: {  	_ =	sdelay $0x1  }
0x288: {  	s10 =	sand.u32 $0x1F0, s9;
	s9 =	sadd.s32 $0x10, s9;
	v34 =	vadd.f32 v35, v34  }
0x289: {  	v35 =	vld [tilespmem:s10+$0x1F80]  }
0x28a: {  	v38 =	vld [tilespmem:$0x2140];
	_ =	sdelay $0x1  }
0x28b: {  	v39 =	vld [tilespmem:$0x2150];
	_ =	sdelay $0x1  }
0x28c: {  	v46 =	vld [tilespmem:$0x2160]  }
0x28d: {  	v38 =	vadd.f32 $0.0e+00, v38  }
0x28e: {  	v47 =	vld [tilespmem:$0x2170]  }
0x28f: {  	v38 =	vadd.f32 v39, v38  }
0x290: {  	v53 =	vld [tilespmem:$0x2180]  }
0x291: {  	v38 =	vadd.f32 v46, v38  }
0x292: {  	v54 =	vld [tilespmem:$0x2190]  }
0x293: {  	v38 =	vadd.f32 v47, v38  }
0x294: {  	v55 =	vld [tilespmem:$0x21A0]  }
0x295: {  	v38 =	vadd.f32 v53, v38  }
0x296: {  	v56 =	vld [tilespmem:$0x21B0]  }
0x297: {  	v38 =	vadd.f32 v54, v38  }
0x298: {  	v57 =	vld [tilespmem:$0x21C0]  }
0x299: {  	v38 =	vadd.f32 v55, v38  }
0x29a: {  	v58 =	vld [tilespmem:$0x21D0]  }
0x29b: {  	v38 =	vadd.f32 v56, v38  }
0x29c: {  	v59 =	vld [tilespmem:$0x21E0]  }
0x29d: {  	v38 =	vadd.f32 v57, v38  }
0x29e: {  	v60 =	vld [tilespmem:$0x21F0]  }
0x29f: {  	v38 =	vadd.f32 v58, v38  }
0x2a0: {  	v61 =	vld [tilespmem:$0x2200]  }
0x2a1: {  	v38 =	vadd.f32 v59, v38  }
0x2a2: {  	v62 =	vld [tilespmem:$0x2210]  }
0x2a3: {  	v38 =	vadd.f32 v60, v38  }
0x2a4: {  	v63 =	vld [tilespmem:$0x2220]  }
0x2a5: {  	v38 =	vadd.f32 v61, v38  }
0x2a6: {  	v48 =	vld [tilespmem:$0x2230]  }
0x2a7: {  	v38 =	vadd.f32 v62, v38  }
0x2a8: {  	v49 =	vld [tilespmem:$0x2240]  }
0x2a9: {  	v38 =	vadd.f32 v63, v38  }
0x2aa: {  	v50 =	vld [tilespmem:$0x2250]  }
0x2ab: {  	v38 =	vadd.f32 v48, v38  }
0x2ac: {  	v51 =	vld [tilespmem:$0x2260]  }
0x2ad: {  	v38 =	vadd.f32 v49, v38  }
0x2ae: {  	v52 =	vld [tilespmem:$0x2270]  }
0x2af: {  	v38 =	vadd.f32 v50, v38  }
0x2b0: {  	v53 =	vld [tilespmem:$0x2280]  }
0x2b1: {  	v38 =	vadd.f32 v51, v38  }
0x2b2: {  	v54 =	vld [tilespmem:$0x2290]  }
0x2b3: {  	v38 =	vadd.f32 v52, v38  }
0x2b4: {  	v55 =	vld [tilespmem:$0x22A0]  }
0x2b5: {  	v38 =	vadd.f32 v53, v38  }
0x2b6: {  	v56 =	vld [tilespmem:$0x22B0]  }
0x2b7: {  	v38 =	vadd.f32 v54, v38  }
0x2b8: {  	v57 =	vld [tilespmem:$0x22C0]  }
0x2b9: {  	v38 =	vadd.f32 v55, v38  }
0x2ba: {  	v58 =	vld [tilespmem:$0x22D0]  }
0x2bb: {  	v38 =	vadd.f32 v56, v38  }
0x2bc: {  	v59 =	vld [tilespmem:$0x22E0]  }
0x2bd: {  	v38 =	vadd.f32 v57, v38  }
0x2be: {  	v60 =	vld [tilespmem:$0x22F0]  }
0x2bf: {  	v38 =	vadd.f32 v58, v38;
	_ =	sdelay $0x1  }
0x2c0: {  	v38 =	vadd.f32 v59, v38;
	_ =	sdelay $0x1  }
0x2c1: {  	v34 =	vadd.f32 v35, v34;
	v61 =	vadd.f32 v60, v38;
	_ =	sdelay $0x1  }
0x2c2: {  	v62 =	vperm.xlane v34, v0;
	v63 =	vperm.xlane v61, v0;
	_ =	sdelay $0x1  }
0x2c3: {  	v34 =	vadd.f32 v62, v34;
	v35 =	vadd.f32 v63, v61;
	_ =	sdelay $0x1  }
0x2c4: {  	v38 =	vperm.xlane v34, v1;
	v39 =	vperm.xlane v35, v1;
	_ =	sdelay $0x1  }
0x2c5: {  	v34 =	vadd.f32 v38, v34;
	v35 =	vadd.f32 v39, v35;
	_ =	sdelay $0x1  }
0x2c6: {  	v38 =	vperm.xlane v34, v2;
	v39 =	vperm.xlane v35, v2;
	_ =	sdelay $0x1  }
0x2c7: {  	s9 =	simm.s32 $0x0;
	v48 =	vadd.f32 v38, v34;
	v34 =	vadd.f32 v39, v35  }
0x2c8: {  	s10 =	sand.u32 $0x1F0, s9  }
0x2c9: {  	s9 =	simm.s32 $0x10;
	v38 =	vimm.f32 $0.0e+00;
	v49 =	vperm.xlane v48, v3;
	v39 =	vld [tilespmem:s10+$0x2300];
	v35 =	vperm.xlane v34, v3  }
.LBB2_21:
0x2ca: {  	p0 =	sne.s32 s9, $0x1B0  }
.Ltmp10:
0x2cb: {  	_ = 	snop;
	(pc) =	sbr.rel @p0 .LBB2_21-.Ltmp10, $3  }
0x2cc: {  	_ =	sdelay $0x1  }
0x2cd: {  	s10 =	sand.u32 $0x1F0, s9;
	s9 =	sadd.s32 $0x10, s9;
	v38 =	vadd.f32 v39, v38  }
0x2ce: {  	v39 =	vld [tilespmem:s10+$0x2300]  }
0x2cf: {  	v46 =	vld [tilespmem:$0x24C0];
	_ =	sdelay $0x1  }
0x2d0: {  	v47 =	vld [tilespmem:$0x24D0];
	_ =	sdelay $0x1  }
0x2d1: {  	v50 =	vld [tilespmem:$0x24E0]  }
0x2d2: {  	v46 =	vadd.f32 $0.0e+00, v46  }
0x2d3: {  	v51 =	vld [tilespmem:$0x24F0]  }
0x2d4: {  	v46 =	vadd.f32 v47, v46  }
0x2d5: {  	v57 =	vld [tilespmem:$0x2500]  }
0x2d6: {  	v46 =	vadd.f32 v50, v46  }
0x2d7: {  	v58 =	vld [tilespmem:$0x2510]  }
0x2d8: {  	v46 =	vadd.f32 v51, v46  }
0x2d9: {  	v59 =	vld [tilespmem:$0x2520]  }
0x2da: {  	v46 =	vadd.f32 v57, v46  }
0x2db: {  	v60 =	vld [tilespmem:$0x2530]  }
0x2dc: {  	v46 =	vadd.f32 v58, v46  }
0x2dd: {  	v61 =	vld [tilespmem:$0x2540]  }
0x2de: {  	v46 =	vadd.f32 v59, v46  }
0x2df: {  	v62 =	vld [tilespmem:$0x2550]  }
0x2e0: {  	v46 =	vadd.f32 v60, v46  }
0x2e1: {  	v63 =	vld [tilespmem:$0x2560]  }
0x2e2: {  	v46 =	vadd.f32 v61, v46  }
0x2e3: {  	v54 =	vld [tilespmem:$0x2570]  }
0x2e4: {  	v46 =	vadd.f32 v62, v46  }
0x2e5: {  	v55 =	vld [tilespmem:$0x2580]  }
0x2e6: {  	v46 =	vadd.f32 v63, v46  }
0x2e7: {  	v56 =	vld [tilespmem:$0x2590]  }
0x2e8: {  	v46 =	vadd.f32 v54, v46  }
0x2e9: {  	v57 =	vld [tilespmem:$0x25A0]  }
0x2ea: {  	v46 =	vadd.f32 v55, v46  }
0x2eb: {  	v58 =	vld [tilespmem:$0x25B0]  }
0x2ec: {  	v46 =	vadd.f32 v56, v46  }
0x2ed: {  	v59 =	vld [tilespmem:$0x25C0]  }
0x2ee: {  	v46 =	vadd.f32 v57, v46  }
0x2ef: {  	v60 =	vld [tilespmem:$0x25D0]  }
0x2f0: {  	v46 =	vadd.f32 v58, v46  }
0x2f1: {  	v61 =	vld [tilespmem:$0x25E0]  }
0x2f2: {  	v46 =	vadd.f32 v59, v46  }
0x2f3: {  	v62 =	vld [tilespmem:$0x25F0]  }
0x2f4: {  	v46 =	vadd.f32 v60, v46  }
0x2f5: {  	v63 =	vld [tilespmem:$0x2600]  }
0x2f6: {  	v46 =	vadd.f32 v61, v46  }
0x2f7: {  	v54 =	vld [tilespmem:$0x2610]  }
0x2f8: {  	v46 =	vadd.f32 v62, v46  }
0x2f9: {  	v55 =	vld [tilespmem:$0x2620]  }
0x2fa: {  	v46 =	vadd.f32 v63, v46  }
0x2fb: {  	v56 =	vld [tilespmem:$0x2630]  }
0x2fc: {  	v46 =	vadd.f32 v54, v46  }
0x2fd: {  	v57 =	vld [tilespmem:$0x2640]  }
0x2fe: {  	v46 =	vadd.f32 v55, v46  }
0x2ff: {  	v58 =	vld [tilespmem:$0x2650]  }
0x300: {  	v46 =	vadd.f32 v56, v46  }
0x301: {  	v59 =	vld [tilespmem:$0x2660]  }
0x302: {  	v46 =	vadd.f32 v57, v46  }
0x303: {  	v60 =	vld [tilespmem:$0x2670]  }
0x304: {  	v46 =	vadd.f32 v58, v46;
	_ =	sdelay $0x1  }
0x305: {  	v46 =	vadd.f32 v59, v46;
	_ =	sdelay $0x1  }
0x306: {  	v38 =	vadd.f32 v39, v38;
	v61 =	vadd.f32 v60, v46;
	_ =	sdelay $0x1  }
0x307: {  	v62 =	vperm.xlane v38, v0;
	v63 =	vperm.xlane v61, v0;
	_ =	sdelay $0x1  }
0x308: {  	v38 =	vadd.f32 v62, v38;
	v39 =	vadd.f32 v63, v61;
	_ =	sdelay $0x1  }
0x309: {  	v46 =	vperm.xlane v38, v1;
	v47 =	vperm.xlane v39, v1;
	_ =	sdelay $0x1  }
0x30a: {  	v38 =	vadd.f32 v46, v38;
	v39 =	vadd.f32 v47, v39;
	_ =	sdelay $0x1  }
0x30b: {  	v46 =	vperm.xlane v38, v2;
	v47 =	vperm.xlane v39, v2;
	_ =	sdelay $0x1  }
0x30c: {  	s9 =	simm.s32 $0x0;
	v50 =	vadd.f32 v46, v38;
	v38 =	vadd.f32 v47, v39  }
0x30d: {  	s10 =	sand.u32 $0x1F0, s9  }
0x30e: {  	s9 =	simm.s32 $0x10;
	v46 =	vimm.f32 $0.0e+00;
	v51 =	vperm.xlane v50, v3;
	v47 =	vld [tilespmem:s10+$0x2680];
	v39 =	vperm.xlane v38, v3  }
.LBB2_23:
0x30f: {  	p0 =	sne.s32 s9, $0x1B0  }
.Ltmp11:
0x310: {  	_ = 	snop;
	(pc) =	sbr.rel @p0 .LBB2_23-.Ltmp11, $3  }
0x311: {  	_ =	sdelay $0x1  }
0x312: {  	s10 =	sand.u32 $0x1F0, s9;
	s9 =	sadd.s32 $0x10, s9;
	v46 =	vadd.f32 v47, v46  }
0x313: {  	v47 =	vld [tilespmem:s10+$0x2680]  }
0x314: {  	_ = 	snop  }
0x315: {  	v52 =	vadd.f32 v16, v14;
	v53 =	vadd.f32 v19, v17;
	_ =	sdelay $0x1  }
0x316: {  	v16 =	vsub.f32 v52, v53  }
0x317: {  	v55 =	vimm.s32 $0x0;
	v59 =	vadd.f32 v47, v46  }
0x318: {  	v47 =	vadd.f32 v25, v24;
	v46 =	vadd.f32 v29, v28;
	v61 =	vmul.f32 $5.000000000e-01, v16  }
0x319: {  	v29 =	vadd.f32 v33, v32;
	v28 =	vadd.f32 v37, v36;
	v60 =	vperm.xlane v59, v0  }
0x31a: {  	v24 =	vsub.f32 v52, v47;
	v16 =	vmul.f32 v61, v16;
	v63 =	vsub.f32 v52, v46  }
0x31b: {  	v57 =	vimm.s32 $0x0;
	v32 =	vsub.f32 v52, v29;
	v14 =	vadd.f32 v60, v59  }
0x31c: {  	v62 =	vmul.f32 $5.000000000e-01, v24;
	vm0 =	vgt.f32 v16, $0.0e+00;
	v56 =	vmul.f32 $5.000000000e-01, v63  }
0x31d: {  	v58 =	vmul.f32 $5.000000000e-01, v32;
	v59 =	vsub.f32 v52, v28;
	v60 =	vimm.s32 $0x0  }
0x31e: {  	v25 =	vsel vm0, $0xFFFFFFFF, v55;
	v54 =	vperm.xlane v14, v1;
	v17 =	vmul.f32 v62, v24  }
0x31f: {  	v16 =	vnsel vm0, $0x0, v16;
	[tilespmem:$0x1F880] =	vst v25;
	v25 =	vadd.f32 v41, v40;
	v19 =	vmul.f32 v56, v63  }
0x320: {  	v61 =	vmul.f32 $5.000000000e-01, v59;
	vm0 =	vgt.f32 v17, v16;
	v14 =	vadd.f32 v54, v14  }
0x321: {  	v62 =	vsub.f32 v52, v25;
	v54 =	vimm.s32 $0x0;
	v33 =	vsel vm0, $0xFFFFFFFF, v57  }
0x322: {  	v16 =	vsel vm0, v17, v16;
	v17 =	vmul.f32 v58, v32;
	v32 =	vmul.f32 v61, v59  }
0x323: {  	v57 =	vimm.s32 $0x0;
	vm0 =	vgt.f32 v19, v16;
	v63 =	vperm.xlane v14, v2  }
0x324: {  	v55 =	vmul.f32 $5.000000000e-01, v62;
	v24 =	vsel vm0, $0xFFFFFFFF, v60;
	v16 =	vsel vm0, v19, v16  }
0x325: {  	v60 =	vimm.s32 $0x0;
	[tilespmem:$0x1F8A0] =	vst v24;
	v24 =	vadd.f32 v43, v42;
	vm0 =	vgt.f32 v17, v16  }
0x326: {  	[tilespmem:$0x1F890] =	vst v33;
	v33 =	vmul.f32 v55, v62;
	v37 =	vadd.f32 v63, v14;
	v19 =	vsel vm0, $0xFFFFFFFF, v54  }
0x327: {  	v17 =	vsel vm0, v17, v16;
	v16 =	vadd.f32 v49, v48;
	[tilespmem:$0x1F8B0] =	vst v19;
	v19 =	vadd.f32 v45, v44  }
0x328: {  	v56 =	vsub.f32 v52, v24;
	vm0 =	vgt.f32 v32, v17;
	v63 =	vperm.xlane v37, v3  }
0x329: {  	v45 =	vimm.s32 $0x0;
	v41 =	vsel vm0, $0xFFFFFFFF, v57;
	v17 =	vsel vm0, v32, v17  }
0x32a: {  	v62 =	vsub.f32 v52, v16;
	v58 =	vmul.f32 $5.000000000e-01, v56;
	vm0 =	vgt.f32 v33, v17  }
0x32b: {  	v44 =	vsub.f32 v53, v29;
	v59 =	vsub.f32 v52, v19;
	v14 =	vsel vm0, $0xFFFFFFFF, v60  }
0x32c: {  	v33 =	vsel vm0, v33, v17;
	v48 =	vmul.f32 $5.000000000e-01, v62;
	v32 =	vmul.f32 v58, v56  }
0x32d: {  	[tilespmem:$0x1F8D0] =	vst v14;
	v61 =	vmul.f32 $5.000000000e-01, v59;
	v14 =	vadd.f32 v51, v50;
	v50 =	vimm.s32 $0x0  }
0x32e: {  	v56 =	vimm.s32 $0x0;
	v58 =	vsub.f32 v53, v47;
	v51 =	vmul.f32 v48, v62  }
0x32f: {  	v62 =	vimm.s32 $0x0;
	v48 =	vmul.f32 $5.000000000e-01, v44;
	vm0 =	vgt.f32 v32, v33  }
0x330: {  	v36 =	vmul.f32 v61, v59;
	v49 =	vsub.f32 v52, v14;
	v59 =	vimm.s32 $0x0  }
0x331: {  	v60 =	vmul.f32 $5.000000000e-01, v58;
	v61 =	vsub.f32 v53, v46;
	v17 =	vsel vm0, $0xFFFFFFFF, v45  }
0x332: {  	v32 =	vsel vm0, v32, v33;
	v45 =	vimm.s32 $0x0;
	[tilespmem:$0x1F8E0] =	vst v17;
	v17 =	vadd.f32 v63, v37  }
0x333: {  	vm0 =	vgt.f32 v36, v32;
	v54 =	vmul.f32 $5.000000000e-01, v49;
	v63 =	vmul.f32 $5.000000000e-01, v61  }
0x334: {  	v37 =	vsel vm0, $0xFFFFFFFF, v50;
	v32 =	vsel vm0, v36, v32;
	v50 =	vimm.s32 $0x0  }
0x335: {  	v55 =	vsub.f32 v52, v17;
	vm0 =	vgt.f32 v51, v32;
	v33 =	vmul.f32 v54, v49  }
0x336: {  	v49 =	vsub.f32 v53, v28;
	v52 =	vsub.f32 v53, v25;
	v54 =	vimm.s32 $0x0  }
0x337: {  	[tilespmem:$0x1F8C0] =	vst v41;
	v41 =	vsel vm0, $0xFFFFFFFF, v56;
	v32 =	vsel vm0, v51, v32;
	v56 =	vsub.f32 v53, v24  }
0x338: {  	v57 =	vmul.f32 $5.000000000e-01, v55;
	vm0 =	vgt.f32 v33, v32;
	v51 =	vmul.f32 $5.000000000e-01, v49  }
0x339: {  	[tilespmem:$0x1F8F0] =	vst v37;
	v37 =	vsel vm0, $0xFFFFFFFF, v59;
	v32 =	vsel vm0, v33, v32;
	v33 =	vmul.f32 v63, v61  }
0x33a: {  	[tilespmem:$0x1F910] =	vst v37;
	v36 =	vmul.f32 v57, v55;
	v37 =	vmul.f32 v60, v58;
	v58 =	vsub.f32 v53, v19  }
0x33b: {  	v59 =	vimm.s32 $0x0;
	v55 =	vmul.f32 $5.000000000e-01, v52;
	v60 =	vsub.f32 v53, v16  }
0x33c: {  	v57 =	vmul.f32 $5.000000000e-01, v56;
	vm0 =	vgt.f32 v36, v32;
	v61 =	vmul.f32 $5.000000000e-01, v58  }
0x33d: {  	v63 =	vmul.f32 $5.000000000e-01, v60;
	v40 =	vsel vm0, $0xFFFFFFFF, v62;
	v32 =	vsel vm0, v36, v32  }
0x33e: {  	v36 =	vmul.f32 v48, v44;
	v62 =	vimm.s32 $0x0;
	vm0 =	vgt.f32 v37, v32  }
0x33f: {  	v44 =	vsub.f32 v53, v14;
	[tilespmem:$0x1F920] =	vst v40;
	v40 =	vmul.f32 v61, v58;
	v32 =	vsel vm0, v37, v32  }
0x340: {  	[tilespmem:$0x1F900] =	vst v41;
	v58 =	vimm.s32 $0x0;
	v41 =	vsel vm0, $0xFFFFFFFF, v45;
	vm0 =	vgt.f32 v33, v32  }
0x341: {  	v45 =	vimm.s32 $0x0;
	v48 =	vmul.f32 $5.000000000e-01, v44;
	v37 =	vsel vm0, $0xFFFFFFFF, v50  }
0x342: {  	v32 =	vsel vm0, v33, v32;
	v33 =	vmul.f32 v55, v52;
	v50 =	vimm.s32 $0x0  }
0x343: {  	v52 =	vimm.s32 $0x0;
	[tilespmem:$0x1F940] =	vst v37;
	vm5 =	vgt.f32 v36, v32;
	v37 =	vmul.f32 v51, v49  }
0x344: {  	v49 =	vsub.f32 v53, v17;
	v32 =	vsel vm5, v36, v32;
	v36 =	vsel vm5, $0xFFFFFFFF, v54  }
0x345: {  	v54 =	vimm.s32 $0x0;
	[tilespmem:$0x1F950] =	vst v36;
	vm3 =	vgt.f32 v37, v32;
	v36 =	vmul.f32 v57, v56  }
0x346: {  	v51 =	vmul.f32 $5.000000000e-01, v49;
	v57 =	vsub.f32 v47, v29;
	v32 =	vsel vm3, v37, v32  }
0x347: {  	v56 =	vsub.f32 v47, v46;
	v37 =	vsel vm3, $0xFFFFFFFF, v59;
	vm4 =	vgt.f32 v33, v32  }
0x348: {  	v53 =	vmul.f32 v51, v49;
	v61 =	vmul.f32 $5.000000000e-01, v57;
	v32 =	vsel vm4, v33, v32  }
0x349: {  	v51 =	vsub.f32 v47, v25;
	v33 =	vsel vm4, $0xFFFFFFFF, v62;
	vm6 =	vgt.f32 v36, v32  }
0x34a: {  	[tilespmem:$0x1F970] =	vst v33;
	v33 =	vmul.f32 v63, v60;
	v60 =	vmul.f32 $5.000000000e-01, v56;
	v32 =	vsel vm6, v36, v32  }
0x34b: {  	v63 =	vsub.f32 v47, v28;
	v36 =	vsel vm6, $0xFFFFFFFF, v45;
	vm15 =	vgt.f32 v40, v32  }
0x34c: {  	vm6 =	vmor vm4, vm6;
	[tilespmem:$0x1F980] =	vst v36;
	v36 =	vmul.f32 v48, v44;
	v32 =	vsel vm15, v40, v32  }
0x34d: {  	v55 =	vld [tilespmem:$0x2840];
	v48 =	vmul.f32 v61, v57;
	v44 =	vimm.s32 $0x0;
	vm7 =	vgt.f32 v33, v32  }
0x34e: {  	[tilespmem:$0x1F930] =	vst v41;
	v40 =	vsel vm15, $0xFFFFFFFF, v50;
	v50 =	vmul.f32 $5.000000000e-01, v63;
	v41 =	vsel vm7, $0xFFFFFFFF, v52  }
0x34f: {  	v32 =	vsel vm7, v33, v32;
	vm0 =	vmor vm15, vm7;
	vm7 =	vmor vm5, vm3  }
0x350: {  	v59 =	vld [tilespmem:$0x2850];
	v52 =	vimm.s32 $0x0;
	v42 =	vmul.f32 v50, v63;
	vm1 =	vgt.f32 v36, v32  }
0x351: {  	[tilespmem:$0x1F960] =	vst v37;
	v63 =	vsub.f32 v47, v16;
	v37 =	vsel vm1, $0xFFFFFFFF, v54;
	v32 =	vsel vm1, v36, v32  }
0x352: {  	v62 =	vld [tilespmem:$0x2860];
	v36 =	vadd.f32 $0.0e+00, v55;
	v55 =	vmul.f32 $5.000000000e-01, v51;
	vm2 =	vgt.f32 v53, v32  }
0x353: {  	[tilespmem:$0x1F9B0] =	vst v37;
	v37 =	vmul.f32 v60, v56;
	v56 =	vimm.s32 $0x0;
	v60 =	vimm.s32 $0x0  }
0x354: {  	[tilespmem:$0x1F9A0] =	vst v41;
	vm1 =	vmor vm1, vm2;
	v41 =	vsel vm2, $0xFFFFFFFF, v58;
	v32 =	vsel vm2, v53, v32  }
0x355: {  	v49 =	vld [tilespmem:$0x2870];
	v36 =	vadd.f32 v59, v36;
	v53 =	vsub.f32 v47, v24;
	v43 =	vmul.f32 v55, v51  }
0x356: {  	v59 =	vsub.f32 v47, v19;
	v51 =	vmul.f32 $5.000000000e-01, v63;
	vm0 =	vmor vm1, vm0  }
0x357: {  	v54 =	vld [tilespmem:$0x2880];
	v55 =	vsub.f32 v47, v17;
	vm0 =	vmor vm0, vm6;
	v36 =	vadd.f32 v62, v36  }
0x358: {  	v57 =	vmul.f32 $5.000000000e-01, v53;
	vm15 =	vmor vm0, vm7;
	vm7 =	vgt.f32 v37, v32  }
0x359: {  	v62 =	vmul.f32 $5.000000000e-01, v59;
	v32 =	vsel vm7, v37, v32;
	v37 =	vsel vm7, $0xFFFFFFFF, v52  }
0x35a: {  	v58 =	vld [tilespmem:$0x2890];
	v36 =	vadd.f32 v49, v36;
	v49 =	vsub.f32 v47, v14;
	vm14 =	vgt.f32 v48, v32  }
0x35b: {  	v52 =	vimm.s32 $0x0;
	v32 =	vsel vm14, v48, v32;
	v33 =	vsel vm14, $0xFFFFFFFF, v56  }
0x35c: {  	v36 =	vadd.f32 v54, v36;
	v48 =	vimm.s32 $0x0;
	v56 =	vimm.s32 $0x0  }
0x35d: {  	v61 =	vld [tilespmem:$0x28A0];
	vm7 =	vmor vm7, vm14;
	[tilespmem:$0x1FA00] =	vst v33;
	vm13 =	vgt.f32 v42, v32;
	v33 =	vmul.f32 v57, v53  }
0x35e: {  	[tilespmem:$0x1F990] =	vst v40;
	v53 =	vmul.f32 $5.000000000e-01, v49;
	v32 =	vsel vm13, v42, v32;
	v40 =	vsel vm13, $0xFFFFFFFF, v60  }
0x35f: {  	v50 =	vld [tilespmem:$0x28B0];
	v36 =	vadd.f32 v58, v36;
	v42 =	vmul.f32 v51, v63;
	v58 =	vmul.f32 $5.000000000e-01, v55  }
0x360: {  	v60 =	vimm.s32 $0x0;
	v51 =	vsub.f32 v46, v25;
	vm12 =	vgt.f32 v43, v32  }
0x361: {  	[tilespmem:$0x1FA20] =	vst v40;
	v40 =	vmul.f32 v62, v59;
	v59 =	vsub.f32 v46, v29;
	v32 =	vsel vm12, v43, v32  }
0x362: {  	[tilespmem:$0x1F9C0] =	vst v41;
	v41 =	vsel vm12, $0xFFFFFFFF, v48;
	v36 =	vadd.f32 v61, v36;
	v61 =	vsub.f32 v46, v28  }
0x363: {  	v54 =	vld [tilespmem:$0x28C0];
	v48 =	vimm.s32 $0x0;
	vm11 =	vgt.f32 v33, v32;
	v63 =	vmul.f32 $5.000000000e-01, v59  }
0x364: {  	v32 =	vsel vm11, v33, v32;
	v33 =	vsel vm11, $0xFFFFFFFF, v52;
	v36 =	vadd.f32 v50, v36  }
0x365: {  	v57 =	vld [tilespmem:$0x28D0];
	v52 =	vimm.s32 $0x0;
	[tilespmem:$0x1FA90] =	vst v33;
	vm8 =	vgt.f32 v40, v32;
	v33 =	vmul.f32 v53, v49  }
0x366: {  	[tilespmem:$0x1FA50] =	vst v41;
	v49 =	vmul.f32 $5.000000000e-01, v61;
	v41 =	vmul.f32 v63, v59;
	v63 =	vsub.f32 v46, v16  }
0x367: {  	[tilespmem:$0x1F9D0] =	vst v37;
	v32 =	vsel vm8, v40, v32;
	v37 =	vsel vm8, $0xFFFFFFFF, v56;
	v40 =	vmul.f32 v58, v55  }
0x368: {  	v62 =	vld [tilespmem:$0x28E0];
	v36 =	vadd.f32 v54, v36;
	v54 =	vmul.f32 $5.000000000e-01, v51;
	v55 =	vsub.f32 v46, v24  }
0x369: {  	v56 =	vimm.s32 $0x0;
	vm3 =	vgt.f32 v42, v32;
	v47 =	vmul.f32 $5.000000000e-01, v63  }
0x36a: {  	v32 =	vsel vm3, v42, v32;
	v42 =	vsel vm3, $0xFFFFFFFF, v60;
	v36 =	vadd.f32 v57, v36  }
0x36b: {  	v57 =	vsub.f32 v46, v19;
	v59 =	vmul.f32 $5.000000000e-01, v55;
	vm0 =	vgt.f32 v33, v32  }
0x36c: {  	v50 =	vld [tilespmem:$0x28F0];
	v60 =	vimm.s32 $0x0;
	v32 =	vsel vm0, v33, v32;
	v33 =	vsel vm0, $0xFFFFFFFF, v48  }
0x36d: {  	[tilespmem:$0x1FAD0] =	vst v42;
	v36 =	vadd.f32 v62, v36;
	v42 =	vmul.f32 v59, v55;
	v48 =	vsub.f32 v46, v14  }
0x36e: {  	v53 =	vld [tilespmem:$0x2900];
	vm1 =	vmor vm3, vm0;
	v59 =	vimm.s32 $0x0;
	vm2 =	vgt.f32 v40, v32  }
0x36f: {  	[tilespmem:$0x1FAF0] =	vst v33;
	v33 =	vmul.f32 v49, v61;
	v61 =	vmul.f32 $5.000000000e-01, v57;
	v49 =	vimm.s32 $0x0  }
0x370: {  	[tilespmem:$0x1FAB0] =	vst v37;
	v32 =	vsel vm2, v40, v32;
	v37 =	vsel vm2, $0xFFFFFFFF, v52;
	v40 =	vmul.f32 v54, v51  }
0x371: {  	v58 =	vld [tilespmem:$0x2910];
	v36 =	vadd.f32 v50, v36;
	v50 =	vsub.f32 v46, v17;
	v51 =	vmul.f32 $5.000000000e-01, v48  }
0x372: {  	vm1 =	vmor vm2, vm1;
	v46 =	vsub.f32 v28, v19;
	vm10 =	vgt.f32 v41, v32  }
0x373: {  	v62 =	vld [tilespmem:$0x2920];
	v32 =	vsel vm10, v41, v32;
	v41 =	vsel vm10, $0xFFFFFFFF, v56;
	v36 =	vadd.f32 v53, v36  }
0x374: {  	v53 =	vimm.s32 $0x0;
	v54 =	vmul.f32 $5.000000000e-01, v50;
	vm9 =	vgt.f32 v33, v32  }
0x375: {  	v56 =	vimm.s32 $0x0;
	v32 =	vsel vm9, v33, v32;
	v33 =	vsel vm9, $0xFFFFFFFF, v60  }
0x376: {  	v52 =	vld [tilespmem:$0x2930];
	v36 =	vadd.f32 v58, v36;
	v60 =	vimm.s32 $0x0;
	vm6 =	vgt.f32 v40, v32  }
0x377: {  	v58 =	vld [tilespmem:$0x1F930];
	[tilespmem:$0x1FB50] =	vst v33;
	v33 =	vmul.f32 v61, v57;
	v32 =	vsel vm6, v40, v32;
	v40 =	vimm.s32 $0x0  }
0x378: {  	[tilespmem:$0x1FB00] =	vst v37;
	v57 =	vld [tilespmem:$0x1F940];
	v36 =	vadd.f32 v62, v36;
	v62 =	vimm.s32 $0x0;
	v37 =	vsel vm6, $0xFFFFFFFF, v40  }
0x379: {  	v55 =	vld [tilespmem:$0x2940];
	[tilespmem:$0x1FB30] =	vst v41;
	vm5 =	vgt.f32 v42, v32;
	v40 =	vmul.f32 v51, v48;
	v48 =	vsub.f32 v29, v28  }
0x37a: {  	[tilespmem:$0x1FB80] =	vst v37;
	v32 =	vsel vm5, v42, v32;
	v41 =	vsel vm5, $0xFFFFFFFF, v49;
	v37 =	vmul.f32 v47, v63  }
0x37b: {  	v36 =	vadd.f32 v52, v36;
	v49 =	vsub.f32 v29, v25;
	v47 =	vimm.s32 $0x0  }
0x37c: {  	vm4 =	vgt.f32 v33, v32;
	vm2 =	vnez.u8 v58;
	v52 =	vmul.f32 $5.000000000e-01, v48  }
0x37d: {  	v32 =	vsel vm4, v33, v32;
	v33 =	vsel vm4, $0xFFFFFFFF, v53;
	vm0 =	vnez.u8 v57  }
0x37e: {  	v61 =	vld [tilespmem:$0x2950];
	v36 =	vadd.f32 v55, v36;
	v53 =	vmul.f32 $5.000000000e-01, v49;
	vm3 =	vgt.f32 v37, v32  }
0x37f: {  	[tilespmem:$0x1FBD0] =	vst v33;
	v33 =	vmul.f32 v54, v50;
	vm2 =	vmor vm2, vm0;
	vm0 =	vmor vm11, vm8  }
0x380: {  	vm8 =	vmor vm13, vm12;
	v50 =	vimm.s32 $0x0;
	v54 =	vimm.s32 $0x0  }
0x381: {  	v63 =	vld [tilespmem:$0x2960];
	[tilespmem:$0x1FBA0] =	vst v41;
	v41 =	vmul.f32 v52, v48;
	v52 =	vsub.f32 v29, v14;
	v32 =	vsel vm3, v37, v32  }
0x382: {  	v37 =	vsel vm3, $0xFFFFFFFF, v56;
	vm2 =	vmor vm15, vm2;
	vm15 =	vmor vm4, vm3  }
0x383: {  	v36 =	vadd.f32 v61, v36;
	v56 =	vsub.f32 v29, v24;
	v57 =	vmul.f32 v53, v49  }
0x384: {  	v51 =	vld [tilespmem:$0x2970];
	v61 =	vimm.s32 $0x0;
	v49 =	vimm.s32 $0x0;
	vm11 =	vgt.f32 v40, v32  }
0x385: {  	v53 =	vimm.s32 $0x0;
	[tilespmem:$0x1FC00] =	vst v37;
	v37 =	vsel vm11, $0xFFFFFFFF, v59;
	v32 =	vsel vm11, v40, v32  }
0x386: {  	v36 =	vadd.f32 v63, v36;
	v59 =	vmul.f32 $5.000000000e-01, v56;
	[tilespmem:$0x1FC30] =	vst v37;
	v37 =	vsel vm2, $0xFFFFFFFF, v60  }
0x387: {  	vm2 =	vmor vm1, vm0;
	vm13 =	vgt.f32 v33, v32;
	v60 =	vsub.f32 v29, v19  }
0x388: {  	vm12 =	vmor vm2, vm8;
	vm4 =	vmor vm11, vm13;
	v40 =	vsel vm13, $0xFFFFFFFF, v62  }
0x389: {  	v55 =	vld [tilespmem:$0x2980];
	vm11 =	vmor vm6, vm5;
	v32 =	vsel vm13, v33, v32;
	v36 =	vadd.f32 v51, v36  }
0x38a: {  	v62 =	vsub.f32 v29, v16;
	v29 =	vsub.f32 v29, v17;
	vm1 =	vmor vm4, vm15  }
0x38b: {  	vm12 =	vmor vm12, vm7;
	vm15 =	vmor vm10, vm9;
	vm2 =	vgt.f32 v41, v32  }
0x38c: {  	[tilespmem:$0x1FC60] =	vst v40;
	v40 =	vmul.f32 v59, v56;
	v48 =	vmul.f32 $5.000000000e-01, v60;
	v56 =	vimm.s32 $0x0  }
0x38d: {  	v58 =	vld [tilespmem:$0x2990];
	v43 =	vsel vm12, $0xFFFFFFFF, v50;
	vm14 =	vmor vm1, vm11;
	v32 =	vsel vm2, v41, v32  }
0x38e: {  	v41 =	vsel vm2, $0xFFFFFFFF, v61;
	v36 =	vadd.f32 v55, v36;
	v50 =	vmul.f32 $5.000000000e-01, v62  }
0x38f: {  	v55 =	vmul.f32 $5.000000000e-01, v52;
	v59 =	vmul.f32 $5.000000000e-01, v29;
	vm0 =	vmor vm14, vm15  }
0x390: {  	v63 =	vld [tilespmem:$0x29A0];
	vm3 =	vgt.f32 v57, v32;
	v42 =	vmul.f32 v48, v60;
	v60 =	vimm.s32 $0x0  }
0x391: {  	v48 =	vsub.f32 v28, v16;
	v45 =	vsel vm0, $0xFFFFFFFF, v54;
	v32 =	vsel vm3, v57, v32  }
0x392: {  	v33 =	vsel vm3, $0xFFFFFFFF, v49;
	v36 =	vadd.f32 v58, v36;
	v57 =	vsub.f32 v28, v25  }
0x393: {  	v51 =	vld [tilespmem:$0x29B0];
	v29 =	vmul.f32 v59, v29;
	v49 =	vmul.f32 $5.000000000e-01, v46;
	vm5 =	vgt.f32 v40, v32  }
0x394: {  	[tilespmem:$0x1FCB0] =	vst v33;
	v33 =	vmul.f32 v50, v62;
	v62 =	vsub.f32 v28, v24;
	v50 =	vimm.s32 $0x0  }
0x395: {  	[tilespmem:$0x1FBF0] =	vst v37;
	v32 =	vsel vm5, v40, v32;
	v37 =	vsel vm5, $0xFFFFFFFF, v53;
	v36 =	vadd.f32 v63, v36  }
0x396: {  	v54 =	vld [tilespmem:$0x29C0];
	v40 =	vmul.f32 v55, v52;
	v61 =	vmul.f32 $5.000000000e-01, v57;
	v52 =	vsub.f32 v28, v14  }
0x397: {  	[tilespmem:$0x1FC50] =	vst v45;
	v28 =	vsub.f32 v28, v17;
	vm8 =	vgt.f32 v42, v32;
	v45 =	vmul.f32 $5.000000000e-01, v62  }
0x398: {  	[tilespmem:$0x1FC80] =	vst v41;
	v32 =	vsel vm8, v42, v32;
	v41 =	vsel vm8, $0xFFFFFFFF, v56;
	v36 =	vadd.f32 v51, v36  }
0x399: {  	v58 =	vld [tilespmem:$0x29D0];
	v51 =	vmul.f32 $5.000000000e-01, v48;
	v55 =	vmul.f32 $5.000000000e-01, v52;
	v56 =	vimm.s32 $0x0  }
0x39a: {  	v42 =	vsub.f32 v25, v19;
	[tilespmem:$0x1FD00] =	vst v41;
	vm1 =	vgt.f32 v33, v32;
	v41 =	vmul.f32 v49, v46  }
0x39b: {  	v32 =	vsel vm1, v33, v32;
	v33 =	vsel vm1, $0xFFFFFFFF, v60;
	v36 =	vadd.f32 v54, v36  }
0x39c: {  	v63 =	vld [tilespmem:$0x29E0];
	v54 =	vimm.s32 $0x0;
	v60 =	vimm.s32 $0x0;
	vm0 =	vgt.f32 v40, v32  }
0x39d: {  	[tilespmem:$0x1FD40] =	vst v33;
	v33 =	vmul.f32 v61, v57;
	v57 =	vmul.f32 $5.000000000e-01, v28;
	v61 =	vimm.s32 $0x0  }
0x39e: {  	v32 =	vsel vm0, v40, v32;
	v40 =	vsel vm0, $0xFFFFFFFF, v44;
	v36 =	vadd.f32 v58, v36  }
0x39f: {  	vm7 =	vmor vm1, vm0;
	v58 =	vimm.s32 $0x0;
	[tilespmem:$0x1FD50] =	vst v40;
	v40 =	vmul.f32 v45, v62  }
0x3a0: {  	v53 =	vld [tilespmem:$0x29F0];
	vm13 =	vgt.f32 v29, v32;
	v59 =	vmul.f32 v57, v28;
	v45 =	vmul.f32 $5.000000000e-01, v42  }
0x3a1: {  	v29 =	vsel vm13, v29, v32;
	v32 =	vsel vm13, $0xFFFFFFFF, v47;
	v36 =	vadd.f32 v63, v36  }
0x3a2: {  	vm0 =	vmor vm13, vm7;
	vm13 =	vmor vm5, vm8;
	vm7 =	vmor vm2, vm3  }
0x3a3: {  	v63 =	vsub.f32 v25, v24;
	[tilespmem:$0x1FD80] =	vst v32;
	vm4 =	vgt.f32 v33, v29;
	v32 =	vmul.f32 v51, v48  }
0x3a4: {  	vm0 =	vmor vm0, vm13;
	v29 =	vsel vm4, v33, v29;
	v33 =	vsel vm4, $0xFFFFFFFF, v50  }
0x3a5: {  	v36 =	vadd.f32 v53, v36;
	vm0 =	vmor vm0, vm7;
	vm14 =	vgt.f32 v40, v29  }
0x3a6: {  	[tilespmem:$0x1FC20] =	vst v43;
	v43 =	vmul.f32 $5.000000000e-01, v63;
	v50 =	vimm.s32 $0x0;
	v29 =	vsel vm14, v40, v29  }
0x3a7: {  	[tilespmem:$0x1FDB0] =	vst v33;
	v33 =	vmul.f32 v55, v52;
	v40 =	vsel vm14, $0xFFFFFFFF, v54;
	vm12 =	vgt.f32 v41, v29  }
0x3a8: {  	v62 =	vperm.xlane v36, v0;
	[tilespmem:$0x1FDE0] =	vst v40;
	v29 =	vsel vm12, v41, v29;
	v40 =	vsel vm12, $0xFFFFFFFF, v56  }
0x3a9: {  	v54 =	vimm.s32 $0x0;
	[tilespmem:$0x1FE00] =	vst v40;
	vm15 =	vgt.f32 v32, v29;
	v40 =	vadd.f32 v7, v6  }
0x3aa: {  	v6 =	vadd.f32 v62, v36;
	v7 =	vimm.s32 $0x0;
	v36 =	vimm.s32 $0x0  }
0x3ab: {  	v29 =	vsel vm15, v32, v29;
	v32 =	vsel vm15, $0xFFFFFFFF, v58;
	vm10 =	vmor vm12, vm15  }
0x3ac: {  	vm12 =	vmor vm4, vm14;
	[tilespmem:$0x1FE30] =	vst v32;
	vm8 =	vgt.f32 v33, v29;
	v32 =	vadd.f32 v9, v8  }
0x3ad: {  	v8 =	vmul.f32 v43, v63;
	v63 =	vimm.s32 $0x0;
	v43 =	vimm.s32 $0x0  }
0x3ae: {  	v33 =	vsel vm8, v33, v29;
	v29 =	vadd.f32 v11, v10;
	v11 =	vadd.f32 v23, v22  }
0x3af: {  	v28 =	vsel vm8, $0xFFFFFFFF, v60;
	v10 =	vadd.f32 v27, v26;
	v60 =	vsub.f32 v25, v16  }
0x3b0: {  	[tilespmem:$0x1FE60] =	vst v28;
	v28 =	vsel vm0, $0xFFFFFFFF, v61;
	vm9 =	vgt.f32 v59, v33;
	v46 =	vsub.f32 v40, v32  }
0x3b1: {  	[tilespmem:$0x1FC70] =	vst v28;
	vm11 =	vmor vm8, vm9;
	v7 =	vsel vm9, $0xFFFFFFFF, v7;
	v28 =	vadd.f32 v13, v12  }
0x3b2: {  	v13 =	vadd.f32 v18, v15;
	v12 =	vadd.f32 v21, v20;
	v47 =	vsel vm9, v59, v33  }
0x3b3: {  	v18 =	vmul.f32 v45, v42;
	v49 =	vsub.f32 v40, v29;
	v59 =	vimm.s32 $0x0  }
0x3b4: {  	v33 =	vmul.f32 $5.000000000e-01, v60;
	[tilespmem:$0x1FE90] =	vst v7;
	vm0 =	vmor vm11, vm10;
	v7 =	vperm.xlane v6, v1  }
0x3b5: {  	v48 =	vmul.f32 $5.000000000e-01, v46;
	vm13 =	vgt.f32 v8, v47;
	vm0 =	vmor vm0, vm12  }
0x3b6: {  	v26 =	vsel vm13, $0xFFFFFFFF, v50;
	v21 =	vsel vm13, v8, v47;
	v52 =	vsub.f32 v40, v28  }
0x3b7: {  	v53 =	vmul.f32 $5.000000000e-01, v49;
	v58 =	vsub.f32 v40, v13;
	v62 =	vsub.f32 v40, v12  }
0x3b8: {  	v47 =	vimm.s32 $0x0;
	v9 =	vsel vm0, $0xFFFFFFFF, v36;
	v41 =	vadd.f32 v7, v6  }
0x3b9: {  	v6 =	vadd.f32 v35, v34;
	v7 =	vadd.f32 v39, v38;
	v20 =	vmul.f32 v48, v46  }
0x3ba: {  	vm0 =	vgt.f32 v18, v21;
	v34 =	vsub.f32 v40, v11;
	v36 =	vimm.s32 $0x0  }
0x3bb: {  	v38 =	vsub.f32 v40, v10;
	v39 =	vimm.s32 $0x0;
	v48 =	vsub.f32 v25, v14  }
0x3bc: {  	v25 =	vsub.f32 v25, v17;
	[tilespmem:$0x1FCA0] =	vst v9;
	v9 =	vadd.f32 v31, v30;
	v56 =	vmul.f32 $5.000000000e-01, v52  }
0x3bd: {  	v8 =	vsel vm0, $0xFFFFFFFF, v54;
	v57 =	vmul.f32 v53, v49;
	v61 =	vmul.f32 $5.000000000e-01, v58  }
0x3be: {  	v55 =	vsel vm0, v18, v21;
	v35 =	vmul.f32 $5.000000000e-01, v62;
	v44 =	vperm.xlane v41, v2  }
0x3bf: {  	[tilespmem:$0x1FCD0] =	vst v37;
	vm14 =	vgt.f32 v20, $0.0e+00;
	v37 =	vmul.f32 $5.000000000e-01, v34;
	v42 =	vmul.f32 $5.000000000e-01, v38  }
0x3c0: {  	v46 =	vsub.f32 v40, v6;
	v53 =	vmul.f32 $5.000000000e-01, v48;
	v23 =	vsel vm14, $0xFFFFFFFF, v59  }
0x3c1: {  	v20 =	vnsel vm14, $0x0, v20;
	v18 =	vmul.f32 v56, v52;
	v22 =	vmul.f32 v61, v58  }
0x3c2: {  	[tilespmem:$0x1FEC0] =	vst v26;
	v26 =	vmul.f32 v35, v62;
	v52 =	vimm.s32 $0x0;
	v56 =	vimm.s32 $0x0  }
0x3c3: {  	v58 =	vsub.f32 v32, v29;
	v59 =	vimm.s32 $0x0;
	v62 =	vimm.s32 $0x0  }
0x3c4: {  	v15 =	vadd.f32 v44, v41;
	[tilespmem:$0x1F9E0] =	vst v23;
	vm0 =	vgt.f32 v57, v20;
	v23 =	vmul.f32 v33, v60  }
0x3c5: {  	v41 =	vsub.f32 v40, v9;
	v44 =	vimm.s32 $0x0;
	v50 =	vmul.f32 $5.000000000e-01, v46  }
0x3c6: {  	v60 =	vsub.f32 v32, v28;
	v33 =	vimm.s32 $0x0;
	v30 =	vsel vm0, $0xFFFFFFFF, v63  }
0x3c7: {  	v20 =	vsel vm0, v57, v20;
	v61 =	vmul.f32 $5.000000000e-01, v58;
	v63 =	vimm.s32 $0x0  }
0x3c8: {  	v51 =	vperm.xlane v15, v3;
	vm0 =	vgt.f32 v18, v20;
	vm15 =	vgt.f32 v23, v55  }
0x3c9: {  	v45 =	vmul.f32 $5.000000000e-01, v41;
	v21 =	vmul.f32 v50, v46;
	v31 =	vsel vm0, $0xFFFFFFFF, v36  }
0x3ca: {  	v18 =	vsel vm0, v18, v20;
	v20 =	vmul.f32 v37, v34;
	v36 =	vsub.f32 v32, v12  }
0x3cb: {  	[tilespmem:$0x1FEF0] =	vst v8;
	v37 =	vimm.s32 $0x0;
	v8 =	vadd.f32 v51, v15;
	vm0 =	vgt.f32 v22, v18  }
0x3cc: {  	v15 =	vsel vm15, v23, v55;
	v49 =	vmul.f32 v45, v41;
	v51 =	vsub.f32 v40, v7  }
0x3cd: {  	[tilespmem:$0x1F9F0] =	vst v30;
	v41 =	vimm.s32 $0x0;
	v45 =	vsub.f32 v32, v9;
	v30 =	vsel vm0, $0xFFFFFFFF, v39  }
0x3ce: {  	v18 =	vsel vm0, v22, v18;
	v22 =	vmul.f32 v42, v38;
	v38 =	vmul.f32 $5.000000000e-01, v25  }
0x3cf: {  	v39 =	vsub.f32 v32, v11;
	[tilespmem:$0x1FA30] =	vst v30;
	v30 =	vsel vm15, $0xFFFFFFFF, v43;
	vm8 =	vgt.f32 v26, v18  }
0x3d0: {  	v54 =	vsub.f32 v40, v8;
	v55 =	vmul.f32 $5.000000000e-01, v51;
	v40 =	vmul.f32 $5.000000000e-01, v36  }
0x3d1: {  	v43 =	vsub.f32 v32, v10;
	[tilespmem:$0x1FF10] =	vst v30;
	v30 =	vsel vm8, $0xFFFFFFFF, v44;
	v18 =	vsel vm8, v26, v18  }
0x3d2: {  	v42 =	vmul.f32 $5.000000000e-01, v39;
	v44 =	vimm.s32 $0x0;
	v57 =	vmul.f32 $5.000000000e-01, v54  }
0x3d3: {  	vm9 =	vgt.f32 v20, v18;
	v23 =	vmul.f32 v55, v51;
	v46 =	vmul.f32 $5.000000000e-01, v43  }
0x3d4: {  	v51 =	vsub.f32 v32, v6;
	v27 =	vsel vm9, $0xFFFFFFFF, v47;
	v18 =	vsel vm9, v20, v18  }
0x3d5: {  	v47 =	vimm.s32 $0x0;
	[tilespmem:$0x1FA60] =	vst v27;
	vm0 =	vgt.f32 v22, v18;
	v27 =	vmul.f32 v53, v48  }
0x3d6: {  	v20 =	vmul.f32 v57, v54;
	v48 =	vimm.s32 $0x0;
	v50 =	vmul.f32 v46, v43  }
0x3d7: {  	v54 =	vsub.f32 v24, v19;
	v55 =	vmul.f32 $5.000000000e-01, v51;
	v57 =	vimm.s32 $0x0  }
0x3d8: {  	[tilespmem:$0x1FA40] =	vst v30;
	v46 =	vimm.s32 $0x0;
	v30 =	vsel vm0, $0xFFFFFFFF, v52;
	v18 =	vsel vm0, v22, v18  }
0x3d9: {  	v22 =	vmul.f32 v61, v58;
	v52 =	vimm.s32 $0x0;
	v58 =	vsub.f32 v32, v8  }
0x3da: {  	v61 =	vimm.s32 $0x0;
	vm0 =	vgt.f32 v49, v18;
	vm3 =	vgt.f32 v27, v15  }
0x3db: {  	[tilespmem:$0x1FA10] =	vst v31;
	v31 =	vsel vm0, $0xFFFFFFFF, v56;
	v18 =	vsel vm0, v49, v18;
	v15 =	vsel vm3, v27, v15  }
0x3dc: {  	v27 =	vsel vm3, $0xFFFFFFFF, v63;
	v49 =	vmul.f32 $5.000000000e-01, v45;
	v56 =	vsub.f32 v32, v7  }
0x3dd: {  	v63 =	vsub.f32 v29, v28;
	[tilespmem:$0x1FA80] =	vst v31;
	vm0 =	vgt.f32 v21, v18;
	v31 =	vsub.f32 v32, v13  }
0x3de: {  	[tilespmem:$0x1FA70] =	vst v30;
	v30 =	vsel vm0, $0xFFFFFFFF, v59;
	v18 =	vsel vm0, v21, v18;
	v53 =	vmul.f32 v49, v45  }
0x3df: {  	v59 =	vmul.f32 $5.000000000e-01, v54;
	v32 =	vmul.f32 $5.000000000e-01, v63;
	vm10 =	vgt.f32 v23, v18  }
0x3e0: {  	v49 =	vsub.f32 v29, v9;
	[tilespmem:$0x1FAA0] =	vst v30;
	v35 =	vmul.f32 $5.000000000e-01, v31;
	v30 =	vsel vm10, $0xFFFFFFFF, v62  }
0x3e1: {  	v18 =	vsel vm10, v23, v18;
	v23 =	vmul.f32 v40, v36;
	v62 =	vmul.f32 $5.000000000e-01, v58  }
0x3e2: {  	v36 =	vsub.f32 v29, v12;
	[tilespmem:$0x1FAC0] =	vst v30;
	v30 =	vmul.f32 $5.000000000e-01, v60;
	vm11 =	vgt.f32 v20, v18  }
0x3e3: {  	[tilespmem:$0x1FF40] =	vst v27;
	v21 =	vmul.f32 v35, v31;
	v31 =	vsub.f32 v29, v13;
	v27 =	vsel vm11, $0xFFFFFFFF, v33  }
0x3e4: {  	v18 =	vsel vm11, v20, v18;
	v20 =	vmul.f32 v42, v39;
	v33 =	vimm.s32 $0x0  }
0x3e5: {  	v39 =	vsub.f32 v24, v16;
	v40 =	vmul.f32 $5.000000000e-01, v36;
	v42 =	vimm.s32 $0x0  }
0x3e6: {  	v34 =	vmul.f32 v30, v60;
	vm0 =	vgt.f32 v22, v18;
	v60 =	vmul.f32 $5.000000000e-01, v56  }
0x3e7: {  	[tilespmem:$0x1FAE0] =	vst v27;
	v35 =	vmul.f32 $5.000000000e-01, v31;
	v27 =	vsel vm0, $0xFFFFFFFF, v37;
	v18 =	vsel vm0, v22, v18  }
0x3e8: {  	v22 =	vmul.f32 v38, v25;
	v37 =	vimm.s32 $0x0;
	v43 =	vmul.f32 $5.000000000e-01, v39  }
0x3e9: {  	vm0 =	vgt.f32 v34, v18;
	v25 =	vmul.f32 v60, v56;
	v38 =	vmul.f32 v35, v31  }
0x3ea: {  	v60 =	vsub.f32 v24, v17;
	v31 =	vimm.s32 $0x0;
	v30 =	vsel vm0, $0xFFFFFFFF, v41  }
0x3eb: {  	v18 =	vsel vm0, v34, v18;
	vm2 =	vgt.f32 v22, v15;
	v34 =	vimm.s32 $0x0  }
0x3ec: {  	v41 =	vsub.f32 v29, v11;
	vm0 =	vgt.f32 v21, v18;
	v15 =	vsel vm2, v22, v15  }
0x3ed: {  	[tilespmem:$0x1FB10] =	vst v30;
	v22 =	vsel vm2, $0xFFFFFFFF, v48;
	v30 =	vimm.s32 $0x0;
	v26 =	vsel vm0, $0xFFFFFFFF, v44  }
0x3ee: {  	v35 =	vld [tilespmem:$0x1FF10];
	v18 =	vsel vm0, v21, v18;
	[tilespmem:$0x1FF70] =	vst v22;
	v22 =	vmul.f32 v55, v51;
	v21 =	vmul.f32 v59, v54  }
0x3ef: {  	v44 =	vsub.f32 v29, v10;
	v45 =	vmul.f32 $5.000000000e-01, v41;
	vm12 =	vgt.f32 v23, v18  }
0x3f0: {  	[tilespmem:$0x1F870] =	vst v27;
	v51 =	vsub.f32 v29, v6;
	v59 =	vsub.f32 v24, v14;
	v27 =	vsel vm12, $0xFFFFFFFF, v47  }
0x3f1: {  	v18 =	vsel vm12, v23, v18;
	v23 =	vmul.f32 v32, v63;
	v47 =	vmul.f32 $5.000000000e-01, v44  }
0x3f2: {  	vm9 =	vgt.f32 v21, v15;
	v48 =	vmul.f32 v45, v41;
	v55 =	vmul.f32 $5.000000000e-01, v51  }
0x3f3: {  	v63 =	vsub.f32 v29, v8;
	vm4 =	vnez.u8 v35;
	v41 =	vimm.s32 $0x0  }
0x3f4: {  	v35 =	vimm.s32 $0x0;
	vm13 =	vgt.f32 v20, v18;
	v15 =	vsel vm9, v21, v15  }
0x3f5: {  	v21 =	vsel vm9, $0xFFFFFFFF, v33;
	v33 =	vsub.f32 v28, v13;
	v18 =	vsel vm13, v20, v18  }
0x3f6: {  	[tilespmem:$0x1FB20] =	vst v26;
	v26 =	vsel vm13, $0xFFFFFFFF, v52;
	v52 =	vmul.f32 $5.000000000e-01, v49;
	vm0 =	vgt.f32 v50, v18  }
0x3f7: {  	[tilespmem:$0x1F860] =	vst v27;
	v32 =	vmul.f32 $5.000000000e-01, v63;
	v27 =	vsel vm0, $0xFFFFFFFF, v57;
	v18 =	vsel vm0, v50, v18  }
0x3f8: {  	v50 =	vimm.s32 $0x0;
	v57 =	vsub.f32 v29, v7;
	vm15 =	vgt.f32 v53, v18  }
0x3f9: {  	v56 =	vmul.f32 v52, v49;
	v29 =	vmul.f32 $5.000000000e-01, v59;
	v18 =	vsel vm15, v53, v18  }
0x3fa: {  	v20 =	vsel vm15, $0xFFFFFFFF, v61;
	v53 =	vimm.s32 $0x0;
	v61 =	vmul.f32 $5.000000000e-01, v57  }
0x3fb: {  	[tilespmem:$0x1FB70] =	vst v20;
	vm13 =	vgt.f32 v22, v18;
	v20 =	vmul.f32 v62, v58;
	v58 =	vimm.s32 $0x0  }
0x3fc: {  	v62 =	vimm.s32 $0x0;
	v18 =	vsel vm13, v22, v18;
	v22 =	vsel vm13, $0xFFFFFFFF, v30  }
0x3fd: {  	v24 =	vmul.f32 v61, v57;
	vm13 =	vmor vm15, vm13;
	v57 =	vimm.s32 $0x0  }
0x3fe: {  	v61 =	vsub.f32 v28, v7;
	[tilespmem:$0x1FB90] =	vst v22;
	vm12 =	vgt.f32 v25, v18;
	v22 =	vmul.f32 v40, v36  }
0x3ff: {  	v36 =	vmul.f32 $5.000000000e-01, v33;
	v40 =	vimm.s32 $0x0;
	v18 =	vsel vm12, v25, v18  }
0x400: {  	[tilespmem:$0x1FF90] =	vst v21;
	v21 =	vsel vm12, $0xFFFFFFFF, v34;
	v34 =	vimm.s32 $0x0;
	vm8 =	vgt.f32 v20, v18  }
0x401: {  	[tilespmem:$0x1FBB0] =	vst v21;
	v21 =	vmul.f32 v43, v39;
	v43 =	vimm.s32 $0x0;
	v18 =	vsel vm8, v20, v18  }
0x402: {  	v20 =	vsel vm8, $0xFFFFFFFF, v37;
	v37 =	vsub.f32 v28, v12;
	vm15 =	vmor vm12, vm8  }
0x403: {  	[tilespmem:$0x1FBC0] =	vst v20;
	vm14 =	vgt.f32 v23, v18;
	v20 =	vmul.f32 v47, v44;
	vm10 =	vgt.f32 v21, v15  }
0x404: {  	[tilespmem:$0x1FB60] =	vst v27;
	v44 =	vmul.f32 v36, v33;
	v47 =	vsub.f32 v28, v11;
	v27 =	vsel vm14, $0xFFFFFFFF, v42  }
0x405: {  	v39 =	vld [tilespmem:$0x1FEF0];
	v18 =	vsel vm14, v23, v18;
	v21 =	vsel vm10, v21, v15;
	v15 =	vsel vm10, $0xFFFFFFFF, v53  }
0x406: {  	v45 =	vmul.f32 $5.000000000e-01, v37;
	vm10 =	vmor vm9, vm10;
	vm0 =	vgt.f32 v38, v18  }
0x407: {  	[tilespmem:$0x1FB40] =	vst v26;
	v53 =	vsub.f32 v28, v9;
	v49 =	vmul.f32 $5.000000000e-01, v47;
	v18 =	vsel vm0, v38, v18  }
0x408: {  	[tilespmem:$0x1FBE0] =	vst v27;
	v27 =	vimm.s32 $0x0;
	v30 =	vsel vm0, $0xFFFFFFFF, v46;
	vm0 =	vgt.f32 v22, v18  }
0x409: {  	v38 =	vld [tilespmem:$0x1FEC0];
	v46 =	vimm.s32 $0x0;
	[tilespmem:$0x1FC10] =	vst v30;
	v30 =	vmul.f32 $5.000000000e-01, v60;
	v26 =	vsel vm0, $0xFFFFFFFF, v50  }
0x40a: {  	v18 =	vsel vm0, v22, v18;
	vm0 =	vmor vm4, vm3;
	vm4 =	vnez.u8 v39  }
0x40b: {  	v22 =	vmul.f32 v45, v37;
	v50 =	vsub.f32 v28, v10;
	vm14 =	vgt.f32 v48, v18  }
0x40c: {  	v45 =	vimm.s32 $0x0;
	vm0 =	vmor vm2, vm0;
	v54 =	vsel vm14, v48, v18  }
0x40d: {  	v18 =	vmul.f32 v55, v51;
	v48 =	vimm.s32 $0x0;
	v51 =	vimm.s32 $0x0  }
0x40e: {  	v52 =	vmul.f32 $5.000000000e-01, v50;
	vm11 =	vgt.f32 v20, v54;
	vm1 =	vnez.u8 v38  }
0x40f: {  	[tilespmem:$0x1FFB0] =	vst v15;
	v55 =	vld [tilespmem:$0x1FB60];
	v38 =	vimm.s32 $0x0;
	v15 =	vsel vm11, v20, v54;
	v20 =	vsel vm11, $0xFFFFFFFF, v58  }
0x410: {  	vm1 =	vmor vm1, vm4;
	v58 =	vmul.f32 v52, v50;
	v52 =	vimm.s32 $0x0  }
0x411: {  	[tilespmem:$0x1FC90] =	vst v20;
	vm7 =	vgt.f32 v56, v15;
	v20 =	vmul.f32 v29, v59;
	vm0 =	vmor vm0, vm1  }
0x412: {  	v54 =	vld [tilespmem:$0x1FB40];
	v59 =	vmul.f32 $5.000000000e-01, v53;
	v15 =	vsel vm7, v56, v15;
	v23 =	vsel vm7, $0xFFFFFFFF, v62  }
0x413: {  	v56 =	vsub.f32 v28, v6;
	vm11 =	vmor vm11, vm7;
	vm6 =	vgt.f32 v18, v15  }
0x414: {  	[tilespmem:$0x1FCC0] =	vst v23;
	v23 =	vmul.f32 v32, v63;
	vm3 =	vgt.f32 v20, v21;
	vm12 =	vnez.u8 v55  }
0x415: {  	v18 =	vsel vm6, v18, v15;
	v15 =	vsel vm6, $0xFFFFFFFF, v31;
	v31 =	vsub.f32 v28, v8  }
0x416: {  	v28 =	vimm.s32 $0x0;
	[tilespmem:$0x1FCE0] =	vst v15;
	v15 =	vmul.f32 v30, v60;
	vm5 =	vgt.f32 v24, v18  }
0x417: {  	vm8 =	vnez.u8 v54;
	v60 =	vmul.f32 $5.000000000e-01, v56;
	v30 =	vmul.f32 $5.000000000e-01, v61  }
0x418: {  	v24 =	vsel vm5, v24, v18;
	v18 =	vsel vm5, $0xFFFFFFFF, v34;
	v34 =	vimm.s32 $0x0  }
0x419: {  	v37 =	vmul.f32 $5.000000000e-01, v31;
	[tilespmem:$0x1FD10] =	vst v18;
	v18 =	vsel vm3, $0xFFFFFFFF, v40;
	vm4 =	vgt.f32 v23, v24  }
0x41a: {  	v29 =	vmul.f32 v60, v56;
	v36 =	vmul.f32 v30, v61;
	v40 =	vimm.s32 $0x0  }
0x41b: {  	v62 =	vld [tilespmem:$0x1F860];
	v56 =	vsub.f32 v13, v10;
	v61 =	vimm.s32 $0x0;
	[tilespmem:$0x1FFE0] =	vst v18;
	v18 =	vsel vm0, $0xFFFFFFFF, v41  }
0x41c: {  	v32 =	vld [tilespmem:$0x1F870];
	v42 =	vsel vm4, v23, v24;
	v39 =	vmul.f32 v37, v31;
	v31 =	vimm.s32 $0x0  }
0x41d: {  	[tilespmem:$0x1FCF0] =	vst v18;
	v18 =	vsel vm3, v20, v21;
	v21 =	vsel vm4, $0xFFFFFFFF, v43;
	vm9 =	vgt.f32 v44, v42  }
0x41e: {  	v63 =	vld [tilespmem:$0x1FB20];
	[tilespmem:$0x1FD20] =	vst v21;
	vm1 =	vgt.f32 v15, v18;
	v20 =	vsel vm9, v44, v42;
	v21 =	vmul.f32 v49, v47  }
0x41f: {  	v33 =	vld [tilespmem:$0x1FB10];
	v44 =	vsub.f32 v13, v12;
	v23 =	vsel vm1, $0xFFFFFFFF, v46;
	vm1 =	vmor vm3, vm1  }
0x420: {  	v49 =	vsub.f32 v13, v11;
	vm0 =	vmor vm1, vm10;
	vm10 =	vgt.f32 v22, v20  }
0x421: {  	v43 =	vld [tilespmem:$0x1F890];
	vm1 =	vmor vm8, vm12;
	vm8 =	vnez.u8 v62;
	vm12 =	vnez.u8 v32  }
0x422: {  	v55 =	vmul.f32 $5.000000000e-01, v49;
	v24 =	vsel vm0, $0xFFFFFFFF, v48;
	vm0 =	vmor vm15, vm13  }
0x423: {  	[tilespmem:$0x1FC40] =	vst v26;
	v20 =	vsel vm10, v22, v20;
	v22 =	vsel vm10, $0xFFFFFFFF, v51;
	vm13 =	vnez.u8 v63  }
0x424: {  	v42 =	vld [tilespmem:$0x1FC40];
	vm15 =	vnez.u8 v33;
	v48 =	vmul.f32 $5.000000000e-01, v44;
	v63 =	vsub.f32 v13, v6  }
0x425: {  	v33 =	vsub.f32 v13, v7;
	vm0 =	vmor vm0, vm1;
	vm3 =	vgt.f32 v21, v20  }
0x426: {  	[tilespmem:$0x1FD60] =	vst v22;
	vm1 =	vmor vm13, vm8;
	v22 =	vmul.f32 v59, v53;
	vm7 =	vnez.u8 v43  }
0x427: {  	v41 =	vld [tilespmem:$0x1F880];
	v53 =	vimm.s32 $0x0;
	v59 =	vmul.f32 $5.000000000e-01, v56;
	v20 =	vsel vm3, v21, v20  }
0x428: {  	v21 =	vsel vm3, $0xFFFFFFFF, v57;
	vm0 =	vmor vm0, vm1;
	vm1 =	vmor vm12, vm15  }
0x429: {  	vm15 =	vmor vm6, vm5;
	vm6 =	vnez.u8 v42;
	v32 =	vmul.f32 $5.000000000e-01, v63  }
0x42a: {  	v42 =	vimm.s32 $0x0;
	vm13 =	vgt.f32 v58, v20;
	vm0 =	vmor vm0, vm1  }
0x42b: {  	[tilespmem:$0x1FD90] =	vst v21;
	vm1 =	vmor vm6, vm14;
	v20 =	vsel vm13, v58, v20;
	v21 =	vsel vm13, $0xFFFFFFFF, v27  }
0x42c: {  	v25 =	vsel vm0, $0xFFFFFFFF, v34;
	vm0 =	vmor vm4, vm15;
	vm15 =	vnez.u8 v41  }
0x42d: {  	v51 =	vld [tilespmem:$0x1FC10];
	v58 =	vsub.f32 v13, v9;
	v13 =	vsub.f32 v13, v8;
	vm2 =	vgt.f32 v22, v20  }
0x42e: {  	[tilespmem:$0x1FE20] =	vst v25;
	vm0 =	vmor vm0, vm11;
	v25 =	vmul.f32 v59, v56;
	v56 =	vsub.f32 v12, v7  }
0x42f: {  	v20 =	vsel vm2, v22, v20;
	v22 =	vsel vm2, $0xFFFFFFFF, v35;
	vm0 =	vmor vm0, vm1  }
0x430: {  	v62 =	vmul.f32 $5.000000000e-01, v58;
	v35 =	vimm.s32 $0x0;
	vm5 =	vgt.f32 v29, v20  }
0x431: {  	[tilespmem:$0x1FDA0] =	vst v21;
	v59 =	vmul.f32 $5.000000000e-01, v56;
	v20 =	vsel vm5, v29, v20;
	v21 =	vsel vm5, $0xFFFFFFFF, v38  }
0x432: {  	v46 =	vld [tilespmem:$0x1F8A0];
	vm11 =	vmor vm2, vm5;
	vm5 =	vmor vm3, vm13;
	vm13 =	vnez.u8 v51  }
0x433: {  	v47 =	vld [tilespmem:$0x1F8B0];
	[tilespmem:$0x1FD70] =	vst v23;
	v38 =	vimm.s32 $0x0;
	v29 =	vimm.s32 $0x0;
	vm4 =	vgt.f32 v36, v20  }
0x434: {  	v34 =	vld [tilespmem:$0x1F900];
	[tilespmem:$0x1FDD0] =	vst v21;
	v21 =	vmul.f32 v62, v58;
	v58 =	vimm.s32 $0x0;
	v23 =	vsel vm4, $0xFFFFFFFF, v40  }
0x435: {  	v20 =	vsel vm4, v36, v20;
	v36 =	vmul.f32 $5.000000000e-01, v33;
	[tilespmem:$0x1FDF0] =	vst v23;
	v23 =	vsel vm15, $0x2, v4  }
0x436: {  	v50 =	vld [tilespmem:$0x1FBE0];
	[tilespmem:$0x1FDC0] =	vst v22;
	v40 =	vsub.f32 v12, v11;
	vm6 =	vgt.f32 v39, v20;
	v22 =	vsel vm7, $0x4, v23  }
0x437: {  	v54 =	vld [tilespmem:$0x1F8C0];
	[tilespmem:$0x1FD30] =	vst v24;
	vm15 =	vmor vm4, vm6;
	v24 =	vsel vm6, $0xFFFFFFFF, v45;
	vm4 =	vnez.u8 v46  }
0x438: {  	v41 =	vld [tilespmem:$0x1F920];
	vm7 =	vnez.u8 v47;
	v23 =	vmul.f32 v48, v44;
	v20 =	vsel vm6, v39, v20  }
0x439: {  	v30 =	vld [tilespmem:$0x1F8F0];
	vm6 =	vnez.u8 v34;
	v39 =	vmul.f32 $5.000000000e-01, v13;
	v43 =	vmul.f32 $5.000000000e-01, v40  }
0x43a: {  	v57 =	vld [tilespmem:$0x1F8D0];
	v44 =	vsub.f32 v12, v10;
	v46 =	vimm.s32 $0x0;
	v47 =	vsub.f32 v12, v9  }
0x43b: {  	v37 =	vld [tilespmem:$0x1F910];
	v34 =	vimm.s32 $0x0;
	vm1 =	vmor vm15, vm11;
	v22 =	vsel vm4, $0x6, v22  }
0x43c: {  	vm11 =	vnez.u8 v50;
	vm15 =	vmor vm9, vm10;
	vm4 =	vmmov vm9  }
0x43d: {  	[tilespmem:$0x1FE10] =	vst v24;
	v24 =	vmul.f32 v55, v49;
	vm9 =	vnez.u8 v41;
	v50 =	vimm.s32 $0x0  }
0x43e: {  	v60 =	vld [tilespmem:$0x1F8E0];
	vm1 =	vmor vm1, vm5;
	v22 =	vsel vm7, $0x8, v22;
	vm2 =	vmor vm11, vm13  }
0x43f: {  	vm11 =	vnez.u8 v54;
	vm13 =	vnez.u8 v57;
	vm5 =	vnez.u8 v30  }
0x440: {  	vm7 =	vnez.u8 v37;
	v13 =	vmul.f32 v39, v13;
	v48 =	vmul.f32 $5.000000000e-01, v44  }
0x441: {  	v51 =	vmul.f32 $5.000000000e-01, v47;
	v54 =	vimm.s32 $0x0;
	v37 =	vsub.f32 v11, v9  }
0x442: {  	v45 =	vld [tilespmem:$0x1F930];
	vm0 =	vmor vm0, vm2;
	vm10 =	vmor vm1, vm15;
	v22 =	vsel vm11, $0xA, v22  }
0x443: {  	vm2 =	vgt.f32 v23, v20;
	vm15 =	vnez.u8 v60;
	v26 =	vsel vm0, $0xFFFFFFFF, v52  }
0x444: {  	v49 =	vld [tilespmem:$0x1F940];
	v22 =	vsel vm13, $0xC, v22;
	v20 =	vsel vm2, v23, v20;
	v23 =	vsel vm2, $0xFFFFFFFF, v61  }
0x445: {  	v52 =	vsub.f32 v12, v6;
	v12 =	vsub.f32 v12, v8;
	v61 =	vimm.s32 $0x0  }
0x446: {  	v57 =	vld [tilespmem:$0x1F960];
	[tilespmem:$0x1FE50] =	vst v26;
	v26 =	vsel vm10, $0xFFFFFFFF, v53;
	v22 =	vsel vm15, $0xE, v22;
	vm3 =	vgt.f32 v24, v20  }
0x447: {  	[tilespmem:$0x1FE40] =	vst v23;
	v23 =	vmul.f32 v32, v63;
	vm10 =	vnez.u8 v45;
	v32 =	vsub.f32 v11, v10  }
0x448: {  	v45 =	vsub.f32 v11, v7;
	v22 =	vsel vm5, $0x10, v22;
	v20 =	vsel vm3, v24, v20  }
0x449: {  	v60 =	vld [tilespmem:$0x1F970];
	v24 =	vsel vm3, $0xFFFFFFFF, v31;
	vm11 =	vnez.u8 v49;
	v55 =	vmul.f32 $5.000000000e-01, v52  }
0x44a: {  	v53 =	vld [tilespmem:$0x1F950];
	v62 =	vmul.f32 $5.000000000e-01, v12;
	vm5 =	vgt.f32 v25, v20;
	v22 =	vsel vm6, $0x12, v22  }
0x44b: {  	[tilespmem:$0x1FE70] =	vst v24;
	v24 =	vmul.f32 v36, v33;
	vm15 =	vnez.u8 v57;
	v33 =	vimm.s32 $0x0  }
0x44c: {  	v36 =	vmul.f32 $5.000000000e-01, v32;
	v20 =	vsel vm5, v25, v20;
	v25 =	vsel vm5, $0xFFFFFFFF, v35  }
0x44d: {  	v22 =	vsel vm7, $0x14, v22;
	v12 =	vmul.f32 v62, v12;
	vm6 =	vgt.f32 v21, v20  }
0x44e: {  	v22 =	vsel vm9, $0x16, v22;
	v20 =	vsel vm6, v21, v20;
	v21 =	vsel vm6, $0xFFFFFFFF, v38  }
0x44f: {  	v22 =	vsel vm10, $0x4, v22;
	vm13 =	vnez.u8 v53;
	vm10 =	vnez.u8 v60  }
0x450: {  	v63 =	vld [tilespmem:$0x1F980];
	v38 =	vimm.s32 $0x0;
	[tilespmem:$0x1FED0] =	vst v21;
	vm1 =	vgt.f32 v23, v20;
	v21 =	vmul.f32 v43, v40  }
0x451: {  	v22 =	vsel vm11, $0x6, v22;
	v40 =	vsub.f32 v11, v6;
	v11 =	vsub.f32 v11, v8  }
0x452: {  	v20 =	vsel vm1, v23, v20;
	v23 =	vsel vm1, $0xFFFFFFFF, v42;
	v22 =	vsel vm13, $0x8, v22  }
0x453: {  	v30 =	vld [tilespmem:$0x1F990];
	v42 =	vmul.f32 $5.000000000e-01, v37;
	[tilespmem:$0x1FF00] =	vst v23;
	vm9 =	vgt.f32 v24, v20;
	v23 =	vmul.f32 v48, v44  }
0x454: {  	v31 =	vld [tilespmem:$0x1F9A0];
	v22 =	vsel vm15, $0xA, v22;
	v44 =	vmul.f32 $5.000000000e-01, v40;
	v20 =	vsel vm9, v24, v20  }
0x455: {  	v24 =	vsel vm9, $0xFFFFFFFF, v46;
	v22 =	vsel vm10, $0xC, v22;
	vm10 =	vnez.u8 v63  }
0x456: {  	vm9 =	vmor vm1, vm9;
	v63 =	vsub.f32 v10, v9;
	vm7 =	vgt.f32 v13, v20  }
0x457: {  	v22 =	vsel vm10, $0xE, v22;
	v13 =	vsel vm7, v13, v20;
	v20 =	vsel vm7, $0xFFFFFFFF, v50  }
0x458: {  	vm0 =	vmor vm7, vm9;
	vm9 =	vmor vm5, vm6;
	vm6 =	vnez.u8 v30  }
0x459: {  	vm7 =	vnez.u8 v31;
	v50 =	vmul.f32 $5.000000000e-01, v11;
	vm11 =	vgt.f32 v21, v13  }
0x45a: {  	v31 =	vmul.f32 $5.000000000e-01, v63;
	[tilespmem:$0x1FF50] =	vst v20;
	v20 =	vmul.f32 v51, v47;
	v13 =	vsel vm11, v21, v13  }
0x45b: {  	vm0 =	vmor vm0, vm9;
	vm9 =	vmor vm2, vm3;
	vm13 =	vgt.f32 v23, v13  }
0x45c: {  	v35 =	vld [tilespmem:$0x1F9B0];
	v47 =	vmul.f32 $5.000000000e-01, v45;
	v21 =	vsel vm11, $0xFFFFFFFF, v54;
	v13 =	vsel vm13, v23, v13  }
0x45d: {  	vm0 =	vmor vm0, vm9;
	[tilespmem:$0x1FF60] =	vst v21;
	v21 =	vmul.f32 v55, v52;
	vm15 =	vgt.f32 v20, v13  }
0x45e: {  	v11 =	vmul.f32 v50, v11;
	v23 =	vsel vm13, $0xFFFFFFFF, v58;
	v13 =	vsel vm15, v20, v13  }
0x45f: {  	vm13 =	vmor vm11, vm13;
	v58 =	vimm.s32 $0x0;
	vm10 =	vgt.f32 v21, v13  }
0x460: {  	v41 =	vld [tilespmem:$0x1F9D0];
	[tilespmem:$0x1FF80] =	vst v23;
	v23 =	vmul.f32 v59, v56;
	v20 =	vsel vm15, $0xFFFFFFFF, v61;
	v13 =	vsel vm10, v21, v13  }
0x461: {  	v39 =	vld [tilespmem:$0x1F9C0];
	v21 =	vsel vm10, $0xFFFFFFFF, v28;
	vm15 =	vmor vm15, vm10;
	vm10 =	vnez.u8 v35  }
0x462: {  	v52 =	vld [tilespmem:$0x1FA30];
	[tilespmem:$0x1FFC0] =	vst v21;
	vm5 =	vgt.f32 v23, v13;
	v21 =	vmul.f32 v36, v32;
	v36 =	vsub.f32 v10, v7  }
0x463: {  	v43 =	vld [tilespmem:$0x1F9E0];
	[tilespmem:$0x1FFA0] =	vst v20;
	v20 =	vsel vm5, $0xFFFFFFFF, v29;
	v13 =	vsel vm5, v23, v13;
	v29 =	vsub.f32 v10, v6  }
0x464: {  	v48 =	vld [tilespmem:$0x1FA00];
	v10 =	vsub.f32 v10, v8;
	[tilespmem:$0x1FFD0] =	vst v20;
	v20 =	vsel vm6, $0x10, v22;
	vm6 =	vgt.f32 v12, v13  }
0x465: {  	v49 =	vld [tilespmem:$0x1FA10];
	v20 =	vsel vm7, $0x12, v20;
	vm7 =	vmor vm5, vm6;
	v22 =	vsel vm6, $0xFFFFFFFF, v33  }
0x466: {  	v46 =	vld [tilespmem:$0x1F9F0];
	vm5 =	vnez.u8 v41;
	v12 =	vsel vm6, v12, v13;
	v13 =	vmul.f32 v44, v40  }
0x467: {  	v53 =	vld [tilespmem:$0x1FA40];
	vm6 =	vnez.u8 v52;
	[tilespmem:$0x1FFF0] =	vst v22;
	v22 =	vsel vm0, $0xFFFFFFFF, v34;
	vm9 =	vmor vm7, vm15  }
0x468: {  	v51 =	vld [tilespmem:$0x1FA20];
	v20 =	vsel vm10, $0x14, v20;
	vm15 =	vnez.u8 v39;
	vm7 =	vnez.u8 v43  }
0x469: {  	v54 =	vld [tilespmem:$0x1FA50];
	vm11 =	vgt.f32 v21, v12;
	vm10 =	vnez.u8 v48;
	v34 =	vmul.f32 $5.000000000e-01, v29  }
0x46a: {  	[tilespmem:$0x1FEA0] =	vst v25;
	vm0 =	vmor vm9, vm13;
	v20 =	vsel vm15, $0x16, v20;
	v25 =	vsel vm7, $0x3, v5  }
0x46b: {  	[tilespmem:$0x1FEB0] =	vst v22;
	v22 =	vmul.f32 v42, v37;
	vm9 =	vnez.u8 v46;
	v12 =	vsel vm11, v21, v12  }
0x46c: {  	v55 =	vld [tilespmem:$0x1FA60];
	vm13 =	vnez.u8 v49;
	v21 =	vmul.f32 v47, v45;
	vm7 =	vnez.u8 v53  }
0x46d: {  	[tilespmem:$0x1FF20] =	vst v24;
	v56 =	vld [tilespmem:$0x1FA70];
	v42 =	vmul.f32 $5.000000000e-01, v10;
	v24 =	vsel vm0, $0xFFFFFFFF, v38;
	v20 =	vsel vm5, $0x6, v20  }
0x46e: {  	v27 =	vld [tilespmem:$0x1FAD0];
	v25 =	vsel vm9, $0x5, v25;
	vm5 =	vnez.u8 v51;
	vm9 =	vnez.u8 v54  }
0x46f: {  	[tilespmem:$0x1FE80] =	vst v26;
	v26 =	vld [tilespmem:$0x1FCC0];
	v37 =	vmul.f32 v34, v29;
	v38 =	vmul.f32 $5.000000000e-01, v36;
	vm15 =	vgt.f32 v22, v12  }
0x470: {  	v57 =	vld [tilespmem:$0x1FA80];
	[tilespmem:$0x1FEE0] =	vst v24;
	v20 =	vsel vm10, $0x8, v20;
	v24 =	vsel vm13, $0x7, v25;
	v10 =	vmul.f32 v42, v10  }
0x471: {  	v62 =	vld [tilespmem:$0x1FAC0];
	v12 =	vsel vm15, v22, v12;
	v20 =	vsel vm5, $0xA, v20;
	v23 =	vsel vm6, $0x9, v24  }
0x472: {  	v60 =	vld [tilespmem:$0x1FAA0];
	vm5 =	vnez.u8 v55;
	vm6 =	vnez.u8 v56;
	vm13 =	vgt.f32 v13, v12  }
0x473: {  	v59 =	vld [tilespmem:$0x1FA90];
	v41 =	vmul.f32 v38, v36;
	v12 =	vsel vm13, v13, v12;
	v13 =	vsel vm7, $0xB, v23  }
0x474: {  	v30 =	vld [tilespmem:$0x1FAF0];
	v20 =	vsel vm9, $0xC, v20;
	vm10 =	vgt.f32 v21, v12;
	v13 =	vsel vm5, $0xD, v13  }
0x475: {  	v61 =	vld [tilespmem:$0x1FAB0];
	vm5 =	vnez.u8 v57;
	v12 =	vsel vm10, v21, v12;
	v13 =	vsel vm6, $0xF, v13  }
0x476: {  	v28 =	vld [tilespmem:$0x1FAE0];
	vm7 =	vmor vm13, vm10;
	vm6 =	vmor vm11, vm15;
	vm9 =	vgt.f32 v11, v12  }
0x477: {  	v35 =	vld [tilespmem:$0x1FB20];
	v13 =	vsel vm5, $0x11, v13;
	vm5 =	vnez.u8 v60;
	vm0 =	vmor vm9, vm7  }
0x478: {  	v33 =	vld [tilespmem:$0x1FB10];
	vm7 =	vnez.u8 v59;
	v13 =	vsel vm5, $0x13, v13;
	vm5 =	vnez.u8 v27  }
0x479: {  	v32 =	vld [tilespmem:$0x1FB00];
	v11 =	vsel vm9, v11, v12;
	vm0 =	vmor vm0, vm6;
	v20 =	vsel vm7, $0xE, v20  }
0x47a: {  	v39 =	vld [tilespmem:$0x1FB30];
	vm6 =	vnez.u8 v61;
	vm7 =	vnez.u8 v62;
	v21 =	vsel vm0, $0xFFFFFFFF, v58  }
0x47b: {  	v43 =	vld [tilespmem:$0x1FB50];
	v20 =	vsel vm6, $0x10, v20;
	v13 =	vsel vm7, $0x15, v13;
	vm6 =	vnez.u8 v28  }
0x47c: {  	v44 =	vld [tilespmem:$0x1FB60];
	vm7 =	vnez.u8 v30;
	v20 =	vsel vm5, $0x12, v20;
	v13 =	vsel vm6, $0x17, v13  }
0x47d: {  	v40 =	vld [tilespmem:$0x1FB40];
	[tilespmem:$0x1FF30] =	vst v21;
	vm5 =	vnez.u8 v33;
	vm6 =	vnez.u8 v35;
	v21 =	vmul.f32 v31, v63  }
0x47e: {  	v46 =	vld [tilespmem:$0x1FB80];
	v20 =	vsel vm7, $0x14, v20;
	v13 =	vsel vm12, $0x5, v13;
	vm12 =	vnez.u8 v32  }
0x47f: {  	v45 =	vld [tilespmem:$0x1FB70];
	vm7 =	vnez.u8 v39;
	v20 =	vsel vm12, $0x16, v20;
	v13 =	vsel vm5, $0x7, v13  }
0x480: {  	v47 =	vld [tilespmem:$0x1FB90];
	vm12 =	vnez.u8 v43;
	v13 =	vsel vm6, $0x9, v13;
	vm6 =	vgt.f32 v21, v11  }
0x481: {  	v48 =	vld [tilespmem:$0x1FBA0];
	v20 =	vsel vm7, $0x8, v20;
	vm7 =	vnez.u8 v44;
	v13 =	vsel vm8, $0xB, v13  }
0x482: {  	v49 =	vld [tilespmem:$0x1FBB0];
	vm8 =	vnez.u8 v40;
	v11 =	vsel vm6, v21, v11;
	v20 =	vsel vm12, $0xA, v20  }
0x483: {  	v50 =	vld [tilespmem:$0x1FBC0];
	vm12 =	vnez.u8 v46;
	v13 =	vsel vm8, $0xD, v13;
	vm5 =	vgt.f32 v37, v11  }
0x484: {  	v52 =	vld [tilespmem:$0x1FBE0];
	vm8 =	vnez.u8 v45;
	v13 =	vsel vm7, $0xF, v13;
	v11 =	vsel vm5, v37, v11  }
0x485: {  	v51 =	vld [tilespmem:$0x1FBD0];
	vm7 =	vnez.u8 v47;
	v12 =	vsel vm8, $0x11, v13;
	vm8 =	vgt.f32 v41, v11  }
0x486: {  	v53 =	vld [tilespmem:$0x1FBF0];
	v13 =	vsel vm12, $0xC, v20;
	vm12 =	vnez.u8 v48;
	v12 =	vsel vm7, $0x13, v12  }
0x487: {  	v54 =	vld [tilespmem:$0x1FC00];
	v11 =	vsel vm8, v41, v11;
	v13 =	vsel vm12, $0xE, v13;
	vm7 =	vnez.u8 v49  }
0x488: {  	v25 =	vld [tilespmem:$0x1FCB0];
	vm12 =	vnez.u8 v50;
	v12 =	vsel vm7, $0x15, v12;
	vm7 =	vgt.f32 v10, v11  }
0x489: {  	v55 =	vld [tilespmem:$0x1FC10];
	vm0 =	vmor vm6, vm5;
	v12 =	vsel vm12, $0x17, v12;
	vm12 =	vmor vm8, vm7  }
0x48a: {  	v56 =	vld [tilespmem:$0x1FC20];
	vm12 =	vmor vm12, vm0;
	vm0 =	vnez.u8 v51  }
0x48b: {  	v57 =	vld [tilespmem:$0x1FC30];
	v13 =	vsel vm0, $0x10, v13;
	vm0 =	vnez.u8 v52  }
0x48c: {  	v58 =	vld [tilespmem:$0x1FC40];
	v12 =	vsel vm0, $0x7, v12;
	vm0 =	vnez.u8 v53  }
0x48d: {  	v59 =	vld [tilespmem:$0x1FC50];
	v20 =	vsel vm0, $0x2, v4;
	vm0 =	vnez.u8 v54  }
0x48e: {  	v60 =	vld [tilespmem:$0x1FC60];
	v13 =	vsel vm0, $0x12, v13;
	vm0 =	vnez.u8 v55  }
0x48f: {  	v61 =	vld [tilespmem:$0x1FC70];
	v12 =	vsel vm0, $0x9, v12;
	vm0 =	vnez.u8 v56  }
0x490: {  	v62 =	vld [tilespmem:$0x1FC80];
	v20 =	vsel vm0, $0x4, v20;
	vm0 =	vnez.u8 v57  }
0x491: {  	v63 =	vld [tilespmem:$0x1FC90];
	v13 =	vsel vm0, $0x14, v13;
	vm0 =	vnez.u8 v58  }
0x492: {  	v24 =	vld [tilespmem:$0x1FCA0];
	v12 =	vsel vm0, $0xB, v12;
	vm0 =	vnez.u8 v59  }
0x493: {  	v29 =	vsub.f32 v19, v16;
	v36 =	vld [tilespmem:$0x1FD30];
	v20 =	vsel vm0, $0x6, v20  }
0x494: {  	v27 =	vld [tilespmem:$0x1FCD0];
	vm0 =	vnez.u8 v60;
	v12 =	vsel vm14, $0xD, v12;
	vm14 =	vnez.u8 v61  }
0x495: {  	v28 =	vld [tilespmem:$0x1FCE0];
	v13 =	vsel vm0, $0x16, v13;
	v20 =	vsel vm14, $0x8, v20;
	vm14 =	vnez.u8 v62  }
0x496: {  	v30 =	vld [tilespmem:$0x1FCF0];
	v13 =	vsel vm14, $0xA, v13;
	vm14 =	vnez.u8 v63  }
0x497: {  	v34 =	vmul.f32 $5.000000000e-01, v29;
	v31 =	vld [tilespmem:$0x1FD00];
	v12 =	vsel vm14, $0xF, v12;
	vm14 =	vnez.u8 v24  }
0x498: {  	v33 =	vld [tilespmem:$0x1FD20];
	v35 =	vsub.f32 v19, v14;
	v20 =	vsel vm14, $0xA, v20;
	vm14 =	vnez.u8 v25  }
0x499: {  	v19 =	vsub.f32 v19, v17;
	v32 =	vld [tilespmem:$0x1FD10];
	v13 =	vsel vm14, $0xC, v13;
	vm14 =	vnez.u8 v26  }
0x49a: {  	v39 =	vld [tilespmem:$0x1FD50];
	v38 =	vmul.f32 $5.000000000e-01, v35;
	v12 =	vsel vm14, $0x11, v12;
	vm14 =	vnez.u8 v27  }
0x49b: {  	v43 =	vmul.f32 $5.000000000e-01, v19;
	v44 =	vld [tilespmem:$0x1FD80];
	v13 =	vsel vm14, $0xE, v13;
	vm14 =	vnez.u8 v28  }
0x49c: {  	v21 =	vmul.f32 v34, v29;
	v37 =	vld [tilespmem:$0x1FD40];
	v12 =	vsel vm14, $0x13, v12;
	vm14 =	vnez.u8 v30  }
0x49d: {  	v40 =	vld [tilespmem:$0x1FD60];
	v42 =	vmul.f32 v38, v35;
	v20 =	vsel vm14, $0xC, v20;
	vm14 =	vnez.u8 v31  }
0x49e: {  	v46 =	vld [tilespmem:$0x1FDA0];
	v19 =	vmul.f32 v43, v19;
	v13 =	vsel vm14, $0x10, v13;
	vm14 =	vnez.u8 v32  }
0x49f: {  	v41 =	vld [tilespmem:$0x1FD70];
	v31 =	vsub.f32 v9, v6;
	v12 =	vsel vm14, $0x15, v12;
	vm14 =	vnez.u8 v33  }
0x4a0: {  	v29 =	vld [tilespmem:$0x1FF10];
	v10 =	vsel vm7, v10, v11;
	v12 =	vsel vm14, $0x17, v12;
	vm14 =	vnez.u8 v36  }
0x4a1: {  	v45 =	vld [tilespmem:$0x1FD90];
	v36 =	vmul.f32 $5.000000000e-01, v31;
	v20 =	vsel vm14, $0xE, v20;
	vm14 =	vnez.u8 v37  }
0x4a2: {  	v47 =	vld [tilespmem:$0x1FDB0];
	v12 =	vsel vm4, $0x9, v12;
	vm4 =	vnez.u8 v40;
	v37 =	vsub.f32 v9, v7  }
0x4a3: {  	v48 =	vld [tilespmem:$0x1FDC0];
	v9 =	vsub.f32 v9, v8;
	v13 =	vsel vm14, $0x12, v13;
	vm14 =	vnez.u8 v39  }
0x4a4: {  	v49 =	vld [tilespmem:$0x1FDD0];
	v12 =	vsel vm4, $0xB, v12;
	vm4 =	vnez.u8 v41;
	v13 =	vsel vm14, $0x14, v13  }
0x4a5: {  	v50 =	vld [tilespmem:$0x1FDE0];
	v15 =	vsel vm4, v15, v18;
	vm14 =	vnez.u8 v44;
	v40 =	vmul.f32 $5.000000000e-01, v37  }
0x4a6: {  	v51 =	vld [tilespmem:$0x1FDF0];
	v44 =	vmul.f32 $5.000000000e-01, v9;
	v13 =	vsel vm14, $0x16, v13;
	vm14 =	vnez.u8 v45  }
0x4a7: {  	v52 =	vld [tilespmem:$0x1FE00];
	vm2 =	vgt.f32 v21, v15;
	v12 =	vsel vm14, $0xD, v12;
	vm14 =	vnez.u8 v46  }
0x4a8: {  	v53 =	vld [tilespmem:$0x1FE10];
	v15 =	vsel vm2, v21, v15;
	v12 =	vsel vm14, $0xF, v12;
	vm14 =	vnez.u8 v47  }
0x4a9: {  	v54 =	vld [tilespmem:$0x1FE20];
	v21 =	vmul.f32 v36, v31;
	v13 =	vsel vm14, $0xC, v13;
	vm14 =	vnez.u8 v48  }
0x4aa: {  	v55 =	vld [tilespmem:$0x1FE30];
	v43 =	vmul.f32 v40, v37;
	v12 =	vsel vm14, $0x11, v12;
	vm14 =	vnez.u8 v49  }
0x4ab: {  	v56 =	vld [tilespmem:$0x1FE40];
	vm1 =	vgt.f32 v42, v15;
	v12 =	vsel vm14, $0x13, v12;
	vm14 =	vnez.u8 v50  }
0x4ac: {  	v57 =	vld [tilespmem:$0x1FE50];
	v15 =	vsel vm1, v42, v15;
	v13 =	vsel vm14, $0xE, v13;
	vm14 =	vnez.u8 v51  }
0x4ad: {  	v58 =	vld [tilespmem:$0x1FE60];
	vm0 =	vmor vm2, vm1;
	v12 =	vsel vm14, $0x15, v12;
	vm14 =	vnez.u8 v52  }
0x4ae: {  	v59 =	vld [tilespmem:$0x1FE70];
	vm3 =	vgt.f32 v19, v15;
	v13 =	vsel vm14, $0x10, v13;
	vm14 =	vnez.u8 v53  }
0x4af: {  	v60 =	vld [tilespmem:$0x1FE80];
	vm0 =	vmor vm3, vm0;
	v12 =	vsel vm14, $0x17, v12;
	vm14 =	vnez.u8 v54  }
0x4b0: {  	v61 =	vld [tilespmem:$0x1FE90];
	v18 =	vsel vm0, $0x10, v20;
	v20 =	vsel vm14, $0x3, v5;
	vm14 =	vnez.u8 v55  }
0x4b1: {  	v62 =	vld [tilespmem:$0x1FEA0];
	v9 =	vmul.f32 v44, v9;
	v13 =	vsel vm14, $0x12, v13;
	vm14 =	vnez.u8 v56  }
0x4b2: {  	v63 =	vld [tilespmem:$0x1FEB0];
	v50 =	vsub.f32 v16, v14;
	v12 =	vsel vm14, $0xB, v12;
	vm14 =	vnez.u8 v57  }
0x4b3: {  	v24 =	vld [tilespmem:$0x1FEC0];
	v16 =	vsub.f32 v16, v17;
	v20 =	vsel vm14, $0x5, v20;
	vm14 =	vnez.u8 v58  }
0x4b4: {  	v25 =	vld [tilespmem:$0x1FED0];
	v15 =	vsel vm3, v19, v15;
	v13 =	vsel vm14, $0x14, v13;
	vm14 =	vnez.u8 v59  }
0x4b5: {  	v48 =	vld [tilespmem:$0x1FFE0];
	v14 =	vsub.f32 v14, v17;
	v12 =	vsel vm14, $0xD, v12;
	vm14 =	vnez.u8 v60  }
0x4b6: {  	v26 =	vld [tilespmem:$0x1FEE0];
	v51 =	vmul.f32 $5.000000000e-01, v50;
	v20 =	vsel vm14, $0x7, v20;
	vm14 =	vnez.u8 v61  }
0x4b7: {  	v27 =	vld [tilespmem:$0x1FEF0];
	v52 =	vsub.f32 v6, v7;
	v13 =	vsel vm14, $0x16, v13;
	vm14 =	vnez.u8 v62  }
0x4b8: {  	v28 =	vld [tilespmem:$0x1FF00];
	v6 =	vsub.f32 v6, v8;
	v12 =	vsel vm14, $0xF, v12;
	vm14 =	vnez.u8 v63  }
0x4b9: {  	v34 =	vld [tilespmem:$0x1FF50];
	v7 =	vsub.f32 v7, v8;
	v20 =	vsel vm14, $0x9, v20;
	vm14 =	vnez.u8 v24  }
0x4ba: {  	v30 =	vld [tilespmem:$0x1FF20];
	vm0 =	vnez.u8 v48;
	v13 =	vsel vm14, $0xE, v13;
	vm14 =	vnez.u8 v25  }
0x4bb: {  	v32 =	vld [tilespmem:$0x1FF30];
	v53 =	vmul.f32 $5.000000000e-01, v52;
	v12 =	vsel vm14, $0x11, v12;
	vm14 =	vnez.u8 v26  }
0x4bc: {  	v33 =	vld [tilespmem:$0x1FF40];
	v54 =	vmul.f32 $5.000000000e-01, v16;
	v20 =	vsel vm14, $0xB, v20;
	vm14 =	vnez.u8 v27  }
0x4bd: {  	v35 =	vld [tilespmem:$0x1FF60];
	v55 =	vmul.f32 v53, v52;
	v13 =	vsel vm14, $0x10, v13;
	vm14 =	vnez.u8 v28  }
0x4be: {  	v38 =	vld [tilespmem:$0x1FF70];
	v56 =	vmul.f32 v54, v16;
	v12 =	vsel vm14, $0x13, v12;
	vm14 =	vnez.u8 v29  }
0x4bf: {  	v39 =	vld [tilespmem:$0x1FF80];
	v57 =	vmul.f32 $5.000000000e-01, v6;
	v13 =	vsel vm14, $0x12, v13;
	vm14 =	vnez.u8 v30  }
0x4c0: {  	v41 =	vld [tilespmem:$0x1FF90];
	v58 =	vmul.f32 $5.000000000e-01, v7;
	v12 =	vsel vm14, $0x15, v12;
	vm14 =	vnez.u8 v32  }
0x4c1: {  	v42 =	vld [tilespmem:$0x1FFA0];
	v6 =	vmul.f32 v57, v6;
	v20 =	vsel vm14, $0xD, v20;
	vm14 =	vnez.u8 v33  }
0x4c2: {  	v45 =	vld [tilespmem:$0x1FFB0];
	v60 =	vmul.f32 $5.000000000e-01, v14;
	v13 =	vsel vm14, $0x14, v13;
	vm14 =	vnez.u8 v34  }
0x4c3: {  	v46 =	vld [tilespmem:$0x1FFC0];
	v7 =	vmul.f32 v58, v7;
	v12 =	vsel vm14, $0x17, v12;
	vm14 =	vnez.u8 v35  }
0x4c4: {  	v47 =	vld [tilespmem:$0x1FFD0];
	v61 =	vmul.f32 v60, v14;
	v12 =	vsel vm14, $0xD, v12;
	vm14 =	vnez.u8 v38  }
0x4c5: {  	v49 =	vld [tilespmem:$0x1FFF0];
	v20 =	vsel vm12, $0xF, v20;
	vm12 =	vnez.u8 v39;
	v13 =	vsel vm14, $0x16, v13  }
0x4c6: {  	v12 =	vsel vm12, $0xF, v12;
	vm14 =	vnez.u8 v41;
	vm12 =	vnez.u8 v42  }
0x4c7: {  	v13 =	vsel vm14, $0x10, v13;
	v12 =	vsel vm12, $0x11, v12;
	vm14 =	vnez.u8 v45  }
0x4c8: {  	vm12 =	vgt.f32 v21, v10;
	v13 =	vsel vm14, $0x12, v13;
	vm14 =	vnez.u8 v46  }
0x4c9: {  	v10 =	vsel vm12, v21, v10;
	v12 =	vsel vm14, $0x13, v12;
	vm14 =	vnez.u8 v47  }
0x4ca: {  	v13 =	vsel vm0, $0x14, v13;
	vm0 =	vnez.u8 v49;
	v12 =	vsel vm14, $0x15, v12  }
0x4cb: {  	vm14 =	vgt.f32 v43, v10;
	v13 =	vsel vm4, $0x16, v13;
	v11 =	vsel vm0, $0x17, v12  }
0x4cc: {  	v10 =	vsel vm14, v43, v10;
	vm0 =	vmor vm12, vm14;
	v11 =	vsel vm11, $0xF, v11  }
0x4cd: {  	v13 =	vsel vm2, $0x12, v13;
	v12 =	vmul.f32 v51, v50;
	v11 =	vsel vm15, $0x11, v11  }
0x4ce: {  	vm11 =	vgt.f32 v9, v10;
	v13 =	vsel vm1, $0x14, v13;
	v11 =	vsel vm13, $0x13, v11  }
0x4cf: {  	vm0 =	vmor vm11, vm0;
	v9 =	vsel vm11, v9, v10;
	v11 =	vsel vm10, $0x15, v11  }
0x4d0: {  	v20 =	vsel vm0, $0x11, v20;
	vm15 =	vgt.f32 v55, v9;
	v11 =	vsel vm9, $0x17, v11  }
0x4d1: {  	vm13 =	vgt.f32 v12, v15;
	v9 =	vsel vm15, v55, v9;
	v11 =	vsel vm6, $0x11, v11  }
0x4d2: {  	v12 =	vsel vm13, v12, v15;
	vm9 =	vgt.f32 v6, v9;
	v11 =	vsel vm5, $0x13, v11  }
0x4d3: {  	v6 =	vsel vm9, v6, v9;
	vm1 =	vmor vm15, vm9;
	v11 =	vsel vm8, $0x15, v11  }
0x4d4: {  	vm10 =	vgt.f32 v7, v6;
	v7 =	vsel vm3, $0x16, v13;
	v59 =	vsel vm7, $0x17, v11  }
0x4d5: {  	v62 =	vsel vm1, $0x13, v20;
	vm8 =	vgt.f32 v56, v12;
	v10 =	vsel vm12, $0x13, v59  }
0x4d6: {  	vm4 =	vmor vm9, vm10;
	v7 =	vsel vm13, $0x14, v7;
	v10 =	vsel vm14, $0x15, v10  }
0x4d7: {  	v8 =	vsel vm8, v56, v12;
	vm0 =	vmor vm13, vm8;
	v10 =	vsel vm11, $0x17, v10  }
0x4d8: {  	vm13 =	vcmask $0x3F0C;
	vm11 =	vgt.f32 v61, v8;
	v6 =	vsel vm15, $0x15, v10  }
0x4d9: {  	vm12 =	vcmask $0x3F10;
	vm2 =	vmor vm8, vm11;
	v6 =	vsel vm4, $0x17, v6  }
0x4da: {  	v63 =	vsel vm0, $0x12, v18;
	v7 =	vsel vm2, $0x16, v7;
	v6 =	vsel vm12, $0x0, v6  }
0x4db: {  	vm14 =	vcmask $0x3F08;
	v8 =	vsel vm10, $0x15, v62;
	v6 =	vsel vm13, v6, v7  }
0x4dc: {  	s8 =	sadd.s32 $0x1, s8;
	vm15 =	vmmov $0x1;
	v7 =	vsel vm11, $0x14, v63;
	v6 =	vsel vm14, v6, v8  }
0x4dd: {  	p0 =	sne.s32 s8, s4;
	v6 =	vsel vm15, v7, v6  }
.Ltmp12:
0x4de: {  	[tilespmem:$0x2A00] =	vst v6;
	(pc) =	sbr.rel @p0 .LBB2_2-.Ltmp12, $4  }
0x4df: {  	[hbm4b:s3+s5] =	stream.linear.scatter [tilespmem:s7], [sflag:$0x1], $0x80, $0x38;
	[tilespmem:$0x2A80] =	vst v63  }
0x4e0: {  	_ =	swait.ge [sflag:s6], $0x80  }
0x4e1: {  	[sflag:s6] =	ssyncset.done $0x0  }
0x4e2: {  	[sflag:s6] =	ssyncadd.s32 $0xFFFFFF80  }
.LBB2_25:
0x4e3: {  	_ =	sfence.sel $0x180000  }
0x4e4: {  	[bflag:$0x0] =	sbarrier.arrive $0xFFFF  }
0x4e5: {  	p0 =	sne.s32 s0, $0x0;
	_ =	strace $0x90000047  }
0x4e6: {  	s0 =	sadd.s32 @!p0 $0x100000, s1;
	[bflag:$0x2] =	sbarrier.arrive $0xFFFF  }
0x4e7: {  	[sflag:s0] =	ssyncadd.tile.s32 @!p0 $0x1;
	_ =	shalt  }
.Lfunc_end2:
_tile_overlayer_lowered:
.L_overlay_start_2:
0x4e8: {  	(tag) =	ssettag $0x2  }
0x4e9: {  	s0 =	rddreg [dreg:$0x0];
	s2 =	stileid.u32  }
0x4ea: {  	s1 =	rddreg [dreg:$0x1];
	p0 =	sne.s32 s2, $0x0  }
0x4eb: {  	s3 =	rddreg [dreg:$0x2];
	[bflag:$0x3] =	sbarrier.arrive $0xFFFF;
	s2 =	simm.s32 @!p0 $0x1C01  }
0x4ec: {  	[timem:s3], [sflag:s2] =	dma.local @!p0 [hbm:s0], s1  }
0x4ed: {  	s0 =	simm.s32 @!p0 $0x1  }
0x4ee: {  	_ =	swait.ge @!p0 [sflag:s0], s1  }
0x4ef: {  	s1 =	ssub.s32 @!p0 $0x0, s1;
	[sflag:s0] =	ssyncset.done @!p0 $0x0  }
0x4f0: {  	[sflag:s0] =	ssyncadd.s32 @!p0 s1  }
0x4f1: {  	[bflag:$0x3] =	sbarrier.arrive $0xFFFF  }
0x4f2: {  	_ =	shalt  }

</sc_bundles>
